<compile_context>
chip_gen: v7x
topology: tpu7x:2x2x1
jax: 0.10.2.dev20260603
libtpu: 0.0.44.dev20260713+nightly
codegen_flags: <defaults>
</compile_context>

<pallas_src>
import functools

import jax
import jax.numpy as jnp
from jax import lax
from jax.experimental import pallas as pl
from jax.experimental.pallas import tpu as pltpu
from jax.experimental.pallas import tpu_sc as plsc

DIM = 16
NW = 32
CHUNK = 800
NBUF = 3


def _tc_precompute(x2d, ba, bb, b1t):
    n_rows = x2d.shape[0]
    blk = n_rows
    grid = (1,)

    def body(x_ref, ba_ref, bb_ref, b_ref, u_ref, v_ref):
        xb = x_ref[...]
        u_ref[...] = (
            jnp.dot(xb, ba_ref[...], preferred_element_type=jnp.float32)
            + b_ref[...]
        )
        v_ref[...] = jnp.dot(xb, bb_ref[...], preferred_element_type=jnp.float32)

    return pl.pallas_call(
        body,
        grid=grid,
        in_specs=[
            pl.BlockSpec((blk, 8 * DIM), lambda i: (i, 0)),
            pl.BlockSpec((8 * DIM, 8 * DIM), lambda i: (0, 0)),
            pl.BlockSpec((8 * DIM, 8 * DIM), lambda i: (0, 0)),
            pl.BlockSpec((1, 8 * DIM), lambda i: (0, 0)),
        ],
        out_specs=[
            pl.BlockSpec((blk, 8 * DIM), lambda i: (i, 0)),
            pl.BlockSpec((blk, 8 * DIM), lambda i: (i, 0)),
        ],
        out_shape=[
            jax.ShapeDtypeStruct((n_rows, 8 * DIM), jnp.float32),
            jax.ShapeDtypeStruct((n_rows, 8 * DIM), jnp.float32),
        ],
    )(x2d, ba, bb, b1t)


def _make_sc_kernel(n_edges):
    per_w = n_edges // NW
    chunk = CHUNK
    nbuf = NBUF
    n_chunks = per_w // chunk
    n_rounds = n_chunks // nbuf
    groups = chunk // DIM
    nc = 2
    ns = 16
    mesh = plsc.VectorSubcoreMesh(
        core_axis_name="c", subcore_axis_name="s", num_cores=nc, num_subcores=ns
    )

    @functools.partial(
        pl.kernel,
        mesh=mesh,
        out_type=jax.ShapeDtypeStruct((n_edges,), jnp.float32),
        scratch_types=[
            pltpu.VMEM((nbuf, chunk), jnp.int32),
            pltpu.VMEM((nbuf, chunk), jnp.int32),
            pltpu.VMEM((nbuf * chunk, DIM), jnp.float32),
            pltpu.VMEM((nbuf * chunk, DIM), jnp.float32),
            pltpu.VMEM((nbuf, chunk), jnp.float32),
            pltpu.VMEM((DIM, DIM), jnp.float32),
            pltpu.VMEM((DIM,), jnp.float32),
        ] + [pltpu.SemaphoreType.DMA] * (3 * nbuf),
        compiler_params=pltpu.CompilerParams(
            needs_layout_passes=False, use_tc_tiling_on_sc=False
        ),
    )
    def sc_kernel(u_hbm, v_hbm, el_hbm, w2s_hbm, b2s_hbm, out_hbm,
                  idxh_v, idxt_v, ubuf, vbuf, outbuf, w2v, b2v, *sems):
        wid = lax.axis_index("s") * nc + lax.axis_index("c")
        base0 = wid * per_w
        si = sems[0:nbuf]
        sg = sems[nbuf:2 * nbuf]
        so = sems[2 * nbuf:3 * nbuf]
        pltpu.sync_copy(w2s_hbm, w2v)
        pltpu.sync_copy(b2s_hbm, b2v)
        w2diags = [w2v[d] for d in range(DIM)]
        b2vec = b2v[...]
        iota16 = lax.iota(jnp.int32, DIM)
        colvs = [jnp.bitwise_and(iota16 + d, DIM - 1) for d in range(DIM)]

        def fire_idx(ci, b):
            base = base0 + ci * chunk
            pltpu.async_copy(el_hbm.at[0, pl.ds(base, chunk)], idxh_v.at[b], si[b])
            pltpu.async_copy(el_hbm.at[1, pl.ds(base, chunk)], idxt_v.at[b], si[b])

        def fire_gather(b):
            pltpu.make_async_copy(
                el_hbm.at[0, pl.ds(0, chunk)], idxh_v.at[b], si[b]).wait()
            pltpu.make_async_copy(
                el_hbm.at[1, pl.ds(0, chunk)], idxt_v.at[b], si[b]).wait()
            pltpu.async_copy(
                u_hbm.at[idxh_v.at[b]], ubuf.at[pl.ds(b * chunk, chunk)], sg[b])
            pltpu.async_copy(
                v_hbm.at[idxt_v.at[b]], vbuf.at[pl.ds(b * chunk, chunk)], sg[b])

        def drain_gather(b):
            pltpu.make_async_copy(
                u_hbm.at[idxh_v.at[b]],
                ubuf.at[pl.ds(b * chunk, chunk)], sg[b]).wait()
            pltpu.make_async_copy(
                v_hbm.at[idxt_v.at[b]],
                vbuf.at[pl.ds(b * chunk, chunk)], sg[b]).wait()

        def drain_out(b):
            pltpu.make_async_copy(
                outbuf.at[b], out_hbm.at[pl.ds(0, chunk)], so[b]).wait()

        def compute(ci, b):
            rbase = b * chunk

            def grp_body(g, c2):
                rows = rbase + g * DIM + iota16
                acc = b2vec
                for d in range(DIM):
                    uu = plsc.load_gather(ubuf, [rows, colvs[d]])
                    vv = plsc.load_gather(vbuf, [rows, colvs[d]])
                    acc = acc + jnp.maximum(uu + vv, 0.0) * w2diags[d]
                outbuf[b, pl.ds(g * DIM, DIM)] = 1.0 / (1.0 + jnp.exp(-acc))
                return c2

            lax.fori_loop(0, groups, grp_body, 0)
            pltpu.async_copy(
                outbuf.at[b],
                out_hbm.at[pl.ds(base0 + ci * chunk, chunk)], so[b])

        def maybe(cond, fn):
            if isinstance(cond, bool):
                if cond:
                    fn()
            else:
                pl.when(cond)(fn)

        def phase(ci, b):
            drain_gather(b)
            maybe(ci + nbuf < n_chunks, lambda: fire_idx(ci + nbuf, b))
            maybe(ci >= nbuf, lambda: drain_out(b))
            maybe(ci + nbuf - 1 < n_chunks,
                  lambda: fire_gather((b + nbuf - 1) % nbuf))
            compute(ci, b)

        for k in range(nbuf):
            fire_idx(k, k)
        for k in range(nbuf - 1):
            fire_gather(k)

        def round_body(t, carry):
            for k in range(nbuf):
                phase(nbuf * t + k, k)
            return carry

        lax.fori_loop(0, n_rounds, round_body, 0)
        for ci in range(nbuf * n_rounds, n_chunks):
            phase(ci, ci % nbuf)
        for tb in range(nbuf):
            drain_out((n_chunks - nbuf + tb) % nbuf)

    return sc_kernel


def kernel(x, edge_label_index, W1, b1, W2, b2):
    n_nodes = x.shape[0]
    n_edges = edge_label_index.shape[1]
    el = edge_label_index.astype(jnp.int32)
    x2d = x.reshape(n_nodes // 8, 8 * DIM)
    eye8 = jnp.eye(8, dtype=jnp.float32)
    ba = jnp.kron(eye8, W1[:DIM, :])
    bb = jnp.kron(eye8, W1[DIM:, :])
    b1t = jnp.tile(b1, 8).reshape(1, 8 * DIM)
    U2d, V2d = _tc_precompute(x2d, ba, bb, b1t)
    U = U2d.reshape(n_nodes, DIM)
    V = V2d.reshape(n_nodes, DIM)
    j = jnp.arange(DIM)
    w2s = W2.reshape(DIM)[(j[None, :] + j[:, None]) % DIM]
    b2s = jnp.broadcast_to(b2.reshape(1), (DIM,))
    out = _make_sc_kernel(n_edges)(U, V, el, w2s, b2s)
    return out.reshape(n_edges, 1)

# --- scband reference (transcript-rebuilt; emitter-appended) ---
"""Pipeline reference for scband-linkpred-81819126989479 (READ-ONLY COPY).

The authoritative reference and input builder live on the scoring server;
editing this copy changes nothing except your own understanding.
"""

import jax, jax.numpy as jnp
import numpy as np

N_NODES = 100000
N_EDGES = 3200000
DIM_HIDDEN = 16


def setup_inputs(seed: int = 0) -> dict:
    key = jax.random.key(seed)
    k1, k2, k3, k4, k5, k6 = jax.random.split(key, 6)
    x = jax.random.normal(k1, (N_NODES, DIM_HIDDEN), dtype=jnp.float32)
    edge_label_index = jax.random.randint(k2, (2, N_EDGES), 0, N_NODES, dtype=jnp.int64)
    # l1: Linear(32, 16); l2: Linear(16, 1). Stored as (in, out) for x @ W.
    W1 = jax.random.normal(k3, (DIM_HIDDEN * 2, DIM_HIDDEN), dtype=jnp.float32) * (1.0 / np.sqrt(DIM_HIDDEN * 2))
    b1 = jax.random.normal(k4, (DIM_HIDDEN,), dtype=jnp.float32) * 0.01
    W2 = jax.random.normal(k5, (DIM_HIDDEN, 1), dtype=jnp.float32) * (1.0 / np.sqrt(DIM_HIDDEN))
    b2 = jax.random.normal(k6, (1,), dtype=jnp.float32) * 0.01
    return {"x": x, "edge_label_index": edge_label_index, "W1": W1, "b1": b1, "W2": W2, "b2": b2}


def reference(x, edge_label_index, W1, b1, W2, b2):
    edge_head = jnp.take(x, edge_label_index[0], axis=0)
    edge_tail = jnp.take(x, edge_label_index[1], axis=0)
    headtail_emb = jnp.concatenate((edge_head, edge_tail), axis=1)
    h = headtail_emb @ W1 + b1
    h = jax.nn.relu(h)
    h = h @ W2 + b2
    pred = jax.nn.sigmoid(h)
    return pred

if __name__ == "__main__":
    import jax
    _d = setup_inputs()
    print(jax.jit(kernel)(*tuple(_d.values())))

</pallas_src>

<mosaic_0001>
#map = affine_map<(d0, d1) -> (0, 0)>
#map1 = affine_map<(d0, d1) -> (0)>
module attributes {stable_mosaic.version = 14 : i64} {
  func.func @sc_kernel(%arg0: i32, %arg1: i32, %arg2: memref<100000x16xf32, #tpu.memory_space<hbm>>, %arg3: memref<100000x16xf32, #tpu.memory_space<hbm>>, %arg4: memref<2x3200000xi32, #tpu.memory_space<hbm>>, %arg5: memref<16x16xf32, #tpu.memory_space<hbm>>, %arg6: memref<16xf32, #tpu.memory_space<hbm>>, %arg7: memref<3200000xf32, #tpu.memory_space<hbm>>, %arg8: memref<3x800xi32, #tpu.memory_space<vmem>>, %arg9: memref<3x800xi32, #tpu.memory_space<vmem>>, %arg10: memref<2400x16xf32, #tpu.memory_space<vmem>>, %arg11: memref<2400x16xf32, #tpu.memory_space<vmem>>, %arg12: memref<3x800xf32, #tpu.memory_space<vmem>>, %arg13: memref<16x16xf32, #tpu.memory_space<vmem>>, %arg14: memref<16xf32, #tpu.memory_space<vmem>>, %arg15: memref<!tpu.dma_semaphore, #tpu.memory_space<semaphore_mem>>, %arg16: memref<!tpu.dma_semaphore, #tpu.memory_space<semaphore_mem>>, %arg17: memref<!tpu.dma_semaphore, #tpu.memory_space<semaphore_mem>>, %arg18: memref<!tpu.dma_semaphore, #tpu.memory_space<semaphore_mem>>, %arg19: memref<!tpu.dma_semaphore, #tpu.memory_space<semaphore_mem>>, %arg20: memref<!tpu.dma_semaphore, #tpu.memory_space<semaphore_mem>>, %arg21: memref<!tpu.dma_semaphore, #tpu.memory_space<semaphore_mem>>, %arg22: memref<!tpu.dma_semaphore, #tpu.memory_space<semaphore_mem>>, %arg23: memref<!tpu.dma_semaphore, #tpu.memory_space<semaphore_mem>>) attributes {dimension_semantics = [#tpu.dimension_semantics<core_parallel>, #tpu.dimension_semantics<subcore_parallel>], iteration_bounds = array<i64: 2, 16>, scalar_prefetch = 0 : i64, scratch_operands = 16 : i64, tpu.core_type = #tpu.core_type<sc_vector_subcore>, window_params = [{transform_indices = #map}, {transform_indices = #map}, {transform_indices = #map}, {transform_indices = #map}, {transform_indices = #map1}, {transform_indices = #map1}]} {
    %mul3A = arith.constant 2 : i32
    %mul3A_0 = arith.muli %arg1, %mul3A : i32
    %add3A = arith.addi %mul3A_0, %arg0 : i32
    %mul3A_1 = arith.constant 100000 : i32
    %mul3A_2 = arith.muli %add3A, %mul3A_1 : i32
    "tpu.region"() ({
      %run_scoped3A = tpu.sem_alloc : memref<!tpu.dma_semaphore, #tpu.memory_space<semaphore_mem>>
      tpu.enqueue_dma source(%arg5 : memref<16x16xf32, #tpu.memory_space<hbm>>) target(%arg13 : memref<16x16xf32, #tpu.memory_space<vmem>>) target_semaphore(%run_scoped3A : memref<!tpu.dma_semaphore, #tpu.memory_space<semaphore_mem>>)
      tpu.wait_dma2 semaphore(%run_scoped3A : memref<!tpu.dma_semaphore, #tpu.memory_space<semaphore_mem>>) src(%arg5 : memref<16x16xf32, #tpu.memory_space<hbm>>) dst(%arg13 : memref<16x16xf32, #tpu.memory_space<vmem>>)
      tpu.yield
    }) : () -> ()
    "tpu.region"() ({
      %run_scoped3A = tpu.sem_alloc : memref<!tpu.dma_semaphore, #tpu.memory_space<semaphore_mem>>
      tpu.enqueue_dma source(%arg6 : memref<16xf32, #tpu.memory_space<hbm>>) target(%arg14 : memref<16xf32, #tpu.memory_space<vmem>>) target_semaphore(%run_scoped3A : memref<!tpu.dma_semaphore, #tpu.memory_space<semaphore_mem>>)
      tpu.wait_dma2 semaphore(%run_scoped3A : memref<!tpu.dma_semaphore, #tpu.memory_space<semaphore_mem>>) src(%arg6 : memref<16xf32, #tpu.memory_space<hbm>>) dst(%arg14 : memref<16xf32, #tpu.memory_space<vmem>>)
      tpu.yield
    }) : () -> ()
    %get3A = arith.constant 0 : i32
    %get3A_3 = arith.index_cast %get3A : i32 to index
    %get3A_4 = arith.constant 0 : index
    %get3A_5 = tpu.vector_load %arg13[%get3A_3, %get3A_4] {strides = array<i32>} : memref<16x16xf32, #tpu.memory_space<vmem>>, vector<16xf32>,
    %get3A_6 = arith.constant 1 : i32
    %get3A_7 = arith.index_cast %get3A_6 : i32 to index
    %get3A_8 = arith.constant 0 : index
    %get3A_9 = tpu.vector_load %arg13[%get3A_7, %get3A_8] {strides = array<i32>} : memref<16x16xf32, #tpu.memory_space<vmem>>, vector<16xf32>,
    %get3A_10 = arith.constant 2 : i32
    %get3A_11 = arith.index_cast %get3A_10 : i32 to index
    %get3A_12 = arith.constant 0 : index
    %get3A_13 = tpu.vector_load %arg13[%get3A_11, %get3A_12] {strides = array<i32>} : memref<16x16xf32, #tpu.memory_space<vmem>>, vector<16xf32>,
    %get3A_14 = arith.constant 3 : i32
    %get3A_15 = arith.index_cast %get3A_14 : i32 to index
    %get3A_16 = arith.constant 0 : index
    %get3A_17 = tpu.vector_load %arg13[%get3A_15, %get3A_16] {strides = array<i32>} : memref<16x16xf32, #tpu.memory_space<vmem>>, vector<16xf32>,
    %get3A_18 = arith.constant 4 : i32
    %get3A_19 = arith.index_cast %get3A_18 : i32 to index
    %get3A_20 = arith.constant 0 : index
    %get3A_21 = tpu.vector_load %arg13[%get3A_19, %get3A_20] {strides = array<i32>} : memref<16x16xf32, #tpu.memory_space<vmem>>, vector<16xf32>,
    %get3A_22 = arith.constant 5 : i32
    %get3A_23 = arith.index_cast %get3A_22 : i32 to index
    %get3A_24 = arith.constant 0 : index
    %get3A_25 = tpu.vector_load %arg13[%get3A_23, %get3A_24] {strides = array<i32>} : memref<16x16xf32, #tpu.memory_space<vmem>>, vector<16xf32>,
    %get3A_26 = arith.constant 6 : i32
    %get3A_27 = arith.index_cast %get3A_26 : i32 to index
    %get3A_28 = arith.constant 0 : index
    %get3A_29 = tpu.vector_load %arg13[%get3A_27, %get3A_28] {strides = array<i32>} : memref<16x16xf32, #tpu.memory_space<vmem>>, vector<16xf32>,
    %get3A_30 = arith.constant 7 : i32
    %get3A_31 = arith.index_cast %get3A_30 : i32 to index
    %get3A_32 = arith.constant 0 : index
    %get3A_33 = tpu.vector_load %arg13[%get3A_31, %get3A_32] {strides = array<i32>} : memref<16x16xf32, #tpu.memory_space<vmem>>, vector<16xf32>,
    %get3A_34 = arith.constant 8 : i32
    %get3A_35 = arith.index_cast %get3A_34 : i32 to index
    %get3A_36 = arith.constant 0 : index
    %get3A_37 = tpu.vector_load %arg13[%get3A_35, %get3A_36] {strides = array<i32>} : memref<16x16xf32, #tpu.memory_space<vmem>>, vector<16xf32>,
    %get3A_38 = arith.constant 9 : i32
    %get3A_39 = arith.index_cast %get3A_38 : i32 to index
    %get3A_40 = arith.constant 0 : index
    %get3A_41 = tpu.vector_load %arg13[%get3A_39, %get3A_40] {strides = array<i32>} : memref<16x16xf32, #tpu.memory_space<vmem>>, vector<16xf32>,
    %get3A_42 = arith.constant 10 : i32
    %get3A_43 = arith.index_cast %get3A_42 : i32 to index
    %get3A_44 = arith.constant 0 : index
    %get3A_45 = tpu.vector_load %arg13[%get3A_43, %get3A_44] {strides = array<i32>} : memref<16x16xf32, #tpu.memory_space<vmem>>, vector<16xf32>,
    %get3A_46 = arith.constant 11 : i32
    %get3A_47 = arith.index_cast %get3A_46 : i32 to index
    %get3A_48 = arith.constant 0 : index
    %get3A_49 = tpu.vector_load %arg13[%get3A_47, %get3A_48] {strides = array<i32>} : memref<16x16xf32, #tpu.memory_space<vmem>>, vector<16xf32>,
    %get3A_50 = arith.constant 12 : i32
    %get3A_51 = arith.index_cast %get3A_50 : i32 to index
    %get3A_52 = arith.constant 0 : index
    %get3A_53 = tpu.vector_load %arg13[%get3A_51, %get3A_52] {strides = array<i32>} : memref<16x16xf32, #tpu.memory_space<vmem>>, vector<16xf32>,
    %get3A_54 = arith.constant 13 : i32
    %get3A_55 = arith.index_cast %get3A_54 : i32 to index
    %get3A_56 = arith.constant 0 : index
    %get3A_57 = tpu.vector_load %arg13[%get3A_55, %get3A_56] {strides = array<i32>} : memref<16x16xf32, #tpu.memory_space<vmem>>, vector<16xf32>,
    %get3A_58 = arith.constant 14 : i32
    %get3A_59 = arith.index_cast %get3A_58 : i32 to index
    %get3A_60 = arith.constant 0 : index
    %get3A_61 = tpu.vector_load %arg13[%get3A_59, %get3A_60] {strides = array<i32>} : memref<16x16xf32, #tpu.memory_space<vmem>>, vector<16xf32>,
    %get3A_62 = arith.constant 15 : i32
    %get3A_63 = arith.index_cast %get3A_62 : i32 to index
    %get3A_64 = arith.constant 0 : index
    %get3A_65 = tpu.vector_load %arg13[%get3A_63, %get3A_64] {strides = array<i32>} : memref<16x16xf32, #tpu.memory_space<vmem>>, vector<16xf32>,
    %get3A_66 = arith.constant 0 : index
    %get3A_67 = tpu.vector_load %arg14[%get3A_66] {strides = array<i32>} : memref<16xf32, #tpu.memory_space<vmem>>, vector<16xf32>,
    %iota3A = tpu.iota {dimensions = array<i32: 0>} : vector<16xi32>
    %add3A_68 = arith.constant 0 : i32
    %add3A_69 = vector.broadcast %add3A_68 : i32 to vector<16xi32>
    %add3A_70 = arith.addi %iota3A, %add3A_69 : vector<16xi32>
    %and3A = arith.constant 15 : i32
    %and3A_71 = vector.broadcast %and3A : i32 to vector<16xi32>
    %and3A_72 = arith.andi %add3A_70, %and3A_71 : vector<16xi32>
    %add3A_73 = arith.constant 1 : i32
    %add3A_74 = vector.broadcast %add3A_73 : i32 to vector<16xi32>
    %add3A_75 = arith.addi %iota3A, %add3A_74 : vector<16xi32>
    %and3A_76 = arith.constant 15 : i32
    %and3A_77 = vector.broadcast %and3A_76 : i32 to vector<16xi32>
    %and3A_78 = arith.andi %add3A_75, %and3A_77 : vector<16xi32>
    %add3A_79 = arith.constant 2 : i32
    %add3A_80 = vector.broadcast %add3A_79 : i32 to vector<16xi32>
    %add3A_81 = arith.addi %iota3A, %add3A_80 : vector<16xi32>
    %and3A_82 = arith.constant 15 : i32
    %and3A_83 = vector.broadcast %and3A_82 : i32 to vector<16xi32>
    %and3A_84 = arith.andi %add3A_81, %and3A_83 : vector<16xi32>
    %add3A_85 = arith.constant 3 : i32
    %add3A_86 = vector.broadcast %add3A_85 : i32 to vector<16xi32>
    %add3A_87 = arith.addi %iota3A, %add3A_86 : vector<16xi32>
    %and3A_88 = arith.constant 15 : i32
    %and3A_89 = vector.broadcast %and3A_88 : i32 to vector<16xi32>
    %and3A_90 = arith.andi %add3A_87, %and3A_89 : vector<16xi32>
    %add3A_91 = arith.constant 4 : i32
    %add3A_92 = vector.broadcast %add3A_91 : i32 to vector<16xi32>
    %add3A_93 = arith.addi %iota3A, %add3A_92 : vector<16xi32>
    %and3A_94 = arith.constant 15 : i32
    %and3A_95 = vector.broadcast %and3A_94 : i32 to vector<16xi32>
    %and3A_96 = arith.andi %add3A_93, %and3A_95 : vector<16xi32>
    %add3A_97 = arith.constant 5 : i32
    %add3A_98 = vector.broadcast %add3A_97 : i32 to vector<16xi32>
    %add3A_99 = arith.addi %iota3A, %add3A_98 : vector<16xi32>
    %and3A_100 = arith.constant 15 : i32
    %and3A_101 = vector.broadcast %and3A_100 : i32 to vector<16xi32>
    %and3A_102 = arith.andi %add3A_99, %and3A_101 : vector<16xi32>
    %add3A_103 = arith.constant 6 : i32
    %add3A_104 = vector.broadcast %add3A_103 : i32 to vector<16xi32>
    %add3A_105 = arith.addi %iota3A, %add3A_104 : vector<16xi32>
    %and3A_106 = arith.constant 15 : i32
    %and3A_107 = vector.broadcast %and3A_106 : i32 to vector<16xi32>
    %and3A_108 = arith.andi %add3A_105, %and3A_107 : vector<16xi32>
    %add3A_109 = arith.constant 7 : i32
    %add3A_110 = vector.broadcast %add3A_109 : i32 to vector<16xi32>
    %add3A_111 = arith.addi %iota3A, %add3A_110 : vector<16xi32>
    %and3A_112 = arith.constant 15 : i32
    %and3A_113 = vector.broadcast %and3A_112 : i32 to vector<16xi32>
    %and3A_114 = arith.andi %add3A_111, %and3A_113 : vector<16xi32>
    %add3A_115 = arith.constant 8 : i32
    %add3A_116 = vector.broadcast %add3A_115 : i32 to vector<16xi32>
    %add3A_117 = arith.addi %iota3A, %add3A_116 : vector<16xi32>
    %and3A_118 = arith.constant 15 : i32
    %and3A_119 = vector.broadcast %and3A_118 : i32 to vector<16xi32>
    %and3A_120 = arith.andi %add3A_117, %and3A_119 : vector<16xi32>
    %add3A_121 = arith.constant 9 : i32
    %add3A_122 = vector.broadcast %add3A_121 : i32 to vector<16xi32>
    %add3A_123 = arith.addi %iota3A, %add3A_122 : vector<16xi32>
    %and3A_124 = arith.constant 15 : i32
    %and3A_125 = vector.broadcast %and3A_124 : i32 to vector<16xi32>
    %and3A_126 = arith.andi %add3A_123, %and3A_125 : vector<16xi32>
    %add3A_127 = arith.constant 10 : i32
    %add3A_128 = vector.broadcast %add3A_127 : i32 to vector<16xi32>
    %add3A_129 = arith.addi %iota3A, %add3A_128 : vector<16xi32>
    %and3A_130 = arith.constant 15 : i32
    %and3A_131 = vector.broadcast %and3A_130 : i32 to vector<16xi32>
    %and3A_132 = arith.andi %add3A_129, %and3A_131 : vector<16xi32>
    %add3A_133 = arith.constant 11 : i32
    %add3A_134 = vector.broadcast %add3A_133 : i32 to vector<16xi32>
    %add3A_135 = arith.addi %iota3A, %add3A_134 : vector<16xi32>
    %and3A_136 = arith.constant 15 : i32
    %and3A_137 = vector.broadcast %and3A_136 : i32 to vector<16xi32>
    %and3A_138 = arith.andi %add3A_135, %and3A_137 : vector<16xi32>
    %add3A_139 = arith.constant 12 : i32
    %add3A_140 = vector.broadcast %add3A_139 : i32 to vector<16xi32>
    %add3A_141 = arith.addi %iota3A, %add3A_140 : vector<16xi32>
    %and3A_142 = arith.constant 15 : i32
    %and3A_143 = vector.broadcast %and3A_142 : i32 to vector<16xi32>
    %and3A_144 = arith.andi %add3A_141, %and3A_143 : vector<16xi32>
    %add3A_145 = arith.constant 13 : i32
    %add3A_146 = vector.broadcast %add3A_145 : i32 to vector<16xi32>
    %add3A_147 = arith.addi %iota3A, %add3A_146 : vector<16xi32>
    %and3A_148 = arith.constant 15 : i32
    %and3A_149 = vector.broadcast %and3A_148 : i32 to vector<16xi32>
    %and3A_150 = arith.andi %add3A_147, %and3A_149 : vector<16xi32>
    %add3A_151 = arith.constant 14 : i32
    %add3A_152 = vector.broadcast %add3A_151 : i32 to vector<16xi32>
    %add3A_153 = arith.addi %iota3A, %add3A_152 : vector<16xi32>
    %and3A_154 = arith.constant 15 : i32
    %and3A_155 = vector.broadcast %and3A_154 : i32 to vector<16xi32>
    %and3A_156 = arith.andi %add3A_153, %and3A_155 : vector<16xi32>
    %add3A_157 = arith.constant 15 : i32
    %add3A_158 = vector.broadcast %add3A_157 : i32 to vector<16xi32>
    %add3A_159 = arith.addi %iota3A, %add3A_158 : vector<16xi32>
    %and3A_160 = arith.constant 15 : i32
    %and3A_161 = vector.broadcast %and3A_160 : i32 to vector<16xi32>
    %and3A_162 = arith.andi %add3A_159, %and3A_161 : vector<16xi32>
    %add3A_163 = arith.constant 0 : i32
    %add3A_164 = arith.addi %mul3A_2, %add3A_163 : i32
    %dma_start3A = arith.constant 0 : i32
    %dma_start3A_165 = arith.constant 0 : i32
    %dma_start3A_166 = arith.constant 0 : i32
    %dma_start3A_167 = tpu.memref_slice %arg8[%dma_start3A_165, %dma_start3A_166] : memref<3x800xi32, #tpu.memory_space<vmem>> -> memref<1x800xi32, #tpu.memory_space<vmem>>
    %dma_start3A_168 = tpu.memref_squeeze %dma_start3A_167 : memref<1x800xi32, #tpu.memory_space<vmem>> -> memref<800xi32, #tpu.memory_space<vmem>>
    %dma_start3A_169 = tpu.memref_slice %arg4[%dma_start3A, %add3A_164] : memref<2x3200000xi32, #tpu.memory_space<hbm>> -> memref<1x800xi32, #tpu.memory_space<hbm>>
    %dma_start3A_170 = tpu.memref_squeeze %dma_start3A_169 : memref<1x800xi32, #tpu.memory_space<hbm>> -> memref<800xi32, #tpu.memory_space<hbm>>
    %dma_start3A_171 = arith.constant 0 : i32
    %dma_start3A_172 = tpu.memref_slice %arg8[%dma_start3A_165, %dma_start3A_171] : memref<3x800xi32, #tpu.memory_space<vmem>> -> memref<1x800xi32, #tpu.memory_space<vmem>>
    %dma_start3A_173 = tpu.memref_squeeze %dma_start3A_172 : memref<1x800xi32, #tpu.memory_space<vmem>> -> memref<800xi32, #tpu.memory_space<vmem>>
    %dma_start3A_174 = tpu.memref_slice %arg4[%dma_start3A, %add3A_164] : memref<2x3200000xi32, #tpu.memory_space<hbm>> -> memref<1x800xi32, #tpu.memory_space<hbm>>
    %dma_start3A_175 = tpu.memref_squeeze %dma_start3A_174 : memref<1x800xi32, #tpu.memory_space<hbm>> -> memref<800xi32, #tpu.memory_space<hbm>>
    tpu.enqueue_dma source(%dma_start3A_175 : memref<800xi32, #tpu.memory_space<hbm>>) target(%dma_start3A_173 : memref<800xi32, #tpu.memory_space<vmem>>) target_semaphore(%arg15 : memref<!tpu.dma_semaphore, #tpu.memory_space<semaphore_mem>>)
    %dma_start3A_176 = arith.constant 1 : i32
    %dma_start3A_177 = arith.constant 0 : i32
    %dma_start3A_178 = arith.constant 0 : i32
    %dma_start3A_179 = tpu.memref_slice %arg9[%dma_start3A_177, %dma_start3A_178] : memref<3x800xi32, #tpu.memory_space<vmem>> -> memref<1x800xi32, #tpu.memory_space<vmem>>
    %dma_start3A_180 = tpu.memref_squeeze %dma_start3A_179 : memref<1x800xi32, #tpu.memory_space<vmem>> -> memref<800xi32, #tpu.memory_space<vmem>>
    %dma_start3A_181 = tpu.memref_slice %arg4[%dma_start3A_176, %add3A_164] : memref<2x3200000xi32, #tpu.memory_space<hbm>> -> memref<1x800xi32, #tpu.memory_space<hbm>>
    %dma_start3A_182 = tpu.memref_squeeze %dma_start3A_181 : memref<1x800xi32, #tpu.memory_space<hbm>> -> memref<800xi32, #tpu.memory_space<hbm>>
    %dma_start3A_183 = arith.constant 0 : i32
    %dma_start3A_184 = tpu.memref_slice %arg9[%dma_start3A_177, %dma_start3A_183] : memref<3x800xi32, #tpu.memory_space<vmem>> -> memref<1x800xi32, #tpu.memory_space<vmem>>
    %dma_start3A_185 = tpu.memref_squeeze %dma_start3A_184 : memref<1x800xi32, #tpu.memory_space<vmem>> -> memref<800xi32, #tpu.memory_space<vmem>>
    %dma_start3A_186 = tpu.memref_slice %arg4[%dma_start3A_176, %add3A_164] : memref<2x3200000xi32, #tpu.memory_space<hbm>> -> memref<1x800xi32, #tpu.memory_space<hbm>>
    %dma_start3A_187 = tpu.memref_squeeze %dma_start3A_186 : memref<1x800xi32, #tpu.memory_space<hbm>> -> memref<800xi32, #tpu.memory_space<hbm>>
    tpu.enqueue_dma source(%dma_start3A_187 : memref<800xi32, #tpu.memory_space<hbm>>) target(%dma_start3A_185 : memref<800xi32, #tpu.memory_space<vmem>>) target_semaphore(%arg15 : memref<!tpu.dma_semaphore, #tpu.memory_space<semaphore_mem>>)
    %add3A_188 = arith.constant 800 : i32
    %add3A_189 = arith.addi %mul3A_2, %add3A_188 : i32
    %dma_start3A_190 = arith.constant 0 : i32
    %dma_start3A_191 = arith.constant 1 : i32
    %dma_start3A_192 = arith.constant 0 : i32
    %dma_start3A_193 = tpu.memref_slice %arg8[%dma_start3A_191, %dma_start3A_192] : memref<3x800xi32, #tpu.memory_space<vmem>> -> memref<1x800xi32, #tpu.memory_space<vmem>>
    %dma_start3A_194 = tpu.memref_squeeze %dma_start3A_193 : memref<1x800xi32, #tpu.memory_space<vmem>> -> memref<800xi32, #tpu.memory_space<vmem>>
    %dma_start3A_195 = tpu.memref_slice %arg4[%dma_start3A_190, %add3A_189] : memref<2x3200000xi32, #tpu.memory_space<hbm>> -> memref<1x800xi32, #tpu.memory_space<hbm>>
    %dma_start3A_196 = tpu.memref_squeeze %dma_start3A_195 : memref<1x800xi32, #tpu.memory_space<hbm>> -> memref<800xi32, #tpu.memory_space<hbm>>
    %dma_start3A_197 = arith.constant 0 : i32
    %dma_start3A_198 = tpu.memref_slice %arg8[%dma_start3A_191, %dma_start3A_197] : memref<3x800xi32, #tpu.memory_space<vmem>> -> memref<1x800xi32, #tpu.memory_space<vmem>>
    %dma_start3A_199 = tpu.memref_squeeze %dma_start3A_198 : memref<1x800xi32, #tpu.memory_space<vmem>> -> memref<800xi32, #tpu.memory_space<vmem>>
    %dma_start3A_200 = tpu.memref_slice %arg4[%dma_start3A_190, %add3A_189] : memref<2x3200000xi32, #tpu.memory_space<hbm>> -> memref<1x800xi32, #tpu.memory_space<hbm>>
    %dma_start3A_201 = tpu.memref_squeeze %dma_start3A_200 : memref<1x800xi32, #tpu.memory_space<hbm>> -> memref<800xi32, #tpu.memory_space<hbm>>
    tpu.enqueue_dma source(%dma_start3A_201 : memref<800xi32, #tpu.memory_space<hbm>>) target(%dma_start3A_199 : memref<800xi32, #tpu.memory_space<vmem>>) target_semaphore(%arg16 : memref<!tpu.dma_semaphore, #tpu.memory_space<semaphore_mem>>)
    %dma_start3A_202 = arith.constant 1 : i32
    %dma_start3A_203 = arith.constant 1 : i32
    %dma_start3A_204 = arith.constant 0 : i32
    %dma_start3A_205 = tpu.memref_slice %arg9[%dma_start3A_203, %dma_start3A_204] : memref<3x800xi32, #tpu.memory_space<vmem>> -> memref<1x800xi32, #tpu.memory_space<vmem>>
    %dma_start3A_206 = tpu.memref_squeeze %dma_start3A_205 : memref<1x800xi32, #tpu.memory_space<vmem>> -> memref<800xi32, #tpu.memory_space<vmem>>
    %dma_start3A_207 = tpu.memref_slice %arg4[%dma_start3A_202, %add3A_189] : memref<2x3200000xi32, #tpu.memory_space<hbm>> -> memref<1x800xi32, #tpu.memory_space<hbm>>
    %dma_start3A_208 = tpu.memref_squeeze %dma_start3A_207 : memref<1x800xi32, #tpu.memory_space<hbm>> -> memref<800xi32, #tpu.memory_space<hbm>>
    %dma_start3A_209 = arith.constant 0 : i32
    %dma_start3A_210 = tpu.memref_slice %arg9[%dma_start3A_203, %dma_start3A_209] : memref<3x800xi32, #tpu.memory_space<vmem>> -> memref<1x800xi32, #tpu.memory_space<vmem>>
    %dma_start3A_211 = tpu.memref_squeeze %dma_start3A_210 : memref<1x800xi32, #tpu.memory_space<vmem>> -> memref<800xi32, #tpu.memory_space<vmem>>
    %dma_start3A_212 = tpu.memref_slice %arg4[%dma_start3A_202, %add3A_189] : memref<2x3200000xi32, #tpu.memory_space<hbm>> -> memref<1x800xi32, #tpu.memory_space<hbm>>
    %dma_start3A_213 = tpu.memref_squeeze %dma_start3A_212 : memref<1x800xi32, #tpu.memory_space<hbm>> -> memref<800xi32, #tpu.memory_space<hbm>>
    tpu.enqueue_dma source(%dma_start3A_213 : memref<800xi32, #tpu.memory_space<hbm>>) target(%dma_start3A_211 : memref<800xi32, #tpu.memory_space<vmem>>) target_semaphore(%arg16 : memref<!tpu.dma_semaphore, #tpu.memory_space<semaphore_mem>>)
    %add3A_214 = arith.constant 1600 : i32
    %add3A_215 = arith.addi %mul3A_2, %add3A_214 : i32
    %dma_start3A_216 = arith.constant 0 : i32
    %dma_start3A_217 = arith.constant 2 : i32
    %dma_start3A_218 = arith.constant 0 : i32
    %dma_start3A_219 = tpu.memref_slice %arg8[%dma_start3A_217, %dma_start3A_218] : memref<3x800xi32, #tpu.memory_space<vmem>> -> memref<1x800xi32, #tpu.memory_space<vmem>>
    %dma_start3A_220 = tpu.memref_squeeze %dma_start3A_219 : memref<1x800xi32, #tpu.memory_space<vmem>> -> memref<800xi32, #tpu.memory_space<vmem>>
    %dma_start3A_221 = tpu.memref_slice %arg4[%dma_start3A_216, %add3A_215] : memref<2x3200000xi32, #tpu.memory_space<hbm>> -> memref<1x800xi32, #tpu.memory_space<hbm>>
    %dma_start3A_222 = tpu.memref_squeeze %dma_start3A_221 : memref<1x800xi32, #tpu.memory_space<hbm>> -> memref<800xi32, #tpu.memory_space<hbm>>
    %dma_start3A_223 = arith.constant 0 : i32
    %dma_start3A_224 = tpu.memref_slice %arg8[%dma_start3A_217, %dma_start3A_223] : memref<3x800xi32, #tpu.memory_space<vmem>> -> memref<1x800xi32, #tpu.memory_space<vmem>>
    %dma_start3A_225 = tpu.memref_squeeze %dma_start3A_224 : memref<1x800xi32, #tpu.memory_space<vmem>> -> memref<800xi32, #tpu.memory_space<vmem>>
    %dma_start3A_226 = tpu.memref_slice %arg4[%dma_start3A_216, %add3A_215] : memref<2x3200000xi32, #tpu.memory_space<hbm>> -> memref<1x800xi32, #tpu.memory_space<hbm>>
    %dma_start3A_227 = tpu.memref_squeeze %dma_start3A_226 : memref<1x800xi32, #tpu.memory_space<hbm>> -> memref<800xi32, #tpu.memory_space<hbm>>
    tpu.enqueue_dma source(%dma_start3A_227 : memref<800xi32, #tpu.memory_space<hbm>>) target(%dma_start3A_225 : memref<800xi32, #tpu.memory_space<vmem>>) target_semaphore(%arg17 : memref<!tpu.dma_semaphore, #tpu.memory_space<semaphore_mem>>)
    %dma_start3A_228 = arith.constant 1 : i32
    %dma_start3A_229 = arith.constant 2 : i32
    %dma_start3A_230 = arith.constant 0 : i32
    %dma_start3A_231 = tpu.memref_slice %arg9[%dma_start3A_229, %dma_start3A_230] : memref<3x800xi32, #tpu.memory_space<vmem>> -> memref<1x800xi32, #tpu.memory_space<vmem>>
    %dma_start3A_232 = tpu.memref_squeeze %dma_start3A_231 : memref<1x800xi32, #tpu.memory_space<vmem>> -> memref<800xi32, #tpu.memory_space<vmem>>
    %dma_start3A_233 = tpu.memref_slice %arg4[%dma_start3A_228, %add3A_215] : memref<2x3200000xi32, #tpu.memory_space<hbm>> -> memref<1x800xi32, #tpu.memory_space<hbm>>
    %dma_start3A_234 = tpu.memref_squeeze %dma_start3A_233 : memref<1x800xi32, #tpu.memory_space<hbm>> -> memref<800xi32, #tpu.memory_space<hbm>>
    %dma_start3A_235 = arith.constant 0 : i32
    %dma_start3A_236 = tpu.memref_slice %arg9[%dma_start3A_229, %dma_start3A_235] : memref<3x800xi32, #tpu.memory_space<vmem>> -> memref<1x800xi32, #tpu.memory_space<vmem>>
    %dma_start3A_237 = tpu.memref_squeeze %dma_start3A_236 : memref<1x800xi32, #tpu.memory_space<vmem>> -> memref<800xi32, #tpu.memory_space<vmem>>
    %dma_start3A_238 = tpu.memref_slice %arg4[%dma_start3A_228, %add3A_215] : memref<2x3200000xi32, #tpu.memory_space<hbm>> -> memref<1x800xi32, #tpu.memory_space<hbm>>
    %dma_start3A_239 = tpu.memref_squeeze %dma_start3A_238 : memref<1x800xi32, #tpu.memory_space<hbm>> -> memref<800xi32, #tpu.memory_space<hbm>>
    tpu.enqueue_dma source(%dma_start3A_239 : memref<800xi32, #tpu.memory_space<hbm>>) target(%dma_start3A_237 : memref<800xi32, #tpu.memory_space<vmem>>) target_semaphore(%arg17 : memref<!tpu.dma_semaphore, #tpu.memory_space<semaphore_mem>>)
    %dma_wait3A = arith.constant 0 : i32
    %dma_wait3A_240 = arith.constant 0 : i32
    %dma_wait3A_241 = arith.constant 0 : i32
    %dma_wait3A_242 = tpu.memref_slice %arg8[%dma_wait3A_240, %dma_wait3A_241] : memref<3x800xi32, #tpu.memory_space<vmem>> -> memref<1x800xi32, #tpu.memory_space<vmem>>
    %dma_wait3A_243 = tpu.memref_squeeze %dma_wait3A_242 : memref<1x800xi32, #tpu.memory_space<vmem>> -> memref<800xi32, #tpu.memory_space<vmem>>
    %dma_wait3A_244 = arith.constant 0 : i32
    %dma_wait3A_245 = tpu.memref_slice %arg4[%dma_wait3A, %dma_wait3A_244] : memref<2x3200000xi32, #tpu.memory_space<hbm>> -> memref<1x800xi32, #tpu.memory_space<hbm>>
    %dma_wait3A_246 = tpu.memref_squeeze %dma_wait3A_245 : memref<1x800xi32, #tpu.memory_space<hbm>> -> memref<800xi32, #tpu.memory_space<hbm>>
    %dma_wait3A_247 = arith.constant 0 : i32
    %dma_wait3A_248 = tpu.memref_slice %arg8[%dma_wait3A_240, %dma_wait3A_247] : memref<3x800xi32, #tpu.memory_space<vmem>> -> memref<1x800xi32, #tpu.memory_space<vmem>>
    %dma_wait3A_249 = tpu.memref_squeeze %dma_wait3A_248 : memref<1x800xi32, #tpu.memory_space<vmem>> -> memref<800xi32, #tpu.memory_space<vmem>>
    %dma_wait3A_250 = arith.constant 0 : i32
    %dma_wait3A_251 = tpu.memref_slice %arg4[%dma_wait3A, %dma_wait3A_250] : memref<2x3200000xi32, #tpu.memory_space<hbm>> -> memref<1x800xi32, #tpu.memory_space<hbm>>
    %dma_wait3A_252 = tpu.memref_squeeze %dma_wait3A_251 : memref<1x800xi32, #tpu.memory_space<hbm>> -> memref<800xi32, #tpu.memory_space<hbm>>
    tpu.wait_dma2 semaphore(%arg15 : memref<!tpu.dma_semaphore, #tpu.memory_space<semaphore_mem>>) src(%dma_wait3A_252 : memref<800xi32, #tpu.memory_space<hbm>>) dst(%dma_wait3A_249 : memref<800xi32, #tpu.memory_space<vmem>>)
    %dma_wait3A_253 = arith.constant 1 : i32
    %dma_wait3A_254 = arith.constant 0 : i32
    %dma_wait3A_255 = arith.constant 0 : i32
    %dma_wait3A_256 = tpu.memref_slice %arg9[%dma_wait3A_254, %dma_wait3A_255] : memref<3x800xi32, #tpu.memory_space<vmem>> -> memref<1x800xi32, #tpu.memory_space<vmem>>
    %dma_wait3A_257 = tpu.memref_squeeze %dma_wait3A_256 : memref<1x800xi32, #tpu.memory_space<vmem>> -> memref<800xi32, #tpu.memory_space<vmem>>
    %dma_wait3A_258 = arith.constant 0 : i32
    %dma_wait3A_259 = tpu.memref_slice %arg4[%dma_wait3A_253, %dma_wait3A_258] : memref<2x3200000xi32, #tpu.memory_space<hbm>> -> memref<1x800xi32, #tpu.memory_space<hbm>>
    %dma_wait3A_260 = tpu.memref_squeeze %dma_wait3A_259 : memref<1x800xi32, #tpu.memory_space<hbm>> -> memref<800xi32, #tpu.memory_space<hbm>>
    %dma_wait3A_261 = arith.constant 0 : i32
    %dma_wait3A_262 = tpu.memref_slice %arg9[%dma_wait3A_254, %dma_wait3A_261] : memref<3x800xi32, #tpu.memory_space<vmem>> -> memref<1x800xi32, #tpu.memory_space<vmem>>
    %dma_wait3A_263 = tpu.memref_squeeze %dma_wait3A_262 : memref<1x800xi32, #tpu.memory_space<vmem>> -> memref<800xi32, #tpu.memory_space<vmem>>
    %dma_wait3A_264 = arith.constant 0 : i32
    %dma_wait3A_265 = tpu.memref_slice %arg4[%dma_wait3A_253, %dma_wait3A_264] : memref<2x3200000xi32, #tpu.memory_space<hbm>> -> memref<1x800xi32, #tpu.memory_space<hbm>>
    %dma_wait3A_266 = tpu.memref_squeeze %dma_wait3A_265 : memref<1x800xi32, #tpu.memory_space<hbm>> -> memref<800xi32, #tpu.memory_space<hbm>>
    tpu.wait_dma2 semaphore(%arg15 : memref<!tpu.dma_semaphore, #tpu.memory_space<semaphore_mem>>) src(%dma_wait3A_266 : memref<800xi32, #tpu.memory_space<hbm>>) dst(%dma_wait3A_263 : memref<800xi32, #tpu.memory_space<vmem>>)
    %dma_start3A_267 = arith.constant 0 : i32
    %dma_start3A_268 = arith.constant 0 : i32
    %dma_start3A_269 = arith.constant 0 : i32
    %dma_start3A_270 = tpu.memref_slice %arg10[%dma_start3A_268, %dma_start3A_269] : memref<2400x16xf32, #tpu.memory_space<vmem>> -> memref<800x16xf32, #tpu.memory_space<vmem>>
    %dma_start3A_271 = arith.constant 0 : i32
    %dma_start3A_272 = tpu.memref_slice %arg8[%dma_start3A_267, %dma_start3A_271] : memref<3x800xi32, #tpu.memory_space<vmem>> -> memref<1x800xi32, #tpu.memory_space<vmem>>
    %dma_start3A_273 = tpu.memref_squeeze %dma_start3A_272 : memref<1x800xi32, #tpu.memory_space<vmem>> -> memref<800xi32, #tpu.memory_space<vmem>>
    %dma_start3A_274 = arith.constant 0 : i32
    %dma_start3A_275 = arith.constant 0 : i32
    %dma_start3A_276 = tpu.memref_slice %arg2[%dma_start3A_274, %dma_start3A_275] : memref<100000x16xf32, #tpu.memory_space<hbm>> -> memref<100000x16xf32, #tpu.memory_space<hbm>>
    tpu.enqueue_indirect_dma source(%dma_start3A_276 : memref<100000x16xf32, #tpu.memory_space<hbm>>) target(%dma_start3A_270 : memref<800x16xf32, #tpu.memory_space<vmem>>) offsets(%dma_start3A_273 : memref<800xi32, #tpu.memory_space<vmem>>) semaphore(%arg18 : memref<!tpu.dma_semaphore, #tpu.memory_space<semaphore_mem>>)
    %dma_start3A_277 = arith.constant 0 : i32
    %dma_start3A_278 = arith.constant 0 : i32
    %dma_start3A_279 = arith.constant 0 : i32
    %dma_start3A_280 = tpu.memref_slice %arg11[%dma_start3A_278, %dma_start3A_279] : memref<2400x16xf32, #tpu.memory_space<vmem>> -> memref<800x16xf32, #tpu.memory_space<vmem>>
    %dma_start3A_281 = arith.constant 0 : i32
    %dma_start3A_282 = tpu.memref_slice %arg9[%dma_start3A_277, %dma_start3A_281] : memref<3x800xi32, #tpu.memory_space<vmem>> -> memref<1x800xi32, #tpu.memory_space<vmem>>
    %dma_start3A_283 = tpu.memref_squeeze %dma_start3A_282 : memref<1x800xi32, #tpu.memory_space<vmem>> -> memref<800xi32, #tpu.memory_space<vmem>>
    %dma_start3A_284 = arith.constant 0 : i32
    %dma_start3A_285 = arith.constant 0 : i32
    %dma_start3A_286 = tpu.memref_slice %arg3[%dma_start3A_284, %dma_start3A_285] : memref<100000x16xf32, #tpu.memory_space<hbm>> -> memref<100000x16xf32, #tpu.memory_space<hbm>>
    tpu.enqueue_indirect_dma source(%dma_start3A_286 : memref<100000x16xf32, #tpu.memory_space<hbm>>) target(%dma_start3A_280 : memref<800x16xf32, #tpu.memory_space<vmem>>) offsets(%dma_start3A_283 : memref<800xi32, #tpu.memory_space<vmem>>) semaphore(%arg18 : memref<!tpu.dma_semaphore, #tpu.memory_space<semaphore_mem>>)
    %dma_wait3A_287 = arith.constant 0 : i32
    %dma_wait3A_288 = arith.constant 1 : i32
    %dma_wait3A_289 = arith.constant 0 : i32
    %dma_wait3A_290 = tpu.memref_slice %arg8[%dma_wait3A_288, %dma_wait3A_289] : memref<3x800xi32, #tpu.memory_space<vmem>> -> memref<1x800xi32, #tpu.memory_space<vmem>>
    %dma_wait3A_291 = tpu.memref_squeeze %dma_wait3A_290 : memref<1x800xi32, #tpu.memory_space<vmem>> -> memref<800xi32, #tpu.memory_space<vmem>>
    %dma_wait3A_292 = arith.constant 0 : i32
    %dma_wait3A_293 = tpu.memref_slice %arg4[%dma_wait3A_287, %dma_wait3A_292] : memref<2x3200000xi32, #tpu.memory_space<hbm>> -> memref<1x800xi32, #tpu.memory_space<hbm>>
    %dma_wait3A_294 = tpu.memref_squeeze %dma_wait3A_293 : memref<1x800xi32, #tpu.memory_space<hbm>> -> memref<800xi32, #tpu.memory_space<hbm>>
    %dma_wait3A_295 = arith.constant 0 : i32
    %dma_wait3A_296 = tpu.memref_slice %arg8[%dma_wait3A_288, %dma_wait3A_295] : memref<3x800xi32, #tpu.memory_space<vmem>> -> memref<1x800xi32, #tpu.memory_space<vmem>>
    %dma_wait3A_297 = tpu.memref_squeeze %dma_wait3A_296 : memref<1x800xi32, #tpu.memory_space<vmem>> -> memref<800xi32, #tpu.memory_space<vmem>>
    %dma_wait3A_298 = arith.constant 0 : i32
    %dma_wait3A_299 = tpu.memref_slice %arg4[%dma_wait3A_287, %dma_wait3A_298] : memref<2x3200000xi32, #tpu.memory_space<hbm>> -> memref<1x800xi32, #tpu.memory_space<hbm>>
    %dma_wait3A_300 = tpu.memref_squeeze %dma_wait3A_299 : memref<1x800xi32, #tpu.memory_space<hbm>> -> memref<800xi32, #tpu.memory_space<hbm>>
    tpu.wait_dma2 semaphore(%arg16 : memref<!tpu.dma_semaphore, #tpu.memory_space<semaphore_mem>>) src(%dma_wait3A_300 : memref<800xi32, #tpu.memory_space<hbm>>) dst(%dma_wait3A_297 : memref<800xi32, #tpu.memory_space<vmem>>)
    %dma_wait3A_301 = arith.constant 1 : i32
    %dma_wait3A_302 = arith.constant 1 : i32
    %dma_wait3A_303 = arith.constant 0 : i32
    %dma_wait3A_304 = tpu.memref_slice %arg9[%dma_wait3A_302, %dma_wait3A_303] : memref<3x800xi32, #tpu.memory_space<vmem>> -> memref<1x800xi32, #tpu.memory_space<vmem>>
    %dma_wait3A_305 = tpu.memref_squeeze %dma_wait3A_304 : memref<1x800xi32, #tpu.memory_space<vmem>> -> memref<800xi32, #tpu.memory_space<vmem>>
    %dma_wait3A_306 = arith.constant 0 : i32
    %dma_wait3A_307 = tpu.memref_slice %arg4[%dma_wait3A_301, %dma_wait3A_306] : memref<2x3200000xi32, #tpu.memory_space<hbm>> -> memref<1x800xi32, #tpu.memory_space<hbm>>
    %dma_wait3A_308 = tpu.memref_squeeze %dma_wait3A_307 : memref<1x800xi32, #tpu.memory_space<hbm>> -> memref<800xi32, #tpu.memory_space<hbm>>
    %dma_wait3A_309 = arith.constant 0 : i32
    %dma_wait3A_310 = tpu.memref_slice %arg9[%dma_wait3A_302, %dma_wait3A_309] : memref<3x800xi32, #tpu.memory_space<vmem>> -> memref<1x800xi32, #tpu.memory_space<vmem>>
    %dma_wait3A_311 = tpu.memref_squeeze %dma_wait3A_310 : memref<1x800xi32, #tpu.memory_space<vmem>> -> memref<800xi32, #tpu.memory_space<vmem>>
    %dma_wait3A_312 = arith.constant 0 : i32
    %dma_wait3A_313 = tpu.memref_slice %arg4[%dma_wait3A_301, %dma_wait3A_312] : memref<2x3200000xi32, #tpu.memory_space<hbm>> -> memref<1x800xi32, #tpu.memory_space<hbm>>
    %dma_wait3A_314 = tpu.memref_squeeze %dma_wait3A_313 : memref<1x800xi32, #tpu.memory_space<hbm>> -> memref<800xi32, #tpu.memory_space<hbm>>
    tpu.wait_dma2 semaphore(%arg16 : memref<!tpu.dma_semaphore, #tpu.memory_space<semaphore_mem>>) src(%dma_wait3A_314 : memref<800xi32, #tpu.memory_space<hbm>>) dst(%dma_wait3A_311 : memref<800xi32, #tpu.memory_space<vmem>>)
    %dma_start3A_315 = arith.constant 1 : i32
    %dma_start3A_316 = arith.constant 800 : i32
    %dma_start3A_317 = arith.constant 0 : i32
    %dma_start3A_318 = tpu.memref_slice %arg10[%dma_start3A_316, %dma_start3A_317] : memref<2400x16xf32, #tpu.memory_space<vmem>> -> memref<800x16xf32, #tpu.memory_space<vmem>>
    %dma_start3A_319 = arith.constant 0 : i32
    %dma_start3A_320 = tpu.memref_slice %arg8[%dma_start3A_315, %dma_start3A_319] : memref<3x800xi32, #tpu.memory_space<vmem>> -> memref<1x800xi32, #tpu.memory_space<vmem>>
    %dma_start3A_321 = tpu.memref_squeeze %dma_start3A_320 : memref<1x800xi32, #tpu.memory_space<vmem>> -> memref<800xi32, #tpu.memory_space<vmem>>
    %dma_start3A_322 = arith.constant 0 : i32
    %dma_start3A_323 = arith.constant 0 : i32
    %dma_start3A_324 = tpu.memref_slice %arg2[%dma_start3A_322, %dma_start3A_323] : memref<100000x16xf32, #tpu.memory_space<hbm>> -> memref<100000x16xf32, #tpu.memory_space<hbm>>
    tpu.enqueue_indirect_dma source(%dma_start3A_324 : memref<100000x16xf32, #tpu.memory_space<hbm>>) target(%dma_start3A_318 : memref<800x16xf32, #tpu.memory_space<vmem>>) offsets(%dma_start3A_321 : memref<800xi32, #tpu.memory_space<vmem>>) semaphore(%arg19 : memref<!tpu.dma_semaphore, #tpu.memory_space<semaphore_mem>>)
    %dma_start3A_325 = arith.constant 1 : i32
    %dma_start3A_326 = arith.constant 800 : i32
    %dma_start3A_327 = arith.constant 0 : i32
    %dma_start3A_328 = tpu.memref_slice %arg11[%dma_start3A_326, %dma_start3A_327] : memref<2400x16xf32, #tpu.memory_space<vmem>> -> memref<800x16xf32, #tpu.memory_space<vmem>>
    %dma_start3A_329 = arith.constant 0 : i32
    %dma_start3A_330 = tpu.memref_slice %arg9[%dma_start3A_325, %dma_start3A_329] : memref<3x800xi32, #tpu.memory_space<vmem>> -> memref<1x800xi32, #tpu.memory_space<vmem>>
    %dma_start3A_331 = tpu.memref_squeeze %dma_start3A_330 : memref<1x800xi32, #tpu.memory_space<vmem>> -> memref<800xi32, #tpu.memory_space<vmem>>
    %dma_start3A_332 = arith.constant 0 : i32
    %dma_start3A_333 = arith.constant 0 : i32
    %dma_start3A_334 = tpu.memref_slice %arg3[%dma_start3A_332, %dma_start3A_333] : memref<100000x16xf32, #tpu.memory_space<hbm>> -> memref<100000x16xf32, #tpu.memory_space<hbm>>
    tpu.enqueue_indirect_dma source(%dma_start3A_334 : memref<100000x16xf32, #tpu.memory_space<hbm>>) target(%dma_start3A_328 : memref<800x16xf32, #tpu.memory_space<vmem>>) offsets(%dma_start3A_331 : memref<800xi32, #tpu.memory_space<vmem>>) semaphore(%arg19 : memref<!tpu.dma_semaphore, #tpu.memory_space<semaphore_mem>>)
    %scan3A = arith.constant 0 : i32
    %scan3A_335 = arith.constant 0 : i32
    %scan3A_336 = arith.constant 41 : i32
    %scan3A_337 = arith.addi %scan3A_335, %scan3A_336 : i32
    %scan3A_338 = arith.constant 1 : i32
    scf.for %scan3A_469 = %scan3A_335 to %scan3A_337 step %scan3A_338  : i32 {
      %mul3A_470 = arith.constant 3 : i32
      %mul3A_471 = arith.muli %mul3A_470, %scan3A_469 : i32
      %add3A_472 = arith.constant 0 : i32
      %add3A_473 = arith.addi %mul3A_471, %add3A_472 : i32
      %dma_wait3A_474 = arith.constant 0 : i32
      %dma_wait3A_475 = arith.constant 0 : i32
      %dma_wait3A_476 = arith.constant 0 : i32
      %dma_wait3A_477 = tpu.memref_slice %arg10[%dma_wait3A_475, %dma_wait3A_476] : memref<2400x16xf32, #tpu.memory_space<vmem>> -> memref<800x16xf32, #tpu.memory_space<vmem>>
      %dma_wait3A_478 = arith.constant 0 : i32
      %dma_wait3A_479 = tpu.memref_slice %arg8[%dma_wait3A_474, %dma_wait3A_478] : memref<3x800xi32, #tpu.memory_space<vmem>> -> memref<1x800xi32, #tpu.memory_space<vmem>>
      %dma_wait3A_480 = tpu.memref_squeeze %dma_wait3A_479 : memref<1x800xi32, #tpu.memory_space<vmem>> -> memref<800xi32, #tpu.memory_space<vmem>>
      %dma_wait3A_481 = arith.constant 0 : i32
      %dma_wait3A_482 = arith.constant 0 : i32
      %dma_wait3A_483 = tpu.memref_slice %arg2[%dma_wait3A_481, %dma_wait3A_482] : memref<100000x16xf32, #tpu.memory_space<hbm>> -> memref<100000x16xf32, #tpu.memory_space<hbm>>
      tpu.wait_indirect_dma semaphore(%arg18 : memref<!tpu.dma_semaphore, #tpu.memory_space<semaphore_mem>>) src(%dma_wait3A_483 : memref<100000x16xf32, #tpu.memory_space<hbm>>) dst(%dma_wait3A_477 : memref<800x16xf32, #tpu.memory_space<vmem>>)
      %dma_wait3A_484 = arith.constant 0 : i32
      %dma_wait3A_485 = arith.constant 0 : i32
      %dma_wait3A_486 = arith.constant 0 : i32
      %dma_wait3A_487 = tpu.memref_slice %arg11[%dma_wait3A_485, %dma_wait3A_486] : memref<2400x16xf32, #tpu.memory_space<vmem>> -> memref<800x16xf32, #tpu.memory_space<vmem>>
      %dma_wait3A_488 = arith.constant 0 : i32
      %dma_wait3A_489 = tpu.memref_slice %arg9[%dma_wait3A_484, %dma_wait3A_488] : memref<3x800xi32, #tpu.memory_space<vmem>> -> memref<1x800xi32, #tpu.memory_space<vmem>>
      %dma_wait3A_490 = tpu.memref_squeeze %dma_wait3A_489 : memref<1x800xi32, #tpu.memory_space<vmem>> -> memref<800xi32, #tpu.memory_space<vmem>>
      %dma_wait3A_491 = arith.constant 0 : i32
      %dma_wait3A_492 = arith.constant 0 : i32
      %dma_wait3A_493 = tpu.memref_slice %arg3[%dma_wait3A_491, %dma_wait3A_492] : memref<100000x16xf32, #tpu.memory_space<hbm>> -> memref<100000x16xf32, #tpu.memory_space<hbm>>
      tpu.wait_indirect_dma semaphore(%arg18 : memref<!tpu.dma_semaphore, #tpu.memory_space<semaphore_mem>>) src(%dma_wait3A_493 : memref<100000x16xf32, #tpu.memory_space<hbm>>) dst(%dma_wait3A_487 : memref<800x16xf32, #tpu.memory_space<vmem>>)
      %add3A_494 = arith.constant 3 : i32
      %add3A_495 = arith.addi %add3A_473, %add3A_494 : i32
      %lt3A = arith.constant 125 : i32
      %lt3A_496 = arith.cmpi slt, %add3A_495, %lt3A : i32
      %convert_element_type3A = arith.extui %lt3A_496 : i1 to i32
      %cond3A = arith.constant 0 : i32
      %cond3A_497 = arith.cmpi ne, %convert_element_type3A, %cond3A : i32
      scf.if %cond3A_497 {
        %add3A_654 = arith.constant 3 : i32
        %add3A_655 = arith.addi %add3A_473, %add3A_654 : i32
        %mul3A_656 = arith.constant 800 : i32
        %mul3A_657 = arith.muli %add3A_655, %mul3A_656 : i32
        %add3A_658 = arith.addi %mul3A_2, %mul3A_657 : i32
        %dma_start3A_659 = arith.constant 0 : i32
        %dma_start3A_660 = arith.constant 0 : i32
        %dma_start3A_661 = arith.constant 0 : i32
        %dma_start3A_662 = tpu.memref_slice %arg8[%dma_start3A_660, %dma_start3A_661] : memref<3x800xi32, #tpu.memory_space<vmem>> -> memref<1x800xi32, #tpu.memory_space<vmem>>
        %dma_start3A_663 = tpu.memref_squeeze %dma_start3A_662 : memref<1x800xi32, #tpu.memory_space<vmem>> -> memref<800xi32, #tpu.memory_space<vmem>>
        %dma_start3A_664 = tpu.memref_slice %arg4[%dma_start3A_659, %add3A_658] : memref<2x3200000xi32, #tpu.memory_space<hbm>> -> memref<1x800xi32, #tpu.memory_space<hbm>>
        %dma_start3A_665 = tpu.memref_squeeze %dma_start3A_664 : memref<1x800xi32, #tpu.memory_space<hbm>> -> memref<800xi32, #tpu.memory_space<hbm>>
        %dma_start3A_666 = arith.constant 0 : i32
        %dma_start3A_667 = tpu.memref_slice %arg8[%dma_start3A_660, %dma_start3A_666] : memref<3x800xi32, #tpu.memory_space<vmem>> -> memref<1x800xi32, #tpu.memory_space<vmem>>
        %dma_start3A_668 = tpu.memref_squeeze %dma_start3A_667 : memref<1x800xi32, #tpu.memory_space<vmem>> -> memref<800xi32, #tpu.memory_space<vmem>>
        %dma_start3A_669 = tpu.memref_slice %arg4[%dma_start3A_659, %add3A_658] : memref<2x3200000xi32, #tpu.memory_space<hbm>> -> memref<1x800xi32, #tpu.memory_space<hbm>>
        %dma_start3A_670 = tpu.memref_squeeze %dma_start3A_669 : memref<1x800xi32, #tpu.memory_space<hbm>> -> memref<800xi32, #tpu.memory_space<hbm>>
        tpu.enqueue_dma source(%dma_start3A_670 : memref<800xi32, #tpu.memory_space<hbm>>) target(%dma_start3A_668 : memref<800xi32, #tpu.memory_space<vmem>>) target_semaphore(%arg15 : memref<!tpu.dma_semaphore, #tpu.memory_space<semaphore_mem>>)
        %dma_start3A_671 = arith.constant 1 : i32
        %dma_start3A_672 = arith.constant 0 : i32
        %dma_start3A_673 = arith.constant 0 : i32
        %dma_start3A_674 = tpu.memref_slice %arg9[%dma_start3A_672, %dma_start3A_673] : memref<3x800xi32, #tpu.memory_space<vmem>> -> memref<1x800xi32, #tpu.memory_space<vmem>>
        %dma_start3A_675 = tpu.memref_squeeze %dma_start3A_674 : memref<1x800xi32, #tpu.memory_space<vmem>> -> memref<800xi32, #tpu.memory_space<vmem>>
        %dma_start3A_676 = tpu.memref_slice %arg4[%dma_start3A_671, %add3A_658] : memref<2x3200000xi32, #tpu.memory_space<hbm>> -> memref<1x800xi32, #tpu.memory_space<hbm>>
        %dma_start3A_677 = tpu.memref_squeeze %dma_start3A_676 : memref<1x800xi32, #tpu.memory_space<hbm>> -> memref<800xi32, #tpu.memory_space<hbm>>
        %dma_start3A_678 = arith.constant 0 : i32
        %dma_start3A_679 = tpu.memref_slice %arg9[%dma_start3A_672, %dma_start3A_678] : memref<3x800xi32, #tpu.memory_space<vmem>> -> memref<1x800xi32, #tpu.memory_space<vmem>>
        %dma_start3A_680 = tpu.memref_squeeze %dma_start3A_679 : memref<1x800xi32, #tpu.memory_space<vmem>> -> memref<800xi32, #tpu.memory_space<vmem>>
        %dma_start3A_681 = tpu.memref_slice %arg4[%dma_start3A_671, %add3A_658] : memref<2x3200000xi32, #tpu.memory_space<hbm>> -> memref<1x800xi32, #tpu.memory_space<hbm>>
        %dma_start3A_682 = tpu.memref_squeeze %dma_start3A_681 : memref<1x800xi32, #tpu.memory_space<hbm>> -> memref<800xi32, #tpu.memory_space<hbm>>
        tpu.enqueue_dma source(%dma_start3A_682 : memref<800xi32, #tpu.memory_space<hbm>>) target(%dma_start3A_680 : memref<800xi32, #tpu.memory_space<vmem>>) target_semaphore(%arg15 : memref<!tpu.dma_semaphore, #tpu.memory_space<semaphore_mem>>)
      } else {
      }
      %ge3A = arith.constant 3 : i32
      %ge3A_498 = arith.cmpi sge, %add3A_473, %ge3A : i32
      %convert_element_type3A_499 = arith.extui %ge3A_498 : i1 to i32
      %cond3A_500 = arith.constant 0 : i32
      %cond3A_501 = arith.cmpi ne, %convert_element_type3A_499, %cond3A_500 : i32
      scf.if %cond3A_501 {
        %dma_wait3A_654 = arith.constant 0 : i32
        %dma_wait3A_655 = arith.constant 0 : i32
        %dma_wait3A_656 = tpu.memref_slice %arg12[%dma_wait3A_654, %dma_wait3A_655] : memref<3x800xf32, #tpu.memory_space<vmem>> -> memref<1x800xf32, #tpu.memory_space<vmem>>
        %dma_wait3A_657 = tpu.memref_squeeze %dma_wait3A_656 : memref<1x800xf32, #tpu.memory_space<vmem>> -> memref<800xf32, #tpu.memory_space<vmem>>
        %dma_wait3A_658 = arith.constant 0 : i32
        %dma_wait3A_659 = tpu.memref_slice %arg7[%dma_wait3A_658] : memref<3200000xf32, #tpu.memory_space<hbm>> -> memref<800xf32, #tpu.memory_space<hbm>>
        %dma_wait3A_660 = arith.constant 0 : i32
        %dma_wait3A_661 = tpu.memref_slice %arg7[%dma_wait3A_660] : memref<3200000xf32, #tpu.memory_space<hbm>> -> memref<800xf32, #tpu.memory_space<hbm>>
        %dma_wait3A_662 = arith.constant 0 : i32
        %dma_wait3A_663 = tpu.memref_slice %arg12[%dma_wait3A_654, %dma_wait3A_662] : memref<3x800xf32, #tpu.memory_space<vmem>> -> memref<1x800xf32, #tpu.memory_space<vmem>>
        %dma_wait3A_664 = tpu.memref_squeeze %dma_wait3A_663 : memref<1x800xf32, #tpu.memory_space<vmem>> -> memref<800xf32, #tpu.memory_space<vmem>>
        tpu.wait_dma2 semaphore(%arg21 : memref<!tpu.dma_semaphore, #tpu.memory_space<semaphore_mem>>) src(%dma_wait3A_664 : memref<800xf32, #tpu.memory_space<vmem>>) dst(%dma_wait3A_661 : memref<800xf32, #tpu.memory_space<hbm>>)
      } else {
      }
      %add3A_502 = arith.constant 3 : i32
      %add3A_503 = arith.addi %add3A_473, %add3A_502 : i32
      %sub3A = arith.constant 1 : i32
      %sub3A_504 = arith.subi %add3A_503, %sub3A : i32
      %lt3A_505 = arith.constant 125 : i32
      %lt3A_506 = arith.cmpi slt, %sub3A_504, %lt3A_505 : i32
      %convert_element_type3A_507 = arith.extui %lt3A_506 : i1 to i32
      %cond3A_508 = arith.constant 0 : i32
      %cond3A_509 = arith.cmpi ne, %convert_element_type3A_507, %cond3A_508 : i32
      scf.if %cond3A_509 {
        %dma_wait3A_654 = arith.constant 0 : i32
        %dma_wait3A_655 = arith.constant 2 : i32
        %dma_wait3A_656 = arith.constant 0 : i32
        %dma_wait3A_657 = tpu.memref_slice %arg8[%dma_wait3A_655, %dma_wait3A_656] : memref<3x800xi32, #tpu.memory_space<vmem>> -> memref<1x800xi32, #tpu.memory_space<vmem>>
        %dma_wait3A_658 = tpu.memref_squeeze %dma_wait3A_657 : memref<1x800xi32, #tpu.memory_space<vmem>> -> memref<800xi32, #tpu.memory_space<vmem>>
        %dma_wait3A_659 = arith.constant 0 : i32
        %dma_wait3A_660 = tpu.memref_slice %arg4[%dma_wait3A_654, %dma_wait3A_659] : memref<2x3200000xi32, #tpu.memory_space<hbm>> -> memref<1x800xi32, #tpu.memory_space<hbm>>
        %dma_wait3A_661 = tpu.memref_squeeze %dma_wait3A_660 : memref<1x800xi32, #tpu.memory_space<hbm>> -> memref<800xi32, #tpu.memory_space<hbm>>
        %dma_wait3A_662 = arith.constant 0 : i32
        %dma_wait3A_663 = tpu.memref_slice %arg8[%dma_wait3A_655, %dma_wait3A_662] : memref<3x800xi32, #tpu.memory_space<vmem>> -> memref<1x800xi32, #tpu.memory_space<vmem>>
        %dma_wait3A_664 = tpu.memref_squeeze %dma_wait3A_663 : memref<1x800xi32, #tpu.memory_space<vmem>> -> memref<800xi32, #tpu.memory_space<vmem>>
        %dma_wait3A_665 = arith.constant 0 : i32
        %dma_wait3A_666 = tpu.memref_slice %arg4[%dma_wait3A_654, %dma_wait3A_665] : memref<2x3200000xi32, #tpu.memory_space<hbm>> -> memref<1x800xi32, #tpu.memory_space<hbm>>
        %dma_wait3A_667 = tpu.memref_squeeze %dma_wait3A_666 : memref<1x800xi32, #tpu.memory_space<hbm>> -> memref<800xi32, #tpu.memory_space<hbm>>
        tpu.wait_dma2 semaphore(%arg17 : memref<!tpu.dma_semaphore, #tpu.memory_space<semaphore_mem>>) src(%dma_wait3A_667 : memref<800xi32, #tpu.memory_space<hbm>>) dst(%dma_wait3A_664 : memref<800xi32, #tpu.memory_space<vmem>>)
        %dma_wait3A_668 = arith.constant 1 : i32
        %dma_wait3A_669 = arith.constant 2 : i32
        %dma_wait3A_670 = arith.constant 0 : i32
        %dma_wait3A_671 = tpu.memref_slice %arg9[%dma_wait3A_669, %dma_wait3A_670] : memref<3x800xi32, #tpu.memory_space<vmem>> -> memref<1x800xi32, #tpu.memory_space<vmem>>
        %dma_wait3A_672 = tpu.memref_squeeze %dma_wait3A_671 : memref<1x800xi32, #tpu.memory_space<vmem>> -> memref<800xi32, #tpu.memory_space<vmem>>
        %dma_wait3A_673 = arith.constant 0 : i32
        %dma_wait3A_674 = tpu.memref_slice %arg4[%dma_wait3A_668, %dma_wait3A_673] : memref<2x3200000xi32, #tpu.memory_space<hbm>> -> memref<1x800xi32, #tpu.memory_space<hbm>>
        %dma_wait3A_675 = tpu.memref_squeeze %dma_wait3A_674 : memref<1x800xi32, #tpu.memory_space<hbm>> -> memref<800xi32, #tpu.memory_space<hbm>>
        %dma_wait3A_676 = arith.constant 0 : i32
        %dma_wait3A_677 = tpu.memref_slice %arg9[%dma_wait3A_669, %dma_wait3A_676] : memref<3x800xi32, #tpu.memory_space<vmem>> -> memref<1x800xi32, #tpu.memory_space<vmem>>
        %dma_wait3A_678 = tpu.memref_squeeze %dma_wait3A_677 : memref<1x800xi32, #tpu.memory_space<vmem>> -> memref<800xi32, #tpu.memory_space<vmem>>
        %dma_wait3A_679 = arith.constant 0 : i32
        %dma_wait3A_680 = tpu.memref_slice %arg4[%dma_wait3A_668, %dma_wait3A_679] : memref<2x3200000xi32, #tpu.memory_space<hbm>> -> memref<1x800xi32, #tpu.memory_space<hbm>>
        %dma_wait3A_681 = tpu.memref_squeeze %dma_wait3A_680 : memref<1x800xi32, #tpu.memory_space<hbm>> -> memref<800xi32, #tpu.memory_space<hbm>>
        tpu.wait_dma2 semaphore(%arg17 : memref<!tpu.dma_semaphore, #tpu.memory_space<semaphore_mem>>) src(%dma_wait3A_681 : memref<800xi32, #tpu.memory_space<hbm>>) dst(%dma_wait3A_678 : memref<800xi32, #tpu.memory_space<vmem>>)
        %dma_start3A_682 = arith.constant 2 : i32
        %dma_start3A_683 = arith.constant 1600 : i32
        %dma_start3A_684 = arith.constant 0 : i32
        %dma_start3A_685 = tpu.memref_slice %arg10[%dma_start3A_683, %dma_start3A_684] : memref<2400x16xf32, #tpu.memory_space<vmem>> -> memref<800x16xf32, #tpu.memory_space<vmem>>
        %dma_start3A_686 = arith.constant 0 : i32
        %dma_start3A_687 = tpu.memref_slice %arg8[%dma_start3A_682, %dma_start3A_686] : memref<3x800xi32, #tpu.memory_space<vmem>> -> memref<1x800xi32, #tpu.memory_space<vmem>>
        %dma_start3A_688 = tpu.memref_squeeze %dma_start3A_687 : memref<1x800xi32, #tpu.memory_space<vmem>> -> memref<800xi32, #tpu.memory_space<vmem>>
        %dma_start3A_689 = arith.constant 0 : i32
        %dma_start3A_690 = arith.constant 0 : i32
        %dma_start3A_691 = tpu.memref_slice %arg2[%dma_start3A_689, %dma_start3A_690] : memref<100000x16xf32, #tpu.memory_space<hbm>> -> memref<100000x16xf32, #tpu.memory_space<hbm>>
        tpu.enqueue_indirect_dma source(%dma_start3A_691 : memref<100000x16xf32, #tpu.memory_space<hbm>>) target(%dma_start3A_685 : memref<800x16xf32, #tpu.memory_space<vmem>>) offsets(%dma_start3A_688 : memref<800xi32, #tpu.memory_space<vmem>>) semaphore(%arg20 : memref<!tpu.dma_semaphore, #tpu.memory_space<semaphore_mem>>)
        %dma_start3A_692 = arith.constant 2 : i32
        %dma_start3A_693 = arith.constant 1600 : i32
        %dma_start3A_694 = arith.constant 0 : i32
        %dma_start3A_695 = tpu.memref_slice %arg11[%dma_start3A_693, %dma_start3A_694] : memref<2400x16xf32, #tpu.memory_space<vmem>> -> memref<800x16xf32, #tpu.memory_space<vmem>>
        %dma_start3A_696 = arith.constant 0 : i32
        %dma_start3A_697 = tpu.memref_slice %arg9[%dma_start3A_692, %dma_start3A_696] : memref<3x800xi32, #tpu.memory_space<vmem>> -> memref<1x800xi32, #tpu.memory_space<vmem>>
        %dma_start3A_698 = tpu.memref_squeeze %dma_start3A_697 : memref<1x800xi32, #tpu.memory_space<vmem>> -> memref<800xi32, #tpu.memory_space<vmem>>
        %dma_start3A_699 = arith.constant 0 : i32
        %dma_start3A_700 = arith.constant 0 : i32
        %dma_start3A_701 = tpu.memref_slice %arg3[%dma_start3A_699, %dma_start3A_700] : memref<100000x16xf32, #tpu.memory_space<hbm>> -> memref<100000x16xf32, #tpu.memory_space<hbm>>
        tpu.enqueue_indirect_dma source(%dma_start3A_701 : memref<100000x16xf32, #tpu.memory_space<hbm>>) target(%dma_start3A_695 : memref<800x16xf32, #tpu.memory_space<vmem>>) offsets(%dma_start3A_698 : memref<800xi32, #tpu.memory_space<vmem>>) semaphore(%arg20 : memref<!tpu.dma_semaphore, #tpu.memory_space<semaphore_mem>>)
      } else {
      }
      %scan3A_510 = arith.constant 0 : i32
      %scan3A_511 = arith.constant 0 : i32
      %scan3A_512 = arith.constant 50 : i32
      %scan3A_513 = arith.addi %scan3A_511, %scan3A_512 : i32
      %scan3A_514 = arith.constant 1 : i32
      scf.for %scan3A_654 = %scan3A_511 to %scan3A_513 step %scan3A_514  : i32 {
        %mul3A_655 = arith.constant 16 : i32
        %mul3A_656 = arith.muli %scan3A_654, %mul3A_655 : i32
        %add3A_657 = arith.constant 0 : i32
        %add3A_658 = arith.addi %add3A_657, %mul3A_656 : i32
        %add3A_659 = vector.broadcast %add3A_658 : i32 to vector<16xi32>
        %add3A_660 = arith.addi %add3A_659, %iota3A : vector<16xi32>
        %gather3A = tpu.vector_load_idx %arg10[%add3A_660, %and3A_72] : memref<2400x16xf32, #tpu.memory_space<vmem>>[vector<16xi32>, vector<16xi32>], vector<16xf32>,
        %gather3A_661 = tpu.vector_load_idx %arg11[%add3A_660, %and3A_72] : memref<2400x16xf32, #tpu.memory_space<vmem>>[vector<16xi32>, vector<16xi32>], vector<16xf32>,
        %add3A_662 = arith.addf %gather3A, %gather3A_661 : vector<16xf32>
        %max3A = arith.constant 0.000000e+00 : f32
        %max3A_663 = vector.broadcast %max3A : f32 to vector<16xf32>
        %max3A_664 = arith.maximumf %add3A_662, %max3A_663 : vector<16xf32>
        %mul3A_665 = arith.mulf %max3A_664, %get3A_5 : vector<16xf32>
        %add3A_666 = arith.addf %get3A_67, %mul3A_665 : vector<16xf32>
        %gather3A_667 = tpu.vector_load_idx %arg10[%add3A_660, %and3A_78] : memref<2400x16xf32, #tpu.memory_space<vmem>>[vector<16xi32>, vector<16xi32>], vector<16xf32>,
        %gather3A_668 = tpu.vector_load_idx %arg11[%add3A_660, %and3A_78] : memref<2400x16xf32, #tpu.memory_space<vmem>>[vector<16xi32>, vector<16xi32>], vector<16xf32>,
        %add3A_669 = arith.addf %gather3A_667, %gather3A_668 : vector<16xf32>
        %max3A_670 = arith.constant 0.000000e+00 : f32
        %max3A_671 = vector.broadcast %max3A_670 : f32 to vector<16xf32>
        %max3A_672 = arith.maximumf %add3A_669, %max3A_671 : vector<16xf32>
        %mul3A_673 = arith.mulf %max3A_672, %get3A_9 : vector<16xf32>
        %add3A_674 = arith.addf %add3A_666, %mul3A_673 : vector<16xf32>
        %gather3A_675 = tpu.vector_load_idx %arg10[%add3A_660, %and3A_84] : memref<2400x16xf32, #tpu.memory_space<vmem>>[vector<16xi32>, vector<16xi32>], vector<16xf32>,
        %gather3A_676 = tpu.vector_load_idx %arg11[%add3A_660, %and3A_84] : memref<2400x16xf32, #tpu.memory_space<vmem>>[vector<16xi32>, vector<16xi32>], vector<16xf32>,
        %add3A_677 = arith.addf %gather3A_675, %gather3A_676 : vector<16xf32>
        %max3A_678 = arith.constant 0.000000e+00 : f32
        %max3A_679 = vector.broadcast %max3A_678 : f32 to vector<16xf32>
        %max3A_680 = arith.maximumf %add3A_677, %max3A_679 : vector<16xf32>
        %mul3A_681 = arith.mulf %max3A_680, %get3A_13 : vector<16xf32>
        %add3A_682 = arith.addf %add3A_674, %mul3A_681 : vector<16xf32>
        %gather3A_683 = tpu.vector_load_idx %arg10[%add3A_660, %and3A_90] : memref<2400x16xf32, #tpu.memory_space<vmem>>[vector<16xi32>, vector<16xi32>], vector<16xf32>,
        %gather3A_684 = tpu.vector_load_idx %arg11[%add3A_660, %and3A_90] : memref<2400x16xf32, #tpu.memory_space<vmem>>[vector<16xi32>, vector<16xi32>], vector<16xf32>,
        %add3A_685 = arith.addf %gather3A_683, %gather3A_684 : vector<16xf32>
        %max3A_686 = arith.constant 0.000000e+00 : f32
        %max3A_687 = vector.broadcast %max3A_686 : f32 to vector<16xf32>
        %max3A_688 = arith.maximumf %add3A_685, %max3A_687 : vector<16xf32>
        %mul3A_689 = arith.mulf %max3A_688, %get3A_17 : vector<16xf32>
        %add3A_690 = arith.addf %add3A_682, %mul3A_689 : vector<16xf32>
        %gather3A_691 = tpu.vector_load_idx %arg10[%add3A_660, %and3A_96] : memref<2400x16xf32, #tpu.memory_space<vmem>>[vector<16xi32>, vector<16xi32>], vector<16xf32>,
        %gather3A_692 = tpu.vector_load_idx %arg11[%add3A_660, %and3A_96] : memref<2400x16xf32, #tpu.memory_space<vmem>>[vector<16xi32>, vector<16xi32>], vector<16xf32>,
        %add3A_693 = arith.addf %gather3A_691, %gather3A_692 : vector<16xf32>
        %max3A_694 = arith.constant 0.000000e+00 : f32
        %max3A_695 = vector.broadcast %max3A_694 : f32 to vector<16xf32>
        %max3A_696 = arith.maximumf %add3A_693, %max3A_695 : vector<16xf32>
        %mul3A_697 = arith.mulf %max3A_696, %get3A_21 : vector<16xf32>
        %add3A_698 = arith.addf %add3A_690, %mul3A_697 : vector<16xf32>
        %gather3A_699 = tpu.vector_load_idx %arg10[%add3A_660, %and3A_102] : memref<2400x16xf32, #tpu.memory_space<vmem>>[vector<16xi32>, vector<16xi32>], vector<16xf32>,
        %gather3A_700 = tpu.vector_load_idx %arg11[%add3A_660, %and3A_102] : memref<2400x16xf32, #tpu.memory_space<vmem>>[vector<16xi32>, vector<16xi32>], vector<16xf32>,
        %add3A_701 = arith.addf %gather3A_699, %gather3A_700 : vector<16xf32>
        %max3A_702 = arith.constant 0.000000e+00 : f32
        %max3A_703 = vector.broadcast %max3A_702 : f32 to vector<16xf32>
        %max3A_704 = arith.maximumf %add3A_701, %max3A_703 : vector<16xf32>
        %mul3A_705 = arith.mulf %max3A_704, %get3A_25 : vector<16xf32>
        %add3A_706 = arith.addf %add3A_698, %mul3A_705 : vector<16xf32>
        %gather3A_707 = tpu.vector_load_idx %arg10[%add3A_660, %and3A_108] : memref<2400x16xf32, #tpu.memory_space<vmem>>[vector<16xi32>, vector<16xi32>], vector<16xf32>,
        %gather3A_708 = tpu.vector_load_idx %arg11[%add3A_660, %and3A_108] : memref<2400x16xf32, #tpu.memory_space<vmem>>[vector<16xi32>, vector<16xi32>], vector<16xf32>,
        %add3A_709 = arith.addf %gather3A_707, %gather3A_708 : vector<16xf32>
        %max3A_710 = arith.constant 0.000000e+00 : f32
        %max3A_711 = vector.broadcast %max3A_710 : f32 to vector<16xf32>
        %max3A_712 = arith.maximumf %add3A_709, %max3A_711 : vector<16xf32>
        %mul3A_713 = arith.mulf %max3A_712, %get3A_29 : vector<16xf32>
        %add3A_714 = arith.addf %add3A_706, %mul3A_713 : vector<16xf32>
        %gather3A_715 = tpu.vector_load_idx %arg10[%add3A_660, %and3A_114] : memref<2400x16xf32, #tpu.memory_space<vmem>>[vector<16xi32>, vector<16xi32>], vector<16xf32>,
        %gather3A_716 = tpu.vector_load_idx %arg11[%add3A_660, %and3A_114] : memref<2400x16xf32, #tpu.memory_space<vmem>>[vector<16xi32>, vector<16xi32>], vector<16xf32>,
        %add3A_717 = arith.addf %gather3A_715, %gather3A_716 : vector<16xf32>
        %max3A_718 = arith.constant 0.000000e+00 : f32
        %max3A_719 = vector.broadcast %max3A_718 : f32 to vector<16xf32>
        %max3A_720 = arith.maximumf %add3A_717, %max3A_719 : vector<16xf32>
        %mul3A_721 = arith.mulf %max3A_720, %get3A_33 : vector<16xf32>
        %add3A_722 = arith.addf %add3A_714, %mul3A_721 : vector<16xf32>
        %gather3A_723 = tpu.vector_load_idx %arg10[%add3A_660, %and3A_120] : memref<2400x16xf32, #tpu.memory_space<vmem>>[vector<16xi32>, vector<16xi32>], vector<16xf32>,
        %gather3A_724 = tpu.vector_load_idx %arg11[%add3A_660, %and3A_120] : memref<2400x16xf32, #tpu.memory_space<vmem>>[vector<16xi32>, vector<16xi32>], vector<16xf32>,
        %add3A_725 = arith.addf %gather3A_723, %gather3A_724 : vector<16xf32>
        %max3A_726 = arith.constant 0.000000e+00 : f32
        %max3A_727 = vector.broadcast %max3A_726 : f32 to vector<16xf32>
        %max3A_728 = arith.maximumf %add3A_725, %max3A_727 : vector<16xf32>
        %mul3A_729 = arith.mulf %max3A_728, %get3A_37 : vector<16xf32>
        %add3A_730 = arith.addf %add3A_722, %mul3A_729 : vector<16xf32>
        %gather3A_731 = tpu.vector_load_idx %arg10[%add3A_660, %and3A_126] : memref<2400x16xf32, #tpu.memory_space<vmem>>[vector<16xi32>, vector<16xi32>], vector<16xf32>,
        %gather3A_732 = tpu.vector_load_idx %arg11[%add3A_660, %and3A_126] : memref<2400x16xf32, #tpu.memory_space<vmem>>[vector<16xi32>, vector<16xi32>], vector<16xf32>,
        %add3A_733 = arith.addf %gather3A_731, %gather3A_732 : vector<16xf32>
        %max3A_734 = arith.constant 0.000000e+00 : f32
        %max3A_735 = vector.broadcast %max3A_734 : f32 to vector<16xf32>
        %max3A_736 = arith.maximumf %add3A_733, %max3A_735 : vector<16xf32>
        %mul3A_737 = arith.mulf %max3A_736, %get3A_41 : vector<16xf32>
        %add3A_738 = arith.addf %add3A_730, %mul3A_737 : vector<16xf32>
        %gather3A_739 = tpu.vector_load_idx %arg10[%add3A_660, %and3A_132] : memref<2400x16xf32, #tpu.memory_space<vmem>>[vector<16xi32>, vector<16xi32>], vector<16xf32>,
        %gather3A_740 = tpu.vector_load_idx %arg11[%add3A_660, %and3A_132] : memref<2400x16xf32, #tpu.memory_space<vmem>>[vector<16xi32>, vector<16xi32>], vector<16xf32>,
        %add3A_741 = arith.addf %gather3A_739, %gather3A_740 : vector<16xf32>
        %max3A_742 = arith.constant 0.000000e+00 : f32
        %max3A_743 = vector.broadcast %max3A_742 : f32 to vector<16xf32>
        %max3A_744 = arith.maximumf %add3A_741, %max3A_743 : vector<16xf32>
        %mul3A_745 = arith.mulf %max3A_744, %get3A_45 : vector<16xf32>
        %add3A_746 = arith.addf %add3A_738, %mul3A_745 : vector<16xf32>
        %gather3A_747 = tpu.vector_load_idx %arg10[%add3A_660, %and3A_138] : memref<2400x16xf32, #tpu.memory_space<vmem>>[vector<16xi32>, vector<16xi32>], vector<16xf32>,
        %gather3A_748 = tpu.vector_load_idx %arg11[%add3A_660, %and3A_138] : memref<2400x16xf32, #tpu.memory_space<vmem>>[vector<16xi32>, vector<16xi32>], vector<16xf32>,
        %add3A_749 = arith.addf %gather3A_747, %gather3A_748 : vector<16xf32>
        %max3A_750 = arith.constant 0.000000e+00 : f32
        %max3A_751 = vector.broadcast %max3A_750 : f32 to vector<16xf32>
        %max3A_752 = arith.maximumf %add3A_749, %max3A_751 : vector<16xf32>
        %mul3A_753 = arith.mulf %max3A_752, %get3A_49 : vector<16xf32>
        %add3A_754 = arith.addf %add3A_746, %mul3A_753 : vector<16xf32>
        %gather3A_755 = tpu.vector_load_idx %arg10[%add3A_660, %and3A_144] : memref<2400x16xf32, #tpu.memory_space<vmem>>[vector<16xi32>, vector<16xi32>], vector<16xf32>,
        %gather3A_756 = tpu.vector_load_idx %arg11[%add3A_660, %and3A_144] : memref<2400x16xf32, #tpu.memory_space<vmem>>[vector<16xi32>, vector<16xi32>], vector<16xf32>,
        %add3A_757 = arith.addf %gather3A_755, %gather3A_756 : vector<16xf32>
        %max3A_758 = arith.constant 0.000000e+00 : f32
        %max3A_759 = vector.broadcast %max3A_758 : f32 to vector<16xf32>
        %max3A_760 = arith.maximumf %add3A_757, %max3A_759 : vector<16xf32>
        %mul3A_761 = arith.mulf %max3A_760, %get3A_53 : vector<16xf32>
        %add3A_762 = arith.addf %add3A_754, %mul3A_761 : vector<16xf32>
        %gather3A_763 = tpu.vector_load_idx %arg10[%add3A_660, %and3A_150] : memref<2400x16xf32, #tpu.memory_space<vmem>>[vector<16xi32>, vector<16xi32>], vector<16xf32>,
        %gather3A_764 = tpu.vector_load_idx %arg11[%add3A_660, %and3A_150] : memref<2400x16xf32, #tpu.memory_space<vmem>>[vector<16xi32>, vector<16xi32>], vector<16xf32>,
        %add3A_765 = arith.addf %gather3A_763, %gather3A_764 : vector<16xf32>
        %max3A_766 = arith.constant 0.000000e+00 : f32
        %max3A_767 = vector.broadcast %max3A_766 : f32 to vector<16xf32>
        %max3A_768 = arith.maximumf %add3A_765, %max3A_767 : vector<16xf32>
        %mul3A_769 = arith.mulf %max3A_768, %get3A_57 : vector<16xf32>
        %add3A_770 = arith.addf %add3A_762, %mul3A_769 : vector<16xf32>
        %gather3A_771 = tpu.vector_load_idx %arg10[%add3A_660, %and3A_156] : memref<2400x16xf32, #tpu.memory_space<vmem>>[vector<16xi32>, vector<16xi32>], vector<16xf32>,
        %gather3A_772 = tpu.vector_load_idx %arg11[%add3A_660, %and3A_156] : memref<2400x16xf32, #tpu.memory_space<vmem>>[vector<16xi32>, vector<16xi32>], vector<16xf32>,
        %add3A_773 = arith.addf %gather3A_771, %gather3A_772 : vector<16xf32>
        %max3A_774 = arith.constant 0.000000e+00 : f32
        %max3A_775 = vector.broadcast %max3A_774 : f32 to vector<16xf32>
        %max3A_776 = arith.maximumf %add3A_773, %max3A_775 : vector<16xf32>
        %mul3A_777 = arith.mulf %max3A_776, %get3A_61 : vector<16xf32>
        %add3A_778 = arith.addf %add3A_770, %mul3A_777 : vector<16xf32>
        %gather3A_779 = tpu.vector_load_idx %arg10[%add3A_660, %and3A_162] : memref<2400x16xf32, #tpu.memory_space<vmem>>[vector<16xi32>, vector<16xi32>], vector<16xf32>,
        %gather3A_780 = tpu.vector_load_idx %arg11[%add3A_660, %and3A_162] : memref<2400x16xf32, #tpu.memory_space<vmem>>[vector<16xi32>, vector<16xi32>], vector<16xf32>,
        %add3A_781 = arith.addf %gather3A_779, %gather3A_780 : vector<16xf32>
        %max3A_782 = arith.constant 0.000000e+00 : f32
        %max3A_783 = vector.broadcast %max3A_782 : f32 to vector<16xf32>
        %max3A_784 = arith.maximumf %add3A_781, %max3A_783 : vector<16xf32>
        %mul3A_785 = arith.mulf %max3A_784, %get3A_65 : vector<16xf32>
        %add3A_786 = arith.addf %add3A_778, %mul3A_785 : vector<16xf32>
        %neg3A = arith.constant 0.000000e+00 : f32
        %neg3A_787 = vector.broadcast %neg3A : f32 to vector<16xf32>
        %neg3A_788 = arith.subf %neg3A_787, %add3A_786 : vector<16xf32>
        %exp3A = math.exp %neg3A_788 : vector<16xf32>
        %add3A_789 = arith.constant 1.000000e+00 : f32
        %add3A_790 = vector.broadcast %add3A_789 : f32 to vector<16xf32>
        %add3A_791 = arith.addf %add3A_790, %exp3A : vector<16xf32>
        %div3A = arith.constant 1.000000e+00 : f32
        %div3A_792 = vector.broadcast %div3A : f32 to vector<16xf32>
        %div3A_793 = arith.divf %div3A_792, %add3A_791 : vector<16xf32>
        %mul3A_794 = arith.constant 16 : i32
        %mul3A_795 = arith.muli %scan3A_654, %mul3A_794 : i32
        %swap3A = arith.constant 0 : i32
        %swap3A_796 = arith.index_cast %swap3A : i32 to index
        %swap3A_797 = arith.index_cast %mul3A_795 : i32 to index
        %swap3A_798 = tpu.vector_load %arg12[%swap3A_796, %swap3A_797] {strides = array<i32>} : memref<3x800xf32, #tpu.memory_space<vmem>>, vector<16xf32>,
        tpu.vector_store %arg12[%swap3A_796, %swap3A_797], %div3A_793 {strides = array<i32>} : memref<3x800xf32, #tpu.memory_space<vmem>>, vector<16xf32>,
      }
      %scan3A_515 = arith.constant 50 : i32
      %mul3A_516 = arith.constant 800 : i32
      %mul3A_517 = arith.muli %add3A_473, %mul3A_516 : i32
      %add3A_518 = arith.addi %mul3A_2, %mul3A_517 : i32
      %dma_start3A_519 = arith.constant 0 : i32
      %dma_start3A_520 = arith.constant 0 : i32
      %dma_start3A_521 = tpu.memref_slice %arg12[%dma_start3A_519, %dma_start3A_520] : memref<3x800xf32, #tpu.memory_space<vmem>> -> memref<1x800xf32, #tpu.memory_space<vmem>>
      %dma_start3A_522 = tpu.memref_squeeze %dma_start3A_521 : memref<1x800xf32, #tpu.memory_space<vmem>> -> memref<800xf32, #tpu.memory_space<vmem>>
      %dma_start3A_523 = tpu.memref_slice %arg7[%add3A_518] : memref<3200000xf32, #tpu.memory_space<hbm>> -> memref<800xf32, #tpu.memory_space<hbm>>
      %dma_start3A_524 = tpu.memref_slice %arg7[%add3A_518] : memref<3200000xf32, #tpu.memory_space<hbm>> -> memref<800xf32, #tpu.memory_space<hbm>>
      %dma_start3A_525 = arith.constant 0 : i32
      %dma_start3A_526 = tpu.memref_slice %arg12[%dma_start3A_519, %dma_start3A_525] : memref<3x800xf32, #tpu.memory_space<vmem>> -> memref<1x800xf32, #tpu.memory_space<vmem>>
      %dma_start3A_527 = tpu.memref_squeeze %dma_start3A_526 : memref<1x800xf32, #tpu.memory_space<vmem>> -> memref<800xf32, #tpu.memory_space<vmem>>
      tpu.enqueue_dma source(%dma_start3A_527 : memref<800xf32, #tpu.memory_space<vmem>>) target(%dma_start3A_524 : memref<800xf32, #tpu.memory_space<hbm>>) target_semaphore(%arg21 : memref<!tpu.dma_semaphore, #tpu.memory_space<semaphore_mem>>)
      %mul3A_528 = arith.constant 3 : i32
      %mul3A_529 = arith.muli %mul3A_528, %scan3A_469 : i32
      %add3A_530 = arith.constant 1 : i32
      %add3A_531 = arith.addi %mul3A_529, %add3A_530 : i32
      %dma_wait3A_532 = arith.constant 1 : i32
      %dma_wait3A_533 = arith.constant 800 : i32
      %dma_wait3A_534 = arith.constant 0 : i32
      %dma_wait3A_535 = tpu.memref_slice %arg10[%dma_wait3A_533, %dma_wait3A_534] : memref<2400x16xf32, #tpu.memory_space<vmem>> -> memref<800x16xf32, #tpu.memory_space<vmem>>
      %dma_wait3A_536 = arith.constant 0 : i32
      %dma_wait3A_537 = tpu.memref_slice %arg8[%dma_wait3A_532, %dma_wait3A_536] : memref<3x800xi32, #tpu.memory_space<vmem>> -> memref<1x800xi32, #tpu.memory_space<vmem>>
      %dma_wait3A_538 = tpu.memref_squeeze %dma_wait3A_537 : memref<1x800xi32, #tpu.memory_space<vmem>> -> memref<800xi32, #tpu.memory_space<vmem>>
      %dma_wait3A_539 = arith.constant 0 : i32
      %dma_wait3A_540 = arith.constant 0 : i32
      %dma_wait3A_541 = tpu.memref_slice %arg2[%dma_wait3A_539, %dma_wait3A_540] : memref<100000x16xf32, #tpu.memory_space<hbm>> -> memref<100000x16xf32, #tpu.memory_space<hbm>>
      tpu.wait_indirect_dma semaphore(%arg19 : memref<!tpu.dma_semaphore, #tpu.memory_space<semaphore_mem>>) src(%dma_wait3A_541 : memref<100000x16xf32, #tpu.memory_space<hbm>>) dst(%dma_wait3A_535 : memref<800x16xf32, #tpu.memory_space<vmem>>)
      %dma_wait3A_542 = arith.constant 1 : i32
      %dma_wait3A_543 = arith.constant 800 : i32
      %dma_wait3A_544 = arith.constant 0 : i32
      %dma_wait3A_545 = tpu.memref_slice %arg11[%dma_wait3A_543, %dma_wait3A_544] : memref<2400x16xf32, #tpu.memory_space<vmem>> -> memref<800x16xf32, #tpu.memory_space<vmem>>
      %dma_wait3A_546 = arith.constant 0 : i32
      %dma_wait3A_547 = tpu.memref_slice %arg9[%dma_wait3A_542, %dma_wait3A_546] : memref<3x800xi32, #tpu.memory_space<vmem>> -> memref<1x800xi32, #tpu.memory_space<vmem>>
      %dma_wait3A_548 = tpu.memref_squeeze %dma_wait3A_547 : memref<1x800xi32, #tpu.memory_space<vmem>> -> memref<800xi32, #tpu.memory_space<vmem>>
      %dma_wait3A_549 = arith.constant 0 : i32
      %dma_wait3A_550 = arith.constant 0 : i32
      %dma_wait3A_551 = tpu.memref_slice %arg3[%dma_wait3A_549, %dma_wait3A_550] : memref<100000x16xf32, #tpu.memory_space<hbm>> -> memref<100000x16xf32, #tpu.memory_space<hbm>>
      tpu.wait_indirect_dma semaphore(%arg19 : memref<!tpu.dma_semaphore, #tpu.memory_space<semaphore_mem>>) src(%dma_wait3A_551 : memref<100000x16xf32, #tpu.memory_space<hbm>>) dst(%dma_wait3A_545 : memref<800x16xf32, #tpu.memory_space<vmem>>)
      %add3A_552 = arith.constant 3 : i32
      %add3A_553 = arith.addi %add3A_531, %add3A_552 : i32
      %lt3A_554 = arith.constant 125 : i32
      %lt3A_555 = arith.cmpi slt, %add3A_553, %lt3A_554 : i32
      %convert_element_type3A_556 = arith.extui %lt3A_555 : i1 to i32
      %cond3A_557 = arith.constant 0 : i32
      %cond3A_558 = arith.cmpi ne, %convert_element_type3A_556, %cond3A_557 : i32
      scf.if %cond3A_558 {
        %add3A_654 = arith.constant 3 : i32
        %add3A_655 = arith.addi %add3A_531, %add3A_654 : i32
        %mul3A_656 = arith.constant 800 : i32
        %mul3A_657 = arith.muli %add3A_655, %mul3A_656 : i32
        %add3A_658 = arith.addi %mul3A_2, %mul3A_657 : i32
        %dma_start3A_659 = arith.constant 0 : i32
        %dma_start3A_660 = arith.constant 1 : i32
        %dma_start3A_661 = arith.constant 0 : i32
        %dma_start3A_662 = tpu.memref_slice %arg8[%dma_start3A_660, %dma_start3A_661] : memref<3x800xi32, #tpu.memory_space<vmem>> -> memref<1x800xi32, #tpu.memory_space<vmem>>
        %dma_start3A_663 = tpu.memref_squeeze %dma_start3A_662 : memref<1x800xi32, #tpu.memory_space<vmem>> -> memref<800xi32, #tpu.memory_space<vmem>>
        %dma_start3A_664 = tpu.memref_slice %arg4[%dma_start3A_659, %add3A_658] : memref<2x3200000xi32, #tpu.memory_space<hbm>> -> memref<1x800xi32, #tpu.memory_space<hbm>>
        %dma_start3A_665 = tpu.memref_squeeze %dma_start3A_664 : memref<1x800xi32, #tpu.memory_space<hbm>> -> memref<800xi32, #tpu.memory_space<hbm>>
        %dma_start3A_666 = arith.constant 0 : i32
        %dma_start3A_667 = tpu.memref_slice %arg8[%dma_start3A_660, %dma_start3A_666] : memref<3x800xi32, #tpu.memory_space<vmem>> -> memref<1x800xi32, #tpu.memory_space<vmem>>
        %dma_start3A_668 = tpu.memref_squeeze %dma_start3A_667 : memref<1x800xi32, #tpu.memory_space<vmem>> -> memref<800xi32, #tpu.memory_space<vmem>>
        %dma_start3A_669 = tpu.memref_slice %arg4[%dma_start3A_659, %add3A_658] : memref<2x3200000xi32, #tpu.memory_space<hbm>> -> memref<1x800xi32, #tpu.memory_space<hbm>>
        %dma_start3A_670 = tpu.memref_squeeze %dma_start3A_669 : memref<1x800xi32, #tpu.memory_space<hbm>> -> memref<800xi32, #tpu.memory_space<hbm>>
        tpu.enqueue_dma source(%dma_start3A_670 : memref<800xi32, #tpu.memory_space<hbm>>) target(%dma_start3A_668 : memref<800xi32, #tpu.memory_space<vmem>>) target_semaphore(%arg16 : memref<!tpu.dma_semaphore, #tpu.memory_space<semaphore_mem>>)
        %dma_start3A_671 = arith.constant 1 : i32
        %dma_start3A_672 = arith.constant 1 : i32
        %dma_start3A_673 = arith.constant 0 : i32
        %dma_start3A_674 = tpu.memref_slice %arg9[%dma_start3A_672, %dma_start3A_673] : memref<3x800xi32, #tpu.memory_space<vmem>> -> memref<1x800xi32, #tpu.memory_space<vmem>>
        %dma_start3A_675 = tpu.memref_squeeze %dma_start3A_674 : memref<1x800xi32, #tpu.memory_space<vmem>> -> memref<800xi32, #tpu.memory_space<vmem>>
        %dma_start3A_676 = tpu.memref_slice %arg4[%dma_start3A_671, %add3A_658] : memref<2x3200000xi32, #tpu.memory_space<hbm>> -> memref<1x800xi32, #tpu.memory_space<hbm>>
        %dma_start3A_677 = tpu.memref_squeeze %dma_start3A_676 : memref<1x800xi32, #tpu.memory_space<hbm>> -> memref<800xi32, #tpu.memory_space<hbm>>
        %dma_start3A_678 = arith.constant 0 : i32
        %dma_start3A_679 = tpu.memref_slice %arg9[%dma_start3A_672, %dma_start3A_678] : memref<3x800xi32, #tpu.memory_space<vmem>> -> memref<1x800xi32, #tpu.memory_space<vmem>>
        %dma_start3A_680 = tpu.memref_squeeze %dma_start3A_679 : memref<1x800xi32, #tpu.memory_space<vmem>> -> memref<800xi32, #tpu.memory_space<vmem>>
        %dma_start3A_681 = tpu.memref_slice %arg4[%dma_start3A_671, %add3A_658] : memref<2x3200000xi32, #tpu.memory_space<hbm>> -> memref<1x800xi32, #tpu.memory_space<hbm>>
        %dma_start3A_682 = tpu.memref_squeeze %dma_start3A_681 : memref<1x800xi32, #tpu.memory_space<hbm>> -> memref<800xi32, #tpu.memory_space<hbm>>
        tpu.enqueue_dma source(%dma_start3A_682 : memref<800xi32, #tpu.memory_space<hbm>>) target(%dma_start3A_680 : memref<800xi32, #tpu.memory_space<vmem>>) target_semaphore(%arg16 : memref<!tpu.dma_semaphore, #tpu.memory_space<semaphore_mem>>)
      } else {
      }
      %ge3A_559 = arith.constant 3 : i32
      %ge3A_560 = arith.cmpi sge, %add3A_531, %ge3A_559 : i32
      %convert_element_type3A_561 = arith.extui %ge3A_560 : i1 to i32
      %cond3A_562 = arith.constant 0 : i32
      %cond3A_563 = arith.cmpi ne, %convert_element_type3A_561, %cond3A_562 : i32
      scf.if %cond3A_563 {
        %dma_wait3A_654 = arith.constant 1 : i32
        %dma_wait3A_655 = arith.constant 0 : i32
        %dma_wait3A_656 = tpu.memref_slice %arg12[%dma_wait3A_654, %dma_wait3A_655] : memref<3x800xf32, #tpu.memory_space<vmem>> -> memref<1x800xf32, #tpu.memory_space<vmem>>
        %dma_wait3A_657 = tpu.memref_squeeze %dma_wait3A_656 : memref<1x800xf32, #tpu.memory_space<vmem>> -> memref<800xf32, #tpu.memory_space<vmem>>
        %dma_wait3A_658 = arith.constant 0 : i32
        %dma_wait3A_659 = tpu.memref_slice %arg7[%dma_wait3A_658] : memref<3200000xf32, #tpu.memory_space<hbm>> -> memref<800xf32, #tpu.memory_space<hbm>>
        %dma_wait3A_660 = arith.constant 0 : i32
        %dma_wait3A_661 = tpu.memref_slice %arg7[%dma_wait3A_660] : memref<3200000xf32, #tpu.memory_space<hbm>> -> memref<800xf32, #tpu.memory_space<hbm>>
        %dma_wait3A_662 = arith.constant 0 : i32
        %dma_wait3A_663 = tpu.memref_slice %arg12[%dma_wait3A_654, %dma_wait3A_662] : memref<3x800xf32, #tpu.memory_space<vmem>> -> memref<1x800xf32, #tpu.memory_space<vmem>>
        %dma_wait3A_664 = tpu.memref_squeeze %dma_wait3A_663 : memref<1x800xf32, #tpu.memory_space<vmem>> -> memref<800xf32, #tpu.memory_space<vmem>>
        tpu.wait_dma2 semaphore(%arg22 : memref<!tpu.dma_semaphore, #tpu.memory_space<semaphore_mem>>) src(%dma_wait3A_664 : memref<800xf32, #tpu.memory_space<vmem>>) dst(%dma_wait3A_661 : memref<800xf32, #tpu.memory_space<hbm>>)
      } else {
      }
      %add3A_564 = arith.constant 3 : i32
      %add3A_565 = arith.addi %add3A_531, %add3A_564 : i32
      %sub3A_566 = arith.constant 1 : i32
      %sub3A_567 = arith.subi %add3A_565, %sub3A_566 : i32
      %lt3A_568 = arith.constant 125 : i32
      %lt3A_569 = arith.cmpi slt, %sub3A_567, %lt3A_568 : i32
      %convert_element_type3A_570 = arith.extui %lt3A_569 : i1 to i32
      %cond3A_571 = arith.constant 0 : i32
      %cond3A_572 = arith.cmpi ne, %convert_element_type3A_570, %cond3A_571 : i32
      scf.if %cond3A_572 {
        %dma_wait3A_654 = arith.constant 0 : i32
        %dma_wait3A_655 = arith.constant 0 : i32
        %dma_wait3A_656 = arith.constant 0 : i32
        %dma_wait3A_657 = tpu.memref_slice %arg8[%dma_wait3A_655, %dma_wait3A_656] : memref<3x800xi32, #tpu.memory_space<vmem>> -> memref<1x800xi32, #tpu.memory_space<vmem>>
        %dma_wait3A_658 = tpu.memref_squeeze %dma_wait3A_657 : memref<1x800xi32, #tpu.memory_space<vmem>> -> memref<800xi32, #tpu.memory_space<vmem>>
        %dma_wait3A_659 = arith.constant 0 : i32
        %dma_wait3A_660 = tpu.memref_slice %arg4[%dma_wait3A_654, %dma_wait3A_659] : memref<2x3200000xi32, #tpu.memory_space<hbm>> -> memref<1x800xi32, #tpu.memory_space<hbm>>
        %dma_wait3A_661 = tpu.memref_squeeze %dma_wait3A_660 : memref<1x800xi32, #tpu.memory_space<hbm>> -> memref<800xi32, #tpu.memory_space<hbm>>
        %dma_wait3A_662 = arith.constant 0 : i32
        %dma_wait3A_663 = tpu.memref_slice %arg8[%dma_wait3A_655, %dma_wait3A_662] : memref<3x800xi32, #tpu.memory_space<vmem>> -> memref<1x800xi32, #tpu.memory_space<vmem>>
        %dma_wait3A_664 = tpu.memref_squeeze %dma_wait3A_663 : memref<1x800xi32, #tpu.memory_space<vmem>> -> memref<800xi32, #tpu.memory_space<vmem>>
        %dma_wait3A_665 = arith.constant 0 : i32
        %dma_wait3A_666 = tpu.memref_slice %arg4[%dma_wait3A_654, %dma_wait3A_665] : memref<2x3200000xi32, #tpu.memory_space<hbm>> -> memref<1x800xi32, #tpu.memory_space<hbm>>
        %dma_wait3A_667 = tpu.memref_squeeze %dma_wait3A_666 : memref<1x800xi32, #tpu.memory_space<hbm>> -> memref<800xi32, #tpu.memory_space<hbm>>
        tpu.wait_dma2 semaphore(%arg15 : memref<!tpu.dma_semaphore, #tpu.memory_space<semaphore_mem>>) src(%dma_wait3A_667 : memref<800xi32, #tpu.memory_space<hbm>>) dst(%dma_wait3A_664 : memref<800xi32, #tpu.memory_space<vmem>>)
        %dma_wait3A_668 = arith.constant 1 : i32
        %dma_wait3A_669 = arith.constant 0 : i32
        %dma_wait3A_670 = arith.constant 0 : i32
        %dma_wait3A_671 = tpu.memref_slice %arg9[%dma_wait3A_669, %dma_wait3A_670] : memref<3x800xi32, #tpu.memory_space<vmem>> -> memref<1x800xi32, #tpu.memory_space<vmem>>
        %dma_wait3A_672 = tpu.memref_squeeze %dma_wait3A_671 : memref<1x800xi32, #tpu.memory_space<vmem>> -> memref<800xi32, #tpu.memory_space<vmem>>
        %dma_wait3A_673 = arith.constant 0 : i32
        %dma_wait3A_674 = tpu.memref_slice %arg4[%dma_wait3A_668, %dma_wait3A_673] : memref<2x3200000xi32, #tpu.memory_space<hbm>> -> memref<1x800xi32, #tpu.memory_space<hbm>>
        %dma_wait3A_675 = tpu.memref_squeeze %dma_wait3A_674 : memref<1x800xi32, #tpu.memory_space<hbm>> -> memref<800xi32, #tpu.memory_space<hbm>>
        %dma_wait3A_676 = arith.constant 0 : i32
        %dma_wait3A_677 = tpu.memref_slice %arg9[%dma_wait3A_669, %dma_wait3A_676] : memref<3x800xi32, #tpu.memory_space<vmem>> -> memref<1x800xi32, #tpu.memory_space<vmem>>
        %dma_wait3A_678 = tpu.memref_squeeze %dma_wait3A_677 : memref<1x800xi32, #tpu.memory_space<vmem>> -> memref<800xi32, #tpu.memory_space<vmem>>
        %dma_wait3A_679 = arith.constant 0 : i32
        %dma_wait3A_680 = tpu.memref_slice %arg4[%dma_wait3A_668, %dma_wait3A_679] : memref<2x3200000xi32, #tpu.memory_space<hbm>> -> memref<1x800xi32, #tpu.memory_space<hbm>>
        %dma_wait3A_681 = tpu.memref_squeeze %dma_wait3A_680 : memref<1x800xi32, #tpu.memory_space<hbm>> -> memref<800xi32, #tpu.memory_space<hbm>>
        tpu.wait_dma2 semaphore(%arg15 : memref<!tpu.dma_semaphore, #tpu.memory_space<semaphore_mem>>) src(%dma_wait3A_681 : memref<800xi32, #tpu.memory_space<hbm>>) dst(%dma_wait3A_678 : memref<800xi32, #tpu.memory_space<vmem>>)
        %dma_start3A_682 = arith.constant 0 : i32
        %dma_start3A_683 = arith.constant 0 : i32
        %dma_start3A_684 = arith.constant 0 : i32
        %dma_start3A_685 = tpu.memref_slice %arg10[%dma_start3A_683, %dma_start3A_684] : memref<2400x16xf32, #tpu.memory_space<vmem>> -> memref<800x16xf32, #tpu.memory_space<vmem>>
        %dma_start3A_686 = arith.constant 0 : i32
        %dma_start3A_687 = tpu.memref_slice %arg8[%dma_start3A_682, %dma_start3A_686] : memref<3x800xi32, #tpu.memory_space<vmem>> -> memref<1x800xi32, #tpu.memory_space<vmem>>
        %dma_start3A_688 = tpu.memref_squeeze %dma_start3A_687 : memref<1x800xi32, #tpu.memory_space<vmem>> -> memref<800xi32, #tpu.memory_space<vmem>>
        %dma_start3A_689 = arith.constant 0 : i32
        %dma_start3A_690 = arith.constant 0 : i32
        %dma_start3A_691 = tpu.memref_slice %arg2[%dma_start3A_689, %dma_start3A_690] : memref<100000x16xf32, #tpu.memory_space<hbm>> -> memref<100000x16xf32, #tpu.memory_space<hbm>>
        tpu.enqueue_indirect_dma source(%dma_start3A_691 : memref<100000x16xf32, #tpu.memory_space<hbm>>) target(%dma_start3A_685 : memref<800x16xf32, #tpu.memory_space<vmem>>) offsets(%dma_start3A_688 : memref<800xi32, #tpu.memory_space<vmem>>) semaphore(%arg18 : memref<!tpu.dma_semaphore, #tpu.memory_space<semaphore_mem>>)
        %dma_start3A_692 = arith.constant 0 : i32
        %dma_start3A_693 = arith.constant 0 : i32
        %dma_start3A_694 = arith.constant 0 : i32
        %dma_start3A_695 = tpu.memref_slice %arg11[%dma_start3A_693, %dma_start3A_694] : memref<2400x16xf32, #tpu.memory_space<vmem>> -> memref<800x16xf32, #tpu.memory_space<vmem>>
        %dma_start3A_696 = arith.constant 0 : i32
        %dma_start3A_697 = tpu.memref_slice %arg9[%dma_start3A_692, %dma_start3A_696] : memref<3x800xi32, #tpu.memory_space<vmem>> -> memref<1x800xi32, #tpu.memory_space<vmem>>
        %dma_start3A_698 = tpu.memref_squeeze %dma_start3A_697 : memref<1x800xi32, #tpu.memory_space<vmem>> -> memref<800xi32, #tpu.memory_space<vmem>>
        %dma_start3A_699 = arith.constant 0 : i32
        %dma_start3A_700 = arith.constant 0 : i32
        %dma_start3A_701 = tpu.memref_slice %arg3[%dma_start3A_699, %dma_start3A_700] : memref<100000x16xf32, #tpu.memory_space<hbm>> -> memref<100000x16xf32, #tpu.memory_space<hbm>>
        tpu.enqueue_indirect_dma source(%dma_start3A_701 : memref<100000x16xf32, #tpu.memory_space<hbm>>) target(%dma_start3A_695 : memref<800x16xf32, #tpu.memory_space<vmem>>) offsets(%dma_start3A_698 : memref<800xi32, #tpu.memory_space<vmem>>) semaphore(%arg18 : memref<!tpu.dma_semaphore, #tpu.memory_space<semaphore_mem>>)
      } else {
      }
      %scan3A_573 = arith.constant 0 : i32
      %scan3A_574 = arith.constant 0 : i32
      %scan3A_575 = arith.constant 50 : i32
      %scan3A_576 = arith.addi %scan3A_574, %scan3A_575 : i32
      %scan3A_577 = arith.constant 1 : i32
      scf.for %scan3A_654 = %scan3A_574 to %scan3A_576 step %scan3A_577  : i32 {
        %mul3A_655 = arith.constant 16 : i32
        %mul3A_656 = arith.muli %scan3A_654, %mul3A_655 : i32
        %add3A_657 = arith.constant 800 : i32
        %add3A_658 = arith.addi %add3A_657, %mul3A_656 : i32
        %add3A_659 = vector.broadcast %add3A_658 : i32 to vector<16xi32>
        %add3A_660 = arith.addi %add3A_659, %iota3A : vector<16xi32>
        %gather3A = tpu.vector_load_idx %arg10[%add3A_660, %and3A_72] : memref<2400x16xf32, #tpu.memory_space<vmem>>[vector<16xi32>, vector<16xi32>], vector<16xf32>,
        %gather3A_661 = tpu.vector_load_idx %arg11[%add3A_660, %and3A_72] : memref<2400x16xf32, #tpu.memory_space<vmem>>[vector<16xi32>, vector<16xi32>], vector<16xf32>,
        %add3A_662 = arith.addf %gather3A, %gather3A_661 : vector<16xf32>
        %max3A = arith.constant 0.000000e+00 : f32
        %max3A_663 = vector.broadcast %max3A : f32 to vector<16xf32>
        %max3A_664 = arith.maximumf %add3A_662, %max3A_663 : vector<16xf32>
        %mul3A_665 = arith.mulf %max3A_664, %get3A_5 : vector<16xf32>
        %add3A_666 = arith.addf %get3A_67, %mul3A_665 : vector<16xf32>
        %gather3A_667 = tpu.vector_load_idx %arg10[%add3A_660, %and3A_78] : memref<2400x16xf32, #tpu.memory_space<vmem>>[vector<16xi32>, vector<16xi32>], vector<16xf32>,
        %gather3A_668 = tpu.vector_load_idx %arg11[%add3A_660, %and3A_78] : memref<2400x16xf32, #tpu.memory_space<vmem>>[vector<16xi32>, vector<16xi32>], vector<16xf32>,
        %add3A_669 = arith.addf %gather3A_667, %gather3A_668 : vector<16xf32>
        %max3A_670 = arith.constant 0.000000e+00 : f32
        %max3A_671 = vector.broadcast %max3A_670 : f32 to vector<16xf32>
        %max3A_672 = arith.maximumf %add3A_669, %max3A_671 : vector<16xf32>
        %mul3A_673 = arith.mulf %max3A_672, %get3A_9 : vector<16xf32>
        %add3A_674 = arith.addf %add3A_666, %mul3A_673 : vector<16xf32>
        %gather3A_675 = tpu.vector_load_idx %arg10[%add3A_660, %and3A_84] : memref<2400x16xf32, #tpu.memory_space<vmem>>[vector<16xi32>, vector<16xi32>], vector<16xf32>,
        %gather3A_676 = tpu.vector_load_idx %arg11[%add3A_660, %and3A_84] : memref<2400x16xf32, #tpu.memory_space<vmem>>[vector<16xi32>, vector<16xi32>], vector<16xf32>,
        %add3A_677 = arith.addf %gather3A_675, %gather3A_676 : vector<16xf32>
        %max3A_678 = arith.constant 0.000000e+00 : f32
        %max3A_679 = vector.broadcast %max3A_678 : f32 to vector<16xf32>
        %max3A_680 = arith.maximumf %add3A_677, %max3A_679 : vector<16xf32>
        %mul3A_681 = arith.mulf %max3A_680, %get3A_13 : vector<16xf32>
        %add3A_682 = arith.addf %add3A_674, %mul3A_681 : vector<16xf32>
        %gather3A_683 = tpu.vector_load_idx %arg10[%add3A_660, %and3A_90] : memref<2400x16xf32, #tpu.memory_space<vmem>>[vector<16xi32>, vector<16xi32>], vector<16xf32>,
        %gather3A_684 = tpu.vector_load_idx %arg11[%add3A_660, %and3A_90] : memref<2400x16xf32, #tpu.memory_space<vmem>>[vector<16xi32>, vector<16xi32>], vector<16xf32>,
        %add3A_685 = arith.addf %gather3A_683, %gather3A_684 : vector<16xf32>
        %max3A_686 = arith.constant 0.000000e+00 : f32
        %max3A_687 = vector.broadcast %max3A_686 : f32 to vector<16xf32>
        %max3A_688 = arith.maximumf %add3A_685, %max3A_687 : vector<16xf32>
        %mul3A_689 = arith.mulf %max3A_688, %get3A_17 : vector<16xf32>
        %add3A_690 = arith.addf %add3A_682, %mul3A_689 : vector<16xf32>
        %gather3A_691 = tpu.vector_load_idx %arg10[%add3A_660, %and3A_96] : memref<2400x16xf32, #tpu.memory_space<vmem>>[vector<16xi32>, vector<16xi32>], vector<16xf32>,
        %gather3A_692 = tpu.vector_load_idx %arg11[%add3A_660, %and3A_96] : memref<2400x16xf32, #tpu.memory_space<vmem>>[vector<16xi32>, vector<16xi32>], vector<16xf32>,
        %add3A_693 = arith.addf %gather3A_691, %gather3A_692 : vector<16xf32>
        %max3A_694 = arith.constant 0.000000e+00 : f32
        %max3A_695 = vector.broadcast %max3A_694 : f32 to vector<16xf32>
        %max3A_696 = arith.maximumf %add3A_693, %max3A_695 : vector<16xf32>
        %mul3A_697 = arith.mulf %max3A_696, %get3A_21 : vector<16xf32>
        %add3A_698 = arith.addf %add3A_690, %mul3A_697 : vector<16xf32>
        %gather3A_699 = tpu.vector_load_idx %arg10[%add3A_660, %and3A_102] : memref<2400x16xf32, #tpu.memory_space<vmem>>[vector<16xi32>, vector<16xi32>], vector<16xf32>,
        %gather3A_700 = tpu.vector_load_idx %arg11[%add3A_660, %and3A_102] : memref<2400x16xf32, #tpu.memory_space<vmem>>[vector<16xi32>, vector<16xi32>], vector<16xf32>,
        %add3A_701 = arith.addf %gather3A_699, %gather3A_700 : vector<16xf32>
        %max3A_702 = arith.constant 0.000000e+00 : f32
        %max3A_703 = vector.broadcast %max3A_702 : f32 to vector<16xf32>
        %max3A_704 = arith.maximumf %add3A_701, %max3A_703 : vector<16xf32>
        %mul3A_705 = arith.mulf %max3A_704, %get3A_25 : vector<16xf32>
        %add3A_706 = arith.addf %add3A_698, %mul3A_705 : vector<16xf32>
        %gather3A_707 = tpu.vector_load_idx %arg10[%add3A_660, %and3A_108] : memref<2400x16xf32, #tpu.memory_space<vmem>>[vector<16xi32>, vector<16xi32>], vector<16xf32>,
        %gather3A_708 = tpu.vector_load_idx %arg11[%add3A_660, %and3A_108] : memref<2400x16xf32, #tpu.memory_space<vmem>>[vector<16xi32>, vector<16xi32>], vector<16xf32>,
        %add3A_709 = arith.addf %gather3A_707, %gather3A_708 : vector<16xf32>
        %max3A_710 = arith.constant 0.000000e+00 : f32
        %max3A_711 = vector.broadcast %max3A_710 : f32 to vector<16xf32>
        %max3A_712 = arith.maximumf %add3A_709, %max3A_711 : vector<16xf32>
        %mul3A_713 = arith.mulf %max3A_712, %get3A_29 : vector<16xf32>
        %add3A_714 = arith.addf %add3A_706, %mul3A_713 : vector<16xf32>
        %gather3A_715 = tpu.vector_load_idx %arg10[%add3A_660, %and3A_114] : memref<2400x16xf32, #tpu.memory_space<vmem>>[vector<16xi32>, vector<16xi32>], vector<16xf32>,
        %gather3A_716 = tpu.vector_load_idx %arg11[%add3A_660, %and3A_114] : memref<2400x16xf32, #tpu.memory_space<vmem>>[vector<16xi32>, vector<16xi32>], vector<16xf32>,
        %add3A_717 = arith.addf %gather3A_715, %gather3A_716 : vector<16xf32>
        %max3A_718 = arith.constant 0.000000e+00 : f32
        %max3A_719 = vector.broadcast %max3A_718 : f32 to vector<16xf32>
        %max3A_720 = arith.maximumf %add3A_717, %max3A_719 : vector<16xf32>
        %mul3A_721 = arith.mulf %max3A_720, %get3A_33 : vector<16xf32>
        %add3A_722 = arith.addf %add3A_714, %mul3A_721 : vector<16xf32>
        %gather3A_723 = tpu.vector_load_idx %arg10[%add3A_660, %and3A_120] : memref<2400x16xf32, #tpu.memory_space<vmem>>[vector<16xi32>, vector<16xi32>], vector<16xf32>,
        %gather3A_724 = tpu.vector_load_idx %arg11[%add3A_660, %and3A_120] : memref<2400x16xf32, #tpu.memory_space<vmem>>[vector<16xi32>, vector<16xi32>], vector<16xf32>,
        %add3A_725 = arith.addf %gather3A_723, %gather3A_724 : vector<16xf32>
        %max3A_726 = arith.constant 0.000000e+00 : f32
        %max3A_727 = vector.broadcast %max3A_726 : f32 to vector<16xf32>
        %max3A_728 = arith.maximumf %add3A_725, %max3A_727 : vector<16xf32>
        %mul3A_729 = arith.mulf %max3A_728, %get3A_37 : vector<16xf32>
        %add3A_730 = arith.addf %add3A_722, %mul3A_729 : vector<16xf32>
        %gather3A_731 = tpu.vector_load_idx %arg10[%add3A_660, %and3A_126] : memref<2400x16xf32, #tpu.memory_space<vmem>>[vector<16xi32>, vector<16xi32>], vector<16xf32>,
        %gather3A_732 = tpu.vector_load_idx %arg11[%add3A_660, %and3A_126] : memref<2400x16xf32, #tpu.memory_space<vmem>>[vector<16xi32>, vector<16xi32>], vector<16xf32>,
        %add3A_733 = arith.addf %gather3A_731, %gather3A_732 : vector<16xf32>
        %max3A_734 = arith.constant 0.000000e+00 : f32
        %max3A_735 = vector.broadcast %max3A_734 : f32 to vector<16xf32>
        %max3A_736 = arith.maximumf %add3A_733, %max3A_735 : vector<16xf32>
        %mul3A_737 = arith.mulf %max3A_736, %get3A_41 : vector<16xf32>
        %add3A_738 = arith.addf %add3A_730, %mul3A_737 : vector<16xf32>
        %gather3A_739 = tpu.vector_load_idx %arg10[%add3A_660, %and3A_132] : memref<2400x16xf32, #tpu.memory_space<vmem>>[vector<16xi32>, vector<16xi32>], vector<16xf32>,
        %gather3A_740 = tpu.vector_load_idx %arg11[%add3A_660, %and3A_132] : memref<2400x16xf32, #tpu.memory_space<vmem>>[vector<16xi32>, vector<16xi32>], vector<16xf32>,
        %add3A_741 = arith.addf %gather3A_739, %gather3A_740 : vector<16xf32>
        %max3A_742 = arith.constant 0.000000e+00 : f32
        %max3A_743 = vector.broadcast %max3A_742 : f32 to vector<16xf32>
        %max3A_744 = arith.maximumf %add3A_741, %max3A_743 : vector<16xf32>
        %mul3A_745 = arith.mulf %max3A_744, %get3A_45 : vector<16xf32>
        %add3A_746 = arith.addf %add3A_738, %mul3A_745 : vector<16xf32>
        %gather3A_747 = tpu.vector_load_idx %arg10[%add3A_660, %and3A_138] : memref<2400x16xf32, #tpu.memory_space<vmem>>[vector<16xi32>, vector<16xi32>], vector<16xf32>,
        %gather3A_748 = tpu.vector_load_idx %arg11[%add3A_660, %and3A_138] : memref<2400x16xf32, #tpu.memory_space<vmem>>[vector<16xi32>, vector<16xi32>], vector<16xf32>,
        %add3A_749 = arith.addf %gather3A_747, %gather3A_748 : vector<16xf32>
        %max3A_750 = arith.constant 0.000000e+00 : f32
        %max3A_751 = vector.broadcast %max3A_750 : f32 to vector<16xf32>
        %max3A_752 = arith.maximumf %add3A_749, %max3A_751 : vector<16xf32>
        %mul3A_753 = arith.mulf %max3A_752, %get3A_49 : vector<16xf32>
        %add3A_754 = arith.addf %add3A_746, %mul3A_753 : vector<16xf32>
        %gather3A_755 = tpu.vector_load_idx %arg10[%add3A_660, %and3A_144] : memref<2400x16xf32, #tpu.memory_space<vmem>>[vector<16xi32>, vector<16xi32>], vector<16xf32>,
        %gather3A_756 = tpu.vector_load_idx %arg11[%add3A_660, %and3A_144] : memref<2400x16xf32, #tpu.memory_space<vmem>>[vector<16xi32>, vector<16xi32>], vector<16xf32>,
        %add3A_757 = arith.addf %gather3A_755, %gather3A_756 : vector<16xf32>
        %max3A_758 = arith.constant 0.000000e+00 : f32
        %max3A_759 = vector.broadcast %max3A_758 : f32 to vector<16xf32>
        %max3A_760 = arith.maximumf %add3A_757, %max3A_759 : vector<16xf32>
        %mul3A_761 = arith.mulf %max3A_760, %get3A_53 : vector<16xf32>
        %add3A_762 = arith.addf %add3A_754, %mul3A_761 : vector<16xf32>
        %gather3A_763 = tpu.vector_load_idx %arg10[%add3A_660, %and3A_150] : memref<2400x16xf32, #tpu.memory_space<vmem>>[vector<16xi32>, vector<16xi32>], vector<16xf32>,
        %gather3A_764 = tpu.vector_load_idx %arg11[%add3A_660, %and3A_150] : memref<2400x16xf32, #tpu.memory_space<vmem>>[vector<16xi32>, vector<16xi32>], vector<16xf32>,
        %add3A_765 = arith.addf %gather3A_763, %gather3A_764 : vector<16xf32>
        %max3A_766 = arith.constant 0.000000e+00 : f32
        %max3A_767 = vector.broadcast %max3A_766 : f32 to vector<16xf32>
        %max3A_768 = arith.maximumf %add3A_765, %max3A_767 : vector<16xf32>
        %mul3A_769 = arith.mulf %max3A_768, %get3A_57 : vector<16xf32>
        %add3A_770 = arith.addf %add3A_762, %mul3A_769 : vector<16xf32>
        %gather3A_771 = tpu.vector_load_idx %arg10[%add3A_660, %and3A_156] : memref<2400x16xf32, #tpu.memory_space<vmem>>[vector<16xi32>, vector<16xi32>], vector<16xf32>,
        %gather3A_772 = tpu.vector_load_idx %arg11[%add3A_660, %and3A_156] : memref<2400x16xf32, #tpu.memory_space<vmem>>[vector<16xi32>, vector<16xi32>], vector<16xf32>,
        %add3A_773 = arith.addf %gather3A_771, %gather3A_772 : vector<16xf32>
        %max3A_774 = arith.constant 0.000000e+00 : f32
        %max3A_775 = vector.broadcast %max3A_774 : f32 to vector<16xf32>
        %max3A_776 = arith.maximumf %add3A_773, %max3A_775 : vector<16xf32>
        %mul3A_777 = arith.mulf %max3A_776, %get3A_61 : vector<16xf32>
        %add3A_778 = arith.addf %add3A_770, %mul3A_777 : vector<16xf32>
        %gather3A_779 = tpu.vector_load_idx %arg10[%add3A_660, %and3A_162] : memref<2400x16xf32, #tpu.memory_space<vmem>>[vector<16xi32>, vector<16xi32>], vector<16xf32>,
        %gather3A_780 = tpu.vector_load_idx %arg11[%add3A_660, %and3A_162] : memref<2400x16xf32, #tpu.memory_space<vmem>>[vector<16xi32>, vector<16xi32>], vector<16xf32>,
        %add3A_781 = arith.addf %gather3A_779, %gather3A_780 : vector<16xf32>
        %max3A_782 = arith.constant 0.000000e+00 : f32
        %max3A_783 = vector.broadcast %max3A_782 : f32 to vector<16xf32>
        %max3A_784 = arith.maximumf %add3A_781, %max3A_783 : vector<16xf32>
        %mul3A_785 = arith.mulf %max3A_784, %get3A_65 : vector<16xf32>
        %add3A_786 = arith.addf %add3A_778, %mul3A_785 : vector<16xf32>
        %neg3A = arith.constant 0.000000e+00 : f32
        %neg3A_787 = vector.broadcast %neg3A : f32 to vector<16xf32>
        %neg3A_788 = arith.subf %neg3A_787, %add3A_786 : vector<16xf32>
        %exp3A = math.exp %neg3A_788 : vector<16xf32>
        %add3A_789 = arith.constant 1.000000e+00 : f32
        %add3A_790 = vector.broadcast %add3A_789 : f32 to vector<16xf32>
        %add3A_791 = arith.addf %add3A_790, %exp3A : vector<16xf32>
        %div3A = arith.constant 1.000000e+00 : f32
        %div3A_792 = vector.broadcast %div3A : f32 to vector<16xf32>
        %div3A_793 = arith.divf %div3A_792, %add3A_791 : vector<16xf32>
        %mul3A_794 = arith.constant 16 : i32
        %mul3A_795 = arith.muli %scan3A_654, %mul3A_794 : i32
        %swap3A = arith.constant 1 : i32
        %swap3A_796 = arith.index_cast %swap3A : i32 to index
        %swap3A_797 = arith.index_cast %mul3A_795 : i32 to index
        %swap3A_798 = tpu.vector_load %arg12[%swap3A_796, %swap3A_797] {strides = array<i32>} : memref<3x800xf32, #tpu.memory_space<vmem>>, vector<16xf32>,
        tpu.vector_store %arg12[%swap3A_796, %swap3A_797], %div3A_793 {strides = array<i32>} : memref<3x800xf32, #tpu.memory_space<vmem>>, vector<16xf32>,
      }
      %scan3A_578 = arith.constant 50 : i32
      %mul3A_579 = arith.constant 800 : i32
      %mul3A_580 = arith.muli %add3A_531, %mul3A_579 : i32
      %add3A_581 = arith.addi %mul3A_2, %mul3A_580 : i32
      %dma_start3A_582 = arith.constant 1 : i32
      %dma_start3A_583 = arith.constant 0 : i32
      %dma_start3A_584 = tpu.memref_slice %arg12[%dma_start3A_582, %dma_start3A_583] : memref<3x800xf32, #tpu.memory_space<vmem>> -> memref<1x800xf32, #tpu.memory_space<vmem>>
      %dma_start3A_585 = tpu.memref_squeeze %dma_start3A_584 : memref<1x800xf32, #tpu.memory_space<vmem>> -> memref<800xf32, #tpu.memory_space<vmem>>
      %dma_start3A_586 = tpu.memref_slice %arg7[%add3A_581] : memref<3200000xf32, #tpu.memory_space<hbm>> -> memref<800xf32, #tpu.memory_space<hbm>>
      %dma_start3A_587 = tpu.memref_slice %arg7[%add3A_581] : memref<3200000xf32, #tpu.memory_space<hbm>> -> memref<800xf32, #tpu.memory_space<hbm>>
      %dma_start3A_588 = arith.constant 0 : i32
      %dma_start3A_589 = tpu.memref_slice %arg12[%dma_start3A_582, %dma_start3A_588] : memref<3x800xf32, #tpu.memory_space<vmem>> -> memref<1x800xf32, #tpu.memory_space<vmem>>
      %dma_start3A_590 = tpu.memref_squeeze %dma_start3A_589 : memref<1x800xf32, #tpu.memory_space<vmem>> -> memref<800xf32, #tpu.memory_space<vmem>>
      tpu.enqueue_dma source(%dma_start3A_590 : memref<800xf32, #tpu.memory_space<vmem>>) target(%dma_start3A_587 : memref<800xf32, #tpu.memory_space<hbm>>) target_semaphore(%arg22 : memref<!tpu.dma_semaphore, #tpu.memory_space<semaphore_mem>>)
      %mul3A_591 = arith.constant 3 : i32
      %mul3A_592 = arith.muli %mul3A_591, %scan3A_469 : i32
      %add3A_593 = arith.constant 2 : i32
      %add3A_594 = arith.addi %mul3A_592, %add3A_593 : i32
      %dma_wait3A_595 = arith.constant 2 : i32
      %dma_wait3A_596 = arith.constant 1600 : i32
      %dma_wait3A_597 = arith.constant 0 : i32
      %dma_wait3A_598 = tpu.memref_slice %arg10[%dma_wait3A_596, %dma_wait3A_597] : memref<2400x16xf32, #tpu.memory_space<vmem>> -> memref<800x16xf32, #tpu.memory_space<vmem>>
      %dma_wait3A_599 = arith.constant 0 : i32
      %dma_wait3A_600 = tpu.memref_slice %arg8[%dma_wait3A_595, %dma_wait3A_599] : memref<3x800xi32, #tpu.memory_space<vmem>> -> memref<1x800xi32, #tpu.memory_space<vmem>>
      %dma_wait3A_601 = tpu.memref_squeeze %dma_wait3A_600 : memref<1x800xi32, #tpu.memory_space<vmem>> -> memref<800xi32, #tpu.memory_space<vmem>>
      %dma_wait3A_602 = arith.constant 0 : i32
      %dma_wait3A_603 = arith.constant 0 : i32
      %dma_wait3A_604 = tpu.memref_slice %arg2[%dma_wait3A_602, %dma_wait3A_603] : memref<100000x16xf32, #tpu.memory_space<hbm>> -> memref<100000x16xf32, #tpu.memory_space<hbm>>
      tpu.wait_indirect_dma semaphore(%arg20 : memref<!tpu.dma_semaphore, #tpu.memory_space<semaphore_mem>>) src(%dma_wait3A_604 : memref<100000x16xf32, #tpu.memory_space<hbm>>) dst(%dma_wait3A_598 : memref<800x16xf32, #tpu.memory_space<vmem>>)
      %dma_wait3A_605 = arith.constant 2 : i32
      %dma_wait3A_606 = arith.constant 1600 : i32
      %dma_wait3A_607 = arith.constant 0 : i32
      %dma_wait3A_608 = tpu.memref_slice %arg11[%dma_wait3A_606, %dma_wait3A_607] : memref<2400x16xf32, #tpu.memory_space<vmem>> -> memref<800x16xf32, #tpu.memory_space<vmem>>
      %dma_wait3A_609 = arith.constant 0 : i32
      %dma_wait3A_610 = tpu.memref_slice %arg9[%dma_wait3A_605, %dma_wait3A_609] : memref<3x800xi32, #tpu.memory_space<vmem>> -> memref<1x800xi32, #tpu.memory_space<vmem>>
      %dma_wait3A_611 = tpu.memref_squeeze %dma_wait3A_610 : memref<1x800xi32, #tpu.memory_space<vmem>> -> memref<800xi32, #tpu.memory_space<vmem>>
      %dma_wait3A_612 = arith.constant 0 : i32
      %dma_wait3A_613 = arith.constant 0 : i32
      %dma_wait3A_614 = tpu.memref_slice %arg3[%dma_wait3A_612, %dma_wait3A_613] : memref<100000x16xf32, #tpu.memory_space<hbm>> -> memref<100000x16xf32, #tpu.memory_space<hbm>>
      tpu.wait_indirect_dma semaphore(%arg20 : memref<!tpu.dma_semaphore, #tpu.memory_space<semaphore_mem>>) src(%dma_wait3A_614 : memref<100000x16xf32, #tpu.memory_space<hbm>>) dst(%dma_wait3A_608 : memref<800x16xf32, #tpu.memory_space<vmem>>)
      %add3A_615 = arith.constant 3 : i32
      %add3A_616 = arith.addi %add3A_594, %add3A_615 : i32
      %lt3A_617 = arith.constant 125 : i32
      %lt3A_618 = arith.cmpi slt, %add3A_616, %lt3A_617 : i32
      %convert_element_type3A_619 = arith.extui %lt3A_618 : i1 to i32
      %cond3A_620 = arith.constant 0 : i32
      %cond3A_621 = arith.cmpi ne, %convert_element_type3A_619, %cond3A_620 : i32
      scf.if %cond3A_621 {
        %add3A_654 = arith.constant 3 : i32
        %add3A_655 = arith.addi %add3A_594, %add3A_654 : i32
        %mul3A_656 = arith.constant 800 : i32
        %mul3A_657 = arith.muli %add3A_655, %mul3A_656 : i32
        %add3A_658 = arith.addi %mul3A_2, %mul3A_657 : i32
        %dma_start3A_659 = arith.constant 0 : i32
        %dma_start3A_660 = arith.constant 2 : i32
        %dma_start3A_661 = arith.constant 0 : i32
        %dma_start3A_662 = tpu.memref_slice %arg8[%dma_start3A_660, %dma_start3A_661] : memref<3x800xi32, #tpu.memory_space<vmem>> -> memref<1x800xi32, #tpu.memory_space<vmem>>
        %dma_start3A_663 = tpu.memref_squeeze %dma_start3A_662 : memref<1x800xi32, #tpu.memory_space<vmem>> -> memref<800xi32, #tpu.memory_space<vmem>>
        %dma_start3A_664 = tpu.memref_slice %arg4[%dma_start3A_659, %add3A_658] : memref<2x3200000xi32, #tpu.memory_space<hbm>> -> memref<1x800xi32, #tpu.memory_space<hbm>>
        %dma_start3A_665 = tpu.memref_squeeze %dma_start3A_664 : memref<1x800xi32, #tpu.memory_space<hbm>> -> memref<800xi32, #tpu.memory_space<hbm>>
        %dma_start3A_666 = arith.constant 0 : i32
        %dma_start3A_667 = tpu.memref_slice %arg8[%dma_start3A_660, %dma_start3A_666] : memref<3x800xi32, #tpu.memory_space<vmem>> -> memref<1x800xi32, #tpu.memory_space<vmem>>
        %dma_start3A_668 = tpu.memref_squeeze %dma_start3A_667 : memref<1x800xi32, #tpu.memory_space<vmem>> -> memref<800xi32, #tpu.memory_space<vmem>>
        %dma_start3A_669 = tpu.memref_slice %arg4[%dma_start3A_659, %add3A_658] : memref<2x3200000xi32, #tpu.memory_space<hbm>> -> memref<1x800xi32, #tpu.memory_space<hbm>>
        %dma_start3A_670 = tpu.memref_squeeze %dma_start3A_669 : memref<1x800xi32, #tpu.memory_space<hbm>> -> memref<800xi32, #tpu.memory_space<hbm>>
        tpu.enqueue_dma source(%dma_start3A_670 : memref<800xi32, #tpu.memory_space<hbm>>) target(%dma_start3A_668 : memref<800xi32, #tpu.memory_space<vmem>>) target_semaphore(%arg17 : memref<!tpu.dma_semaphore, #tpu.memory_space<semaphore_mem>>)
        %dma_start3A_671 = arith.constant 1 : i32
        %dma_start3A_672 = arith.constant 2 : i32
        %dma_start3A_673 = arith.constant 0 : i32
        %dma_start3A_674 = tpu.memref_slice %arg9[%dma_start3A_672, %dma_start3A_673] : memref<3x800xi32, #tpu.memory_space<vmem>> -> memref<1x800xi32, #tpu.memory_space<vmem>>
        %dma_start3A_675 = tpu.memref_squeeze %dma_start3A_674 : memref<1x800xi32, #tpu.memory_space<vmem>> -> memref<800xi32, #tpu.memory_space<vmem>>
        %dma_start3A_676 = tpu.memref_slice %arg4[%dma_start3A_671, %add3A_658] : memref<2x3200000xi32, #tpu.memory_space<hbm>> -> memref<1x800xi32, #tpu.memory_space<hbm>>
        %dma_start3A_677 = tpu.memref_squeeze %dma_start3A_676 : memref<1x800xi32, #tpu.memory_space<hbm>> -> memref<800xi32, #tpu.memory_space<hbm>>
        %dma_start3A_678 = arith.constant 0 : i32
        %dma_start3A_679 = tpu.memref_slice %arg9[%dma_start3A_672, %dma_start3A_678] : memref<3x800xi32, #tpu.memory_space<vmem>> -> memref<1x800xi32, #tpu.memory_space<vmem>>
        %dma_start3A_680 = tpu.memref_squeeze %dma_start3A_679 : memref<1x800xi32, #tpu.memory_space<vmem>> -> memref<800xi32, #tpu.memory_space<vmem>>
        %dma_start3A_681 = tpu.memref_slice %arg4[%dma_start3A_671, %add3A_658] : memref<2x3200000xi32, #tpu.memory_space<hbm>> -> memref<1x800xi32, #tpu.memory_space<hbm>>
        %dma_start3A_682 = tpu.memref_squeeze %dma_start3A_681 : memref<1x800xi32, #tpu.memory_space<hbm>> -> memref<800xi32, #tpu.memory_space<hbm>>
        tpu.enqueue_dma source(%dma_start3A_682 : memref<800xi32, #tpu.memory_space<hbm>>) target(%dma_start3A_680 : memref<800xi32, #tpu.memory_space<vmem>>) target_semaphore(%arg17 : memref<!tpu.dma_semaphore, #tpu.memory_space<semaphore_mem>>)
      } else {
      }
      %ge3A_622 = arith.constant 3 : i32
      %ge3A_623 = arith.cmpi sge, %add3A_594, %ge3A_622 : i32
      %convert_element_type3A_624 = arith.extui %ge3A_623 : i1 to i32
      %cond3A_625 = arith.constant 0 : i32
      %cond3A_626 = arith.cmpi ne, %convert_element_type3A_624, %cond3A_625 : i32
      scf.if %cond3A_626 {
        %dma_wait3A_654 = arith.constant 2 : i32
        %dma_wait3A_655 = arith.constant 0 : i32
        %dma_wait3A_656 = tpu.memref_slice %arg12[%dma_wait3A_654, %dma_wait3A_655] : memref<3x800xf32, #tpu.memory_space<vmem>> -> memref<1x800xf32, #tpu.memory_space<vmem>>
        %dma_wait3A_657 = tpu.memref_squeeze %dma_wait3A_656 : memref<1x800xf32, #tpu.memory_space<vmem>> -> memref<800xf32, #tpu.memory_space<vmem>>
        %dma_wait3A_658 = arith.constant 0 : i32
        %dma_wait3A_659 = tpu.memref_slice %arg7[%dma_wait3A_658] : memref<3200000xf32, #tpu.memory_space<hbm>> -> memref<800xf32, #tpu.memory_space<hbm>>
        %dma_wait3A_660 = arith.constant 0 : i32
        %dma_wait3A_661 = tpu.memref_slice %arg7[%dma_wait3A_660] : memref<3200000xf32, #tpu.memory_space<hbm>> -> memref<800xf32, #tpu.memory_space<hbm>>
        %dma_wait3A_662 = arith.constant 0 : i32
        %dma_wait3A_663 = tpu.memref_slice %arg12[%dma_wait3A_654, %dma_wait3A_662] : memref<3x800xf32, #tpu.memory_space<vmem>> -> memref<1x800xf32, #tpu.memory_space<vmem>>
        %dma_wait3A_664 = tpu.memref_squeeze %dma_wait3A_663 : memref<1x800xf32, #tpu.memory_space<vmem>> -> memref<800xf32, #tpu.memory_space<vmem>>
        tpu.wait_dma2 semaphore(%arg23 : memref<!tpu.dma_semaphore, #tpu.memory_space<semaphore_mem>>) src(%dma_wait3A_664 : memref<800xf32, #tpu.memory_space<vmem>>) dst(%dma_wait3A_661 : memref<800xf32, #tpu.memory_space<hbm>>)
      } else {
      }
      %add3A_627 = arith.constant 3 : i32
      %add3A_628 = arith.addi %add3A_594, %add3A_627 : i32
      %sub3A_629 = arith.constant 1 : i32
      %sub3A_630 = arith.subi %add3A_628, %sub3A_629 : i32
      %lt3A_631 = arith.constant 125 : i32
      %lt3A_632 = arith.cmpi slt, %sub3A_630, %lt3A_631 : i32
      %convert_element_type3A_633 = arith.extui %lt3A_632 : i1 to i32
      %cond3A_634 = arith.constant 0 : i32
      %cond3A_635 = arith.cmpi ne, %convert_element_type3A_633, %cond3A_634 : i32
      scf.if %cond3A_635 {
        %dma_wait3A_654 = arith.constant 0 : i32
        %dma_wait3A_655 = arith.constant 1 : i32
        %dma_wait3A_656 = arith.constant 0 : i32
        %dma_wait3A_657 = tpu.memref_slice %arg8[%dma_wait3A_655, %dma_wait3A_656] : memref<3x800xi32, #tpu.memory_space<vmem>> -> memref<1x800xi32, #tpu.memory_space<vmem>>
        %dma_wait3A_658 = tpu.memref_squeeze %dma_wait3A_657 : memref<1x800xi32, #tpu.memory_space<vmem>> -> memref<800xi32, #tpu.memory_space<vmem>>
        %dma_wait3A_659 = arith.constant 0 : i32
        %dma_wait3A_660 = tpu.memref_slice %arg4[%dma_wait3A_654, %dma_wait3A_659] : memref<2x3200000xi32, #tpu.memory_space<hbm>> -> memref<1x800xi32, #tpu.memory_space<hbm>>
        %dma_wait3A_661 = tpu.memref_squeeze %dma_wait3A_660 : memref<1x800xi32, #tpu.memory_space<hbm>> -> memref<800xi32, #tpu.memory_space<hbm>>
        %dma_wait3A_662 = arith.constant 0 : i32
        %dma_wait3A_663 = tpu.memref_slice %arg8[%dma_wait3A_655, %dma_wait3A_662] : memref<3x800xi32, #tpu.memory_space<vmem>> -> memref<1x800xi32, #tpu.memory_space<vmem>>
        %dma_wait3A_664 = tpu.memref_squeeze %dma_wait3A_663 : memref<1x800xi32, #tpu.memory_space<vmem>> -> memref<800xi32, #tpu.memory_space<vmem>>
        %dma_wait3A_665 = arith.constant 0 : i32
        %dma_wait3A_666 = tpu.memref_slice %arg4[%dma_wait3A_654, %dma_wait3A_665] : memref<2x3200000xi32, #tpu.memory_space<hbm>> -> memref<1x800xi32, #tpu.memory_space<hbm>>
        %dma_wait3A_667 = tpu.memref_squeeze %dma_wait3A_666 : memref<1x800xi32, #tpu.memory_space<hbm>> -> memref<800xi32, #tpu.memory_space<hbm>>
        tpu.wait_dma2 semaphore(%arg16 : memref<!tpu.dma_semaphore, #tpu.memory_space<semaphore_mem>>) src(%dma_wait3A_667 : memref<800xi32, #tpu.memory_space<hbm>>) dst(%dma_wait3A_664 : memref<800xi32, #tpu.memory_space<vmem>>)
        %dma_wait3A_668 = arith.constant 1 : i32
        %dma_wait3A_669 = arith.constant 1 : i32
        %dma_wait3A_670 = arith.constant 0 : i32
        %dma_wait3A_671 = tpu.memref_slice %arg9[%dma_wait3A_669, %dma_wait3A_670] : memref<3x800xi32, #tpu.memory_space<vmem>> -> memref<1x800xi32, #tpu.memory_space<vmem>>
        %dma_wait3A_672 = tpu.memref_squeeze %dma_wait3A_671 : memref<1x800xi32, #tpu.memory_space<vmem>> -> memref<800xi32, #tpu.memory_space<vmem>>
        %dma_wait3A_673 = arith.constant 0 : i32
        %dma_wait3A_674 = tpu.memref_slice %arg4[%dma_wait3A_668, %dma_wait3A_673] : memref<2x3200000xi32, #tpu.memory_space<hbm>> -> memref<1x800xi32, #tpu.memory_space<hbm>>
        %dma_wait3A_675 = tpu.memref_squeeze %dma_wait3A_674 : memref<1x800xi32, #tpu.memory_space<hbm>> -> memref<800xi32, #tpu.memory_space<hbm>>
        %dma_wait3A_676 = arith.constant 0 : i32
        %dma_wait3A_677 = tpu.memref_slice %arg9[%dma_wait3A_669, %dma_wait3A_676] : memref<3x800xi32, #tpu.memory_space<vmem>> -> memref<1x800xi32, #tpu.memory_space<vmem>>
        %dma_wait3A_678 = tpu.memref_squeeze %dma_wait3A_677 : memref<1x800xi32, #tpu.memory_space<vmem>> -> memref<800xi32, #tpu.memory_space<vmem>>
        %dma_wait3A_679 = arith.constant 0 : i32
        %dma_wait3A_680 = tpu.memref_slice %arg4[%dma_wait3A_668, %dma_wait3A_679] : memref<2x3200000xi32, #tpu.memory_space<hbm>> -> memref<1x800xi32, #tpu.memory_space<hbm>>
        %dma_wait3A_681 = tpu.memref_squeeze %dma_wait3A_680 : memref<1x800xi32, #tpu.memory_space<hbm>> -> memref<800xi32, #tpu.memory_space<hbm>>
        tpu.wait_dma2 semaphore(%arg16 : memref<!tpu.dma_semaphore, #tpu.memory_space<semaphore_mem>>) src(%dma_wait3A_681 : memref<800xi32, #tpu.memory_space<hbm>>) dst(%dma_wait3A_678 : memref<800xi32, #tpu.memory_space<vmem>>)
        %dma_start3A_682 = arith.constant 1 : i32
        %dma_start3A_683 = arith.constant 800 : i32
        %dma_start3A_684 = arith.constant 0 : i32
        %dma_start3A_685 = tpu.memref_slice %arg10[%dma_start3A_683, %dma_start3A_684] : memref<2400x16xf32, #tpu.memory_space<vmem>> -> memref<800x16xf32, #tpu.memory_space<vmem>>
        %dma_start3A_686 = arith.constant 0 : i32
        %dma_start3A_687 = tpu.memref_slice %arg8[%dma_start3A_682, %dma_start3A_686] : memref<3x800xi32, #tpu.memory_space<vmem>> -> memref<1x800xi32, #tpu.memory_space<vmem>>
        %dma_start3A_688 = tpu.memref_squeeze %dma_start3A_687 : memref<1x800xi32, #tpu.memory_space<vmem>> -> memref<800xi32, #tpu.memory_space<vmem>>
        %dma_start3A_689 = arith.constant 0 : i32
        %dma_start3A_690 = arith.constant 0 : i32
        %dma_start3A_691 = tpu.memref_slice %arg2[%dma_start3A_689, %dma_start3A_690] : memref<100000x16xf32, #tpu.memory_space<hbm>> -> memref<100000x16xf32, #tpu.memory_space<hbm>>
        tpu.enqueue_indirect_dma source(%dma_start3A_691 : memref<100000x16xf32, #tpu.memory_space<hbm>>) target(%dma_start3A_685 : memref<800x16xf32, #tpu.memory_space<vmem>>) offsets(%dma_start3A_688 : memref<800xi32, #tpu.memory_space<vmem>>) semaphore(%arg19 : memref<!tpu.dma_semaphore, #tpu.memory_space<semaphore_mem>>)
        %dma_start3A_692 = arith.constant 1 : i32
        %dma_start3A_693 = arith.constant 800 : i32
        %dma_start3A_694 = arith.constant 0 : i32
        %dma_start3A_695 = tpu.memref_slice %arg11[%dma_start3A_693, %dma_start3A_694] : memref<2400x16xf32, #tpu.memory_space<vmem>> -> memref<800x16xf32, #tpu.memory_space<vmem>>
        %dma_start3A_696 = arith.constant 0 : i32
        %dma_start3A_697 = tpu.memref_slice %arg9[%dma_start3A_692, %dma_start3A_696] : memref<3x800xi32, #tpu.memory_space<vmem>> -> memref<1x800xi32, #tpu.memory_space<vmem>>
        %dma_start3A_698 = tpu.memref_squeeze %dma_start3A_697 : memref<1x800xi32, #tpu.memory_space<vmem>> -> memref<800xi32, #tpu.memory_space<vmem>>
        %dma_start3A_699 = arith.constant 0 : i32
        %dma_start3A_700 = arith.constant 0 : i32
        %dma_start3A_701 = tpu.memref_slice %arg3[%dma_start3A_699, %dma_start3A_700] : memref<100000x16xf32, #tpu.memory_space<hbm>> -> memref<100000x16xf32, #tpu.memory_space<hbm>>
        tpu.enqueue_indirect_dma source(%dma_start3A_701 : memref<100000x16xf32, #tpu.memory_space<hbm>>) target(%dma_start3A_695 : memref<800x16xf32, #tpu.memory_space<vmem>>) offsets(%dma_start3A_698 : memref<800xi32, #tpu.memory_space<vmem>>) semaphore(%arg19 : memref<!tpu.dma_semaphore, #tpu.memory_space<semaphore_mem>>)
      } else {
      }
      %scan3A_636 = arith.constant 0 : i32
      %scan3A_637 = arith.constant 0 : i32
      %scan3A_638 = arith.constant 50 : i32
      %scan3A_639 = arith.addi %scan3A_637, %scan3A_638 : i32
      %scan3A_640 = arith.constant 1 : i32
      scf.for %scan3A_654 = %scan3A_637 to %scan3A_639 step %scan3A_640  : i32 {
        %mul3A_655 = arith.constant 16 : i32
        %mul3A_656 = arith.muli %scan3A_654, %mul3A_655 : i32
        %add3A_657 = arith.constant 1600 : i32
        %add3A_658 = arith.addi %add3A_657, %mul3A_656 : i32
        %add3A_659 = vector.broadcast %add3A_658 : i32 to vector<16xi32>
        %add3A_660 = arith.addi %add3A_659, %iota3A : vector<16xi32>
        %gather3A = tpu.vector_load_idx %arg10[%add3A_660, %and3A_72] : memref<2400x16xf32, #tpu.memory_space<vmem>>[vector<16xi32>, vector<16xi32>], vector<16xf32>,
        %gather3A_661 = tpu.vector_load_idx %arg11[%add3A_660, %and3A_72] : memref<2400x16xf32, #tpu.memory_space<vmem>>[vector<16xi32>, vector<16xi32>], vector<16xf32>,
        %add3A_662 = arith.addf %gather3A, %gather3A_661 : vector<16xf32>
        %max3A = arith.constant 0.000000e+00 : f32
        %max3A_663 = vector.broadcast %max3A : f32 to vector<16xf32>
        %max3A_664 = arith.maximumf %add3A_662, %max3A_663 : vector<16xf32>
        %mul3A_665 = arith.mulf %max3A_664, %get3A_5 : vector<16xf32>
        %add3A_666 = arith.addf %get3A_67, %mul3A_665 : vector<16xf32>
        %gather3A_667 = tpu.vector_load_idx %arg10[%add3A_660, %and3A_78] : memref<2400x16xf32, #tpu.memory_space<vmem>>[vector<16xi32>, vector<16xi32>], vector<16xf32>,
        %gather3A_668 = tpu.vector_load_idx %arg11[%add3A_660, %and3A_78] : memref<2400x16xf32, #tpu.memory_space<vmem>>[vector<16xi32>, vector<16xi32>], vector<16xf32>,
        %add3A_669 = arith.addf %gather3A_667, %gather3A_668 : vector<16xf32>
        %max3A_670 = arith.constant 0.000000e+00 : f32
        %max3A_671 = vector.broadcast %max3A_670 : f32 to vector<16xf32>
        %max3A_672 = arith.maximumf %add3A_669, %max3A_671 : vector<16xf32>
        %mul3A_673 = arith.mulf %max3A_672, %get3A_9 : vector<16xf32>
        %add3A_674 = arith.addf %add3A_666, %mul3A_673 : vector<16xf32>
        %gather3A_675 = tpu.vector_load_idx %arg10[%add3A_660, %and3A_84] : memref<2400x16xf32, #tpu.memory_space<vmem>>[vector<16xi32>, vector<16xi32>], vector<16xf32>,
        %gather3A_676 = tpu.vector_load_idx %arg11[%add3A_660, %and3A_84] : memref<2400x16xf32, #tpu.memory_space<vmem>>[vector<16xi32>, vector<16xi32>], vector<16xf32>,
        %add3A_677 = arith.addf %gather3A_675, %gather3A_676 : vector<16xf32>
        %max3A_678 = arith.constant 0.000000e+00 : f32
        %max3A_679 = vector.broadcast %max3A_678 : f32 to vector<16xf32>
        %max3A_680 = arith.maximumf %add3A_677, %max3A_679 : vector<16xf32>
        %mul3A_681 = arith.mulf %max3A_680, %get3A_13 : vector<16xf32>
        %add3A_682 = arith.addf %add3A_674, %mul3A_681 : vector<16xf32>
        %gather3A_683 = tpu.vector_load_idx %arg10[%add3A_660, %and3A_90] : memref<2400x16xf32, #tpu.memory_space<vmem>>[vector<16xi32>, vector<16xi32>], vector<16xf32>,
        %gather3A_684 = tpu.vector_load_idx %arg11[%add3A_660, %and3A_90] : memref<2400x16xf32, #tpu.memory_space<vmem>>[vector<16xi32>, vector<16xi32>], vector<16xf32>,
        %add3A_685 = arith.addf %gather3A_683, %gather3A_684 : vector<16xf32>
        %max3A_686 = arith.constant 0.000000e+00 : f32
        %max3A_687 = vector.broadcast %max3A_686 : f32 to vector<16xf32>
        %max3A_688 = arith.maximumf %add3A_685, %max3A_687 : vector<16xf32>
        %mul3A_689 = arith.mulf %max3A_688, %get3A_17 : vector<16xf32>
        %add3A_690 = arith.addf %add3A_682, %mul3A_689 : vector<16xf32>
        %gather3A_691 = tpu.vector_load_idx %arg10[%add3A_660, %and3A_96] : memref<2400x16xf32, #tpu.memory_space<vmem>>[vector<16xi32>, vector<16xi32>], vector<16xf32>,
        %gather3A_692 = tpu.vector_load_idx %arg11[%add3A_660, %and3A_96] : memref<2400x16xf32, #tpu.memory_space<vmem>>[vector<16xi32>, vector<16xi32>], vector<16xf32>,
        %add3A_693 = arith.addf %gather3A_691, %gather3A_692 : vector<16xf32>
        %max3A_694 = arith.constant 0.000000e+00 : f32
        %max3A_695 = vector.broadcast %max3A_694 : f32 to vector<16xf32>
        %max3A_696 = arith.maximumf %add3A_693, %max3A_695 : vector<16xf32>
        %mul3A_697 = arith.mulf %max3A_696, %get3A_21 : vector<16xf32>
        %add3A_698 = arith.addf %add3A_690, %mul3A_697 : vector<16xf32>
        %gather3A_699 = tpu.vector_load_idx %arg10[%add3A_660, %and3A_102] : memref<2400x16xf32, #tpu.memory_space<vmem>>[vector<16xi32>, vector<16xi32>], vector<16xf32>,
        %gather3A_700 = tpu.vector_load_idx %arg11[%add3A_660, %and3A_102] : memref<2400x16xf32, #tpu.memory_space<vmem>>[vector<16xi32>, vector<16xi32>], vector<16xf32>,
        %add3A_701 = arith.addf %gather3A_699, %gather3A_700 : vector<16xf32>
        %max3A_702 = arith.constant 0.000000e+00 : f32
        %max3A_703 = vector.broadcast %max3A_702 : f32 to vector<16xf32>
        %max3A_704 = arith.maximumf %add3A_701, %max3A_703 : vector<16xf32>
        %mul3A_705 = arith.mulf %max3A_704, %get3A_25 : vector<16xf32>
        %add3A_706 = arith.addf %add3A_698, %mul3A_705 : vector<16xf32>
        %gather3A_707 = tpu.vector_load_idx %arg10[%add3A_660, %and3A_108] : memref<2400x16xf32, #tpu.memory_space<vmem>>[vector<16xi32>, vector<16xi32>], vector<16xf32>,
        %gather3A_708 = tpu.vector_load_idx %arg11[%add3A_660, %and3A_108] : memref<2400x16xf32, #tpu.memory_space<vmem>>[vector<16xi32>, vector<16xi32>], vector<16xf32>,
        %add3A_709 = arith.addf %gather3A_707, %gather3A_708 : vector<16xf32>
        %max3A_710 = arith.constant 0.000000e+00 : f32
        %max3A_711 = vector.broadcast %max3A_710 : f32 to vector<16xf32>
        %max3A_712 = arith.maximumf %add3A_709, %max3A_711 : vector<16xf32>
        %mul3A_713 = arith.mulf %max3A_712, %get3A_29 : vector<16xf32>
        %add3A_714 = arith.addf %add3A_706, %mul3A_713 : vector<16xf32>
        %gather3A_715 = tpu.vector_load_idx %arg10[%add3A_660, %and3A_114] : memref<2400x16xf32, #tpu.memory_space<vmem>>[vector<16xi32>, vector<16xi32>], vector<16xf32>,
        %gather3A_716 = tpu.vector_load_idx %arg11[%add3A_660, %and3A_114] : memref<2400x16xf32, #tpu.memory_space<vmem>>[vector<16xi32>, vector<16xi32>], vector<16xf32>,
        %add3A_717 = arith.addf %gather3A_715, %gather3A_716 : vector<16xf32>
        %max3A_718 = arith.constant 0.000000e+00 : f32
        %max3A_719 = vector.broadcast %max3A_718 : f32 to vector<16xf32>
        %max3A_720 = arith.maximumf %add3A_717, %max3A_719 : vector<16xf32>
        %mul3A_721 = arith.mulf %max3A_720, %get3A_33 : vector<16xf32>
        %add3A_722 = arith.addf %add3A_714, %mul3A_721 : vector<16xf32>
        %gather3A_723 = tpu.vector_load_idx %arg10[%add3A_660, %and3A_120] : memref<2400x16xf32, #tpu.memory_space<vmem>>[vector<16xi32>, vector<16xi32>], vector<16xf32>,
        %gather3A_724 = tpu.vector_load_idx %arg11[%add3A_660, %and3A_120] : memref<2400x16xf32, #tpu.memory_space<vmem>>[vector<16xi32>, vector<16xi32>], vector<16xf32>,
        %add3A_725 = arith.addf %gather3A_723, %gather3A_724 : vector<16xf32>
        %max3A_726 = arith.constant 0.000000e+00 : f32
        %max3A_727 = vector.broadcast %max3A_726 : f32 to vector<16xf32>
        %max3A_728 = arith.maximumf %add3A_725, %max3A_727 : vector<16xf32>
        %mul3A_729 = arith.mulf %max3A_728, %get3A_37 : vector<16xf32>
        %add3A_730 = arith.addf %add3A_722, %mul3A_729 : vector<16xf32>
        %gather3A_731 = tpu.vector_load_idx %arg10[%add3A_660, %and3A_126] : memref<2400x16xf32, #tpu.memory_space<vmem>>[vector<16xi32>, vector<16xi32>], vector<16xf32>,
        %gather3A_732 = tpu.vector_load_idx %arg11[%add3A_660, %and3A_126] : memref<2400x16xf32, #tpu.memory_space<vmem>>[vector<16xi32>, vector<16xi32>], vector<16xf32>,
        %add3A_733 = arith.addf %gather3A_731, %gather3A_732 : vector<16xf32>
        %max3A_734 = arith.constant 0.000000e+00 : f32
        %max3A_735 = vector.broadcast %max3A_734 : f32 to vector<16xf32>
        %max3A_736 = arith.maximumf %add3A_733, %max3A_735 : vector<16xf32>
        %mul3A_737 = arith.mulf %max3A_736, %get3A_41 : vector<16xf32>
        %add3A_738 = arith.addf %add3A_730, %mul3A_737 : vector<16xf32>
        %gather3A_739 = tpu.vector_load_idx %arg10[%add3A_660, %and3A_132] : memref<2400x16xf32, #tpu.memory_space<vmem>>[vector<16xi32>, vector<16xi32>], vector<16xf32>,
        %gather3A_740 = tpu.vector_load_idx %arg11[%add3A_660, %and3A_132] : memref<2400x16xf32, #tpu.memory_space<vmem>>[vector<16xi32>, vector<16xi32>], vector<16xf32>,
        %add3A_741 = arith.addf %gather3A_739, %gather3A_740 : vector<16xf32>
        %max3A_742 = arith.constant 0.000000e+00 : f32
        %max3A_743 = vector.broadcast %max3A_742 : f32 to vector<16xf32>
        %max3A_744 = arith.maximumf %add3A_741, %max3A_743 : vector<16xf32>
        %mul3A_745 = arith.mulf %max3A_744, %get3A_45 : vector<16xf32>
        %add3A_746 = arith.addf %add3A_738, %mul3A_745 : vector<16xf32>
        %gather3A_747 = tpu.vector_load_idx %arg10[%add3A_660, %and3A_138] : memref<2400x16xf32, #tpu.memory_space<vmem>>[vector<16xi32>, vector<16xi32>], vector<16xf32>,
        %gather3A_748 = tpu.vector_load_idx %arg11[%add3A_660, %and3A_138] : memref<2400x16xf32, #tpu.memory_space<vmem>>[vector<16xi32>, vector<16xi32>], vector<16xf32>,
        %add3A_749 = arith.addf %gather3A_747, %gather3A_748 : vector<16xf32>
        %max3A_750 = arith.constant 0.000000e+00 : f32
        %max3A_751 = vector.broadcast %max3A_750 : f32 to vector<16xf32>
        %max3A_752 = arith.maximumf %add3A_749, %max3A_751 : vector<16xf32>
        %mul3A_753 = arith.mulf %max3A_752, %get3A_49 : vector<16xf32>
        %add3A_754 = arith.addf %add3A_746, %mul3A_753 : vector<16xf32>
        %gather3A_755 = tpu.vector_load_idx %arg10[%add3A_660, %and3A_144] : memref<2400x16xf32, #tpu.memory_space<vmem>>[vector<16xi32>, vector<16xi32>], vector<16xf32>,
        %gather3A_756 = tpu.vector_load_idx %arg11[%add3A_660, %and3A_144] : memref<2400x16xf32, #tpu.memory_space<vmem>>[vector<16xi32>, vector<16xi32>], vector<16xf32>,
        %add3A_757 = arith.addf %gather3A_755, %gather3A_756 : vector<16xf32>
        %max3A_758 = arith.constant 0.000000e+00 : f32
        %max3A_759 = vector.broadcast %max3A_758 : f32 to vector<16xf32>
        %max3A_760 = arith.maximumf %add3A_757, %max3A_759 : vector<16xf32>
        %mul3A_761 = arith.mulf %max3A_760, %get3A_53 : vector<16xf32>
        %add3A_762 = arith.addf %add3A_754, %mul3A_761 : vector<16xf32>
        %gather3A_763 = tpu.vector_load_idx %arg10[%add3A_660, %and3A_150] : memref<2400x16xf32, #tpu.memory_space<vmem>>[vector<16xi32>, vector<16xi32>], vector<16xf32>,
        %gather3A_764 = tpu.vector_load_idx %arg11[%add3A_660, %and3A_150] : memref<2400x16xf32, #tpu.memory_space<vmem>>[vector<16xi32>, vector<16xi32>], vector<16xf32>,
        %add3A_765 = arith.addf %gather3A_763, %gather3A_764 : vector<16xf32>
        %max3A_766 = arith.constant 0.000000e+00 : f32
        %max3A_767 = vector.broadcast %max3A_766 : f32 to vector<16xf32>
        %max3A_768 = arith.maximumf %add3A_765, %max3A_767 : vector<16xf32>
        %mul3A_769 = arith.mulf %max3A_768, %get3A_57 : vector<16xf32>
        %add3A_770 = arith.addf %add3A_762, %mul3A_769 : vector<16xf32>
        %gather3A_771 = tpu.vector_load_idx %arg10[%add3A_660, %and3A_156] : memref<2400x16xf32, #tpu.memory_space<vmem>>[vector<16xi32>, vector<16xi32>], vector<16xf32>,
        %gather3A_772 = tpu.vector_load_idx %arg11[%add3A_660, %and3A_156] : memref<2400x16xf32, #tpu.memory_space<vmem>>[vector<16xi32>, vector<16xi32>], vector<16xf32>,
        %add3A_773 = arith.addf %gather3A_771, %gather3A_772 : vector<16xf32>
        %max3A_774 = arith.constant 0.000000e+00 : f32
        %max3A_775 = vector.broadcast %max3A_774 : f32 to vector<16xf32>
        %max3A_776 = arith.maximumf %add3A_773, %max3A_775 : vector<16xf32>
        %mul3A_777 = arith.mulf %max3A_776, %get3A_61 : vector<16xf32>
        %add3A_778 = arith.addf %add3A_770, %mul3A_777 : vector<16xf32>
        %gather3A_779 = tpu.vector_load_idx %arg10[%add3A_660, %and3A_162] : memref<2400x16xf32, #tpu.memory_space<vmem>>[vector<16xi32>, vector<16xi32>], vector<16xf32>,
        %gather3A_780 = tpu.vector_load_idx %arg11[%add3A_660, %and3A_162] : memref<2400x16xf32, #tpu.memory_space<vmem>>[vector<16xi32>, vector<16xi32>], vector<16xf32>,
        %add3A_781 = arith.addf %gather3A_779, %gather3A_780 : vector<16xf32>
        %max3A_782 = arith.constant 0.000000e+00 : f32
        %max3A_783 = vector.broadcast %max3A_782 : f32 to vector<16xf32>
        %max3A_784 = arith.maximumf %add3A_781, %max3A_783 : vector<16xf32>
        %mul3A_785 = arith.mulf %max3A_784, %get3A_65 : vector<16xf32>
        %add3A_786 = arith.addf %add3A_778, %mul3A_785 : vector<16xf32>
        %neg3A = arith.constant 0.000000e+00 : f32
        %neg3A_787 = vector.broadcast %neg3A : f32 to vector<16xf32>
        %neg3A_788 = arith.subf %neg3A_787, %add3A_786 : vector<16xf32>
        %exp3A = math.exp %neg3A_788 : vector<16xf32>
        %add3A_789 = arith.constant 1.000000e+00 : f32
        %add3A_790 = vector.broadcast %add3A_789 : f32 to vector<16xf32>
        %add3A_791 = arith.addf %add3A_790, %exp3A : vector<16xf32>
        %div3A = arith.constant 1.000000e+00 : f32
        %div3A_792 = vector.broadcast %div3A : f32 to vector<16xf32>
        %div3A_793 = arith.divf %div3A_792, %add3A_791 : vector<16xf32>
        %mul3A_794 = arith.constant 16 : i32
        %mul3A_795 = arith.muli %scan3A_654, %mul3A_794 : i32
        %swap3A = arith.constant 2 : i32
        %swap3A_796 = arith.index_cast %swap3A : i32 to index
        %swap3A_797 = arith.index_cast %mul3A_795 : i32 to index
        %swap3A_798 = tpu.vector_load %arg12[%swap3A_796, %swap3A_797] {strides = array<i32>} : memref<3x800xf32, #tpu.memory_space<vmem>>, vector<16xf32>,
        tpu.vector_store %arg12[%swap3A_796, %swap3A_797], %div3A_793 {strides = array<i32>} : memref<3x800xf32, #tpu.memory_space<vmem>>, vector<16xf32>,
      }
      %scan3A_641 = arith.constant 50 : i32
      %mul3A_642 = arith.constant 800 : i32
      %mul3A_643 = arith.muli %add3A_594, %mul3A_642 : i32
      %add3A_644 = arith.addi %mul3A_2, %mul3A_643 : i32
      %dma_start3A_645 = arith.constant 2 : i32
      %dma_start3A_646 = arith.constant 0 : i32
      %dma_start3A_647 = tpu.memref_slice %arg12[%dma_start3A_645, %dma_start3A_646] : memref<3x800xf32, #tpu.memory_space<vmem>> -> memref<1x800xf32, #tpu.memory_space<vmem>>
      %dma_start3A_648 = tpu.memref_squeeze %dma_start3A_647 : memref<1x800xf32, #tpu.memory_space<vmem>> -> memref<800xf32, #tpu.memory_space<vmem>>
      %dma_start3A_649 = tpu.memref_slice %arg7[%add3A_644] : memref<3200000xf32, #tpu.memory_space<hbm>> -> memref<800xf32, #tpu.memory_space<hbm>>
      %dma_start3A_650 = tpu.memref_slice %arg7[%add3A_644] : memref<3200000xf32, #tpu.memory_space<hbm>> -> memref<800xf32, #tpu.memory_space<hbm>>
      %dma_start3A_651 = arith.constant 0 : i32
      %dma_start3A_652 = tpu.memref_slice %arg12[%dma_start3A_645, %dma_start3A_651] : memref<3x800xf32, #tpu.memory_space<vmem>> -> memref<1x800xf32, #tpu.memory_space<vmem>>
      %dma_start3A_653 = tpu.memref_squeeze %dma_start3A_652 : memref<1x800xf32, #tpu.memory_space<vmem>> -> memref<800xf32, #tpu.memory_space<vmem>>
      tpu.enqueue_dma source(%dma_start3A_653 : memref<800xf32, #tpu.memory_space<vmem>>) target(%dma_start3A_650 : memref<800xf32, #tpu.memory_space<hbm>>) target_semaphore(%arg23 : memref<!tpu.dma_semaphore, #tpu.memory_space<semaphore_mem>>)
    }
    %scan3A_339 = arith.constant 41 : i32
    %dma_wait3A_340 = arith.constant 0 : i32
    %dma_wait3A_341 = arith.constant 0 : i32
    %dma_wait3A_342 = arith.constant 0 : i32
    %dma_wait3A_343 = tpu.memref_slice %arg10[%dma_wait3A_341, %dma_wait3A_342] : memref<2400x16xf32, #tpu.memory_space<vmem>> -> memref<800x16xf32, #tpu.memory_space<vmem>>
    %dma_wait3A_344 = arith.constant 0 : i32
    %dma_wait3A_345 = tpu.memref_slice %arg8[%dma_wait3A_340, %dma_wait3A_344] : memref<3x800xi32, #tpu.memory_space<vmem>> -> memref<1x800xi32, #tpu.memory_space<vmem>>
    %dma_wait3A_346 = tpu.memref_squeeze %dma_wait3A_345 : memref<1x800xi32, #tpu.memory_space<vmem>> -> memref<800xi32, #tpu.memory_space<vmem>>
    %dma_wait3A_347 = arith.constant 0 : i32
    %dma_wait3A_348 = arith.constant 0 : i32
    %dma_wait3A_349 = tpu.memref_slice %arg2[%dma_wait3A_347, %dma_wait3A_348] : memref<100000x16xf32, #tpu.memory_space<hbm>> -> memref<100000x16xf32, #tpu.memory_space<hbm>>
    tpu.wait_indirect_dma semaphore(%arg18 : memref<!tpu.dma_semaphore, #tpu.memory_space<semaphore_mem>>) src(%dma_wait3A_349 : memref<100000x16xf32, #tpu.memory_space<hbm>>) dst(%dma_wait3A_343 : memref<800x16xf32, #tpu.memory_space<vmem>>)
    %dma_wait3A_350 = arith.constant 0 : i32
    %dma_wait3A_351 = arith.constant 0 : i32
    %dma_wait3A_352 = arith.constant 0 : i32
    %dma_wait3A_353 = tpu.memref_slice %arg11[%dma_wait3A_351, %dma_wait3A_352] : memref<2400x16xf32, #tpu.memory_space<vmem>> -> memref<800x16xf32, #tpu.memory_space<vmem>>
    %dma_wait3A_354 = arith.constant 0 : i32
    %dma_wait3A_355 = tpu.memref_slice %arg9[%dma_wait3A_350, %dma_wait3A_354] : memref<3x800xi32, #tpu.memory_space<vmem>> -> memref<1x800xi32, #tpu.memory_space<vmem>>
    %dma_wait3A_356 = tpu.memref_squeeze %dma_wait3A_355 : memref<1x800xi32, #tpu.memory_space<vmem>> -> memref<800xi32, #tpu.memory_space<vmem>>
    %dma_wait3A_357 = arith.constant 0 : i32
    %dma_wait3A_358 = arith.constant 0 : i32
    %dma_wait3A_359 = tpu.memref_slice %arg3[%dma_wait3A_357, %dma_wait3A_358] : memref<100000x16xf32, #tpu.memory_space<hbm>> -> memref<100000x16xf32, #tpu.memory_space<hbm>>
    tpu.wait_indirect_dma semaphore(%arg18 : memref<!tpu.dma_semaphore, #tpu.memory_space<semaphore_mem>>) src(%dma_wait3A_359 : memref<100000x16xf32, #tpu.memory_space<hbm>>) dst(%dma_wait3A_353 : memref<800x16xf32, #tpu.memory_space<vmem>>)
    %dma_wait3A_360 = arith.constant 0 : i32
    %dma_wait3A_361 = arith.constant 0 : i32
    %dma_wait3A_362 = tpu.memref_slice %arg12[%dma_wait3A_360, %dma_wait3A_361] : memref<3x800xf32, #tpu.memory_space<vmem>> -> memref<1x800xf32, #tpu.memory_space<vmem>>
    %dma_wait3A_363 = tpu.memref_squeeze %dma_wait3A_362 : memref<1x800xf32, #tpu.memory_space<vmem>> -> memref<800xf32, #tpu.memory_space<vmem>>
    %dma_wait3A_364 = arith.constant 0 : i32
    %dma_wait3A_365 = tpu.memref_slice %arg7[%dma_wait3A_364] : memref<3200000xf32, #tpu.memory_space<hbm>> -> memref<800xf32, #tpu.memory_space<hbm>>
    %dma_wait3A_366 = arith.constant 0 : i32
    %dma_wait3A_367 = tpu.memref_slice %arg7[%dma_wait3A_366] : memref<3200000xf32, #tpu.memory_space<hbm>> -> memref<800xf32, #tpu.memory_space<hbm>>
    %dma_wait3A_368 = arith.constant 0 : i32
    %dma_wait3A_369 = tpu.memref_slice %arg12[%dma_wait3A_360, %dma_wait3A_368] : memref<3x800xf32, #tpu.memory_space<vmem>> -> memref<1x800xf32, #tpu.memory_space<vmem>>
    %dma_wait3A_370 = tpu.memref_squeeze %dma_wait3A_369 : memref<1x800xf32, #tpu.memory_space<vmem>> -> memref<800xf32, #tpu.memory_space<vmem>>
    tpu.wait_dma2 semaphore(%arg21 : memref<!tpu.dma_semaphore, #tpu.memory_space<semaphore_mem>>) src(%dma_wait3A_370 : memref<800xf32, #tpu.memory_space<vmem>>) dst(%dma_wait3A_367 : memref<800xf32, #tpu.memory_space<hbm>>)
    %scan3A_371 = arith.constant 0 : i32
    %scan3A_372 = arith.constant 0 : i32
    %scan3A_373 = arith.constant 50 : i32
    %scan3A_374 = arith.addi %scan3A_372, %scan3A_373 : i32
    %scan3A_375 = arith.constant 1 : i32
    scf.for %scan3A_469 = %scan3A_372 to %scan3A_374 step %scan3A_375  : i32 {
      %mul3A_470 = arith.constant 16 : i32
      %mul3A_471 = arith.muli %scan3A_469, %mul3A_470 : i32
      %add3A_472 = arith.constant 0 : i32
      %add3A_473 = arith.addi %add3A_472, %mul3A_471 : i32
      %add3A_474 = vector.broadcast %add3A_473 : i32 to vector<16xi32>
      %add3A_475 = arith.addi %add3A_474, %iota3A : vector<16xi32>
      %gather3A = tpu.vector_load_idx %arg10[%add3A_475, %and3A_72] : memref<2400x16xf32, #tpu.memory_space<vmem>>[vector<16xi32>, vector<16xi32>], vector<16xf32>,
      %gather3A_476 = tpu.vector_load_idx %arg11[%add3A_475, %and3A_72] : memref<2400x16xf32, #tpu.memory_space<vmem>>[vector<16xi32>, vector<16xi32>], vector<16xf32>,
      %add3A_477 = arith.addf %gather3A, %gather3A_476 : vector<16xf32>
      %max3A = arith.constant 0.000000e+00 : f32
      %max3A_478 = vector.broadcast %max3A : f32 to vector<16xf32>
      %max3A_479 = arith.maximumf %add3A_477, %max3A_478 : vector<16xf32>
      %mul3A_480 = arith.mulf %max3A_479, %get3A_5 : vector<16xf32>
      %add3A_481 = arith.addf %get3A_67, %mul3A_480 : vector<16xf32>
      %gather3A_482 = tpu.vector_load_idx %arg10[%add3A_475, %and3A_78] : memref<2400x16xf32, #tpu.memory_space<vmem>>[vector<16xi32>, vector<16xi32>], vector<16xf32>,
      %gather3A_483 = tpu.vector_load_idx %arg11[%add3A_475, %and3A_78] : memref<2400x16xf32, #tpu.memory_space<vmem>>[vector<16xi32>, vector<16xi32>], vector<16xf32>,
      %add3A_484 = arith.addf %gather3A_482, %gather3A_483 : vector<16xf32>
      %max3A_485 = arith.constant 0.000000e+00 : f32
      %max3A_486 = vector.broadcast %max3A_485 : f32 to vector<16xf32>
      %max3A_487 = arith.maximumf %add3A_484, %max3A_486 : vector<16xf32>
      %mul3A_488 = arith.mulf %max3A_487, %get3A_9 : vector<16xf32>
      %add3A_489 = arith.addf %add3A_481, %mul3A_488 : vector<16xf32>
      %gather3A_490 = tpu.vector_load_idx %arg10[%add3A_475, %and3A_84] : memref<2400x16xf32, #tpu.memory_space<vmem>>[vector<16xi32>, vector<16xi32>], vector<16xf32>,
      %gather3A_491 = tpu.vector_load_idx %arg11[%add3A_475, %and3A_84] : memref<2400x16xf32, #tpu.memory_space<vmem>>[vector<16xi32>, vector<16xi32>], vector<16xf32>,
      %add3A_492 = arith.addf %gather3A_490, %gather3A_491 : vector<16xf32>
      %max3A_493 = arith.constant 0.000000e+00 : f32
      %max3A_494 = vector.broadcast %max3A_493 : f32 to vector<16xf32>
      %max3A_495 = arith.maximumf %add3A_492, %max3A_494 : vector<16xf32>
      %mul3A_496 = arith.mulf %max3A_495, %get3A_13 : vector<16xf32>
      %add3A_497 = arith.addf %add3A_489, %mul3A_496 : vector<16xf32>
      %gather3A_498 = tpu.vector_load_idx %arg10[%add3A_475, %and3A_90] : memref<2400x16xf32, #tpu.memory_space<vmem>>[vector<16xi32>, vector<16xi32>], vector<16xf32>,
      %gather3A_499 = tpu.vector_load_idx %arg11[%add3A_475, %and3A_90] : memref<2400x16xf32, #tpu.memory_space<vmem>>[vector<16xi32>, vector<16xi32>], vector<16xf32>,
      %add3A_500 = arith.addf %gather3A_498, %gather3A_499 : vector<16xf32>
      %max3A_501 = arith.constant 0.000000e+00 : f32
      %max3A_502 = vector.broadcast %max3A_501 : f32 to vector<16xf32>
      %max3A_503 = arith.maximumf %add3A_500, %max3A_502 : vector<16xf32>
      %mul3A_504 = arith.mulf %max3A_503, %get3A_17 : vector<16xf32>
      %add3A_505 = arith.addf %add3A_497, %mul3A_504 : vector<16xf32>
      %gather3A_506 = tpu.vector_load_idx %arg10[%add3A_475, %and3A_96] : memref<2400x16xf32, #tpu.memory_space<vmem>>[vector<16xi32>, vector<16xi32>], vector<16xf32>,
      %gather3A_507 = tpu.vector_load_idx %arg11[%add3A_475, %and3A_96] : memref<2400x16xf32, #tpu.memory_space<vmem>>[vector<16xi32>, vector<16xi32>], vector<16xf32>,
      %add3A_508 = arith.addf %gather3A_506, %gather3A_507 : vector<16xf32>
      %max3A_509 = arith.constant 0.000000e+00 : f32
      %max3A_510 = vector.broadcast %max3A_509 : f32 to vector<16xf32>
      %max3A_511 = arith.maximumf %add3A_508, %max3A_510 : vector<16xf32>
      %mul3A_512 = arith.mulf %max3A_511, %get3A_21 : vector<16xf32>
      %add3A_513 = arith.addf %add3A_505, %mul3A_512 : vector<16xf32>
      %gather3A_514 = tpu.vector_load_idx %arg10[%add3A_475, %and3A_102] : memref<2400x16xf32, #tpu.memory_space<vmem>>[vector<16xi32>, vector<16xi32>], vector<16xf32>,
      %gather3A_515 = tpu.vector_load_idx %arg11[%add3A_475, %and3A_102] : memref<2400x16xf32, #tpu.memory_space<vmem>>[vector<16xi32>, vector<16xi32>], vector<16xf32>,
      %add3A_516 = arith.addf %gather3A_514, %gather3A_515 : vector<16xf32>
      %max3A_517 = arith.constant 0.000000e+00 : f32
      %max3A_518 = vector.broadcast %max3A_517 : f32 to vector<16xf32>
      %max3A_519 = arith.maximumf %add3A_516, %max3A_518 : vector<16xf32>
      %mul3A_520 = arith.mulf %max3A_519, %get3A_25 : vector<16xf32>
      %add3A_521 = arith.addf %add3A_513, %mul3A_520 : vector<16xf32>
      %gather3A_522 = tpu.vector_load_idx %arg10[%add3A_475, %and3A_108] : memref<2400x16xf32, #tpu.memory_space<vmem>>[vector<16xi32>, vector<16xi32>], vector<16xf32>,
      %gather3A_523 = tpu.vector_load_idx %arg11[%add3A_475, %and3A_108] : memref<2400x16xf32, #tpu.memory_space<vmem>>[vector<16xi32>, vector<16xi32>], vector<16xf32>,
      %add3A_524 = arith.addf %gather3A_522, %gather3A_523 : vector<16xf32>
      %max3A_525 = arith.constant 0.000000e+00 : f32
      %max3A_526 = vector.broadcast %max3A_525 : f32 to vector<16xf32>
      %max3A_527 = arith.maximumf %add3A_524, %max3A_526 : vector<16xf32>
      %mul3A_528 = arith.mulf %max3A_527, %get3A_29 : vector<16xf32>
      %add3A_529 = arith.addf %add3A_521, %mul3A_528 : vector<16xf32>
      %gather3A_530 = tpu.vector_load_idx %arg10[%add3A_475, %and3A_114] : memref<2400x16xf32, #tpu.memory_space<vmem>>[vector<16xi32>, vector<16xi32>], vector<16xf32>,
      %gather3A_531 = tpu.vector_load_idx %arg11[%add3A_475, %and3A_114] : memref<2400x16xf32, #tpu.memory_space<vmem>>[vector<16xi32>, vector<16xi32>], vector<16xf32>,
      %add3A_532 = arith.addf %gather3A_530, %gather3A_531 : vector<16xf32>
      %max3A_533 = arith.constant 0.000000e+00 : f32
      %max3A_534 = vector.broadcast %max3A_533 : f32 to vector<16xf32>
      %max3A_535 = arith.maximumf %add3A_532, %max3A_534 : vector<16xf32>
      %mul3A_536 = arith.mulf %max3A_535, %get3A_33 : vector<16xf32>
      %add3A_537 = arith.addf %add3A_529, %mul3A_536 : vector<16xf32>
      %gather3A_538 = tpu.vector_load_idx %arg10[%add3A_475, %and3A_120] : memref<2400x16xf32, #tpu.memory_space<vmem>>[vector<16xi32>, vector<16xi32>], vector<16xf32>,
      %gather3A_539 = tpu.vector_load_idx %arg11[%add3A_475, %and3A_120] : memref<2400x16xf32, #tpu.memory_space<vmem>>[vector<16xi32>, vector<16xi32>], vector<16xf32>,
      %add3A_540 = arith.addf %gather3A_538, %gather3A_539 : vector<16xf32>
      %max3A_541 = arith.constant 0.000000e+00 : f32
      %max3A_542 = vector.broadcast %max3A_541 : f32 to vector<16xf32>
      %max3A_543 = arith.maximumf %add3A_540, %max3A_542 : vector<16xf32>
      %mul3A_544 = arith.mulf %max3A_543, %get3A_37 : vector<16xf32>
      %add3A_545 = arith.addf %add3A_537, %mul3A_544 : vector<16xf32>
      %gather3A_546 = tpu.vector_load_idx %arg10[%add3A_475, %and3A_126] : memref<2400x16xf32, #tpu.memory_space<vmem>>[vector<16xi32>, vector<16xi32>], vector<16xf32>,
      %gather3A_547 = tpu.vector_load_idx %arg11[%add3A_475, %and3A_126] : memref<2400x16xf32, #tpu.memory_space<vmem>>[vector<16xi32>, vector<16xi32>], vector<16xf32>,
      %add3A_548 = arith.addf %gather3A_546, %gather3A_547 : vector<16xf32>
      %max3A_549 = arith.constant 0.000000e+00 : f32
      %max3A_550 = vector.broadcast %max3A_549 : f32 to vector<16xf32>
      %max3A_551 = arith.maximumf %add3A_548, %max3A_550 : vector<16xf32>
      %mul3A_552 = arith.mulf %max3A_551, %get3A_41 : vector<16xf32>
      %add3A_553 = arith.addf %add3A_545, %mul3A_552 : vector<16xf32>
      %gather3A_554 = tpu.vector_load_idx %arg10[%add3A_475, %and3A_132] : memref<2400x16xf32, #tpu.memory_space<vmem>>[vector<16xi32>, vector<16xi32>], vector<16xf32>,
      %gather3A_555 = tpu.vector_load_idx %arg11[%add3A_475, %and3A_132] : memref<2400x16xf32, #tpu.memory_space<vmem>>[vector<16xi32>, vector<16xi32>], vector<16xf32>,
      %add3A_556 = arith.addf %gather3A_554, %gather3A_555 : vector<16xf32>
      %max3A_557 = arith.constant 0.000000e+00 : f32
      %max3A_558 = vector.broadcast %max3A_557 : f32 to vector<16xf32>
      %max3A_559 = arith.maximumf %add3A_556, %max3A_558 : vector<16xf32>
      %mul3A_560 = arith.mulf %max3A_559, %get3A_45 : vector<16xf32>
      %add3A_561 = arith.addf %add3A_553, %mul3A_560 : vector<16xf32>
      %gather3A_562 = tpu.vector_load_idx %arg10[%add3A_475, %and3A_138] : memref<2400x16xf32, #tpu.memory_space<vmem>>[vector<16xi32>, vector<16xi32>], vector<16xf32>,
      %gather3A_563 = tpu.vector_load_idx %arg11[%add3A_475, %and3A_138] : memref<2400x16xf32, #tpu.memory_space<vmem>>[vector<16xi32>, vector<16xi32>], vector<16xf32>,
      %add3A_564 = arith.addf %gather3A_562, %gather3A_563 : vector<16xf32>
      %max3A_565 = arith.constant 0.000000e+00 : f32
      %max3A_566 = vector.broadcast %max3A_565 : f32 to vector<16xf32>
      %max3A_567 = arith.maximumf %add3A_564, %max3A_566 : vector<16xf32>
      %mul3A_568 = arith.mulf %max3A_567, %get3A_49 : vector<16xf32>
      %add3A_569 = arith.addf %add3A_561, %mul3A_568 : vector<16xf32>
      %gather3A_570 = tpu.vector_load_idx %arg10[%add3A_475, %and3A_144] : memref<2400x16xf32, #tpu.memory_space<vmem>>[vector<16xi32>, vector<16xi32>], vector<16xf32>,
      %gather3A_571 = tpu.vector_load_idx %arg11[%add3A_475, %and3A_144] : memref<2400x16xf32, #tpu.memory_space<vmem>>[vector<16xi32>, vector<16xi32>], vector<16xf32>,
      %add3A_572 = arith.addf %gather3A_570, %gather3A_571 : vector<16xf32>
      %max3A_573 = arith.constant 0.000000e+00 : f32
      %max3A_574 = vector.broadcast %max3A_573 : f32 to vector<16xf32>
      %max3A_575 = arith.maximumf %add3A_572, %max3A_574 : vector<16xf32>
      %mul3A_576 = arith.mulf %max3A_575, %get3A_53 : vector<16xf32>
      %add3A_577 = arith.addf %add3A_569, %mul3A_576 : vector<16xf32>
      %gather3A_578 = tpu.vector_load_idx %arg10[%add3A_475, %and3A_150] : memref<2400x16xf32, #tpu.memory_space<vmem>>[vector<16xi32>, vector<16xi32>], vector<16xf32>,
      %gather3A_579 = tpu.vector_load_idx %arg11[%add3A_475, %and3A_150] : memref<2400x16xf32, #tpu.memory_space<vmem>>[vector<16xi32>, vector<16xi32>], vector<16xf32>,
      %add3A_580 = arith.addf %gather3A_578, %gather3A_579 : vector<16xf32>
      %max3A_581 = arith.constant 0.000000e+00 : f32
      %max3A_582 = vector.broadcast %max3A_581 : f32 to vector<16xf32>
      %max3A_583 = arith.maximumf %add3A_580, %max3A_582 : vector<16xf32>
      %mul3A_584 = arith.mulf %max3A_583, %get3A_57 : vector<16xf32>
      %add3A_585 = arith.addf %add3A_577, %mul3A_584 : vector<16xf32>
      %gather3A_586 = tpu.vector_load_idx %arg10[%add3A_475, %and3A_156] : memref<2400x16xf32, #tpu.memory_space<vmem>>[vector<16xi32>, vector<16xi32>], vector<16xf32>,
      %gather3A_587 = tpu.vector_load_idx %arg11[%add3A_475, %and3A_156] : memref<2400x16xf32, #tpu.memory_space<vmem>>[vector<16xi32>, vector<16xi32>], vector<16xf32>,
      %add3A_588 = arith.addf %gather3A_586, %gather3A_587 : vector<16xf32>
      %max3A_589 = arith.constant 0.000000e+00 : f32
      %max3A_590 = vector.broadcast %max3A_589 : f32 to vector<16xf32>
      %max3A_591 = arith.maximumf %add3A_588, %max3A_590 : vector<16xf32>
      %mul3A_592 = arith.mulf %max3A_591, %get3A_61 : vector<16xf32>
      %add3A_593 = arith.addf %add3A_585, %mul3A_592 : vector<16xf32>
      %gather3A_594 = tpu.vector_load_idx %arg10[%add3A_475, %and3A_162] : memref<2400x16xf32, #tpu.memory_space<vmem>>[vector<16xi32>, vector<16xi32>], vector<16xf32>,
      %gather3A_595 = tpu.vector_load_idx %arg11[%add3A_475, %and3A_162] : memref<2400x16xf32, #tpu.memory_space<vmem>>[vector<16xi32>, vector<16xi32>], vector<16xf32>,
      %add3A_596 = arith.addf %gather3A_594, %gather3A_595 : vector<16xf32>
      %max3A_597 = arith.constant 0.000000e+00 : f32
      %max3A_598 = vector.broadcast %max3A_597 : f32 to vector<16xf32>
      %max3A_599 = arith.maximumf %add3A_596, %max3A_598 : vector<16xf32>
      %mul3A_600 = arith.mulf %max3A_599, %get3A_65 : vector<16xf32>
      %add3A_601 = arith.addf %add3A_593, %mul3A_600 : vector<16xf32>
      %neg3A = arith.constant 0.000000e+00 : f32
      %neg3A_602 = vector.broadcast %neg3A : f32 to vector<16xf32>
      %neg3A_603 = arith.subf %neg3A_602, %add3A_601 : vector<16xf32>
      %exp3A = math.exp %neg3A_603 : vector<16xf32>
      %add3A_604 = arith.constant 1.000000e+00 : f32
      %add3A_605 = vector.broadcast %add3A_604 : f32 to vector<16xf32>
      %add3A_606 = arith.addf %add3A_605, %exp3A : vector<16xf32>
      %div3A = arith.constant 1.000000e+00 : f32
      %div3A_607 = vector.broadcast %div3A : f32 to vector<16xf32>
      %div3A_608 = arith.divf %div3A_607, %add3A_606 : vector<16xf32>
      %mul3A_609 = arith.constant 16 : i32
      %mul3A_610 = arith.muli %scan3A_469, %mul3A_609 : i32
      %swap3A = arith.constant 0 : i32
      %swap3A_611 = arith.index_cast %swap3A : i32 to index
      %swap3A_612 = arith.index_cast %mul3A_610 : i32 to index
      %swap3A_613 = tpu.vector_load %arg12[%swap3A_611, %swap3A_612] {strides = array<i32>} : memref<3x800xf32, #tpu.memory_space<vmem>>, vector<16xf32>,
      tpu.vector_store %arg12[%swap3A_611, %swap3A_612], %div3A_608 {strides = array<i32>} : memref<3x800xf32, #tpu.memory_space<vmem>>, vector<16xf32>,
    }
    %scan3A_376 = arith.constant 50 : i32
    %add3A_377 = arith.constant 98400 : i32
    %add3A_378 = arith.addi %mul3A_2, %add3A_377 : i32
    %dma_start3A_379 = arith.constant 0 : i32
    %dma_start3A_380 = arith.constant 0 : i32
    %dma_start3A_381 = tpu.memref_slice %arg12[%dma_start3A_379, %dma_start3A_380] : memref<3x800xf32, #tpu.memory_space<vmem>> -> memref<1x800xf32, #tpu.memory_space<vmem>>
    %dma_start3A_382 = tpu.memref_squeeze %dma_start3A_381 : memref<1x800xf32, #tpu.memory_space<vmem>> -> memref<800xf32, #tpu.memory_space<vmem>>
    %dma_start3A_383 = tpu.memref_slice %arg7[%add3A_378] : memref<3200000xf32, #tpu.memory_space<hbm>> -> memref<800xf32, #tpu.memory_space<hbm>>
    %dma_start3A_384 = tpu.memref_slice %arg7[%add3A_378] : memref<3200000xf32, #tpu.memory_space<hbm>> -> memref<800xf32, #tpu.memory_space<hbm>>
    %dma_start3A_385 = arith.constant 0 : i32
    %dma_start3A_386 = tpu.memref_slice %arg12[%dma_start3A_379, %dma_start3A_385] : memref<3x800xf32, #tpu.memory_space<vmem>> -> memref<1x800xf32, #tpu.memory_space<vmem>>
    %dma_start3A_387 = tpu.memref_squeeze %dma_start3A_386 : memref<1x800xf32, #tpu.memory_space<vmem>> -> memref<800xf32, #tpu.memory_space<vmem>>
    tpu.enqueue_dma source(%dma_start3A_387 : memref<800xf32, #tpu.memory_space<vmem>>) target(%dma_start3A_384 : memref<800xf32, #tpu.memory_space<hbm>>) target_semaphore(%arg21 : memref<!tpu.dma_semaphore, #tpu.memory_space<semaphore_mem>>)
    %dma_wait3A_388 = arith.constant 1 : i32
    %dma_wait3A_389 = arith.constant 800 : i32
    %dma_wait3A_390 = arith.constant 0 : i32
    %dma_wait3A_391 = tpu.memref_slice %arg10[%dma_wait3A_389, %dma_wait3A_390] : memref<2400x16xf32, #tpu.memory_space<vmem>> -> memref<800x16xf32, #tpu.memory_space<vmem>>
    %dma_wait3A_392 = arith.constant 0 : i32
    %dma_wait3A_393 = tpu.memref_slice %arg8[%dma_wait3A_388, %dma_wait3A_392] : memref<3x800xi32, #tpu.memory_space<vmem>> -> memref<1x800xi32, #tpu.memory_space<vmem>>
    %dma_wait3A_394 = tpu.memref_squeeze %dma_wait3A_393 : memref<1x800xi32, #tpu.memory_space<vmem>> -> memref<800xi32, #tpu.memory_space<vmem>>
    %dma_wait3A_395 = arith.constant 0 : i32
    %dma_wait3A_396 = arith.constant 0 : i32
    %dma_wait3A_397 = tpu.memref_slice %arg2[%dma_wait3A_395, %dma_wait3A_396] : memref<100000x16xf32, #tpu.memory_space<hbm>> -> memref<100000x16xf32, #tpu.memory_space<hbm>>
    tpu.wait_indirect_dma semaphore(%arg19 : memref<!tpu.dma_semaphore, #tpu.memory_space<semaphore_mem>>) src(%dma_wait3A_397 : memref<100000x16xf32, #tpu.memory_space<hbm>>) dst(%dma_wait3A_391 : memref<800x16xf32, #tpu.memory_space<vmem>>)
    %dma_wait3A_398 = arith.constant 1 : i32
    %dma_wait3A_399 = arith.constant 800 : i32
    %dma_wait3A_400 = arith.constant 0 : i32
    %dma_wait3A_401 = tpu.memref_slice %arg11[%dma_wait3A_399, %dma_wait3A_400] : memref<2400x16xf32, #tpu.memory_space<vmem>> -> memref<800x16xf32, #tpu.memory_space<vmem>>
    %dma_wait3A_402 = arith.constant 0 : i32
    %dma_wait3A_403 = tpu.memref_slice %arg9[%dma_wait3A_398, %dma_wait3A_402] : memref<3x800xi32, #tpu.memory_space<vmem>> -> memref<1x800xi32, #tpu.memory_space<vmem>>
    %dma_wait3A_404 = tpu.memref_squeeze %dma_wait3A_403 : memref<1x800xi32, #tpu.memory_space<vmem>> -> memref<800xi32, #tpu.memory_space<vmem>>
    %dma_wait3A_405 = arith.constant 0 : i32
    %dma_wait3A_406 = arith.constant 0 : i32
    %dma_wait3A_407 = tpu.memref_slice %arg3[%dma_wait3A_405, %dma_wait3A_406] : memref<100000x16xf32, #tpu.memory_space<hbm>> -> memref<100000x16xf32, #tpu.memory_space<hbm>>
    tpu.wait_indirect_dma semaphore(%arg19 : memref<!tpu.dma_semaphore, #tpu.memory_space<semaphore_mem>>) src(%dma_wait3A_407 : memref<100000x16xf32, #tpu.memory_space<hbm>>) dst(%dma_wait3A_401 : memref<800x16xf32, #tpu.memory_space<vmem>>)
    %dma_wait3A_408 = arith.constant 1 : i32
    %dma_wait3A_409 = arith.constant 0 : i32
    %dma_wait3A_410 = tpu.memref_slice %arg12[%dma_wait3A_408, %dma_wait3A_409] : memref<3x800xf32, #tpu.memory_space<vmem>> -> memref<1x800xf32, #tpu.memory_space<vmem>>
    %dma_wait3A_411 = tpu.memref_squeeze %dma_wait3A_410 : memref<1x800xf32, #tpu.memory_space<vmem>> -> memref<800xf32, #tpu.memory_space<vmem>>
    %dma_wait3A_412 = arith.constant 0 : i32
    %dma_wait3A_413 = tpu.memref_slice %arg7[%dma_wait3A_412] : memref<3200000xf32, #tpu.memory_space<hbm>> -> memref<800xf32, #tpu.memory_space<hbm>>
    %dma_wait3A_414 = arith.constant 0 : i32
    %dma_wait3A_415 = tpu.memref_slice %arg7[%dma_wait3A_414] : memref<3200000xf32, #tpu.memory_space<hbm>> -> memref<800xf32, #tpu.memory_space<hbm>>
    %dma_wait3A_416 = arith.constant 0 : i32
    %dma_wait3A_417 = tpu.memref_slice %arg12[%dma_wait3A_408, %dma_wait3A_416] : memref<3x800xf32, #tpu.memory_space<vmem>> -> memref<1x800xf32, #tpu.memory_space<vmem>>
    %dma_wait3A_418 = tpu.memref_squeeze %dma_wait3A_417 : memref<1x800xf32, #tpu.memory_space<vmem>> -> memref<800xf32, #tpu.memory_space<vmem>>
    tpu.wait_dma2 semaphore(%arg22 : memref<!tpu.dma_semaphore, #tpu.memory_space<semaphore_mem>>) src(%dma_wait3A_418 : memref<800xf32, #tpu.memory_space<vmem>>) dst(%dma_wait3A_415 : memref<800xf32, #tpu.memory_space<hbm>>)
    %scan3A_419 = arith.constant 0 : i32
    %scan3A_420 = arith.constant 0 : i32
    %scan3A_421 = arith.constant 50 : i32
    %scan3A_422 = arith.addi %scan3A_420, %scan3A_421 : i32
    %scan3A_423 = arith.constant 1 : i32
    scf.for %scan3A_469 = %scan3A_420 to %scan3A_422 step %scan3A_423  : i32 {
      %mul3A_470 = arith.constant 16 : i32
      %mul3A_471 = arith.muli %scan3A_469, %mul3A_470 : i32
      %add3A_472 = arith.constant 800 : i32
      %add3A_473 = arith.addi %add3A_472, %mul3A_471 : i32
      %add3A_474 = vector.broadcast %add3A_473 : i32 to vector<16xi32>
      %add3A_475 = arith.addi %add3A_474, %iota3A : vector<16xi32>
      %gather3A = tpu.vector_load_idx %arg10[%add3A_475, %and3A_72] : memref<2400x16xf32, #tpu.memory_space<vmem>>[vector<16xi32>, vector<16xi32>], vector<16xf32>,
      %gather3A_476 = tpu.vector_load_idx %arg11[%add3A_475, %and3A_72] : memref<2400x16xf32, #tpu.memory_space<vmem>>[vector<16xi32>, vector<16xi32>], vector<16xf32>,
      %add3A_477 = arith.addf %gather3A, %gather3A_476 : vector<16xf32>
      %max3A = arith.constant 0.000000e+00 : f32
      %max3A_478 = vector.broadcast %max3A : f32 to vector<16xf32>
      %max3A_479 = arith.maximumf %add3A_477, %max3A_478 : vector<16xf32>
      %mul3A_480 = arith.mulf %max3A_479, %get3A_5 : vector<16xf32>
      %add3A_481 = arith.addf %get3A_67, %mul3A_480 : vector<16xf32>
      %gather3A_482 = tpu.vector_load_idx %arg10[%add3A_475, %and3A_78] : memref<2400x16xf32, #tpu.memory_space<vmem>>[vector<16xi32>, vector<16xi32>], vector<16xf32>,
      %gather3A_483 = tpu.vector_load_idx %arg11[%add3A_475, %and3A_78] : memref<2400x16xf32, #tpu.memory_space<vmem>>[vector<16xi32>, vector<16xi32>], vector<16xf32>,
      %add3A_484 = arith.addf %gather3A_482, %gather3A_483 : vector<16xf32>
      %max3A_485 = arith.constant 0.000000e+00 : f32
      %max3A_486 = vector.broadcast %max3A_485 : f32 to vector<16xf32>
      %max3A_487 = arith.maximumf %add3A_484, %max3A_486 : vector<16xf32>
      %mul3A_488 = arith.mulf %max3A_487, %get3A_9 : vector<16xf32>
      %add3A_489 = arith.addf %add3A_481, %mul3A_488 : vector<16xf32>
      %gather3A_490 = tpu.vector_load_idx %arg10[%add3A_475, %and3A_84] : memref<2400x16xf32, #tpu.memory_space<vmem>>[vector<16xi32>, vector<16xi32>], vector<16xf32>,
      %gather3A_491 = tpu.vector_load_idx %arg11[%add3A_475, %and3A_84] : memref<2400x16xf32, #tpu.memory_space<vmem>>[vector<16xi32>, vector<16xi32>], vector<16xf32>,
      %add3A_492 = arith.addf %gather3A_490, %gather3A_491 : vector<16xf32>
      %max3A_493 = arith.constant 0.000000e+00 : f32
      %max3A_494 = vector.broadcast %max3A_493 : f32 to vector<16xf32>
      %max3A_495 = arith.maximumf %add3A_492, %max3A_494 : vector<16xf32>
      %mul3A_496 = arith.mulf %max3A_495, %get3A_13 : vector<16xf32>
      %add3A_497 = arith.addf %add3A_489, %mul3A_496 : vector<16xf32>
      %gather3A_498 = tpu.vector_load_idx %arg10[%add3A_475, %and3A_90] : memref<2400x16xf32, #tpu.memory_space<vmem>>[vector<16xi32>, vector<16xi32>], vector<16xf32>,
      %gather3A_499 = tpu.vector_load_idx %arg11[%add3A_475, %and3A_90] : memref<2400x16xf32, #tpu.memory_space<vmem>>[vector<16xi32>, vector<16xi32>], vector<16xf32>,
      %add3A_500 = arith.addf %gather3A_498, %gather3A_499 : vector<16xf32>
      %max3A_501 = arith.constant 0.000000e+00 : f32
      %max3A_502 = vector.broadcast %max3A_501 : f32 to vector<16xf32>
      %max3A_503 = arith.maximumf %add3A_500, %max3A_502 : vector<16xf32>
      %mul3A_504 = arith.mulf %max3A_503, %get3A_17 : vector<16xf32>
      %add3A_505 = arith.addf %add3A_497, %mul3A_504 : vector<16xf32>
      %gather3A_506 = tpu.vector_load_idx %arg10[%add3A_475, %and3A_96] : memref<2400x16xf32, #tpu.memory_space<vmem>>[vector<16xi32>, vector<16xi32>], vector<16xf32>,
      %gather3A_507 = tpu.vector_load_idx %arg11[%add3A_475, %and3A_96] : memref<2400x16xf32, #tpu.memory_space<vmem>>[vector<16xi32>, vector<16xi32>], vector<16xf32>,
      %add3A_508 = arith.addf %gather3A_506, %gather3A_507 : vector<16xf32>
      %max3A_509 = arith.constant 0.000000e+00 : f32
      %max3A_510 = vector.broadcast %max3A_509 : f32 to vector<16xf32>
      %max3A_511 = arith.maximumf %add3A_508, %max3A_510 : vector<16xf32>
      %mul3A_512 = arith.mulf %max3A_511, %get3A_21 : vector<16xf32>
      %add3A_513 = arith.addf %add3A_505, %mul3A_512 : vector<16xf32>
      %gather3A_514 = tpu.vector_load_idx %arg10[%add3A_475, %and3A_102] : memref<2400x16xf32, #tpu.memory_space<vmem>>[vector<16xi32>, vector<16xi32>], vector<16xf32>,
      %gather3A_515 = tpu.vector_load_idx %arg11[%add3A_475, %and3A_102] : memref<2400x16xf32, #tpu.memory_space<vmem>>[vector<16xi32>, vector<16xi32>], vector<16xf32>,
      %add3A_516 = arith.addf %gather3A_514, %gather3A_515 : vector<16xf32>
      %max3A_517 = arith.constant 0.000000e+00 : f32
      %max3A_518 = vector.broadcast %max3A_517 : f32 to vector<16xf32>
      %max3A_519 = arith.maximumf %add3A_516, %max3A_518 : vector<16xf32>
      %mul3A_520 = arith.mulf %max3A_519, %get3A_25 : vector<16xf32>
      %add3A_521 = arith.addf %add3A_513, %mul3A_520 : vector<16xf32>
      %gather3A_522 = tpu.vector_load_idx %arg10[%add3A_475, %and3A_108] : memref<2400x16xf32, #tpu.memory_space<vmem>>[vector<16xi32>, vector<16xi32>], vector<16xf32>,
      %gather3A_523 = tpu.vector_load_idx %arg11[%add3A_475, %and3A_108] : memref<2400x16xf32, #tpu.memory_space<vmem>>[vector<16xi32>, vector<16xi32>], vector<16xf32>,
      %add3A_524 = arith.addf %gather3A_522, %gather3A_523 : vector<16xf32>
      %max3A_525 = arith.constant 0.000000e+00 : f32
      %max3A_526 = vector.broadcast %max3A_525 : f32 to vector<16xf32>
      %max3A_527 = arith.maximumf %add3A_524, %max3A_526 : vector<16xf32>
      %mul3A_528 = arith.mulf %max3A_527, %get3A_29 : vector<16xf32>
      %add3A_529 = arith.addf %add3A_521, %mul3A_528 : vector<16xf32>
      %gather3A_530 = tpu.vector_load_idx %arg10[%add3A_475, %and3A_114] : memref<2400x16xf32, #tpu.memory_space<vmem>>[vector<16xi32>, vector<16xi32>], vector<16xf32>,
      %gather3A_531 = tpu.vector_load_idx %arg11[%add3A_475, %and3A_114] : memref<2400x16xf32, #tpu.memory_space<vmem>>[vector<16xi32>, vector<16xi32>], vector<16xf32>,
      %add3A_532 = arith.addf %gather3A_530, %gather3A_531 : vector<16xf32>
      %max3A_533 = arith.constant 0.000000e+00 : f32
      %max3A_534 = vector.broadcast %max3A_533 : f32 to vector<16xf32>
      %max3A_535 = arith.maximumf %add3A_532, %max3A_534 : vector<16xf32>
      %mul3A_536 = arith.mulf %max3A_535, %get3A_33 : vector<16xf32>
      %add3A_537 = arith.addf %add3A_529, %mul3A_536 : vector<16xf32>
      %gather3A_538 = tpu.vector_load_idx %arg10[%add3A_475, %and3A_120] : memref<2400x16xf32, #tpu.memory_space<vmem>>[vector<16xi32>, vector<16xi32>], vector<16xf32>,
      %gather3A_539 = tpu.vector_load_idx %arg11[%add3A_475, %and3A_120] : memref<2400x16xf32, #tpu.memory_space<vmem>>[vector<16xi32>, vector<16xi32>], vector<16xf32>,
      %add3A_540 = arith.addf %gather3A_538, %gather3A_539 : vector<16xf32>
      %max3A_541 = arith.constant 0.000000e+00 : f32
      %max3A_542 = vector.broadcast %max3A_541 : f32 to vector<16xf32>
      %max3A_543 = arith.maximumf %add3A_540, %max3A_542 : vector<16xf32>
      %mul3A_544 = arith.mulf %max3A_543, %get3A_37 : vector<16xf32>
      %add3A_545 = arith.addf %add3A_537, %mul3A_544 : vector<16xf32>
      %gather3A_546 = tpu.vector_load_idx %arg10[%add3A_475, %and3A_126] : memref<2400x16xf32, #tpu.memory_space<vmem>>[vector<16xi32>, vector<16xi32>], vector<16xf32>,
      %gather3A_547 = tpu.vector_load_idx %arg11[%add3A_475, %and3A_126] : memref<2400x16xf32, #tpu.memory_space<vmem>>[vector<16xi32>, vector<16xi32>], vector<16xf32>,
      %add3A_548 = arith.addf %gather3A_546, %gather3A_547 : vector<16xf32>
      %max3A_549 = arith.constant 0.000000e+00 : f32
      %max3A_550 = vector.broadcast %max3A_549 : f32 to vector<16xf32>
      %max3A_551 = arith.maximumf %add3A_548, %max3A_550 : vector<16xf32>
      %mul3A_552 = arith.mulf %max3A_551, %get3A_41 : vector<16xf32>
      %add3A_553 = arith.addf %add3A_545, %mul3A_552 : vector<16xf32>
      %gather3A_554 = tpu.vector_load_idx %arg10[%add3A_475, %and3A_132] : memref<2400x16xf32, #tpu.memory_space<vmem>>[vector<16xi32>, vector<16xi32>], vector<16xf32>,
      %gather3A_555 = tpu.vector_load_idx %arg11[%add3A_475, %and3A_132] : memref<2400x16xf32, #tpu.memory_space<vmem>>[vector<16xi32>, vector<16xi32>], vector<16xf32>,
      %add3A_556 = arith.addf %gather3A_554, %gather3A_555 : vector<16xf32>
      %max3A_557 = arith.constant 0.000000e+00 : f32
      %max3A_558 = vector.broadcast %max3A_557 : f32 to vector<16xf32>
      %max3A_559 = arith.maximumf %add3A_556, %max3A_558 : vector<16xf32>
      %mul3A_560 = arith.mulf %max3A_559, %get3A_45 : vector<16xf32>
      %add3A_561 = arith.addf %add3A_553, %mul3A_560 : vector<16xf32>
      %gather3A_562 = tpu.vector_load_idx %arg10[%add3A_475, %and3A_138] : memref<2400x16xf32, #tpu.memory_space<vmem>>[vector<16xi32>, vector<16xi32>], vector<16xf32>,
      %gather3A_563 = tpu.vector_load_idx %arg11[%add3A_475, %and3A_138] : memref<2400x16xf32, #tpu.memory_space<vmem>>[vector<16xi32>, vector<16xi32>], vector<16xf32>,
      %add3A_564 = arith.addf %gather3A_562, %gather3A_563 : vector<16xf32>
      %max3A_565 = arith.constant 0.000000e+00 : f32
      %max3A_566 = vector.broadcast %max3A_565 : f32 to vector<16xf32>
      %max3A_567 = arith.maximumf %add3A_564, %max3A_566 : vector<16xf32>
      %mul3A_568 = arith.mulf %max3A_567, %get3A_49 : vector<16xf32>
      %add3A_569 = arith.addf %add3A_561, %mul3A_568 : vector<16xf32>
      %gather3A_570 = tpu.vector_load_idx %arg10[%add3A_475, %and3A_144] : memref<2400x16xf32, #tpu.memory_space<vmem>>[vector<16xi32>, vector<16xi32>], vector<16xf32>,
      %gather3A_571 = tpu.vector_load_idx %arg11[%add3A_475, %and3A_144] : memref<2400x16xf32, #tpu.memory_space<vmem>>[vector<16xi32>, vector<16xi32>], vector<16xf32>,
      %add3A_572 = arith.addf %gather3A_570, %gather3A_571 : vector<16xf32>
      %max3A_573 = arith.constant 0.000000e+00 : f32
      %max3A_574 = vector.broadcast %max3A_573 : f32 to vector<16xf32>
      %max3A_575 = arith.maximumf %add3A_572, %max3A_574 : vector<16xf32>
      %mul3A_576 = arith.mulf %max3A_575, %get3A_53 : vector<16xf32>
      %add3A_577 = arith.addf %add3A_569, %mul3A_576 : vector<16xf32>
      %gather3A_578 = tpu.vector_load_idx %arg10[%add3A_475, %and3A_150] : memref<2400x16xf32, #tpu.memory_space<vmem>>[vector<16xi32>, vector<16xi32>], vector<16xf32>,
      %gather3A_579 = tpu.vector_load_idx %arg11[%add3A_475, %and3A_150] : memref<2400x16xf32, #tpu.memory_space<vmem>>[vector<16xi32>, vector<16xi32>], vector<16xf32>,
      %add3A_580 = arith.addf %gather3A_578, %gather3A_579 : vector<16xf32>
      %max3A_581 = arith.constant 0.000000e+00 : f32
      %max3A_582 = vector.broadcast %max3A_581 : f32 to vector<16xf32>
      %max3A_583 = arith.maximumf %add3A_580, %max3A_582 : vector<16xf32>
      %mul3A_584 = arith.mulf %max3A_583, %get3A_57 : vector<16xf32>
      %add3A_585 = arith.addf %add3A_577, %mul3A_584 : vector<16xf32>
      %gather3A_586 = tpu.vector_load_idx %arg10[%add3A_475, %and3A_156] : memref<2400x16xf32, #tpu.memory_space<vmem>>[vector<16xi32>, vector<16xi32>], vector<16xf32>,
      %gather3A_587 = tpu.vector_load_idx %arg11[%add3A_475, %and3A_156] : memref<2400x16xf32, #tpu.memory_space<vmem>>[vector<16xi32>, vector<16xi32>], vector<16xf32>,
      %add3A_588 = arith.addf %gather3A_586, %gather3A_587 : vector<16xf32>
      %max3A_589 = arith.constant 0.000000e+00 : f32
      %max3A_590 = vector.broadcast %max3A_589 : f32 to vector<16xf32>
      %max3A_591 = arith.maximumf %add3A_588, %max3A_590 : vector<16xf32>
      %mul3A_592 = arith.mulf %max3A_591, %get3A_61 : vector<16xf32>
      %add3A_593 = arith.addf %add3A_585, %mul3A_592 : vector<16xf32>
      %gather3A_594 = tpu.vector_load_idx %arg10[%add3A_475, %and3A_162] : memref<2400x16xf32, #tpu.memory_space<vmem>>[vector<16xi32>, vector<16xi32>], vector<16xf32>,
      %gather3A_595 = tpu.vector_load_idx %arg11[%add3A_475, %and3A_162] : memref<2400x16xf32, #tpu.memory_space<vmem>>[vector<16xi32>, vector<16xi32>], vector<16xf32>,
      %add3A_596 = arith.addf %gather3A_594, %gather3A_595 : vector<16xf32>
      %max3A_597 = arith.constant 0.000000e+00 : f32
      %max3A_598 = vector.broadcast %max3A_597 : f32 to vector<16xf32>
      %max3A_599 = arith.maximumf %add3A_596, %max3A_598 : vector<16xf32>
      %mul3A_600 = arith.mulf %max3A_599, %get3A_65 : vector<16xf32>
      %add3A_601 = arith.addf %add3A_593, %mul3A_600 : vector<16xf32>
      %neg3A = arith.constant 0.000000e+00 : f32
      %neg3A_602 = vector.broadcast %neg3A : f32 to vector<16xf32>
      %neg3A_603 = arith.subf %neg3A_602, %add3A_601 : vector<16xf32>
      %exp3A = math.exp %neg3A_603 : vector<16xf32>
      %add3A_604 = arith.constant 1.000000e+00 : f32
      %add3A_605 = vector.broadcast %add3A_604 : f32 to vector<16xf32>
      %add3A_606 = arith.addf %add3A_605, %exp3A : vector<16xf32>
      %div3A = arith.constant 1.000000e+00 : f32
      %div3A_607 = vector.broadcast %div3A : f32 to vector<16xf32>
      %div3A_608 = arith.divf %div3A_607, %add3A_606 : vector<16xf32>
      %mul3A_609 = arith.constant 16 : i32
      %mul3A_610 = arith.muli %scan3A_469, %mul3A_609 : i32
      %swap3A = arith.constant 1 : i32
      %swap3A_611 = arith.index_cast %swap3A : i32 to index
      %swap3A_612 = arith.index_cast %mul3A_610 : i32 to index
      %swap3A_613 = tpu.vector_load %arg12[%swap3A_611, %swap3A_612] {strides = array<i32>} : memref<3x800xf32, #tpu.memory_space<vmem>>, vector<16xf32>,
      tpu.vector_store %arg12[%swap3A_611, %swap3A_612], %div3A_608 {strides = array<i32>} : memref<3x800xf32, #tpu.memory_space<vmem>>, vector<16xf32>,
    }
    %scan3A_424 = arith.constant 50 : i32
    %add3A_425 = arith.constant 99200 : i32
    %add3A_426 = arith.addi %mul3A_2, %add3A_425 : i32
    %dma_start3A_427 = arith.constant 1 : i32
    %dma_start3A_428 = arith.constant 0 : i32
    %dma_start3A_429 = tpu.memref_slice %arg12[%dma_start3A_427, %dma_start3A_428] : memref<3x800xf32, #tpu.memory_space<vmem>> -> memref<1x800xf32, #tpu.memory_space<vmem>>
    %dma_start3A_430 = tpu.memref_squeeze %dma_start3A_429 : memref<1x800xf32, #tpu.memory_space<vmem>> -> memref<800xf32, #tpu.memory_space<vmem>>
    %dma_start3A_431 = tpu.memref_slice %arg7[%add3A_426] : memref<3200000xf32, #tpu.memory_space<hbm>> -> memref<800xf32, #tpu.memory_space<hbm>>
    %dma_start3A_432 = tpu.memref_slice %arg7[%add3A_426] : memref<3200000xf32, #tpu.memory_space<hbm>> -> memref<800xf32, #tpu.memory_space<hbm>>
    %dma_start3A_433 = arith.constant 0 : i32
    %dma_start3A_434 = tpu.memref_slice %arg12[%dma_start3A_427, %dma_start3A_433] : memref<3x800xf32, #tpu.memory_space<vmem>> -> memref<1x800xf32, #tpu.memory_space<vmem>>
    %dma_start3A_435 = tpu.memref_squeeze %dma_start3A_434 : memref<1x800xf32, #tpu.memory_space<vmem>> -> memref<800xf32, #tpu.memory_space<vmem>>
    tpu.enqueue_dma source(%dma_start3A_435 : memref<800xf32, #tpu.memory_space<vmem>>) target(%dma_start3A_432 : memref<800xf32, #tpu.memory_space<hbm>>) target_semaphore(%arg22 : memref<!tpu.dma_semaphore, #tpu.memory_space<semaphore_mem>>)
    %dma_wait3A_436 = arith.constant 2 : i32
    %dma_wait3A_437 = arith.constant 0 : i32
    %dma_wait3A_438 = tpu.memref_slice %arg12[%dma_wait3A_436, %dma_wait3A_437] : memref<3x800xf32, #tpu.memory_space<vmem>> -> memref<1x800xf32, #tpu.memory_space<vmem>>
    %dma_wait3A_439 = tpu.memref_squeeze %dma_wait3A_438 : memref<1x800xf32, #tpu.memory_space<vmem>> -> memref<800xf32, #tpu.memory_space<vmem>>
    %dma_wait3A_440 = arith.constant 0 : i32
    %dma_wait3A_441 = tpu.memref_slice %arg7[%dma_wait3A_440] : memref<3200000xf32, #tpu.memory_space<hbm>> -> memref<800xf32, #tpu.memory_space<hbm>>
    %dma_wait3A_442 = arith.constant 0 : i32
    %dma_wait3A_443 = tpu.memref_slice %arg7[%dma_wait3A_442] : memref<3200000xf32, #tpu.memory_space<hbm>> -> memref<800xf32, #tpu.memory_space<hbm>>
    %dma_wait3A_444 = arith.constant 0 : i32
    %dma_wait3A_445 = tpu.memref_slice %arg12[%dma_wait3A_436, %dma_wait3A_444] : memref<3x800xf32, #tpu.memory_space<vmem>> -> memref<1x800xf32, #tpu.memory_space<vmem>>
    %dma_wait3A_446 = tpu.memref_squeeze %dma_wait3A_445 : memref<1x800xf32, #tpu.memory_space<vmem>> -> memref<800xf32, #tpu.memory_space<vmem>>
    tpu.wait_dma2 semaphore(%arg23 : memref<!tpu.dma_semaphore, #tpu.memory_space<semaphore_mem>>) src(%dma_wait3A_446 : memref<800xf32, #tpu.memory_space<vmem>>) dst(%dma_wait3A_443 : memref<800xf32, #tpu.memory_space<hbm>>)
    %dma_wait3A_447 = arith.constant 0 : i32
    %dma_wait3A_448 = arith.constant 0 : i32
    %dma_wait3A_449 = tpu.memref_slice %arg12[%dma_wait3A_447, %dma_wait3A_448] : memref<3x800xf32, #tpu.memory_space<vmem>> -> memref<1x800xf32, #tpu.memory_space<vmem>>
    %dma_wait3A_450 = tpu.memref_squeeze %dma_wait3A_449 : memref<1x800xf32, #tpu.memory_space<vmem>> -> memref<800xf32, #tpu.memory_space<vmem>>
    %dma_wait3A_451 = arith.constant 0 : i32
    %dma_wait3A_452 = tpu.memref_slice %arg7[%dma_wait3A_451] : memref<3200000xf32, #tpu.memory_space<hbm>> -> memref<800xf32, #tpu.memory_space<hbm>>
    %dma_wait3A_453 = arith.constant 0 : i32
    %dma_wait3A_454 = tpu.memref_slice %arg7[%dma_wait3A_453] : memref<3200000xf32, #tpu.memory_space<hbm>> -> memref<800xf32, #tpu.memory_space<hbm>>
    %dma_wait3A_455 = arith.constant 0 : i32
    %dma_wait3A_456 = tpu.memref_slice %arg12[%dma_wait3A_447, %dma_wait3A_455] : memref<3x800xf32, #tpu.memory_space<vmem>> -> memref<1x800xf32, #tpu.memory_space<vmem>>
    %dma_wait3A_457 = tpu.memref_squeeze %dma_wait3A_456 : memref<1x800xf32, #tpu.memory_space<vmem>> -> memref<800xf32, #tpu.memory_space<vmem>>
    tpu.wait_dma2 semaphore(%arg21 : memref<!tpu.dma_semaphore, #tpu.memory_space<semaphore_mem>>) src(%dma_wait3A_457 : memref<800xf32, #tpu.memory_space<vmem>>) dst(%dma_wait3A_454 : memref<800xf32, #tpu.memory_space<hbm>>)
    %dma_wait3A_458 = arith.constant 1 : i32
    %dma_wait3A_459 = arith.constant 0 : i32
    %dma_wait3A_460 = tpu.memref_slice %arg12[%dma_wait3A_458, %dma_wait3A_459] : memref<3x800xf32, #tpu.memory_space<vmem>> -> memref<1x800xf32, #tpu.memory_space<vmem>>
    %dma_wait3A_461 = tpu.memref_squeeze %dma_wait3A_460 : memref<1x800xf32, #tpu.memory_space<vmem>> -> memref<800xf32, #tpu.memory_space<vmem>>
    %dma_wait3A_462 = arith.constant 0 : i32
    %dma_wait3A_463 = tpu.memref_slice %arg7[%dma_wait3A_462] : memref<3200000xf32, #tpu.memory_space<hbm>> -> memref<800xf32, #tpu.memory_space<hbm>>
    %dma_wait3A_464 = arith.constant 0 : i32
    %dma_wait3A_465 = tpu.memref_slice %arg7[%dma_wait3A_464] : memref<3200000xf32, #tpu.memory_space<hbm>> -> memref<800xf32, #tpu.memory_space<hbm>>
    %dma_wait3A_466 = arith.constant 0 : i32
    %dma_wait3A_467 = tpu.memref_slice %arg12[%dma_wait3A_458, %dma_wait3A_466] : memref<3x800xf32, #tpu.memory_space<vmem>> -> memref<1x800xf32, #tpu.memory_space<vmem>>
    %dma_wait3A_468 = tpu.memref_squeeze %dma_wait3A_467 : memref<1x800xf32, #tpu.memory_space<vmem>> -> memref<800xf32, #tpu.memory_space<vmem>>
    tpu.wait_dma2 semaphore(%arg22 : memref<!tpu.dma_semaphore, #tpu.memory_space<semaphore_mem>>) src(%dma_wait3A_468 : memref<800xf32, #tpu.memory_space<vmem>>) dst(%dma_wait3A_465 : memref<800xf32, #tpu.memory_space<hbm>>)
    return
  }
}

module attributes {stable_mosaic.version = 14 : i64} {
  func.func @body(%arg0: i32, %arg1: memref<12500x128xf32, #tpu.memory_space<vmem>>, %arg2: memref<128x128xf32, #tpu.memory_space<vmem>>, %arg3: memref<128x128xf32, #tpu.memory_space<vmem>>, %arg4: memref<1x128xf32, #tpu.memory_space<vmem>>, %arg5: memref<12500x128xf32, #tpu.memory_space<vmem>>, %arg6: memref<12500x128xf32, #tpu.memory_space<vmem>>) attributes {dimension_semantics = [#tpu.dimension_semantics<arbitrary>], iteration_bounds = array<i64: 1>, scalar_prefetch = 0 : i64, scratch_operands = 0 : i64, tpu.core_type = #tpu.core_type<tc>, window_params = [{transform_indices = @transform_0, window_bounds = array<i64: 12500, 128>}, {pipeline_mode = #tpu.pipeline_mode<synchronous>, transform_indices = @transform_1, window_bounds = array<i64: 128, 128>}, {pipeline_mode = #tpu.pipeline_mode<synchronous>, transform_indices = @transform_2, window_bounds = array<i64: 128, 128>}, {pipeline_mode = #tpu.pipeline_mode<synchronous>, transform_indices = @transform_3, window_bounds = array<i64: 1, 128>}, {transform_indices = @transform_4, window_bounds = array<i64: 12500, 128>}, {transform_indices = @transform_5, window_bounds = array<i64: 12500, 128>}]} {
    %get3A = arith.constant 0 : index
    %get3A_0 = arith.constant 0 : index
    %get3A_1 = vector.load %arg1[%get3A, %get3A_0] : memref<12500x128xf32, #tpu.memory_space<vmem>>, vector<12500x128xf32>
    %get3A_2 = arith.constant 0 : index
    %get3A_3 = arith.constant 0 : index
    %get3A_4 = vector.load %arg2[%get3A_2, %get3A_3] : memref<128x128xf32, #tpu.memory_space<vmem>>, vector<128x128xf32>
    %dot_general3A = arith.constant dense<0.000000e+00> : vector<12500x128xf32>
    %dot_general3A_5 = tpu.matmul %get3A_1, %get3A_4, %dot_general3A {dimension_numbers = #tpu.dot_dimension_numbers<[1], [0], [0], [1], [0, 0, 1, 1], [], []>, transpose_lhs_hint = false} : vector<12500x128xf32>, vector<128x128xf32>, vector<12500x128xf32> -> vector<12500x128xf32>
    %get3A_6 = arith.constant 0 : index
    %get3A_7 = arith.constant 0 : index
    %get3A_8 = vector.load %arg4[%get3A_6, %get3A_7] : memref<1x128xf32, #tpu.memory_space<vmem>>, vector<1x128xf32>
    %add3A = vector.broadcast %get3A_8 : vector<1x128xf32> to vector<12500x128xf32>
    %add3A_9 = arith.addf %dot_general3A_5, %add3A : vector<12500x128xf32>
    %swap3A = arith.constant 0 : index
    %swap3A_10 = arith.constant 0 : index
    %swap3A_11 = vector.load %arg5[%swap3A, %swap3A_10] : memref<12500x128xf32, #tpu.memory_space<vmem>>, vector<12500x128xf32>
    tpu.vector_store %arg5[%swap3A, %swap3A_10], %add3A_9 {strides = array<i32>} : memref<12500x128xf32, #tpu.memory_space<vmem>>, vector<12500x128xf32>,
    %get3A_12 = arith.constant 0 : index
    %get3A_13 = arith.constant 0 : index
    %get3A_14 = vector.load %arg3[%get3A_12, %get3A_13] : memref<128x128xf32, #tpu.memory_space<vmem>>, vector<128x128xf32>
    %dot_general3A_15 = arith.constant dense<0.000000e+00> : vector<12500x128xf32>
    %dot_general3A_16 = tpu.matmul %get3A_1, %get3A_14, %dot_general3A_15 {dimension_numbers = #tpu.dot_dimension_numbers<[1], [0], [0], [1], [0, 0, 1, 1], [], []>, transpose_lhs_hint = false} : vector<12500x128xf32>, vector<128x128xf32>, vector<12500x128xf32> -> vector<12500x128xf32>
    %swap3A_17 = arith.constant 0 : index
    %swap3A_18 = arith.constant 0 : index
    %swap3A_19 = vector.load %arg6[%swap3A_17, %swap3A_18] : memref<12500x128xf32, #tpu.memory_space<vmem>>, vector<12500x128xf32>
    tpu.vector_store %arg6[%swap3A_17, %swap3A_18], %dot_general3A_16 {strides = array<i32>} : memref<12500x128xf32, #tpu.memory_space<vmem>>, vector<12500x128xf32>,
    return
  }
  func.func @transform_0(%arg0: i32) -> (i32, i32) {
    %c0_i32 = arith.constant 0 : i32
    %c0_i32_0 = arith.constant 0 : i32
    return %arg0, %c0_i32 : i32, i32
  }
  func.func @transform_1(%arg0: i32) -> (i32, i32) {
    %c0_i32 = arith.constant 0 : i32
    %c0_i32_0 = arith.constant 0 : i32
    %c0_i32_1 = arith.constant 0 : i32
    return %c0_i32, %c0_i32_0 : i32, i32
  }
  func.func @transform_2(%arg0: i32) -> (i32, i32) {
    %c0_i32 = arith.constant 0 : i32
    %c0_i32_0 = arith.constant 0 : i32
    %c0_i32_1 = arith.constant 0 : i32
    return %c0_i32, %c0_i32_0 : i32, i32
  }
  func.func @transform_3(%arg0: i32) -> (i32, i32) {
    %c0_i32 = arith.constant 0 : i32
    %c0_i32_0 = arith.constant 0 : i32
    %c0_i32_1 = arith.constant 0 : i32
    return %c0_i32, %c0_i32_0 : i32, i32
  }
  func.func @transform_4(%arg0: i32) -> (i32, i32) {
    %c0_i32 = arith.constant 0 : i32
    %c0_i32_0 = arith.constant 0 : i32
    return %arg0, %c0_i32 : i32, i32
  }
  func.func @transform_5(%arg0: i32) -> (i32, i32) {
    %c0_i32 = arith.constant 0 : i32
    %c0_i32_0 = arith.constant 0 : i32
    return %arg0, %c0_i32 : i32, i32
  }
}

</mosaic_0001>

<sc_bundles>
// kernel: kernel.4.cloned.1.call-start
scs
__scs_entry_jumppad:
0x0: {  	(pc) =	sbr.rel $0x88, $3  }
0x1: {  	(tag) =	ssettag $0x0;
	lr =	simm.s32 $0x1  }
0x2: {  	[smem:$0x3F9B] =	sst lr;
	_ =	strace $0xD0000000  }
0x3: {  	_ = 	snop  }
0x4: {  	_ = 	snop  }
0x5: {  	_ = 	snop  }
0x6: {  	_ = 	snop  }
0x7: {  	_ = 	snop  }
__scs_overlays_trampoline_lowered:
0x8: {  	[smem:$0x3FAA] =	sst s0  }
0x9: {  	[smem:$0x3FAB] =	sst s1  }
0xa: {  	[smem:$0x3FAC] =	sst s2  }
0xb: {  	[smem:$0x3FAD] =	sst s3  }
0xc: {  	[smem:$0x3FAE] =	sst s4  }
0xd: {  	[smem:$0x3FAF] =	sst s5  }
0xe: {  	[smem:$0x3FB0] =	sst s6  }
0xf: {  	[smem:$0x3FB1] =	sst s7  }
0x10: {  	[smem:$0x3FB2] =	sst s8  }
0x11: {  	[smem:$0x3FB3] =	sst s9;
	s0 =	simm.s32 @!p0 $0x0  }
0x12: {  	s1 =	sld [smem:$0x3F99];
	s0 =	simm.s32 @p0 $0x1  }
0x13: {  	[smem:$0x3FB4] =	sst s0;
	s0 =	simm.s32 @!p1 $0x0  }
0x14: {  	s2 =	sld [smem:$0x3F98];
	s0 =	simm.s32 @p1 $0x1  }
0x15: {  	[smem:$0x3FB5] =	sst s0;
	s0 =	simm.s32 @!p2 $0x0  }
0x16: {  	s3 =	sld [smem:$0x3FDB];
	s0 =	simm.s32 @p2 $0x1  }
0x17: {  	s4 =	simm.s32 $0x1BF5;
	[smem:$0x3FB7] =	sst s0  }
0x18: {  	s0 =	sld [smem:$0x3F9A];
	_ =	swait.ge [sflag:s4], $0x0  }
0x19: {  	s7 =	sld [smem:$0x3F9B]  }
0x1a: {  	s8 =	sadd.s32 $0xFFFFE003, lr  }
0x1b: {  	s9 =	sadd.s32 $0xFFFFFEF7, lr;
	s5 =	simm.s32 $0xFFFFFFFF;
	p2 =	slt.u32 s8, $0xFFFFF086  }
0x1c: {  	p1 =	slt.u32 s9, $0xF7A;
	s5 =	simm.s32 @!p2 $0x0  }
0x1d: {  	s5 =	simm.s32 @p1 $0x1;
	p0 =	seq.s32 s7, s2  }
0x1e: {  	s7 =	smul.u32 @!p0 $0xF7A, s2;
	p2 =	seq.s32 @!p0 s5, $0x0  }
0x1f: {  	s9 =	smul.u32 $0xF7A, s1;
	s8 =	simm.s32 @!p0 $0x1BF5;
	p2 =	por !p2, p0  }
0x20: {  	[sflag:s8] =	ssyncset.s32 @!p0 $0xFFFFF086;
	s6 =	sadd.s32 @!p0 s3, s7;
	s7 =	simm.s32 @!p0 $0x108  }
0x21: {  	s3 =	sadd.s32 s3, s9;
	s6 =	sadd.s32 @!p0 $0x88, s6;
	s7 =	simm.s32 @p2 $0x1082  }
0x22: {  	[simem:s7], [sflag:s8] =	dma.local @!p0 [hbm:s6], $0xF7A  }
0x23: {  	s9 =	sor.u32 $0xD0000000, s2;
	s6 =	simm.s32 $0x108;
	_ =	swait.ge @!p0 [sflag:s8], $0x0  }
0x24: {  	s3 =	sadd.s32 $0x88, s3;
	s6 =	simm.s32 @!p1 $0x1082;
	[sflag:s4] =	ssyncset.s32 $0xFFFFF086  }
0x25: {  	[simem:s6], [sflag:s4] =	dma.local [hbm:s3], $0xF7A  }
0x26: {  	[smem:$0x3F9B] =	sst s1;
	(tag) =	ssettag s2;
	_ =	strace s9  }
0x27: {  	s1 =	sld [smem:$0x3FAB]  }
0x28: {  	s2 =	sld [smem:$0x3FAC]  }
0x29: {  	s4 =	sld [smem:$0x3FAE]  }
0x2a: {  	p0 =	seq.s32 s5, $0x0;
	s5 =	sld [smem:$0x3FAF]  }
0x2b: {  	s6 =	sld [smem:$0x3FB0]  }
0x2c: {  	s7 =	sld [smem:$0x3FB1]  }
0x2d: {  	s3 =	simm.s32 $0x108;
	s8 =	sld [smem:$0x3FB2]  }
0x2e: {  	s3 =	simm.s32 @!p0 $0x1082;
	s9 =	sld [smem:$0x3FB3]  }
0x2f: {  	lr =	sadd.s32 s0, s3;
	s0 =	sld [smem:$0x3FAA]  }
0x30: {  	s3 =	sld [smem:$0x3FAD]  }
0x31: {  	[smem:$0x3FB6] =	sst s10  }
0x32: {  	s10 =	sld [smem:$0x3FB4];
	_ =	sdelay $0x3  }
0x33: {  	p0 =	seq.s32 s10, $0x1;
	s10 =	sld [smem:$0x3FB6];
	_ =	sdelay $0x3  }
0x34: {  	[smem:$0x3FB6] =	sst s10  }
0x35: {  	s10 =	sld [smem:$0x3FB5];
	_ =	sdelay $0x3  }
0x36: {  	p1 =	seq.s32 s10, $0x1;
	s10 =	sld [smem:$0x3FB6];
	_ =	sdelay $0x3  }
0x37: {  	[smem:$0x3FB6] =	sst s10  }
0x38: {  	s10 =	sld [smem:$0x3FB7]  }
0x39: {  	_ = 	snop;
	(pc) =	sbr.ind lr, $3  }
0x3a: {  	_ = 	snop  }
0x3b: {  	_ = 	snop  }
0x3c: {  	p2 =	seq.s32 s10, $0x1;
	s10 =	sld [smem:$0x3FB6]  }
0x3d: {  	_ =	shalt  }
0x3e: {  	_ =	shalt  }
0x3f: {  	_ =	shalt  }
0x40: {  	_ =	shalt  }
0x41: {  	_ =	shalt  }
0x42: {  	_ =	shalt  }
0x43: {  	_ =	shalt  }
0x44: {  	_ =	shalt  }
0x45: {  	_ =	shalt  }
0x46: {  	_ =	shalt  }
0x47: {  	_ =	shalt  }
0x48: {  	_ =	shalt  }
0x49: {  	_ =	shalt  }
0x4a: {  	_ =	shalt  }
0x4b: {  	_ =	shalt  }
0x4c: {  	_ =	shalt  }
0x4d: {  	_ =	shalt  }
0x4e: {  	_ =	shalt  }
0x4f: {  	_ =	shalt  }
0x50: {  	_ =	shalt  }
0x51: {  	_ =	shalt  }
0x52: {  	_ =	shalt  }
0x53: {  	_ =	shalt  }
0x54: {  	_ =	shalt  }
0x55: {  	_ =	shalt  }
0x56: {  	_ =	shalt  }
0x57: {  	_ =	shalt  }
0x58: {  	_ =	shalt  }
0x59: {  	_ =	shalt  }
0x5a: {  	_ =	shalt  }
0x5b: {  	_ =	shalt  }
0x5c: {  	_ =	shalt  }
0x5d: {  	_ =	shalt  }
0x5e: {  	_ =	shalt  }
0x5f: {  	_ =	shalt  }
0x60: {  	_ =	shalt  }
0x61: {  	_ =	shalt  }
0x62: {  	_ =	shalt  }
0x63: {  	_ =	shalt  }
0x64: {  	_ =	shalt  }
0x65: {  	_ =	shalt  }
0x66: {  	_ =	shalt  }
0x67: {  	_ =	shalt  }
0x68: {  	_ =	shalt  }
0x69: {  	_ =	shalt  }
0x6a: {  	_ =	shalt  }
0x6b: {  	_ =	shalt  }
0x6c: {  	_ =	shalt  }
0x6d: {  	_ =	shalt  }
0x6e: {  	_ =	shalt  }
0x6f: {  	_ =	shalt  }
0x70: {  	_ =	shalt  }
0x71: {  	_ =	shalt  }
0x72: {  	_ =	shalt  }
0x73: {  	_ =	shalt  }
0x74: {  	_ =	shalt  }
0x75: {  	_ =	shalt  }
0x76: {  	_ =	shalt  }
0x77: {  	_ =	shalt  }
0x78: {  	_ =	shalt  }
0x79: {  	_ =	shalt  }
0x7a: {  	_ =	shalt  }
0x7b: {  	_ =	shalt  }
0x7c: {  	_ =	shalt  }
0x7d: {  	_ =	shalt  }
0x7e: {  	_ =	shalt  }
0x7f: {  	_ =	shalt  }
0x80: {  	_ =	shalt  }
0x81: {  	_ =	shalt  }
0x82: {  	_ =	shalt  }
0x83: {  	_ =	shalt  }
0x84: {  	_ =	shalt  }
0x85: {  	_ =	shalt  }
0x86: {  	_ =	shalt  }
0x87: {  	_ =	shalt  }
.Lfunc_end0:
.L_simem_size_0:
called_computation_lowered:
.L_overlay_start_0:
0x88: {  	s2 =	sld [smem:$0x3FD9]  }
0x89: {  	s3 =	sld [smem:$0x3FFE];
	_ =	sdelay $0x1  }
0x8a: {  	s1 =	srdreg.scid  }
0x8b: {  	s0 =	sand.u32 $0x1, s1  }
0x8c: {  	s17 =	sshll.u32 s0, $0xA;
	s2 =	sadd.s32 s3, s2  }
0x8d: {  	s2 =	sadd.s32 s2, s17  }
0x8e: {  	[smem:$0x3FC2] =	sst s2  }
0x8f: {  	_ = 	snop  }
0x90: {  	s2 =	sld [smem:$0x3FD0];
	(tm) =	ssettm $0x1  }
0x91: {  	s18 =	sld [smem:$0x3FFB];
	_ =	sdelay $0x3  }
0x92: {  	_ =	strace s18  }
0x93: {  	s3 =	sld [smem:$0x3FFC];
	_ =	sdelay $0x3  }
0x94: {  	_ =	strace s3  }
0x95: {  	s3 =	sld [smem:$0x3FFD];
	_ =	sdelay $0x3  }
0x96: {  	_ =	strace s3  }
0x97: {  	_ =	strace $0x8FFFFFFF  }
0x98: {  	s19 =	sld [smem:$0x3FDB];
	_ =	sdelay $0x1  }
0x99: {  	s4 =	simm.s32 $_scs_section_size  }
0x9a: {  	s5 =	simm.s32 $_size__tile_overlayer_lowered;
	s6 =	simm.s32 $_tile_overlayer_lowered  }
0x9b: {  	s22 =	simm.s32 $0x1BFF;
	s21 =	sshll.u32 s6, $0x1;
	s3 =	sadd.s32 s4, s19  }
0x9c: {  	s7 =	simm.s32 $0x0;
	s20 =	sshll.u32 s5, $0x1;
	s5 =	sadd.s32 s21, s3  }
0x9d: {  	[timem:s7], [sflag:s22] =	dma.local [hbm:s5], s20  }
0x9e: {  	_ =	swait.ge [sflag:s22], s20  }
0x9f: {  	s4 =	ssub.s32 $0x0, s20;
	[sflag:s22] =	ssyncset.done $0x0  }
0xa0: {  	[sflag:s22] =	ssyncadd.s32 s4;
	_ =	sdelay $0x1  }
0xa1: {  	s23 =	simm.s32 $0x1B8B  }
0xa2: {  	_ =	swait.ge [sflag:s23], $0x1  }
0xa3: {  	[sflag:s23] =	ssyncset.done $0x0  }
0xa4: {  	s25 =	simm.s32 $0x1B8E;
	s24 =	sld [smem:$0x3FFE];
	[sflag:s23] =	ssyncadd.s32 $0xFFFFFFFF  }
0xa5: {  	s26 =	simm.s32 $execute0_lowered;
	[smem:$0x3FD2] =	sst s25  }
0xa6: {  	s5 =	sshll.u32 s26, $0x1;
	_ =	strace $0x80000046;
	[dreg:$0x1] =	wrdreg $0xFFFFFFFF  }
0xa7: {  	s28 =	simm.s32 $_size_execute0_lowered;
	s3 =	sadd.s32 s3, s5;
	[dreg:$0x0] =	wrdreg $0x0  }
0xa8: {  	s5 =	sshll.u32 s28, $0x1;
	[dreg:$0x2] =	wrdreg s3  }
0xa9: {  	[dreg:$0x3] =	wrdreg s5  }
0xaa: {  	[dreg:$0x4] =	wrdreg $0xC0  }
0xab: {  	_ =	task [dreg:s7], $0x5FFFF  }
0xac: {  	[dreg:$0x1] =	wrdreg $0xFFFFFFFF  }
0xad: {  	[dreg:$0x0] =	wrdreg $0x60  }
0xae: {  	[dreg:$0x2] =	wrdreg s24  }
0xaf: {  	[dreg:$0x3] =	wrdreg s2  }
0xb0: {  	[dreg:$0x4] =	wrdreg $0x9  }
0xb1: {  	_ =	task.clear_ibuf [dreg:s7], $0x5FFFF;
	_ =	strace $0x90000046  }
0xb2: {  	s29 =	simm.s32 $0x9;
	_ =	strace $0x80000048  }
0xb3: {  	_ =	swait.ge [sflag:s29], $0x1  }
0xb4: {  	[sflag:s29] =	ssyncadd.s32 $0xFFFFFFFF  }
0xb5: {  	_ =	strace $0x90000048  }
0xb6: {  	_ =	sfence  }
0xb7: {  	s30 =	sld [smem:$0x0];
	_ =	sdelay $0x2  }
0xb8: {  	s31 =	sshll.u32 s1, $0xD;
	s1 =	sshrl.u32 s1, $0x2  }
0xb9: {  	s3 =	sand.u32 $0x4000, s31;
	s1 =	sadd.s32 s1, s30  }
0xba: {  	s0 =	sor.u32 s3, s0;
	s1 =	sshll.u32 s1, $0x11  }
0xbb: {  	s0 =	sor.u32 s1, s0  }
0xbc: {  	s0 =	sadd.s32 $0x8F2B, s0  }
0xbd: {  	[sflag:s0] =	ssyncadd.remote.s32 $0x1  }
0xbe: {  	_ =	sfence.sel $0xFFFF  }
0xbf: {  	[dreg:$0x0] =	wrdreg $0xFFFFFFFF;
	(pc) =	sbr.abs _section_cstart, $3  }
0xc0: {  	[dreg:$0x1] =	wrdreg $0xFFFFFFFF  }
0xc1: {  	_ =	task.clear_ibuf [dreg:s7], $0x2FFFF;
	_ =	strace $0x9FFFFFFF  }
0xc2: {  	(tm) =	ssettm $0x7FFFFFFF  }
0xc3: {  	_ =	shalt  }
tec
execute0_lowered:
.L_overlay_start_1:
0x0: {  	(tag) =	ssettag $0x1  }
0x1: {  	v1 =	vimm.s32 $0xFEDCBA9;
	v0 =	vlaneseq.u32  }
0x2: {  	v3 =	vimm.s32 $0x87654321;
	v4 =	vimm.s32 $0x98765432;
	v5 =	vimm.s32 $0x210FEDCB  }
0x3: {  	v6 =	vimm.s32 $0xA9876543;
	v16 =	vimm.s32 $0xCBA98765;
	v18 =	vimm.s32 $0x6543210F  }
0x4: {  	v19 =	vimm.s32 $0xEDCBA987;
	v20 =	vimm.s32 $0xFEDCBA98;
	v21 =	vimm.s32 $0x76543210  }
0x5: {  	v2 =	vunpack.c.l.s4.s8 v1;
	v1 =	vmul.u32 $0x10, v0;
	v4 =	vunpack.c.l.s4.s8 v4  }
0x6: {  	s0 =	rddreg [dreg:$0x0];
	v5 =	vunpack.c.l.s4.s8 v5;
	v18 =	vunpack.c.l.s4.s8 v18;
	v19 =	vunpack.c.l.s4.s8 v19  }
0x7: {  	s1 =	rddreg [dreg:$0x1];
	s3 =	simm.s32 $0x0;
	s2 =	srdreg.scid;
	v20 =	vunpack.c.l.s4.s8 v20;
	v8 =	vunpack.c.0.s8.s32 v2;
	v2 =	vunpack.c.l.s4.s8 v3  }
0x8: {  	s4 =	stileid.u32;
	s28 =	simm.s32 $0x960;
	s29 =	simm.s32 $0x320;
	v3 =	vimm.s32 $0x10FEDCBA;
	v11 =	vunpack.c.0.s8.s32 v4;
	v12 =	vunpack.c.0.s8.s32 v5  }
0x9: {  	s30 =	simm.s32 $0xC80;
	s12 =	simm.s32 $0xDAC0;
	s14 =	simm.s32 $0x4;
	v18 =	vunpack.c.0.s8.s32 v18;
	v19 =	vunpack.c.0.s8.s32 v19;
	v3 =	vunpack.c.l.s4.s8 v3  }
0xa: {  	s15 =	simm.s32 $0x3;
	s10 =	simm.s32 $0x6;
	[smem:$0x7FF] =	sst s3;
	v20 =	vunpack.c.0.s8.s32 v20;
	v9 =	vunpack.c.0.s8.s32 v2;
	v2 =	vunpack.c.l.s4.s8 v6  }
0xb: {  	s2 =	sand.u32 $0x1, s2;
	s4 =	sshll.u32 s4, $0x1;
	s5 =	sadd.s32 $0xF7800, s0;
	v24 =	vcombine.low v19, v18;
	v10 =	vunpack.c.0.s8.s32 v3;
	v3 =	vimm.s32 $0x3210FEDC  }
0xc: {  	s7 =	sadd.s32 $0x3200, s0;
	s8 =	sadd.s32 $0xC6800, s0;
	_ =	strace $0x80000047;
	v20 =	vand.u32 $0xF, v20;
	v13 =	vunpack.c.0.s8.s32 v2;
	v2 =	vunpack.c.l.s4.s8 v3  }
0xd: {  	s6 =	sor.u32 s2, s4;
	s4 =	sadd.s32 $0xC6A00, s0;
	[dreg:$0x3] =	wrdreg s8;
	v3 =	vimm.s32 $0xBA987654;
	v4 =	vcombine.low v9, v8;
	v63 =	vcombine.low v8, v9  }
0xe: {  	s2 =	ssub.s32 $0x2, s2;
	s0 =	sadd.s32 $0x128600, s0;
	s6 =	smul.u32 $0x186A0, s6;
	v9 =	vand.u32 $0xF, v24;
	v5 =	vcombine.low v11, v10;
	v3 =	vunpack.c.l.s4.s8 v3  }
0xf: {  	s16 =	simm.s32 $0x9;
	[dreg:$0x4] =	wrdreg s0;
	s20 =	sshrl.u32 s2, $0x1;
	v11 =	vcombine.low v10, v11;
	v6 =	vcombine.low v13, v12;
	v14 =	vunpack.c.0.s8.s32 v2  }
0x10: {  	s0 =	ssub.s32 s2, s20;
	s21 =	sshrl.u32 s6, $0x3;
	s11 =	sadd.s32 $0x320, s6;
	v2 =	vimm.s32 $0x43210FED;
	v12 =	vcombine.low v12, v13;
	v15 =	vunpack.c.0.s8.s32 v3  }
0x11: {  	s13 =	sadd.s32 $0x640, s6;
	s18 =	sadd.s32 $0x960, s6;
	s19 =	sadd.s32 $0xC80, s6;
	v7 =	vunpack.c.l.s4.s8 v2;
	v3 =	vand.u32 $0xF, v5;
	v5 =	vunpack.c.l.s4.s8 v16  }
0x12: {  	s20 =	sadd.s32 $0xFA0, s6;
	s0 =	smax.u32 s0, $0x1;
	s9 =	sadd.s32 s7, s21;
	v10 =	vand.u32 $0xF, v63;
	v2 =	vand.u32 $0xF, v4;
	v11 =	vand.u32 $0xF, v11  }
0x13: {  	s23 =	sshrl.u32 s11, $0x3;
	s25 =	sshrl.u32 s13, $0x3;
	[dreg:$0xd] =	wrdreg s0;
	v4 =	vand.u32 $0xF, v6;
	v16 =	vunpack.c.0.s8.s32 v7;
	v17 =	vunpack.c.0.s8.s32 v5  }
0x14: {  	s31 =	sadd.s32 s1, s21;
	s22 =	sadd.s32 $0x61A80, s9;
	[dreg:$0x5] =	wrdreg s9;
	v5 =	vimm.s32 $0x543210FE;
	v7 =	vimm.s32 $0xDCBA9876;
	v13 =	vcombine.low v14, v15  }
0x15: {  	s21 =	simm.s32 $0x13EC0;
	s2 =	sadd.s32 s7, s23;
	[dreg:$0x6] =	wrdreg s22;
	v12 =	vand.u32 $0xF, v12;
	v5 =	vunpack.c.l.s4.s8 v5;
	v7 =	vunpack.c.l.s4.s8 v7  }
0x16: {  	s24 =	sadd.s32 $0x61AE4, s9;
	s26 =	sadd.s32 $0x61B48, s9;
	[dreg:$0x7] =	wrdreg s2;
	v6 =	vcombine.low v15, v14;
	v14 =	vcombine.low v16, v17;
	v13 =	vand.u32 $0xF, v13  }
0x17: {  	s8 =	sadd.s32 $0x300C, s31;
	s23 =	simm.s32 $0x141E0;
	[dreg:$0x8] =	wrdreg s24;
	v22 =	vunpack.c.0.s8.s32 v5;
	v23 =	vunpack.c.0.s8.s32 v7;
	v7 =	vunpack.c.l.s4.s8 v21  }
0x18: {  	s9 =	simm.s32 $0x0;
	s2 =	sadd.s32 s7, s25;
	[dreg:$0xa] =	wrdreg s26;
	v5 =	vand.u32 $0xF, v6;
	v6 =	vcombine.low v17, v16;
	v16 =	vcombine.low v18, v19  }
0x19: {  	[dreg:$0xb] =	wrdreg s8;
	s24 =	simm.s32 $0x12C0;
	s26 =	simm.s32 $0xA8C0;
	v7 =	vunpack.c.0.s8.s32 v7;
	v62 =	vcombine.low v23, v22;
	v15 =	vcombine.low v22, v23  }
0x1a: {  	s8 =	simm.s32 $0x2;
	[dreg:$0x9] =	wrdreg s2;
	s2 =	sadd.s32 $0x3070, s31;
	v14 =	vand.u32 $0xF, v14;
	v6 =	vand.u32 $0xF, v6;
	v16 =	vand.u32 $0xF, v16  }
0x1b: {  	s22 =	simm.s32 $0x5;
	[dreg:$0xc] =	wrdreg s2;
	s2 =	simm.s32 $0x1;
	v7 =	vcombine.low v20, v7;
	v8 =	vand.u32 $0xF, v62;
	v15 =	vand.u32 $0xF, v15  }
.LBB2_1:
0x1c: {  	[dreg:$0xe] =	wrdreg s9  }
0x1d: {  	s0 =	rddreg [dreg:$0x3];
	s17 =	simm.s32 $0x14820;
	s25 =	simm.s32 $0xA  }
0x1e: {  	[tilespmem:s17], [sflag:$0xA] =	stream.linear.gather [hbm4b:s0+s3], $0x100, $0x38;
	[tilespmem:$0x14930] =	vst v63  }
0x1f: {  	_ =	swait.ge [sflag:s25], $0x100  }
0x20: {  	[sflag:s25] =	ssyncset.done $0x0  }
0x21: {  	s17 =	simm.s32 $0x14920;
	s31 =	rddreg [dreg:$0x4];
	[sflag:s25] =	ssyncadd.s32 $0xFFFFFF00  }
0x22: {  	[tilespmem:s17], [sflag:$0xA] =	stream.linear.gather [hbm4b:s31+s3], $0x10, $0x38;
	[tilespmem:$0x14930] =	vst v63  }
0x23: {  	_ =	swait.ge [sflag:s25], $0x10  }
0x24: {  	[sflag:s25] =	ssyncset.done $0x0  }
0x25: {  	[sflag:s25] =	ssyncadd.s32 $0xFFFFFFF0  }
0x26: {  	v32 =	vld [tilespmem:$0x14820]  }
0x27: {  	v31 =	vld [tilespmem:$0x14830]  }
0x28: {  	v30 =	vld [tilespmem:$0x14840]  }
0x29: {  	v29 =	vld [tilespmem:$0x14850]  }
0x2a: {  	v28 =	vld [tilespmem:$0x14860]  }
0x2b: {  	v27 =	vld [tilespmem:$0x14870]  }
0x2c: {  	v26 =	vld [tilespmem:$0x14880]  }
0x2d: {  	v25 =	vld [tilespmem:$0x14890]  }
0x2e: {  	v24 =	vld [tilespmem:$0x148A0]  }
0x2f: {  	v23 =	vld [tilespmem:$0x148B0]  }
0x30: {  	v22 =	vld [tilespmem:$0x148C0]  }
0x31: {  	v21 =	vld [tilespmem:$0x148D0]  }
0x32: {  	v20 =	vld [tilespmem:$0x148E0]  }
0x33: {  	v19 =	vld [tilespmem:$0x148F0]  }
0x34: {  	v18 =	vld [tilespmem:$0x14900]  }
0x35: {  	s25 =	rddreg [dreg:$0x5];
	v17 =	vld [tilespmem:$0x14910]  }
0x36: {  	v33 =	vld [tilespmem:$0x14920];
	[tilespmem:s3], [sflag:$0x1] =	stream.linear.gather [hbm4b:s25+s3], $0x320, $0x38  }
0x37: {  	s31 =	rddreg [dreg:$0x6]  }
0x38: {  	[tilespmem:s28], [sflag:$0x1] =	stream.linear.gather [hbm4b:s31+s3], $0x320, $0x38;
	[tilespmem:$0x14930] =	vst v63  }
0x39: {  	s9 =	rddreg [dreg:$0x7]  }
0x3a: {  	[tilespmem:s29], [sflag:$0x2] =	stream.linear.gather [hbm4b:s9+s3], $0x320, $0x38;
	[tilespmem:$0x14930] =	vst v63  }
0x3b: {  	s17 =	rddreg [dreg:$0x8]  }
0x3c: {  	[tilespmem:s30], [sflag:$0x2] =	stream.linear.gather [hbm4b:s17+s3], $0x320, $0x38;
	[tilespmem:$0x14930] =	vst v63  }
0x3d: {  	s25 =	rddreg [dreg:$0x9];
	s31 =	simm.s32 $0x640  }
0x3e: {  	[tilespmem:s31], [sflag:$0x3] =	stream.linear.gather [hbm4b:s25+s3], $0x320, $0x38;
	[tilespmem:$0x14930] =	vst v63  }
0x3f: {  	s17 =	rddreg [dreg:$0xa];
	s25 =	simm.s32 $0xFA0  }
0x40: {  	[tilespmem:s25], [sflag:$0x3] =	stream.linear.gather [hbm4b:s17+s3], $0x320, $0x38;
	[tilespmem:$0x14930] =	vst v63  }
0x41: {  	_ =	swait.ge [sflag:s2], $0x320  }
0x42: {  	[sflag:s2] =	ssyncset.done $0x0  }
0x43: {  	[sflag:s2] =	ssyncadd.s32 $0xFFFFFCE0  }
0x44: {  	_ =	swait.ge [sflag:s2], $0x320  }
0x45: {  	[sflag:s2] =	ssyncset.done $0x0  }
0x46: {  	[sflag:s2] =	ssyncadd.s32 $0xFFFFFCE0  }
0x47: {  	[tilespmem:s24], [sflag:$0x4] =	stream.indirect.gather [hbm4b:s4+s29], $0x10, s3, s29, $0xb8;
	[tilespmem:$0x14930] =	vst v63  }
0x48: {  	_ = 	snop  }
0x49: {  	[tilespmem:s26], [sflag:$0x4] =	stream.indirect.gather [hbm4b:s5+s29], $0x10, s28, s29, $0xb8;
	[tilespmem:$0x14930] =	vst v63  }
0x4a: {  	_ =	swait.ge [sflag:s8], $0x320  }
0x4b: {  	[sflag:s8] =	ssyncset.done $0x0  }
0x4c: {  	[sflag:s8] =	ssyncadd.s32 $0xFFFFFCE0  }
0x4d: {  	_ =	swait.ge [sflag:s8], $0x320  }
0x4e: {  	[sflag:s8] =	ssyncset.done $0x0  }
0x4f: {  	s31 =	simm.s32 $0x44C0;
	[sflag:s8] =	ssyncadd.s32 $0xFFFFFCE0  }
0x50: {  	[tilespmem:s31], [sflag:$0x5] =	stream.indirect.gather [hbm4b:s4+s29], $0x10, s29, s29, $0xb8;
	[tilespmem:$0x14930] =	vst v63  }
0x51: {  	s17 =	simm.s32 $0x0  }
0x52: {  	[tilespmem:s12], [sflag:$0x5] =	stream.indirect.gather [hbm4b:s5+s29], $0x10, s30, s29, $0xb8;
	[tilespmem:$0x14930] =	vst v63  }
.LBB2_2:
0x53: {  	_ =	swait.ge [sflag:s14], $0x3200  }
0x54: {  	s25 =	smul.u32 $0x960, s17;
	[sflag:s14] =	ssyncset.done $0x0  }
0x55: {  	[sflag:s14] =	ssyncadd.s32 $0xFFFFCE00  }
0x56: {  	s0 =	sadd.s32 s25, s18;
	_ =	swait.ge [sflag:s14], $0x3200  }
0x57: {  	s0 =	sshrl.u32 s0, $0x3;
	[sflag:s14] =	ssyncset.done $0x0  }
0x58: {  	s0 =	sadd.s32 s7, s0;
	[sflag:s14] =	ssyncadd.s32 $0xFFFFCE00  }
0x59: {  	[tilespmem:s3], [sflag:$0x1] =	stream.linear.gather [hbm4b:s0+s3], $0x320, $0x38;
	[tilespmem:$0x14930] =	vst v63  }
0x5a: {  	p0 =	seq.s32 s17, $0x0;
	s0 =	sadd.s32 $0x61A80, s0  }
0x5b: {  	[tilespmem:s28], [sflag:$0x1] =	stream.linear.gather [hbm4b:s0+s3], $0x320, $0x38;
	[tilespmem:$0x14930] =	vst v63  }
0x5c: {  	s0 =	simm.s32 @!p0 $0x7  }
0x5d: {  	_ =	swait.ge @!p0 [sflag:s0], $0x320  }
0x5e: {  	[sflag:s0] =	ssyncset.done @!p0 $0x0  }
0x5f: {  	[sflag:s0] =	ssyncadd.s32 @!p0 $0xFFFFFCE0  }
0x60: {  	s9 =	simm.s32 $0x0;
	_ =	swait.ge [sflag:s15], $0x320  }
0x61: {  	v34 =	vmov s9;
	[sflag:s15] =	ssyncset.done $0x0  }
0x62: {  	v34 =	vshll.u32 v34, $0x4;
	[sflag:s15] =	ssyncadd.s32 $0xFFFFFCE0  }
0x63: {  	v34 =	vor.u32 v1, v34;
	_ =	swait.ge [sflag:s15], $0x320  }
0x64: {  	v35 =	vor.u32 v0, v34;
	[sflag:s15] =	ssyncset.done $0x0  }
0x65: {  	s9 =	simm.s32 $0x76C0;
	s0 =	simm.s32 $0x640;
	[sflag:s15] =	ssyncadd.s32 $0xFFFFFCE0  }
0x66: {  	v36 =	vor.u32 v2, v34;
	[tilespmem:s9], [sflag:$0x6] =	stream.indirect.gather [hbm4b:s4+s29], $0x10, s0, s29, $0xb8;
	[tilespmem:$0x14930] =	vst v63  }
0x67: {  	s0 =	simm.s32 $0xFA0;
	s9 =	simm.s32 $0x10CC0  }
0x68: {  	v37 =	vor.u32 v3, v34;
	[tilespmem:s9], [sflag:$0x6] =	stream.indirect.gather [hbm4b:s5+s29], $0x10, s0, s29, $0xb8;
	[tilespmem:$0x14930] =	vst v63  }
0x69: {  	v38 =	vld.idx.msk [tilespmem:v35+s26+$0x0], $0xffff  }
0x6a: {  	v39 =	vor.u32 v4, v34;
	v35 =	vld.idx.msk [tilespmem:v35+s24+$0x0], $0xffff  }
0x6b: {  	v40 =	vld.idx.msk [tilespmem:v36+s24+$0x0], $0xffff  }
0x6c: {  	v41 =	vor.u32 v5, v34;
	v36 =	vld.idx.msk [tilespmem:v36+s26+$0x0], $0xffff  }
0x6d: {  	v42 =	vld.idx.msk [tilespmem:v37+s24+$0x0], $0xffff  }
0x6e: {  	v43 =	vor.u32 v6, v34;
	v37 =	vld.idx.msk [tilespmem:v37+s26+$0x0], $0xffff  }
0x6f: {  	v44 =	vld.idx.msk [tilespmem:v39+s24+$0x0], $0xffff;
	v35 =	vadd.f32 v38, v35  }
0x70: {  	v50 =	vor.u32 v8, v34;
	v49 =	vld.idx.msk [tilespmem:v39+s26+$0x0], $0xffff  }
0x71: {  	v45 =	vld.idx.msk [tilespmem:v41+s24+$0x0], $0xffff;
	v36 =	vadd.f32 v36, v40;
	v35 =	vmax.f32 v35, $0.0e+00  }
0x72: {  	v52 =	vor.u32 v9, v34;
	v51 =	vld.idx.msk [tilespmem:v41+s26+$0x0], $0xffff;
	v35 =	vmul.f32 v35, v32  }
0x73: {  	v46 =	vld.idx.msk [tilespmem:v43+s24+$0x0], $0xffff;
	v37 =	vadd.f32 v37, v42;
	v36 =	vmax.f32 v36, $0.0e+00  }
0x74: {  	v54 =	vor.u32 v7, v34;
	v53 =	vld.idx.msk [tilespmem:v43+s26+$0x0], $0xffff;
	v36 =	vmul.f32 v36, v31;
	v35 =	vadd.f32 v35, v33  }
0x75: {  	v47 =	vld.idx.msk [tilespmem:v50+s24+$0x0], $0xffff;
	v38 =	vadd.f32 v49, v44;
	v37 =	vmax.f32 v37, $0.0e+00  }
0x76: {  	v55 =	vor.u32 v10, v34;
	v39 =	vld.idx.msk [tilespmem:v50+s26+$0x0], $0xffff;
	v56 =	vmul.f32 v37, v30;
	v35 =	vadd.f32 v36, v35  }
0x77: {  	v57 =	vld.idx.msk [tilespmem:v52+s24+$0x0], $0xffff;
	v40 =	vadd.f32 v51, v45;
	v38 =	vmax.f32 v38, $0.0e+00  }
0x78: {  	v58 =	vor.u32 v11, v34;
	v41 =	vld.idx.msk [tilespmem:v52+s26+$0x0], $0xffff;
	v59 =	vmul.f32 v38, v29;
	v35 =	vadd.f32 v56, v35  }
0x79: {  	v60 =	vld.idx.msk [tilespmem:v54+s24+$0x0], $0xffff;
	v42 =	vadd.f32 v53, v46;
	v40 =	vmax.f32 v40, $0.0e+00  }
0x7a: {  	v61 =	vor.u32 v12, v34;
	v43 =	vld.idx.msk [tilespmem:v54+s26+$0x0], $0xffff;
	v62 =	vmul.f32 v40, v28;
	v35 =	vadd.f32 v59, v35  }
0x7b: {  	v63 =	vld.idx.msk [tilespmem:v55+s24+$0x0], $0xffff;
	v39 =	vadd.f32 v39, v47;
	v42 =	vmax.f32 v42, $0.0e+00  }
0x7c: {  	v48 =	vor.u32 v13, v34;
	v44 =	vld.idx.msk [tilespmem:v55+s26+$0x0], $0xffff;
	v49 =	vmul.f32 v42, v27;
	v35 =	vadd.f32 v62, v35  }
0x7d: {  	v50 =	vld.idx.msk [tilespmem:v58+s24+$0x0], $0xffff;
	v39 =	vmax.f32 v39, $0.0e+00;
	v37 =	vadd.f32 v41, v57  }
0x7e: {  	v52 =	vor.u32 v14, v34;
	v51 =	vld.idx.msk [tilespmem:v58+s26+$0x0], $0xffff;
	v53 =	vmul.f32 v39, v26;
	v35 =	vadd.f32 v49, v35  }
0x7f: {  	v54 =	vld.idx.msk [tilespmem:v61+s24+$0x0], $0xffff;
	v38 =	vadd.f32 v43, v60;
	v37 =	vmax.f32 v37, $0.0e+00  }
0x80: {  	v55 =	vld.idx.msk [tilespmem:v61+s26+$0x0], $0xffff;
	v57 =	vmul.f32 v37, v25;
	v56 =	vor.u32 v15, v34;
	v35 =	vadd.f32 v53, v35  }
0x81: {  	v58 =	vld.idx.msk [tilespmem:v48+s24+$0x0], $0xffff;
	v38 =	vmax.f32 v38, $0.0e+00;
	v40 =	vadd.f32 v44, v63  }
0x82: {  	v60 =	vmul.f32 v38, v24;
	v34 =	vor.u32 v16, v34;
	v59 =	vld.idx.msk [tilespmem:v48+s26+$0x0], $0xffff;
	v35 =	vadd.f32 v57, v35  }
0x83: {  	v61 =	vld.idx.msk [tilespmem:v52+s24+$0x0], $0xffff;
	v41 =	vadd.f32 v51, v50;
	v40 =	vmax.f32 v40, $0.0e+00  }
0x84: {  	v63 =	vmul.f32 v40, v23;
	v62 =	vld.idx.msk [tilespmem:v52+s26+$0x0], $0xffff;
	v35 =	vadd.f32 v60, v35  }
0x85: {  	v39 =	vadd.f32 v55, v54;
	v41 =	vmax.f32 v41, $0.0e+00;
	v45 =	vld.idx.msk [tilespmem:v56+s24+$0x0], $0xffff  }
0x86: {  	v47 =	vmul.f32 v41, v22;
	v46 =	vld.idx.msk [tilespmem:v56+s26+$0x0], $0xffff;
	v35 =	vadd.f32 v63, v35  }
0x87: {  	v39 =	vmax.f32 v39, $0.0e+00;
	v48 =	vld.idx.msk [tilespmem:v34+s24+$0x0], $0xffff;
	v37 =	vadd.f32 v59, v58  }
0x88: {  	v34 =	vld.idx.msk [tilespmem:v34+s26+$0x0], $0xffff;
	v49 =	vmul.f32 v39, v21;
	v35 =	vadd.f32 v47, v35  }
0x89: {  	v37 =	vmax.f32 v37, $0.0e+00;
	v38 =	vadd.f32 v62, v61  }
0x8a: {  	v50 =	vmul.f32 v37, v20;
	v35 =	vadd.f32 v49, v35  }
0x8b: {  	v52 =	vadd.f32 v46, v45;
	v51 =	vmax.f32 v38, $0.0e+00  }
0x8c: {  	v53 =	vmul.f32 v51, v19;
	v35 =	vadd.f32 v50, v35  }
0x8d: {  	v34 =	vadd.f32 v34, v48;
	v54 =	vmax.f32 v52, $0.0e+00  }
0x8e: {  	v55 =	vmul.f32 v54, v18;
	v35 =	vadd.f32 v53, v35  }
0x8f: {  	v34 =	vmax.f32 v34, $0.0e+00  }
0x90: {  	v34 =	vmul.f32 v34, v17;
	v35 =	vadd.f32 v55, v35;
	_ =	sdelay $0x1  }
0x91: {  	v34 =	vadd.f32 v34, v35;
	_ =	sdelay $0x1  }
0x92: {  	v34 =	vsub.f32 $0.0e+00, v34;
	_ =	sdelay $0x1  }
0x93: {  	v34 =	vmul.f32 $1.442695020e+00, v34;
	_ =	sdelay $0x1  }
0x94: {  	(erf) = vpow2.f32 v34;
	_ =	sdelay $0x8  }
0x95: {  	v34 =	vpop (erf)  }
0x96: {  	v34 =	vadd.f32 $1.000000000e+00, v34;
	_ =	sdelay $0x1  }
0x97: {  	(erf) = vrcp.f32 v34;
	_ =	sdelay $0x1  }
0x98: {  	s9 =	simm.s32 $0x10  }
0x99: {  	v56 =	vmov s9  }
0x9a: {  	v34 =	vshll.u32 v56, $0x4  }
0x9b: {  	v34 =	vor.u32 v1, v34  }
0x9c: {  	v57 =	vor.u32 v0, v34;
	_ =	sdelay $0x1  }
0x9d: {  	v58 =	vor.u32 v2, v34  }
0x9e: {  	s31 =	simm.s32 $0x13EC0;
	v59 =	vpop (erf)  }
0x9f: {  	v60 =	vor.u32 v3, v34;
	[tilespmem:s31+$0x0] =	vst v59  }
0xa0: {  	v37 =	vld.idx.msk [tilespmem:v57+s26+$0x0], $0xffff  }
0xa1: {  	v61 =	vor.u32 v4, v34;
	v35 =	vld.idx.msk [tilespmem:v57+s24+$0x0], $0xffff  }
0xa2: {  	v62 =	vld.idx.msk [tilespmem:v58+s24+$0x0], $0xffff  }
0xa3: {  	v63 =	vor.u32 v5, v34;
	v36 =	vld.idx.msk [tilespmem:v58+s26+$0x0], $0xffff  }
0xa4: {  	v48 =	vld.idx.msk [tilespmem:v60+s24+$0x0], $0xffff  }
0xa5: {  	v49 =	vor.u32 v6, v34;
	v38 =	vld.idx.msk [tilespmem:v60+s26+$0x0], $0xffff  }
0xa6: {  	v50 =	vld.idx.msk [tilespmem:v61+s24+$0x0], $0xffff;
	v35 =	vadd.f32 v37, v35  }
0xa7: {  	v52 =	vor.u32 v8, v34;
	v51 =	vld.idx.msk [tilespmem:v61+s26+$0x0], $0xffff  }
0xa8: {  	v53 =	vld.idx.msk [tilespmem:v63+s24+$0x0], $0xffff;
	v36 =	vadd.f32 v36, v62;
	v35 =	vmax.f32 v35, $0.0e+00  }
0xa9: {  	v55 =	vor.u32 v9, v34;
	v54 =	vld.idx.msk [tilespmem:v63+s26+$0x0], $0xffff;
	v35 =	vmul.f32 v35, v32  }
0xaa: {  	v56 =	vld.idx.msk [tilespmem:v49+s24+$0x0], $0xffff;
	v38 =	vadd.f32 v38, v48;
	v36 =	vmax.f32 v36, $0.0e+00  }
0xab: {  	v57 =	vld.idx.msk [tilespmem:v49+s26+$0x0], $0xffff;
	v58 =	vor.u32 v7, v34;
	v36 =	vmul.f32 v36, v31;
	v35 =	vadd.f32 v35, v33  }
0xac: {  	v59 =	vld.idx.msk [tilespmem:v52+s24+$0x0], $0xffff;
	v37 =	vadd.f32 v51, v50;
	v38 =	vmax.f32 v38, $0.0e+00  }
0xad: {  	v39 =	vld.idx.msk [tilespmem:v52+s26+$0x0], $0xffff;
	v60 =	vor.u32 v10, v34;
	v61 =	vmul.f32 v38, v30;
	v35 =	vadd.f32 v36, v35  }
0xae: {  	v41 =	vld.idx.msk [tilespmem:v55+s26+$0x0], $0xffff;
	v40 =	vadd.f32 v54, v53;
	v37 =	vmax.f32 v37, $0.0e+00  }
0xaf: {  	v63 =	vor.u32 v11, v34;
	v62 =	vld.idx.msk [tilespmem:v55+s24+$0x0], $0xffff;
	v48 =	vmul.f32 v37, v29;
	v35 =	vadd.f32 v61, v35  }
0xb0: {  	v49 =	vld.idx.msk [tilespmem:v58+s24+$0x0], $0xffff;
	v42 =	vadd.f32 v57, v56;
	v40 =	vmax.f32 v40, $0.0e+00  }
0xb1: {  	v43 =	vld.idx.msk [tilespmem:v58+s26+$0x0], $0xffff;
	v50 =	vor.u32 v12, v34;
	v51 =	vmul.f32 v40, v28;
	v35 =	vadd.f32 v48, v35  }
0xb2: {  	v52 =	vld.idx.msk [tilespmem:v60+s24+$0x0], $0xffff;
	v39 =	vadd.f32 v39, v59;
	v42 =	vmax.f32 v42, $0.0e+00  }
0xb3: {  	v44 =	vld.idx.msk [tilespmem:v60+s26+$0x0], $0xffff;
	v53 =	vor.u32 v13, v34;
	v54 =	vmul.f32 v42, v27;
	v35 =	vadd.f32 v51, v35  }
0xb4: {  	v55 =	vld.idx.msk [tilespmem:v63+s24+$0x0], $0xffff;
	v39 =	vmax.f32 v39, $0.0e+00;
	v38 =	vadd.f32 v41, v62  }
0xb5: {  	v56 =	vld.idx.msk [tilespmem:v63+s26+$0x0], $0xffff;
	v57 =	vor.u32 v14, v34;
	v58 =	vmul.f32 v39, v26;
	v35 =	vadd.f32 v54, v35  }
0xb6: {  	v59 =	vld.idx.msk [tilespmem:v50+s24+$0x0], $0xffff;
	v37 =	vadd.f32 v43, v49;
	v38 =	vmax.f32 v38, $0.0e+00  }
0xb7: {  	v60 =	vld.idx.msk [tilespmem:v50+s26+$0x0], $0xffff;
	v62 =	vmul.f32 v38, v25;
	v61 =	vor.u32 v15, v34;
	v35 =	vadd.f32 v58, v35  }
0xb8: {  	v63 =	vld.idx.msk [tilespmem:v53+s24+$0x0], $0xffff;
	v40 =	vadd.f32 v44, v52;
	v37 =	vmax.f32 v37, $0.0e+00  }
0xb9: {  	v49 =	vmul.f32 v37, v24;
	v34 =	vor.u32 v16, v34;
	v48 =	vld.idx.msk [tilespmem:v53+s26+$0x0], $0xffff;
	v35 =	vadd.f32 v62, v35  }
0xba: {  	v50 =	vld.idx.msk [tilespmem:v57+s24+$0x0], $0xffff;
	v41 =	vadd.f32 v56, v55;
	v40 =	vmax.f32 v40, $0.0e+00  }
0xbb: {  	v52 =	vmul.f32 v40, v23;
	v51 =	vld.idx.msk [tilespmem:v57+s26+$0x0], $0xffff;
	v35 =	vadd.f32 v49, v35  }
0xbc: {  	v41 =	vmax.f32 v41, $0.0e+00;
	v39 =	vadd.f32 v60, v59;
	v53 =	vld.idx.msk [tilespmem:v61+s24+$0x0], $0xffff  }
0xbd: {  	v55 =	vmul.f32 v41, v22;
	v54 =	vld.idx.msk [tilespmem:v61+s26+$0x0], $0xffff;
	v35 =	vadd.f32 v52, v35  }
0xbe: {  	v39 =	vmax.f32 v39, $0.0e+00;
	v56 =	vld.idx.msk [tilespmem:v34+s24+$0x0], $0xffff;
	v38 =	vadd.f32 v48, v63  }
0xbf: {  	v57 =	vmul.f32 v39, v21;
	v34 =	vld.idx.msk [tilespmem:v34+s26+$0x0], $0xffff;
	v35 =	vadd.f32 v55, v35  }
0xc0: {  	v38 =	vmax.f32 v38, $0.0e+00;
	v37 =	vadd.f32 v51, v50  }
0xc1: {  	v58 =	vmul.f32 v38, v20;
	v35 =	vadd.f32 v57, v35  }
0xc2: {  	v37 =	vmax.f32 v37, $0.0e+00;
	v59 =	vadd.f32 v54, v53  }
0xc3: {  	v60 =	vmul.f32 v37, v19;
	v35 =	vadd.f32 v58, v35  }
0xc4: {  	v34 =	vadd.f32 v34, v56;
	v61 =	vmax.f32 v59, $0.0e+00  }
0xc5: {  	v62 =	vmul.f32 v61, v18;
	v35 =	vadd.f32 v60, v35  }
0xc6: {  	v34 =	vmax.f32 v34, $0.0e+00  }
0xc7: {  	v34 =	vmul.f32 v34, v17;
	v35 =	vadd.f32 v62, v35;
	_ =	sdelay $0x1  }
0xc8: {  	v34 =	vadd.f32 v34, v35;
	_ =	sdelay $0x1  }
0xc9: {  	v34 =	vsub.f32 $0.0e+00, v34;
	_ =	sdelay $0x1  }
0xca: {  	v34 =	vmul.f32 $1.442695020e+00, v34;
	_ =	sdelay $0x1  }
0xcb: {  	(erf) = vpow2.f32 v34;
	_ =	sdelay $0x8  }
0xcc: {  	v34 =	vpop (erf)  }
0xcd: {  	v34 =	vadd.f32 $1.000000000e+00, v34;
	_ =	sdelay $0x1  }
0xce: {  	(erf) = vrcp.f32 v34;
	_ =	sdelay $0x1  }
0xcf: {  	s9 =	simm.s32 $0x20  }
0xd0: {  	v63 =	vmov s9  }
0xd1: {  	s0 =	simm.s32 $0x30;
	v34 =	vshll.u32 v63, $0x4  }
.LBB2_3:
0xd2: {  	p1 =	sne.s32 s0, $0x310;
	v34 =	vor.u32 v1, v34  }
0xd3: {  	v35 =	vor.u32 v0, v34;
	_ =	sdelay $0x1  }
0xd4: {  	v36 =	vor.u32 v2, v34  }
0xd5: {  	s31 =	sadd.s32 $0x10, s31;
	v37 =	vpop (erf)  }
0xd6: {  	v38 =	vor.u32 v3, v34;
	[tilespmem:s31+$0x0] =	vst v37  }
0xd7: {  	v37 =	vld.idx.msk [tilespmem:v35+s26+$0x0], $0xffff  }
0xd8: {  	v39 =	vor.u32 v4, v34;
	v35 =	vld.idx.msk [tilespmem:v35+s24+$0x0], $0xffff  }
0xd9: {  	v40 =	vld.idx.msk [tilespmem:v36+s24+$0x0], $0xffff  }
0xda: {  	v41 =	vor.u32 v5, v34;
	v36 =	vld.idx.msk [tilespmem:v36+s26+$0x0], $0xffff  }
0xdb: {  	v42 =	vld.idx.msk [tilespmem:v38+s24+$0x0], $0xffff  }
0xdc: {  	v43 =	vor.u32 v6, v34;
	v38 =	vld.idx.msk [tilespmem:v38+s26+$0x0], $0xffff  }
0xdd: {  	v44 =	vld.idx.msk [tilespmem:v39+s24+$0x0], $0xffff  }
0xde: {  	v35 =	vadd.f32 v37, v35;
	v37 =	vld.idx.msk [tilespmem:v39+s26+$0x0], $0xffff;
	v39 =	vor.u32 v8, v34  }
0xdf: {  	v45 =	vld.idx.msk [tilespmem:v41+s24+$0x0], $0xffff  }
0xe0: {  	v35 =	vmax.f32 v35, $0.0e+00;
	v36 =	vadd.f32 v36, v40;
	v40 =	vld.idx.msk [tilespmem:v41+s26+$0x0], $0xffff;
	v41 =	vor.u32 v9, v34  }
0xe1: {  	v35 =	vmul.f32 v35, v32;
	v46 =	vld.idx.msk [tilespmem:v43+s24+$0x0], $0xffff  }
0xe2: {  	v36 =	vmax.f32 v36, $0.0e+00;
	v38 =	vadd.f32 v38, v42;
	v42 =	vld.idx.msk [tilespmem:v43+s26+$0x0], $0xffff;
	v43 =	vor.u32 v7, v34  }
0xe3: {  	v35 =	vadd.f32 v35, v33;
	v36 =	vmul.f32 v36, v31;
	v47 =	vld.idx.msk [tilespmem:v39+s24+$0x0], $0xffff  }
0xe4: {  	v38 =	vmax.f32 v38, $0.0e+00;
	v37 =	vadd.f32 v37, v44;
	v44 =	vor.u32 v10, v34;
	v39 =	vld.idx.msk [tilespmem:v39+s26+$0x0], $0xffff  }
0xe5: {  	v35 =	vadd.f32 v36, v35;
	v36 =	vmul.f32 v38, v30;
	v38 =	vld.idx.msk [tilespmem:v41+s24+$0x0], $0xffff  }
0xe6: {  	v37 =	vmax.f32 v37, $0.0e+00;
	v40 =	vadd.f32 v40, v45;
	v45 =	vor.u32 v11, v34;
	v41 =	vld.idx.msk [tilespmem:v41+s26+$0x0], $0xffff  }
0xe7: {  	v35 =	vadd.f32 v36, v35;
	v36 =	vmul.f32 v37, v29;
	v37 =	vld.idx.msk [tilespmem:v43+s24+$0x0], $0xffff  }
0xe8: {  	v40 =	vmax.f32 v40, $0.0e+00;
	v42 =	vadd.f32 v42, v46;
	v46 =	vor.u32 v12, v34;
	v43 =	vld.idx.msk [tilespmem:v43+s26+$0x0], $0xffff  }
0xe9: {  	v35 =	vadd.f32 v36, v35;
	v36 =	vmul.f32 v40, v28;
	v40 =	vld.idx.msk [tilespmem:v44+s24+$0x0], $0xffff  }
0xea: {  	v42 =	vmax.f32 v42, $0.0e+00;
	v39 =	vadd.f32 v39, v47;
	v47 =	vor.u32 v13, v34;
	v44 =	vld.idx.msk [tilespmem:v44+s26+$0x0], $0xffff  }
0xeb: {  	v35 =	vadd.f32 v36, v35;
	v36 =	vmul.f32 v42, v27;
	v42 =	vld.idx.msk [tilespmem:v45+s24+$0x0], $0xffff  }
0xec: {  	v39 =	vmax.f32 v39, $0.0e+00;
	v38 =	vadd.f32 v41, v38;
	v41 =	vld.idx.msk [tilespmem:v45+s26+$0x0], $0xffff;
	v45 =	vor.u32 v14, v34  }
0xed: {  	v35 =	vadd.f32 v36, v35;
	v36 =	vmul.f32 v39, v26;
	v39 =	vld.idx.msk [tilespmem:v46+s24+$0x0], $0xffff  }
0xee: {  	v38 =	vmax.f32 v38, $0.0e+00;
	v37 =	vadd.f32 v43, v37;
	v43 =	vld.idx.msk [tilespmem:v46+s26+$0x0], $0xffff;
	v46 =	vor.u32 v15, v34  }
0xef: {  	v35 =	vadd.f32 v36, v35;
	v36 =	vmul.f32 v38, v25;
	v38 =	vld.idx.msk [tilespmem:v47+s24+$0x0], $0xffff  }
0xf0: {  	v34 =	vor.u32 v16, v34;
	v37 =	vmax.f32 v37, $0.0e+00;
	v40 =	vadd.f32 v44, v40;
	v44 =	vld.idx.msk [tilespmem:v47+s26+$0x0], $0xffff  }
0xf1: {  	v35 =	vadd.f32 v36, v35;
	v36 =	vmul.f32 v37, v24;
	v37 =	vld.idx.msk [tilespmem:v45+s24+$0x0], $0xffff  }
0xf2: {  	v40 =	vmax.f32 v40, $0.0e+00;
	v41 =	vadd.f32 v41, v42;
	v42 =	vld.idx.msk [tilespmem:v45+s26+$0x0], $0xffff  }
0xf3: {  	v35 =	vadd.f32 v36, v35;
	v36 =	vmul.f32 v40, v23;
	v40 =	vld.idx.msk [tilespmem:v46+s24+$0x0], $0xffff  }
0xf4: {  	v41 =	vmax.f32 v41, $0.0e+00;
	v39 =	vadd.f32 v43, v39;
	v43 =	vld.idx.msk [tilespmem:v46+s26+$0x0], $0xffff  }
0xf5: {  	v35 =	vadd.f32 v36, v35;
	v36 =	vmul.f32 v41, v22;
	v41 =	vld.idx.msk [tilespmem:v34+s24+$0x0], $0xffff  }
0xf6: {  	v39 =	vmax.f32 v39, $0.0e+00;
	v38 =	vadd.f32 v44, v38;
	v34 =	vld.idx.msk [tilespmem:v34+s26+$0x0], $0xffff  }
0xf7: {  	v35 =	vadd.f32 v36, v35;
	v36 =	vmul.f32 v39, v21  }
0xf8: {  	v38 =	vmax.f32 v38, $0.0e+00;
	v37 =	vadd.f32 v42, v37  }
0xf9: {  	v35 =	vadd.f32 v36, v35;
	v36 =	vmul.f32 v38, v20  }
0xfa: {  	v37 =	vmax.f32 v37, $0.0e+00;
	v38 =	vadd.f32 v43, v40  }
0xfb: {  	v35 =	vadd.f32 v36, v35;
	v36 =	vmul.f32 v37, v19  }
0xfc: {  	v37 =	vmax.f32 v38, $0.0e+00;
	v34 =	vadd.f32 v34, v41  }
0xfd: {  	v35 =	vadd.f32 v36, v35;
	v36 =	vmul.f32 v37, v18  }
0xfe: {  	v34 =	vmax.f32 v34, $0.0e+00  }
0xff: {  	v35 =	vadd.f32 v36, v35;
	v34 =	vmul.f32 v34, v17;
	_ =	sdelay $0x1  }
0x100: {  	v34 =	vadd.f32 v34, v35;
	_ =	sdelay $0x1  }
0x101: {  	v34 =	vsub.f32 $0.0e+00, v34;
	_ =	sdelay $0x1  }
0x102: {  	v34 =	vmul.f32 $1.442695020e+00, v34;
	_ =	sdelay $0x1  }
0x103: {  	(erf) = vpow2.f32 v34;
	_ =	sdelay $0x8  }
0x104: {  	v34 =	vpop (erf)  }
0x105: {  	v34 =	vadd.f32 $1.000000000e+00, v34;
	_ =	sdelay $0x1  }
.Ltmp0:
0x106: {  	(erf) = vrcp.f32 v34;
	(pc) =	sbr.rel @p1 .LBB2_3-.Ltmp0, $3  }
0x107: {  	_ =	sdelay $0x1  }
0x108: {  	v34 =	vmov s0  }
0x109: {  	s0 =	sadd.s32 $0x10, s0;
	v34 =	vshll.u32 v34, $0x4  }
0x10a: {  	v34 =	vor.u32 v1, v34  }
0x10b: {  	v35 =	vor.u32 v0, v34;
	_ =	sdelay $0x1  }
0x10c: {  	v36 =	vor.u32 v2, v34  }
0x10d: {  	s0 =	sadd.s32 $0x10, s31;
	v37 =	vpop (erf)  }
0x10e: {  	v38 =	vor.u32 v3, v34;
	[tilespmem:s0+$0x0] =	vst v37  }
0x10f: {  	v37 =	vld.idx.msk [tilespmem:v35+s26+$0x0], $0xffff  }
0x110: {  	v39 =	vor.u32 v4, v34;
	v35 =	vld.idx.msk [tilespmem:v35+s24+$0x0], $0xffff  }
0x111: {  	v40 =	vld.idx.msk [tilespmem:v36+s24+$0x0], $0xffff  }
0x112: {  	v41 =	vor.u32 v5, v34;
	v36 =	vld.idx.msk [tilespmem:v36+s26+$0x0], $0xffff  }
0x113: {  	v42 =	vld.idx.msk [tilespmem:v38+s24+$0x0], $0xffff  }
0x114: {  	v43 =	vor.u32 v6, v34;
	v38 =	vld.idx.msk [tilespmem:v38+s26+$0x0], $0xffff  }
0x115: {  	v44 =	vld.idx.msk [tilespmem:v39+s24+$0x0], $0xffff;
	v35 =	vadd.f32 v37, v35  }
0x116: {  	v62 =	vor.u32 v8, v34;
	v61 =	vld.idx.msk [tilespmem:v39+s26+$0x0], $0xffff  }
0x117: {  	v45 =	vld.idx.msk [tilespmem:v41+s24+$0x0], $0xffff;
	v36 =	vadd.f32 v36, v40;
	v35 =	vmax.f32 v35, $0.0e+00  }
0x118: {  	v48 =	vor.u32 v9, v34;
	v63 =	vld.idx.msk [tilespmem:v41+s26+$0x0], $0xffff;
	v35 =	vmul.f32 v35, v32  }
0x119: {  	v46 =	vld.idx.msk [tilespmem:v43+s24+$0x0], $0xffff;
	v38 =	vadd.f32 v38, v42;
	v36 =	vmax.f32 v36, $0.0e+00  }
0x11a: {  	v50 =	vor.u32 v7, v34;
	v49 =	vld.idx.msk [tilespmem:v43+s26+$0x0], $0xffff;
	v36 =	vmul.f32 v36, v31;
	v35 =	vadd.f32 v35, v33  }
0x11b: {  	v47 =	vld.idx.msk [tilespmem:v62+s24+$0x0], $0xffff;
	v37 =	vadd.f32 v61, v44;
	v38 =	vmax.f32 v38, $0.0e+00  }
0x11c: {  	v51 =	vor.u32 v10, v34;
	v39 =	vld.idx.msk [tilespmem:v62+s26+$0x0], $0xffff;
	v52 =	vmul.f32 v38, v30;
	v35 =	vadd.f32 v36, v35  }
0x11d: {  	v53 =	vld.idx.msk [tilespmem:v48+s24+$0x0], $0xffff;
	v40 =	vadd.f32 v63, v45;
	v37 =	vmax.f32 v37, $0.0e+00  }
0x11e: {  	v54 =	vor.u32 v11, v34;
	v41 =	vld.idx.msk [tilespmem:v48+s26+$0x0], $0xffff;
	v55 =	vmul.f32 v37, v29;
	v35 =	vadd.f32 v52, v35  }
0x11f: {  	v56 =	vld.idx.msk [tilespmem:v50+s24+$0x0], $0xffff;
	v42 =	vadd.f32 v49, v46;
	v40 =	vmax.f32 v40, $0.0e+00  }
0x120: {  	v57 =	vor.u32 v12, v34;
	v43 =	vld.idx.msk [tilespmem:v50+s26+$0x0], $0xffff;
	v58 =	vmul.f32 v40, v28;
	v35 =	vadd.f32 v55, v35  }
0x121: {  	v59 =	vld.idx.msk [tilespmem:v51+s24+$0x0], $0xffff;
	v39 =	vadd.f32 v39, v47;
	v42 =	vmax.f32 v42, $0.0e+00  }
0x122: {  	v60 =	vor.u32 v13, v34;
	v44 =	vld.idx.msk [tilespmem:v51+s26+$0x0], $0xffff;
	v61 =	vmul.f32 v42, v27;
	v35 =	vadd.f32 v58, v35  }
0x123: {  	v62 =	vld.idx.msk [tilespmem:v54+s24+$0x0], $0xffff;
	v39 =	vmax.f32 v39, $0.0e+00;
	v38 =	vadd.f32 v41, v53  }
0x124: {  	v48 =	vor.u32 v14, v34;
	v63 =	vld.idx.msk [tilespmem:v54+s26+$0x0], $0xffff;
	v49 =	vmul.f32 v39, v26;
	v35 =	vadd.f32 v61, v35  }
0x125: {  	v50 =	vld.idx.msk [tilespmem:v57+s24+$0x0], $0xffff;
	v37 =	vadd.f32 v43, v56;
	v38 =	vmax.f32 v38, $0.0e+00  }
0x126: {  	v51 =	vld.idx.msk [tilespmem:v57+s26+$0x0], $0xffff;
	v53 =	vmul.f32 v38, v25;
	v52 =	vor.u32 v15, v34;
	v35 =	vadd.f32 v49, v35  }
0x127: {  	v54 =	vld.idx.msk [tilespmem:v60+s24+$0x0], $0xffff;
	v37 =	vmax.f32 v37, $0.0e+00;
	v40 =	vadd.f32 v44, v59  }
0x128: {  	v56 =	vmul.f32 v37, v24;
	v34 =	vor.u32 v16, v34;
	v55 =	vld.idx.msk [tilespmem:v60+s26+$0x0], $0xffff;
	v35 =	vadd.f32 v53, v35  }
0x129: {  	v57 =	vld.idx.msk [tilespmem:v48+s24+$0x0], $0xffff;
	v41 =	vadd.f32 v63, v62;
	v40 =	vmax.f32 v40, $0.0e+00  }
0x12a: {  	v59 =	vmul.f32 v40, v23;
	v58 =	vld.idx.msk [tilespmem:v48+s26+$0x0], $0xffff;
	v35 =	vadd.f32 v56, v35  }
0x12b: {  	v39 =	vadd.f32 v51, v50;
	v41 =	vmax.f32 v41, $0.0e+00;
	v60 =	vld.idx.msk [tilespmem:v52+s24+$0x0], $0xffff  }
0x12c: {  	v62 =	vmul.f32 v41, v22;
	v61 =	vld.idx.msk [tilespmem:v52+s26+$0x0], $0xffff;
	v35 =	vadd.f32 v59, v35  }
0x12d: {  	v39 =	vmax.f32 v39, $0.0e+00;
	v63 =	vld.idx.msk [tilespmem:v34+s24+$0x0], $0xffff;
	v38 =	vadd.f32 v55, v54  }
0x12e: {  	v45 =	vmul.f32 v39, v21;
	v34 =	vld.idx.msk [tilespmem:v34+s26+$0x0], $0xffff;
	v35 =	vadd.f32 v62, v35  }
0x12f: {  	v38 =	vmax.f32 v38, $0.0e+00;
	v37 =	vadd.f32 v58, v57  }
0x130: {  	v46 =	vmul.f32 v38, v20;
	v35 =	vadd.f32 v45, v35  }
0x131: {  	v37 =	vmax.f32 v37, $0.0e+00;
	v47 =	vadd.f32 v61, v60  }
0x132: {  	v48 =	vmul.f32 v37, v19;
	v35 =	vadd.f32 v46, v35  }
0x133: {  	v34 =	vadd.f32 v34, v63;
	v49 =	vmax.f32 v47, $0.0e+00  }
0x134: {  	v50 =	vmul.f32 v49, v18;
	v35 =	vadd.f32 v48, v35  }
0x135: {  	v34 =	vmax.f32 v34, $0.0e+00  }
0x136: {  	v34 =	vmul.f32 v34, v17;
	v35 =	vadd.f32 v50, v35;
	_ =	sdelay $0x1  }
0x137: {  	v34 =	vadd.f32 v34, v35;
	_ =	sdelay $0x1  }
0x138: {  	v34 =	vsub.f32 $0.0e+00, v34;
	_ =	sdelay $0x1  }
0x139: {  	v34 =	vmul.f32 $1.442695020e+00, v34;
	_ =	sdelay $0x1  }
0x13a: {  	(erf) = vpow2.f32 v34;
	_ =	sdelay $0x8  }
0x13b: {  	v34 =	vpop (erf)  }
0x13c: {  	v34 =	vadd.f32 $1.000000000e+00, v34;
	_ =	sdelay $0x1  }
0x13d: {  	(erf) = vrcp.f32 v34;
	_ =	sdelay $0x7  }
0x13e: {  	s31 =	sadd.s32 s6, s25  }
0x13f: {  	s31 =	sshrl.u32 s31, $0x3;
	s0 =	sadd.s32 $0x10, s0;
	v34 =	vpop (erf)  }
0x140: {  	s9 =	sadd.s32 s1, s31;
	[tilespmem:s0+$0x0] =	vst v34  }
0x141: {  	[hbm4b:s9+s3] =	stream.linear.scatter [tilespmem:s21], [sflag:$0x7], $0x320, $0x38;
	[tilespmem:$0x14930] =	vst v63  }
0x142: {  	_ =	swait.ge [sflag:s22], $0x3200  }
0x143: {  	[sflag:s22] =	ssyncset.done $0x0  }
0x144: {  	[sflag:s22] =	ssyncadd.s32 $0xFFFFCE00  }
0x145: {  	s9 =	sadd.s32 s25, s19;
	_ =	swait.ge [sflag:s22], $0x3200  }
0x146: {  	s0 =	sshrl.u32 s9, $0x3;
	[sflag:s22] =	ssyncset.done $0x0  }
0x147: {  	s0 =	sadd.s32 s7, s0;
	[sflag:s22] =	ssyncadd.s32 $0xFFFFCE00  }
0x148: {  	[tilespmem:s29], [sflag:$0x2] =	stream.linear.gather [hbm4b:s0+s3], $0x320, $0x38;
	[tilespmem:$0x14930] =	vst v63  }
0x149: {  	s0 =	sadd.s32 $0x61A80, s0  }
0x14a: {  	[tilespmem:s30], [sflag:$0x2] =	stream.linear.gather [hbm4b:s0+s3], $0x320, $0x38;
	[tilespmem:$0x14930] =	vst v63  }
0x14b: {  	s0 =	simm.s32 @!p0 $0x8  }
0x14c: {  	_ =	swait.ge @!p0 [sflag:s0], $0x320  }
0x14d: {  	[sflag:s0] =	ssyncset.done @!p0 $0x0  }
0x14e: {  	[sflag:s0] =	ssyncadd.s32 @!p0 $0xFFFFFCE0  }
0x14f: {  	s9 =	simm.s32 $0x320;
	_ =	swait.ge [sflag:s2], $0x320  }
0x150: {  	v51 =	vmov s9;
	[sflag:s2] =	ssyncset.done $0x0  }
0x151: {  	v34 =	vshll.u32 v51, $0x4;
	[sflag:s2] =	ssyncadd.s32 $0xFFFFFCE0  }
0x152: {  	v34 =	vor.u32 v1, v34;
	_ =	swait.ge [sflag:s2], $0x320  }
0x153: {  	v52 =	vor.u32 v0, v34;
	[sflag:s2] =	ssyncset.done $0x0  }
0x154: {  	[sflag:s2] =	ssyncadd.s32 $0xFFFFFCE0  }
0x155: {  	v53 =	vor.u32 v2, v34;
	[tilespmem:s24], [sflag:$0x4] =	stream.indirect.gather [hbm4b:s4+s9], $0x10, s3, s9, $0xb8;
	[tilespmem:$0x14930] =	vst v63  }
0x156: {  	_ = 	snop  }
0x157: {  	v54 =	vor.u32 v3, v34;
	[tilespmem:s26], [sflag:$0x4] =	stream.indirect.gather [hbm4b:s5+s9], $0x10, s28, s9, $0xb8;
	[tilespmem:$0x14930] =	vst v63  }
0x158: {  	v55 =	vld.idx.msk [tilespmem:v52+s26+$0x0], $0xffff  }
0x159: {  	v56 =	vor.u32 v4, v34;
	v35 =	vld.idx.msk [tilespmem:v52+s24+$0x0], $0xffff  }
0x15a: {  	v57 =	vld.idx.msk [tilespmem:v53+s24+$0x0], $0xffff  }
0x15b: {  	v58 =	vor.u32 v5, v34;
	v36 =	vld.idx.msk [tilespmem:v53+s26+$0x0], $0xffff  }
0x15c: {  	v59 =	vld.idx.msk [tilespmem:v54+s24+$0x0], $0xffff  }
0x15d: {  	v60 =	vor.u32 v6, v34;
	v37 =	vld.idx.msk [tilespmem:v54+s26+$0x0], $0xffff  }
0x15e: {  	v61 =	vld.idx.msk [tilespmem:v56+s24+$0x0], $0xffff;
	v35 =	vadd.f32 v55, v35  }
0x15f: {  	v63 =	vor.u32 v8, v34;
	v62 =	vld.idx.msk [tilespmem:v56+s26+$0x0], $0xffff  }
0x160: {  	v48 =	vld.idx.msk [tilespmem:v58+s24+$0x0], $0xffff;
	v36 =	vadd.f32 v36, v57;
	v35 =	vmax.f32 v35, $0.0e+00  }
0x161: {  	v50 =	vor.u32 v9, v34;
	v49 =	vld.idx.msk [tilespmem:v58+s26+$0x0], $0xffff;
	v35 =	vmul.f32 v35, v32  }
0x162: {  	v51 =	vld.idx.msk [tilespmem:v60+s24+$0x0], $0xffff;
	v37 =	vadd.f32 v37, v59;
	v36 =	vmax.f32 v36, $0.0e+00  }
0x163: {  	v52 =	vld.idx.msk [tilespmem:v60+s26+$0x0], $0xffff;
	v53 =	vor.u32 v7, v34;
	v36 =	vmul.f32 v36, v31;
	v35 =	vadd.f32 v35, v33  }
0x164: {  	v54 =	vld.idx.msk [tilespmem:v63+s24+$0x0], $0xffff;
	v38 =	vadd.f32 v62, v61;
	v37 =	vmax.f32 v37, $0.0e+00  }
0x165: {  	v39 =	vld.idx.msk [tilespmem:v63+s26+$0x0], $0xffff;
	v55 =	vor.u32 v10, v34;
	v56 =	vmul.f32 v37, v30;
	v35 =	vadd.f32 v36, v35  }
0x166: {  	v41 =	vld.idx.msk [tilespmem:v50+s26+$0x0], $0xffff;
	v40 =	vadd.f32 v49, v48;
	v38 =	vmax.f32 v38, $0.0e+00  }
0x167: {  	v58 =	vor.u32 v11, v34;
	v57 =	vld.idx.msk [tilespmem:v50+s24+$0x0], $0xffff;
	v59 =	vmul.f32 v38, v29;
	v35 =	vadd.f32 v56, v35  }
0x168: {  	v60 =	vld.idx.msk [tilespmem:v53+s24+$0x0], $0xffff;
	v42 =	vadd.f32 v52, v51;
	v40 =	vmax.f32 v40, $0.0e+00  }
0x169: {  	v43 =	vld.idx.msk [tilespmem:v53+s26+$0x0], $0xffff;
	v61 =	vor.u32 v12, v34;
	v62 =	vmul.f32 v40, v28;
	v35 =	vadd.f32 v59, v35  }
0x16a: {  	v39 =	vadd.f32 v39, v54;
	v42 =	vmax.f32 v42, $0.0e+00;
	v63 =	vld.idx.msk [tilespmem:v55+s24+$0x0], $0xffff  }
0x16b: {  	v48 =	vor.u32 v13, v34;
	v49 =	vmul.f32 v42, v27;
	v44 =	vld.idx.msk [tilespmem:v55+s26+$0x0], $0xffff;
	v35 =	vadd.f32 v62, v35  }
0x16c: {  	v50 =	vld.idx.msk [tilespmem:v58+s24+$0x0], $0xffff;
	v39 =	vmax.f32 v39, $0.0e+00;
	v37 =	vadd.f32 v41, v57  }
0x16d: {  	v51 =	vld.idx.msk [tilespmem:v58+s26+$0x0], $0xffff;
	v52 =	vor.u32 v14, v34;
	v53 =	vmul.f32 v39, v26;
	v35 =	vadd.f32 v49, v35  }
0x16e: {  	v54 =	vld.idx.msk [tilespmem:v61+s24+$0x0], $0xffff;
	v38 =	vadd.f32 v43, v60;
	v37 =	vmax.f32 v37, $0.0e+00  }
0x16f: {  	v55 =	vld.idx.msk [tilespmem:v61+s26+$0x0], $0xffff;
	v57 =	vmul.f32 v37, v25;
	v56 =	vor.u32 v15, v34;
	v35 =	vadd.f32 v53, v35  }
0x170: {  	v58 =	vld.idx.msk [tilespmem:v48+s24+$0x0], $0xffff;
	v38 =	vmax.f32 v38, $0.0e+00;
	v40 =	vadd.f32 v44, v63  }
0x171: {  	v60 =	vmul.f32 v38, v24;
	v34 =	vor.u32 v16, v34;
	v59 =	vld.idx.msk [tilespmem:v48+s26+$0x0], $0xffff;
	v35 =	vadd.f32 v57, v35  }
0x172: {  	v61 =	vld.idx.msk [tilespmem:v52+s24+$0x0], $0xffff;
	v41 =	vadd.f32 v51, v50;
	v40 =	vmax.f32 v40, $0.0e+00  }
0x173: {  	v62 =	vld.idx.msk [tilespmem:v52+s26+$0x0], $0xffff;
	v63 =	vmul.f32 v40, v23;
	v35 =	vadd.f32 v60, v35  }
0x174: {  	v41 =	vmax.f32 v41, $0.0e+00;
	v39 =	vadd.f32 v55, v54;
	v45 =	vld.idx.msk [tilespmem:v56+s24+$0x0], $0xffff  }
0x175: {  	v47 =	vmul.f32 v41, v22;
	v46 =	vld.idx.msk [tilespmem:v56+s26+$0x0], $0xffff;
	v35 =	vadd.f32 v63, v35  }
0x176: {  	v39 =	vmax.f32 v39, $0.0e+00;
	v48 =	vld.idx.msk [tilespmem:v34+s24+$0x0], $0xffff;
	v37 =	vadd.f32 v59, v58  }
0x177: {  	v34 =	vld.idx.msk [tilespmem:v34+s26+$0x0], $0xffff;
	v49 =	vmul.f32 v39, v21;
	v35 =	vadd.f32 v47, v35  }
0x178: {  	v37 =	vmax.f32 v37, $0.0e+00;
	v38 =	vadd.f32 v62, v61  }
0x179: {  	v50 =	vmul.f32 v37, v20;
	v35 =	vadd.f32 v49, v35  }
0x17a: {  	v52 =	vadd.f32 v46, v45;
	v51 =	vmax.f32 v38, $0.0e+00  }
0x17b: {  	v53 =	vmul.f32 v51, v19;
	v35 =	vadd.f32 v50, v35  }
0x17c: {  	v34 =	vadd.f32 v34, v48;
	v54 =	vmax.f32 v52, $0.0e+00  }
0x17d: {  	v55 =	vmul.f32 v54, v18;
	v35 =	vadd.f32 v53, v35  }
0x17e: {  	v34 =	vmax.f32 v34, $0.0e+00  }
0x17f: {  	v34 =	vmul.f32 v34, v17;
	v35 =	vadd.f32 v55, v35;
	_ =	sdelay $0x1  }
0x180: {  	v34 =	vadd.f32 v34, v35;
	_ =	sdelay $0x1  }
0x181: {  	v34 =	vsub.f32 $0.0e+00, v34;
	_ =	sdelay $0x1  }
0x182: {  	v34 =	vmul.f32 $1.442695020e+00, v34;
	_ =	sdelay $0x1  }
0x183: {  	(erf) = vpow2.f32 v34;
	_ =	sdelay $0x8  }
0x184: {  	v34 =	vpop (erf)  }
0x185: {  	v34 =	vadd.f32 $1.000000000e+00, v34;
	_ =	sdelay $0x1  }
0x186: {  	(erf) = vrcp.f32 v34;
	_ =	sdelay $0x1  }
0x187: {  	s9 =	simm.s32 $0x330  }
0x188: {  	v56 =	vmov s9  }
0x189: {  	v34 =	vshll.u32 v56, $0x4  }
0x18a: {  	v34 =	vor.u32 v1, v34  }
0x18b: {  	v57 =	vor.u32 v0, v34;
	_ =	sdelay $0x1  }
0x18c: {  	v58 =	vor.u32 v2, v34  }
0x18d: {  	s31 =	simm.s32 $0x141E0;
	v59 =	vpop (erf)  }
0x18e: {  	v60 =	vor.u32 v3, v34;
	[tilespmem:s31+$0x0] =	vst v59  }
0x18f: {  	v37 =	vld.idx.msk [tilespmem:v57+s26+$0x0], $0xffff  }
0x190: {  	v61 =	vor.u32 v4, v34;
	v35 =	vld.idx.msk [tilespmem:v57+s24+$0x0], $0xffff  }
0x191: {  	v62 =	vld.idx.msk [tilespmem:v58+s24+$0x0], $0xffff  }
0x192: {  	v63 =	vor.u32 v5, v34;
	v36 =	vld.idx.msk [tilespmem:v58+s26+$0x0], $0xffff  }
0x193: {  	v48 =	vld.idx.msk [tilespmem:v60+s24+$0x0], $0xffff  }
0x194: {  	v49 =	vor.u32 v6, v34;
	v38 =	vld.idx.msk [tilespmem:v60+s26+$0x0], $0xffff  }
0x195: {  	v50 =	vld.idx.msk [tilespmem:v61+s24+$0x0], $0xffff;
	v35 =	vadd.f32 v37, v35  }
0x196: {  	v52 =	vor.u32 v8, v34;
	v51 =	vld.idx.msk [tilespmem:v61+s26+$0x0], $0xffff  }
0x197: {  	v53 =	vld.idx.msk [tilespmem:v63+s24+$0x0], $0xffff;
	v36 =	vadd.f32 v36, v62;
	v35 =	vmax.f32 v35, $0.0e+00  }
0x198: {  	v55 =	vor.u32 v9, v34;
	v54 =	vld.idx.msk [tilespmem:v63+s26+$0x0], $0xffff;
	v35 =	vmul.f32 v35, v32  }
0x199: {  	v56 =	vld.idx.msk [tilespmem:v49+s24+$0x0], $0xffff;
	v38 =	vadd.f32 v38, v48;
	v36 =	vmax.f32 v36, $0.0e+00  }
0x19a: {  	v57 =	vld.idx.msk [tilespmem:v49+s26+$0x0], $0xffff;
	v58 =	vor.u32 v7, v34;
	v36 =	vmul.f32 v36, v31;
	v35 =	vadd.f32 v35, v33  }
0x19b: {  	v59 =	vld.idx.msk [tilespmem:v52+s24+$0x0], $0xffff;
	v37 =	vadd.f32 v51, v50;
	v38 =	vmax.f32 v38, $0.0e+00  }
0x19c: {  	v39 =	vld.idx.msk [tilespmem:v52+s26+$0x0], $0xffff;
	v60 =	vor.u32 v10, v34;
	v61 =	vmul.f32 v38, v30;
	v35 =	vadd.f32 v36, v35  }
0x19d: {  	v41 =	vld.idx.msk [tilespmem:v55+s26+$0x0], $0xffff;
	v40 =	vadd.f32 v54, v53;
	v37 =	vmax.f32 v37, $0.0e+00  }
0x19e: {  	v63 =	vor.u32 v11, v34;
	v62 =	vld.idx.msk [tilespmem:v55+s24+$0x0], $0xffff;
	v48 =	vmul.f32 v37, v29;
	v35 =	vadd.f32 v61, v35  }
0x19f: {  	v49 =	vld.idx.msk [tilespmem:v58+s24+$0x0], $0xffff;
	v42 =	vadd.f32 v57, v56;
	v40 =	vmax.f32 v40, $0.0e+00  }
0x1a0: {  	v43 =	vld.idx.msk [tilespmem:v58+s26+$0x0], $0xffff;
	v50 =	vor.u32 v12, v34;
	v51 =	vmul.f32 v40, v28;
	v35 =	vadd.f32 v48, v35  }
0x1a1: {  	v52 =	vld.idx.msk [tilespmem:v60+s24+$0x0], $0xffff;
	v39 =	vadd.f32 v39, v59;
	v42 =	vmax.f32 v42, $0.0e+00  }
0x1a2: {  	v44 =	vld.idx.msk [tilespmem:v60+s26+$0x0], $0xffff;
	v53 =	vor.u32 v13, v34;
	v54 =	vmul.f32 v42, v27;
	v35 =	vadd.f32 v51, v35  }
0x1a3: {  	v55 =	vld.idx.msk [tilespmem:v63+s24+$0x0], $0xffff;
	v39 =	vmax.f32 v39, $0.0e+00;
	v38 =	vadd.f32 v41, v62  }
0x1a4: {  	v56 =	vld.idx.msk [tilespmem:v63+s26+$0x0], $0xffff;
	v57 =	vor.u32 v14, v34;
	v58 =	vmul.f32 v39, v26;
	v35 =	vadd.f32 v54, v35  }
0x1a5: {  	v59 =	vld.idx.msk [tilespmem:v50+s24+$0x0], $0xffff;
	v37 =	vadd.f32 v43, v49;
	v38 =	vmax.f32 v38, $0.0e+00  }
0x1a6: {  	v60 =	vld.idx.msk [tilespmem:v50+s26+$0x0], $0xffff;
	v62 =	vmul.f32 v38, v25;
	v61 =	vor.u32 v15, v34;
	v35 =	vadd.f32 v58, v35  }
0x1a7: {  	v63 =	vld.idx.msk [tilespmem:v53+s24+$0x0], $0xffff;
	v40 =	vadd.f32 v44, v52;
	v37 =	vmax.f32 v37, $0.0e+00  }
0x1a8: {  	v49 =	vmul.f32 v37, v24;
	v34 =	vor.u32 v16, v34;
	v48 =	vld.idx.msk [tilespmem:v53+s26+$0x0], $0xffff;
	v35 =	vadd.f32 v62, v35  }
0x1a9: {  	v50 =	vld.idx.msk [tilespmem:v57+s24+$0x0], $0xffff;
	v41 =	vadd.f32 v56, v55;
	v40 =	vmax.f32 v40, $0.0e+00  }
0x1aa: {  	v52 =	vmul.f32 v40, v23;
	v51 =	vld.idx.msk [tilespmem:v57+s26+$0x0], $0xffff;
	v35 =	vadd.f32 v49, v35  }
0x1ab: {  	v41 =	vmax.f32 v41, $0.0e+00;
	v39 =	vadd.f32 v60, v59;
	v53 =	vld.idx.msk [tilespmem:v61+s24+$0x0], $0xffff  }
0x1ac: {  	v55 =	vmul.f32 v41, v22;
	v54 =	vld.idx.msk [tilespmem:v61+s26+$0x0], $0xffff;
	v35 =	vadd.f32 v52, v35  }
0x1ad: {  	v39 =	vmax.f32 v39, $0.0e+00;
	v56 =	vld.idx.msk [tilespmem:v34+s24+$0x0], $0xffff;
	v38 =	vadd.f32 v48, v63  }
0x1ae: {  	v57 =	vmul.f32 v39, v21;
	v34 =	vld.idx.msk [tilespmem:v34+s26+$0x0], $0xffff;
	v35 =	vadd.f32 v55, v35  }
0x1af: {  	v38 =	vmax.f32 v38, $0.0e+00;
	v37 =	vadd.f32 v51, v50  }
0x1b0: {  	v58 =	vmul.f32 v38, v20;
	v35 =	vadd.f32 v57, v35  }
0x1b1: {  	v37 =	vmax.f32 v37, $0.0e+00;
	v59 =	vadd.f32 v54, v53  }
0x1b2: {  	v60 =	vmul.f32 v37, v19;
	v35 =	vadd.f32 v58, v35  }
0x1b3: {  	v34 =	vadd.f32 v34, v56;
	v61 =	vmax.f32 v59, $0.0e+00  }
0x1b4: {  	v62 =	vmul.f32 v61, v18;
	v35 =	vadd.f32 v60, v35  }
0x1b5: {  	v34 =	vmax.f32 v34, $0.0e+00  }
0x1b6: {  	v34 =	vmul.f32 v34, v17;
	v35 =	vadd.f32 v62, v35;
	_ =	sdelay $0x1  }
0x1b7: {  	v34 =	vadd.f32 v34, v35;
	_ =	sdelay $0x1  }
0x1b8: {  	v34 =	vsub.f32 $0.0e+00, v34;
	_ =	sdelay $0x1  }
0x1b9: {  	v34 =	vmul.f32 $1.442695020e+00, v34;
	_ =	sdelay $0x1  }
0x1ba: {  	(erf) = vpow2.f32 v34;
	_ =	sdelay $0x8  }
0x1bb: {  	v34 =	vpop (erf)  }
0x1bc: {  	v34 =	vadd.f32 $1.000000000e+00, v34;
	_ =	sdelay $0x1  }
0x1bd: {  	(erf) = vrcp.f32 v34;
	_ =	sdelay $0x1  }
0x1be: {  	s9 =	simm.s32 $0x340  }
0x1bf: {  	v63 =	vmov s9  }
0x1c0: {  	s0 =	simm.s32 $0x350;
	v34 =	vshll.u32 v63, $0x4  }
.LBB2_5:
0x1c1: {  	p0 =	sne.s32 s0, $0x630;
	v34 =	vor.u32 v1, v34  }
0x1c2: {  	v35 =	vor.u32 v0, v34;
	_ =	sdelay $0x1  }
0x1c3: {  	v36 =	vor.u32 v2, v34  }
0x1c4: {  	s31 =	sadd.s32 $0x10, s31;
	v37 =	vpop (erf)  }
0x1c5: {  	v38 =	vor.u32 v3, v34;
	[tilespmem:s31+$0x0] =	vst v37  }
0x1c6: {  	v37 =	vld.idx.msk [tilespmem:v35+s26+$0x0], $0xffff  }
0x1c7: {  	v39 =	vor.u32 v4, v34;
	v35 =	vld.idx.msk [tilespmem:v35+s24+$0x0], $0xffff  }
0x1c8: {  	v40 =	vld.idx.msk [tilespmem:v36+s24+$0x0], $0xffff  }
0x1c9: {  	v41 =	vor.u32 v5, v34;
	v36 =	vld.idx.msk [tilespmem:v36+s26+$0x0], $0xffff  }
0x1ca: {  	v42 =	vld.idx.msk [tilespmem:v38+s24+$0x0], $0xffff  }
0x1cb: {  	v43 =	vor.u32 v6, v34;
	v38 =	vld.idx.msk [tilespmem:v38+s26+$0x0], $0xffff  }
0x1cc: {  	v44 =	vld.idx.msk [tilespmem:v39+s24+$0x0], $0xffff  }
0x1cd: {  	v35 =	vadd.f32 v37, v35;
	v37 =	vld.idx.msk [tilespmem:v39+s26+$0x0], $0xffff;
	v39 =	vor.u32 v8, v34  }
0x1ce: {  	v45 =	vld.idx.msk [tilespmem:v41+s24+$0x0], $0xffff  }
0x1cf: {  	v35 =	vmax.f32 v35, $0.0e+00;
	v36 =	vadd.f32 v36, v40;
	v40 =	vld.idx.msk [tilespmem:v41+s26+$0x0], $0xffff;
	v41 =	vor.u32 v9, v34  }
0x1d0: {  	v35 =	vmul.f32 v35, v32;
	v46 =	vld.idx.msk [tilespmem:v43+s24+$0x0], $0xffff  }
0x1d1: {  	v36 =	vmax.f32 v36, $0.0e+00;
	v38 =	vadd.f32 v38, v42;
	v42 =	vld.idx.msk [tilespmem:v43+s26+$0x0], $0xffff;
	v43 =	vor.u32 v7, v34  }
0x1d2: {  	v35 =	vadd.f32 v35, v33;
	v36 =	vmul.f32 v36, v31;
	v47 =	vld.idx.msk [tilespmem:v39+s24+$0x0], $0xffff  }
0x1d3: {  	v38 =	vmax.f32 v38, $0.0e+00;
	v37 =	vadd.f32 v37, v44;
	v44 =	vor.u32 v10, v34;
	v39 =	vld.idx.msk [tilespmem:v39+s26+$0x0], $0xffff  }
0x1d4: {  	v35 =	vadd.f32 v36, v35;
	v36 =	vmul.f32 v38, v30;
	v38 =	vld.idx.msk [tilespmem:v41+s24+$0x0], $0xffff  }
0x1d5: {  	v37 =	vmax.f32 v37, $0.0e+00;
	v40 =	vadd.f32 v40, v45;
	v45 =	vor.u32 v11, v34;
	v41 =	vld.idx.msk [tilespmem:v41+s26+$0x0], $0xffff  }
0x1d6: {  	v35 =	vadd.f32 v36, v35;
	v36 =	vmul.f32 v37, v29;
	v37 =	vld.idx.msk [tilespmem:v43+s24+$0x0], $0xffff  }
0x1d7: {  	v40 =	vmax.f32 v40, $0.0e+00;
	v42 =	vadd.f32 v42, v46;
	v46 =	vor.u32 v12, v34;
	v43 =	vld.idx.msk [tilespmem:v43+s26+$0x0], $0xffff  }
0x1d8: {  	v35 =	vadd.f32 v36, v35;
	v36 =	vmul.f32 v40, v28;
	v40 =	vld.idx.msk [tilespmem:v44+s24+$0x0], $0xffff  }
0x1d9: {  	v42 =	vmax.f32 v42, $0.0e+00;
	v39 =	vadd.f32 v39, v47;
	v47 =	vor.u32 v13, v34;
	v44 =	vld.idx.msk [tilespmem:v44+s26+$0x0], $0xffff  }
0x1da: {  	v35 =	vadd.f32 v36, v35;
	v36 =	vmul.f32 v42, v27;
	v42 =	vld.idx.msk [tilespmem:v45+s24+$0x0], $0xffff  }
0x1db: {  	v39 =	vmax.f32 v39, $0.0e+00;
	v38 =	vadd.f32 v41, v38;
	v41 =	vld.idx.msk [tilespmem:v45+s26+$0x0], $0xffff;
	v45 =	vor.u32 v14, v34  }
0x1dc: {  	v35 =	vadd.f32 v36, v35;
	v36 =	vmul.f32 v39, v26;
	v39 =	vld.idx.msk [tilespmem:v46+s24+$0x0], $0xffff  }
0x1dd: {  	v38 =	vmax.f32 v38, $0.0e+00;
	v37 =	vadd.f32 v43, v37;
	v43 =	vld.idx.msk [tilespmem:v46+s26+$0x0], $0xffff;
	v46 =	vor.u32 v15, v34  }
0x1de: {  	v35 =	vadd.f32 v36, v35;
	v36 =	vmul.f32 v38, v25;
	v38 =	vld.idx.msk [tilespmem:v47+s24+$0x0], $0xffff  }
0x1df: {  	v34 =	vor.u32 v16, v34;
	v37 =	vmax.f32 v37, $0.0e+00;
	v40 =	vadd.f32 v44, v40;
	v44 =	vld.idx.msk [tilespmem:v47+s26+$0x0], $0xffff  }
0x1e0: {  	v35 =	vadd.f32 v36, v35;
	v36 =	vmul.f32 v37, v24;
	v37 =	vld.idx.msk [tilespmem:v45+s24+$0x0], $0xffff  }
0x1e1: {  	v40 =	vmax.f32 v40, $0.0e+00;
	v41 =	vadd.f32 v41, v42;
	v42 =	vld.idx.msk [tilespmem:v45+s26+$0x0], $0xffff  }
0x1e2: {  	v35 =	vadd.f32 v36, v35;
	v36 =	vmul.f32 v40, v23;
	v40 =	vld.idx.msk [tilespmem:v46+s24+$0x0], $0xffff  }
0x1e3: {  	v41 =	vmax.f32 v41, $0.0e+00;
	v39 =	vadd.f32 v43, v39;
	v43 =	vld.idx.msk [tilespmem:v46+s26+$0x0], $0xffff  }
0x1e4: {  	v35 =	vadd.f32 v36, v35;
	v36 =	vmul.f32 v41, v22;
	v41 =	vld.idx.msk [tilespmem:v34+s24+$0x0], $0xffff  }
0x1e5: {  	v39 =	vmax.f32 v39, $0.0e+00;
	v38 =	vadd.f32 v44, v38;
	v34 =	vld.idx.msk [tilespmem:v34+s26+$0x0], $0xffff  }
0x1e6: {  	v35 =	vadd.f32 v36, v35;
	v36 =	vmul.f32 v39, v21  }
0x1e7: {  	v38 =	vmax.f32 v38, $0.0e+00;
	v37 =	vadd.f32 v42, v37  }
0x1e8: {  	v35 =	vadd.f32 v36, v35;
	v36 =	vmul.f32 v38, v20  }
0x1e9: {  	v37 =	vmax.f32 v37, $0.0e+00;
	v38 =	vadd.f32 v43, v40  }
0x1ea: {  	v35 =	vadd.f32 v36, v35;
	v36 =	vmul.f32 v37, v19  }
0x1eb: {  	v37 =	vmax.f32 v38, $0.0e+00;
	v34 =	vadd.f32 v34, v41  }
0x1ec: {  	v35 =	vadd.f32 v36, v35;
	v36 =	vmul.f32 v37, v18  }
0x1ed: {  	v34 =	vmax.f32 v34, $0.0e+00  }
0x1ee: {  	v35 =	vadd.f32 v36, v35;
	v34 =	vmul.f32 v34, v17;
	_ =	sdelay $0x1  }
0x1ef: {  	v34 =	vadd.f32 v34, v35;
	_ =	sdelay $0x1  }
0x1f0: {  	v34 =	vsub.f32 $0.0e+00, v34;
	_ =	sdelay $0x1  }
0x1f1: {  	v34 =	vmul.f32 $1.442695020e+00, v34;
	_ =	sdelay $0x1  }
0x1f2: {  	(erf) = vpow2.f32 v34;
	_ =	sdelay $0x8  }
0x1f3: {  	v34 =	vpop (erf)  }
0x1f4: {  	v34 =	vadd.f32 $1.000000000e+00, v34;
	_ =	sdelay $0x1  }
.Ltmp1:
0x1f5: {  	(erf) = vrcp.f32 v34;
	(pc) =	sbr.rel @p0 .LBB2_5-.Ltmp1, $3  }
0x1f6: {  	_ =	sdelay $0x1  }
0x1f7: {  	v34 =	vmov s0  }
0x1f8: {  	s0 =	sadd.s32 $0x10, s0;
	v34 =	vshll.u32 v34, $0x4  }
0x1f9: {  	v34 =	vor.u32 v1, v34  }
0x1fa: {  	v35 =	vor.u32 v0, v34;
	_ =	sdelay $0x1  }
0x1fb: {  	v36 =	vor.u32 v2, v34  }
0x1fc: {  	s0 =	sadd.s32 $0x10, s31;
	v37 =	vpop (erf)  }
0x1fd: {  	v38 =	vor.u32 v3, v34;
	[tilespmem:s0+$0x0] =	vst v37  }
0x1fe: {  	v37 =	vld.idx.msk [tilespmem:v35+s26+$0x0], $0xffff  }
0x1ff: {  	v39 =	vor.u32 v4, v34;
	v35 =	vld.idx.msk [tilespmem:v35+s24+$0x0], $0xffff  }
0x200: {  	v40 =	vld.idx.msk [tilespmem:v36+s24+$0x0], $0xffff  }
0x201: {  	v41 =	vor.u32 v5, v34;
	v36 =	vld.idx.msk [tilespmem:v36+s26+$0x0], $0xffff  }
0x202: {  	v42 =	vld.idx.msk [tilespmem:v38+s24+$0x0], $0xffff  }
0x203: {  	v43 =	vor.u32 v6, v34;
	v38 =	vld.idx.msk [tilespmem:v38+s26+$0x0], $0xffff  }
0x204: {  	v44 =	vld.idx.msk [tilespmem:v39+s24+$0x0], $0xffff;
	v35 =	vadd.f32 v37, v35  }
0x205: {  	v62 =	vor.u32 v8, v34;
	v61 =	vld.idx.msk [tilespmem:v39+s26+$0x0], $0xffff  }
0x206: {  	v45 =	vld.idx.msk [tilespmem:v41+s24+$0x0], $0xffff;
	v36 =	vadd.f32 v36, v40;
	v35 =	vmax.f32 v35, $0.0e+00  }
0x207: {  	v48 =	vor.u32 v9, v34;
	v63 =	vld.idx.msk [tilespmem:v41+s26+$0x0], $0xffff;
	v35 =	vmul.f32 v35, v32  }
0x208: {  	v46 =	vld.idx.msk [tilespmem:v43+s24+$0x0], $0xffff;
	v38 =	vadd.f32 v38, v42;
	v36 =	vmax.f32 v36, $0.0e+00  }
0x209: {  	v50 =	vor.u32 v7, v34;
	v49 =	vld.idx.msk [tilespmem:v43+s26+$0x0], $0xffff;
	v36 =	vmul.f32 v36, v31;
	v35 =	vadd.f32 v35, v33  }
0x20a: {  	v47 =	vld.idx.msk [tilespmem:v62+s24+$0x0], $0xffff;
	v37 =	vadd.f32 v61, v44;
	v38 =	vmax.f32 v38, $0.0e+00  }
0x20b: {  	v51 =	vor.u32 v10, v34;
	v39 =	vld.idx.msk [tilespmem:v62+s26+$0x0], $0xffff;
	v52 =	vmul.f32 v38, v30;
	v35 =	vadd.f32 v36, v35  }
0x20c: {  	v53 =	vld.idx.msk [tilespmem:v48+s24+$0x0], $0xffff;
	v40 =	vadd.f32 v63, v45;
	v37 =	vmax.f32 v37, $0.0e+00  }
0x20d: {  	v54 =	vor.u32 v11, v34;
	v41 =	vld.idx.msk [tilespmem:v48+s26+$0x0], $0xffff;
	v55 =	vmul.f32 v37, v29;
	v35 =	vadd.f32 v52, v35  }
0x20e: {  	v56 =	vld.idx.msk [tilespmem:v50+s24+$0x0], $0xffff;
	v42 =	vadd.f32 v49, v46;
	v40 =	vmax.f32 v40, $0.0e+00  }
0x20f: {  	v57 =	vor.u32 v12, v34;
	v43 =	vld.idx.msk [tilespmem:v50+s26+$0x0], $0xffff;
	v58 =	vmul.f32 v40, v28;
	v35 =	vadd.f32 v55, v35  }
0x210: {  	v59 =	vld.idx.msk [tilespmem:v51+s24+$0x0], $0xffff;
	v39 =	vadd.f32 v39, v47;
	v42 =	vmax.f32 v42, $0.0e+00  }
0x211: {  	v60 =	vor.u32 v13, v34;
	v44 =	vld.idx.msk [tilespmem:v51+s26+$0x0], $0xffff;
	v61 =	vmul.f32 v42, v27;
	v35 =	vadd.f32 v58, v35  }
0x212: {  	v62 =	vld.idx.msk [tilespmem:v54+s24+$0x0], $0xffff;
	v39 =	vmax.f32 v39, $0.0e+00;
	v38 =	vadd.f32 v41, v53  }
0x213: {  	v48 =	vor.u32 v14, v34;
	v63 =	vld.idx.msk [tilespmem:v54+s26+$0x0], $0xffff;
	v49 =	vmul.f32 v39, v26;
	v35 =	vadd.f32 v61, v35  }
0x214: {  	v50 =	vld.idx.msk [tilespmem:v57+s24+$0x0], $0xffff;
	v37 =	vadd.f32 v43, v56;
	v38 =	vmax.f32 v38, $0.0e+00  }
0x215: {  	v51 =	vld.idx.msk [tilespmem:v57+s26+$0x0], $0xffff;
	v53 =	vmul.f32 v38, v25;
	v52 =	vor.u32 v15, v34;
	v35 =	vadd.f32 v49, v35  }
0x216: {  	v54 =	vld.idx.msk [tilespmem:v60+s24+$0x0], $0xffff;
	v37 =	vmax.f32 v37, $0.0e+00;
	v40 =	vadd.f32 v44, v59  }
0x217: {  	v56 =	vmul.f32 v37, v24;
	v34 =	vor.u32 v16, v34;
	v55 =	vld.idx.msk [tilespmem:v60+s26+$0x0], $0xffff;
	v35 =	vadd.f32 v53, v35  }
0x218: {  	v57 =	vld.idx.msk [tilespmem:v48+s24+$0x0], $0xffff;
	v41 =	vadd.f32 v63, v62;
	v40 =	vmax.f32 v40, $0.0e+00  }
0x219: {  	v59 =	vmul.f32 v40, v23;
	v58 =	vld.idx.msk [tilespmem:v48+s26+$0x0], $0xffff;
	v35 =	vadd.f32 v56, v35  }
0x21a: {  	v39 =	vadd.f32 v51, v50;
	v41 =	vmax.f32 v41, $0.0e+00;
	v60 =	vld.idx.msk [tilespmem:v52+s24+$0x0], $0xffff  }
0x21b: {  	v62 =	vmul.f32 v41, v22;
	v61 =	vld.idx.msk [tilespmem:v52+s26+$0x0], $0xffff;
	v35 =	vadd.f32 v59, v35  }
0x21c: {  	v39 =	vmax.f32 v39, $0.0e+00;
	v63 =	vld.idx.msk [tilespmem:v34+s24+$0x0], $0xffff;
	v38 =	vadd.f32 v55, v54  }
0x21d: {  	v45 =	vmul.f32 v39, v21;
	v34 =	vld.idx.msk [tilespmem:v34+s26+$0x0], $0xffff;
	v35 =	vadd.f32 v62, v35  }
0x21e: {  	v38 =	vmax.f32 v38, $0.0e+00;
	v37 =	vadd.f32 v58, v57  }
0x21f: {  	v46 =	vmul.f32 v38, v20;
	v35 =	vadd.f32 v45, v35  }
0x220: {  	v37 =	vmax.f32 v37, $0.0e+00;
	v47 =	vadd.f32 v61, v60  }
0x221: {  	v48 =	vmul.f32 v37, v19;
	v35 =	vadd.f32 v46, v35  }
0x222: {  	v34 =	vadd.f32 v34, v63;
	v49 =	vmax.f32 v47, $0.0e+00  }
0x223: {  	v50 =	vmul.f32 v49, v18;
	v35 =	vadd.f32 v48, v35  }
0x224: {  	v34 =	vmax.f32 v34, $0.0e+00  }
0x225: {  	v34 =	vmul.f32 v34, v17;
	v35 =	vadd.f32 v50, v35;
	_ =	sdelay $0x1  }
0x226: {  	v34 =	vadd.f32 v34, v35;
	_ =	sdelay $0x1  }
0x227: {  	v34 =	vsub.f32 $0.0e+00, v34;
	_ =	sdelay $0x1  }
0x228: {  	v34 =	vmul.f32 $1.442695020e+00, v34;
	_ =	sdelay $0x1  }
0x229: {  	(erf) = vpow2.f32 v34;
	_ =	sdelay $0x8  }
0x22a: {  	v34 =	vpop (erf)  }
0x22b: {  	v34 =	vadd.f32 $1.000000000e+00, v34;
	_ =	sdelay $0x1  }
0x22c: {  	(erf) = vrcp.f32 v34;
	_ =	sdelay $0x7  }
0x22d: {  	s31 =	sadd.s32 s25, s11  }
0x22e: {  	s31 =	sshrl.u32 s31, $0x3;
	s0 =	sadd.s32 $0x10, s0;
	v34 =	vpop (erf)  }
0x22f: {  	s9 =	sadd.s32 s1, s31;
	[tilespmem:s0+$0x0] =	vst v34  }
0x230: {  	[hbm4b:s9+s3] =	stream.linear.scatter [tilespmem:s23], [sflag:$0x8], $0x320, $0x38;
	[tilespmem:$0x14930] =	vst v63  }
0x231: {  	_ =	swait.ge [sflag:s10], $0x3200  }
0x232: {  	[sflag:s10] =	ssyncset.done $0x0  }
0x233: {  	p0 =	seq.s32 s17, $0x28;
	[sflag:s10] =	ssyncadd.s32 $0xFFFFCE00  }
0x234: {  	s0 =	sadd.s32 @!p0 s25, s20;
	_ =	swait.ge [sflag:s10], $0x3200  }
0x235: {  	s31 =	simm.s32 @!p0 $0x0;
	s0 =	sshrl.u32 @!p0 s0, $0x3;
	[sflag:s10] =	ssyncset.done $0x0  }
0x236: {  	s9 =	simm.s32 @!p0 $0x640;
	s0 =	sadd.s32 @!p0 s7, s0;
	[sflag:s10] =	ssyncadd.s32 $0xFFFFCE00  }
0x237: {  	[tilespmem:s9], [sflag:$0x3] =	stream.linear.gather @!p0 [hbm4b:s0+s31], $0x320, $0x38;
	[tilespmem:$0x14930] =	vst v63  }
0x238: {  	p1 =	seq.s32 @!p0 s17, $0x0;
	s0 =	sadd.s32 @!p0 $0x61A80, s0;
	s9 =	simm.s32 @!p0 $0xFA0  }
0x239: {  	[tilespmem:s9], [sflag:$0x3] =	stream.linear.gather @!p0 [hbm4b:s0+s31], $0x320, $0x38;
	[tilespmem:$0x14930] =	vst v63  }
0x23a: {  	p0 =	por p0, !p1  }
0x23b: {  	_ =	swait.ge @p0 [sflag:s16], $0x320  }
0x23c: {  	[sflag:s16] =	ssyncset.done @p0 $0x0  }
0x23d: {  	[sflag:s16] =	ssyncadd.s32 @p0 $0xFFFFFCE0  }
0x23e: {  	s9 =	simm.s32 $0x640;
	_ =	swait.ge [sflag:s8], $0x320  }
0x23f: {  	v51 =	vmov s9;
	[sflag:s8] =	ssyncset.done $0x0  }
0x240: {  	v34 =	vshll.u32 v51, $0x4;
	[sflag:s8] =	ssyncadd.s32 $0xFFFFFCE0  }
0x241: {  	v34 =	vor.u32 v1, v34;
	_ =	swait.ge [sflag:s8], $0x320  }
0x242: {  	v52 =	vor.u32 v0, v34;
	[sflag:s8] =	ssyncset.done $0x0  }
0x243: {  	s9 =	simm.s32 $0x44C0;
	[sflag:s8] =	ssyncadd.s32 $0xFFFFFCE0  }
0x244: {  	v53 =	vor.u32 v2, v34;
	[tilespmem:s9], [sflag:$0x5] =	stream.indirect.gather [hbm4b:s4+s29], $0x10, s29, s29, $0xb8;
	[tilespmem:$0x14930] =	vst v63  }
0x245: {  	_ = 	snop  }
0x246: {  	v54 =	vor.u32 v3, v34;
	[tilespmem:s12], [sflag:$0x5] =	stream.indirect.gather [hbm4b:s5+s29], $0x10, s30, s29, $0xb8;
	[tilespmem:$0x14930] =	vst v63  }
0x247: {  	v55 =	vld.idx.msk [tilespmem:v52+s26+$0x0], $0xffff  }
0x248: {  	v56 =	vor.u32 v4, v34;
	v35 =	vld.idx.msk [tilespmem:v52+s24+$0x0], $0xffff  }
0x249: {  	v57 =	vld.idx.msk [tilespmem:v53+s24+$0x0], $0xffff  }
0x24a: {  	v58 =	vor.u32 v5, v34;
	v36 =	vld.idx.msk [tilespmem:v53+s26+$0x0], $0xffff  }
0x24b: {  	v59 =	vld.idx.msk [tilespmem:v54+s24+$0x0], $0xffff  }
0x24c: {  	v60 =	vor.u32 v6, v34;
	v37 =	vld.idx.msk [tilespmem:v54+s26+$0x0], $0xffff  }
0x24d: {  	v61 =	vld.idx.msk [tilespmem:v56+s24+$0x0], $0xffff;
	v35 =	vadd.f32 v55, v35  }
0x24e: {  	v63 =	vor.u32 v8, v34;
	v62 =	vld.idx.msk [tilespmem:v56+s26+$0x0], $0xffff  }
0x24f: {  	v48 =	vld.idx.msk [tilespmem:v58+s24+$0x0], $0xffff;
	v36 =	vadd.f32 v36, v57;
	v35 =	vmax.f32 v35, $0.0e+00  }
0x250: {  	v50 =	vor.u32 v9, v34;
	v49 =	vld.idx.msk [tilespmem:v58+s26+$0x0], $0xffff;
	v35 =	vmul.f32 v35, v32  }
0x251: {  	v51 =	vld.idx.msk [tilespmem:v60+s24+$0x0], $0xffff;
	v37 =	vadd.f32 v37, v59;
	v36 =	vmax.f32 v36, $0.0e+00  }
0x252: {  	v52 =	vld.idx.msk [tilespmem:v60+s26+$0x0], $0xffff;
	v53 =	vor.u32 v7, v34;
	v36 =	vmul.f32 v36, v31;
	v35 =	vadd.f32 v35, v33  }
0x253: {  	v54 =	vld.idx.msk [tilespmem:v63+s24+$0x0], $0xffff;
	v38 =	vadd.f32 v62, v61;
	v37 =	vmax.f32 v37, $0.0e+00  }
0x254: {  	v39 =	vld.idx.msk [tilespmem:v63+s26+$0x0], $0xffff;
	v55 =	vor.u32 v10, v34;
	v56 =	vmul.f32 v37, v30;
	v35 =	vadd.f32 v36, v35  }
0x255: {  	v41 =	vld.idx.msk [tilespmem:v50+s26+$0x0], $0xffff;
	v40 =	vadd.f32 v49, v48;
	v38 =	vmax.f32 v38, $0.0e+00  }
0x256: {  	v58 =	vor.u32 v11, v34;
	v57 =	vld.idx.msk [tilespmem:v50+s24+$0x0], $0xffff;
	v59 =	vmul.f32 v38, v29;
	v35 =	vadd.f32 v56, v35  }
0x257: {  	v60 =	vld.idx.msk [tilespmem:v53+s24+$0x0], $0xffff;
	v42 =	vadd.f32 v52, v51;
	v40 =	vmax.f32 v40, $0.0e+00  }
0x258: {  	v43 =	vld.idx.msk [tilespmem:v53+s26+$0x0], $0xffff;
	v61 =	vor.u32 v12, v34;
	v62 =	vmul.f32 v40, v28;
	v35 =	vadd.f32 v59, v35  }
0x259: {  	v39 =	vadd.f32 v39, v54;
	v42 =	vmax.f32 v42, $0.0e+00;
	v63 =	vld.idx.msk [tilespmem:v55+s24+$0x0], $0xffff  }
0x25a: {  	v48 =	vor.u32 v13, v34;
	v49 =	vmul.f32 v42, v27;
	v44 =	vld.idx.msk [tilespmem:v55+s26+$0x0], $0xffff;
	v35 =	vadd.f32 v62, v35  }
0x25b: {  	v50 =	vld.idx.msk [tilespmem:v58+s24+$0x0], $0xffff;
	v39 =	vmax.f32 v39, $0.0e+00;
	v37 =	vadd.f32 v41, v57  }
0x25c: {  	v51 =	vld.idx.msk [tilespmem:v58+s26+$0x0], $0xffff;
	v52 =	vor.u32 v14, v34;
	v53 =	vmul.f32 v39, v26;
	v35 =	vadd.f32 v49, v35  }
0x25d: {  	v54 =	vld.idx.msk [tilespmem:v61+s24+$0x0], $0xffff;
	v38 =	vadd.f32 v43, v60;
	v37 =	vmax.f32 v37, $0.0e+00  }
0x25e: {  	v55 =	vld.idx.msk [tilespmem:v61+s26+$0x0], $0xffff;
	v57 =	vmul.f32 v37, v25;
	v56 =	vor.u32 v15, v34;
	v35 =	vadd.f32 v53, v35  }
0x25f: {  	v58 =	vld.idx.msk [tilespmem:v48+s24+$0x0], $0xffff;
	v38 =	vmax.f32 v38, $0.0e+00;
	v40 =	vadd.f32 v44, v63  }
0x260: {  	v60 =	vmul.f32 v38, v24;
	v34 =	vor.u32 v16, v34;
	v59 =	vld.idx.msk [tilespmem:v48+s26+$0x0], $0xffff;
	v35 =	vadd.f32 v57, v35  }
0x261: {  	v61 =	vld.idx.msk [tilespmem:v52+s24+$0x0], $0xffff;
	v41 =	vadd.f32 v51, v50;
	v40 =	vmax.f32 v40, $0.0e+00  }
0x262: {  	v62 =	vld.idx.msk [tilespmem:v52+s26+$0x0], $0xffff;
	v63 =	vmul.f32 v40, v23;
	v35 =	vadd.f32 v60, v35  }
0x263: {  	v41 =	vmax.f32 v41, $0.0e+00;
	v39 =	vadd.f32 v55, v54;
	v45 =	vld.idx.msk [tilespmem:v56+s24+$0x0], $0xffff  }
0x264: {  	v47 =	vmul.f32 v41, v22;
	v46 =	vld.idx.msk [tilespmem:v56+s26+$0x0], $0xffff;
	v35 =	vadd.f32 v63, v35  }
0x265: {  	v39 =	vmax.f32 v39, $0.0e+00;
	v48 =	vld.idx.msk [tilespmem:v34+s24+$0x0], $0xffff;
	v37 =	vadd.f32 v59, v58  }
0x266: {  	v34 =	vld.idx.msk [tilespmem:v34+s26+$0x0], $0xffff;
	v49 =	vmul.f32 v39, v21;
	v35 =	vadd.f32 v47, v35  }
0x267: {  	v37 =	vmax.f32 v37, $0.0e+00;
	v38 =	vadd.f32 v62, v61  }
0x268: {  	v50 =	vmul.f32 v37, v20;
	v35 =	vadd.f32 v49, v35  }
0x269: {  	v52 =	vadd.f32 v46, v45;
	v51 =	vmax.f32 v38, $0.0e+00  }
0x26a: {  	v53 =	vmul.f32 v51, v19;
	v35 =	vadd.f32 v50, v35  }
0x26b: {  	v34 =	vadd.f32 v34, v48;
	v54 =	vmax.f32 v52, $0.0e+00  }
0x26c: {  	v55 =	vmul.f32 v54, v18;
	v35 =	vadd.f32 v53, v35  }
0x26d: {  	v34 =	vmax.f32 v34, $0.0e+00  }
0x26e: {  	v34 =	vmul.f32 v34, v17;
	v35 =	vadd.f32 v55, v35;
	_ =	sdelay $0x1  }
0x26f: {  	v34 =	vadd.f32 v34, v35;
	_ =	sdelay $0x1  }
0x270: {  	v34 =	vsub.f32 $0.0e+00, v34;
	_ =	sdelay $0x1  }
0x271: {  	v34 =	vmul.f32 $1.442695020e+00, v34;
	_ =	sdelay $0x1  }
0x272: {  	(erf) = vpow2.f32 v34;
	_ =	sdelay $0x8  }
0x273: {  	v34 =	vpop (erf)  }
0x274: {  	v34 =	vadd.f32 $1.000000000e+00, v34;
	_ =	sdelay $0x1  }
0x275: {  	(erf) = vrcp.f32 v34;
	_ =	sdelay $0x1  }
0x276: {  	s9 =	simm.s32 $0x650  }
0x277: {  	v56 =	vmov s9  }
0x278: {  	v34 =	vshll.u32 v56, $0x4  }
0x279: {  	v34 =	vor.u32 v1, v34  }
0x27a: {  	v57 =	vor.u32 v0, v34;
	_ =	sdelay $0x1  }
0x27b: {  	v58 =	vor.u32 v2, v34  }
0x27c: {  	s31 =	simm.s32 $0x14500;
	v59 =	vpop (erf)  }
0x27d: {  	v60 =	vor.u32 v3, v34;
	[tilespmem:s31+$0x0] =	vst v59  }
0x27e: {  	v37 =	vld.idx.msk [tilespmem:v57+s26+$0x0], $0xffff  }
0x27f: {  	v61 =	vor.u32 v4, v34;
	v35 =	vld.idx.msk [tilespmem:v57+s24+$0x0], $0xffff  }
0x280: {  	v62 =	vld.idx.msk [tilespmem:v58+s24+$0x0], $0xffff  }
0x281: {  	v63 =	vor.u32 v5, v34;
	v36 =	vld.idx.msk [tilespmem:v58+s26+$0x0], $0xffff  }
0x282: {  	v48 =	vld.idx.msk [tilespmem:v60+s24+$0x0], $0xffff  }
0x283: {  	v49 =	vor.u32 v6, v34;
	v38 =	vld.idx.msk [tilespmem:v60+s26+$0x0], $0xffff  }
0x284: {  	v50 =	vld.idx.msk [tilespmem:v61+s24+$0x0], $0xffff;
	v35 =	vadd.f32 v37, v35  }
0x285: {  	v52 =	vor.u32 v8, v34;
	v51 =	vld.idx.msk [tilespmem:v61+s26+$0x0], $0xffff  }
0x286: {  	v53 =	vld.idx.msk [tilespmem:v63+s24+$0x0], $0xffff;
	v36 =	vadd.f32 v36, v62;
	v35 =	vmax.f32 v35, $0.0e+00  }
0x287: {  	v55 =	vor.u32 v9, v34;
	v54 =	vld.idx.msk [tilespmem:v63+s26+$0x0], $0xffff;
	v35 =	vmul.f32 v35, v32  }
0x288: {  	v56 =	vld.idx.msk [tilespmem:v49+s24+$0x0], $0xffff;
	v38 =	vadd.f32 v38, v48;
	v36 =	vmax.f32 v36, $0.0e+00  }
0x289: {  	v57 =	vld.idx.msk [tilespmem:v49+s26+$0x0], $0xffff;
	v58 =	vor.u32 v7, v34;
	v36 =	vmul.f32 v36, v31;
	v35 =	vadd.f32 v35, v33  }
0x28a: {  	v59 =	vld.idx.msk [tilespmem:v52+s24+$0x0], $0xffff;
	v37 =	vadd.f32 v51, v50;
	v38 =	vmax.f32 v38, $0.0e+00  }
0x28b: {  	v39 =	vld.idx.msk [tilespmem:v52+s26+$0x0], $0xffff;
	v60 =	vor.u32 v10, v34;
	v61 =	vmul.f32 v38, v30;
	v35 =	vadd.f32 v36, v35  }
0x28c: {  	v41 =	vld.idx.msk [tilespmem:v55+s26+$0x0], $0xffff;
	v40 =	vadd.f32 v54, v53;
	v37 =	vmax.f32 v37, $0.0e+00  }
0x28d: {  	v63 =	vor.u32 v11, v34;
	v62 =	vld.idx.msk [tilespmem:v55+s24+$0x0], $0xffff;
	v48 =	vmul.f32 v37, v29;
	v35 =	vadd.f32 v61, v35  }
0x28e: {  	v49 =	vld.idx.msk [tilespmem:v58+s24+$0x0], $0xffff;
	v42 =	vadd.f32 v57, v56;
	v40 =	vmax.f32 v40, $0.0e+00  }
0x28f: {  	v43 =	vld.idx.msk [tilespmem:v58+s26+$0x0], $0xffff;
	v50 =	vor.u32 v12, v34;
	v51 =	vmul.f32 v40, v28;
	v35 =	vadd.f32 v48, v35  }
0x290: {  	v52 =	vld.idx.msk [tilespmem:v60+s24+$0x0], $0xffff;
	v39 =	vadd.f32 v39, v59;
	v42 =	vmax.f32 v42, $0.0e+00  }
0x291: {  	v44 =	vld.idx.msk [tilespmem:v60+s26+$0x0], $0xffff;
	v53 =	vor.u32 v13, v34;
	v54 =	vmul.f32 v42, v27;
	v35 =	vadd.f32 v51, v35  }
0x292: {  	v55 =	vld.idx.msk [tilespmem:v63+s24+$0x0], $0xffff;
	v39 =	vmax.f32 v39, $0.0e+00;
	v38 =	vadd.f32 v41, v62  }
0x293: {  	v56 =	vld.idx.msk [tilespmem:v63+s26+$0x0], $0xffff;
	v57 =	vor.u32 v14, v34;
	v58 =	vmul.f32 v39, v26;
	v35 =	vadd.f32 v54, v35  }
0x294: {  	v59 =	vld.idx.msk [tilespmem:v50+s24+$0x0], $0xffff;
	v37 =	vadd.f32 v43, v49;
	v38 =	vmax.f32 v38, $0.0e+00  }
0x295: {  	v60 =	vld.idx.msk [tilespmem:v50+s26+$0x0], $0xffff;
	v62 =	vmul.f32 v38, v25;
	v61 =	vor.u32 v15, v34;
	v35 =	vadd.f32 v58, v35  }
0x296: {  	v63 =	vld.idx.msk [tilespmem:v53+s24+$0x0], $0xffff;
	v40 =	vadd.f32 v44, v52;
	v37 =	vmax.f32 v37, $0.0e+00  }
0x297: {  	v49 =	vmul.f32 v37, v24;
	v34 =	vor.u32 v16, v34;
	v48 =	vld.idx.msk [tilespmem:v53+s26+$0x0], $0xffff;
	v35 =	vadd.f32 v62, v35  }
0x298: {  	v50 =	vld.idx.msk [tilespmem:v57+s24+$0x0], $0xffff;
	v41 =	vadd.f32 v56, v55;
	v40 =	vmax.f32 v40, $0.0e+00  }
0x299: {  	v52 =	vmul.f32 v40, v23;
	v51 =	vld.idx.msk [tilespmem:v57+s26+$0x0], $0xffff;
	v35 =	vadd.f32 v49, v35  }
0x29a: {  	v41 =	vmax.f32 v41, $0.0e+00;
	v39 =	vadd.f32 v60, v59;
	v53 =	vld.idx.msk [tilespmem:v61+s24+$0x0], $0xffff  }
0x29b: {  	v55 =	vmul.f32 v41, v22;
	v54 =	vld.idx.msk [tilespmem:v61+s26+$0x0], $0xffff;
	v35 =	vadd.f32 v52, v35  }
0x29c: {  	v39 =	vmax.f32 v39, $0.0e+00;
	v56 =	vld.idx.msk [tilespmem:v34+s24+$0x0], $0xffff;
	v38 =	vadd.f32 v48, v63  }
0x29d: {  	v57 =	vmul.f32 v39, v21;
	v34 =	vld.idx.msk [tilespmem:v34+s26+$0x0], $0xffff;
	v35 =	vadd.f32 v55, v35  }
0x29e: {  	v38 =	vmax.f32 v38, $0.0e+00;
	v37 =	vadd.f32 v51, v50  }
0x29f: {  	v58 =	vmul.f32 v38, v20;
	v35 =	vadd.f32 v57, v35  }
0x2a0: {  	v37 =	vmax.f32 v37, $0.0e+00;
	v59 =	vadd.f32 v54, v53  }
0x2a1: {  	v60 =	vmul.f32 v37, v19;
	v35 =	vadd.f32 v58, v35  }
0x2a2: {  	v34 =	vadd.f32 v34, v56;
	v61 =	vmax.f32 v59, $0.0e+00  }
0x2a3: {  	v62 =	vmul.f32 v61, v18;
	v35 =	vadd.f32 v60, v35  }
0x2a4: {  	v34 =	vmax.f32 v34, $0.0e+00  }
0x2a5: {  	v34 =	vmul.f32 v34, v17;
	v35 =	vadd.f32 v62, v35;
	_ =	sdelay $0x1  }
0x2a6: {  	v34 =	vadd.f32 v34, v35;
	_ =	sdelay $0x1  }
0x2a7: {  	v34 =	vsub.f32 $0.0e+00, v34;
	_ =	sdelay $0x1  }
0x2a8: {  	v34 =	vmul.f32 $1.442695020e+00, v34;
	_ =	sdelay $0x1  }
0x2a9: {  	(erf) = vpow2.f32 v34;
	_ =	sdelay $0x8  }
0x2aa: {  	v34 =	vpop (erf)  }
0x2ab: {  	v34 =	vadd.f32 $1.000000000e+00, v34;
	_ =	sdelay $0x1  }
0x2ac: {  	(erf) = vrcp.f32 v34;
	_ =	sdelay $0x1  }
0x2ad: {  	s9 =	simm.s32 $0x660  }
0x2ae: {  	v63 =	vmov s9  }
0x2af: {  	s0 =	simm.s32 $0x670;
	v34 =	vshll.u32 v63, $0x4  }
.LBB2_7:
0x2b0: {  	p0 =	sne.s32 s0, $0x950;
	v34 =	vor.u32 v1, v34  }
0x2b1: {  	v35 =	vor.u32 v0, v34;
	_ =	sdelay $0x1  }
0x2b2: {  	v36 =	vor.u32 v2, v34  }
0x2b3: {  	s31 =	sadd.s32 $0x10, s31;
	v37 =	vpop (erf)  }
0x2b4: {  	v38 =	vor.u32 v3, v34;
	[tilespmem:s31+$0x0] =	vst v37  }
0x2b5: {  	v37 =	vld.idx.msk [tilespmem:v35+s26+$0x0], $0xffff  }
0x2b6: {  	v39 =	vor.u32 v4, v34;
	v35 =	vld.idx.msk [tilespmem:v35+s24+$0x0], $0xffff  }
0x2b7: {  	v40 =	vld.idx.msk [tilespmem:v36+s24+$0x0], $0xffff  }
0x2b8: {  	v41 =	vor.u32 v5, v34;
	v36 =	vld.idx.msk [tilespmem:v36+s26+$0x0], $0xffff  }
0x2b9: {  	v42 =	vld.idx.msk [tilespmem:v38+s24+$0x0], $0xffff  }
0x2ba: {  	v43 =	vor.u32 v6, v34;
	v38 =	vld.idx.msk [tilespmem:v38+s26+$0x0], $0xffff  }
0x2bb: {  	v44 =	vld.idx.msk [tilespmem:v39+s24+$0x0], $0xffff  }
0x2bc: {  	v35 =	vadd.f32 v37, v35;
	v37 =	vld.idx.msk [tilespmem:v39+s26+$0x0], $0xffff;
	v39 =	vor.u32 v8, v34  }
0x2bd: {  	v45 =	vld.idx.msk [tilespmem:v41+s24+$0x0], $0xffff  }
0x2be: {  	v35 =	vmax.f32 v35, $0.0e+00;
	v36 =	vadd.f32 v36, v40;
	v40 =	vld.idx.msk [tilespmem:v41+s26+$0x0], $0xffff;
	v41 =	vor.u32 v9, v34  }
0x2bf: {  	v35 =	vmul.f32 v35, v32;
	v46 =	vld.idx.msk [tilespmem:v43+s24+$0x0], $0xffff  }
0x2c0: {  	v36 =	vmax.f32 v36, $0.0e+00;
	v38 =	vadd.f32 v38, v42;
	v42 =	vld.idx.msk [tilespmem:v43+s26+$0x0], $0xffff;
	v43 =	vor.u32 v7, v34  }
0x2c1: {  	v35 =	vadd.f32 v35, v33;
	v36 =	vmul.f32 v36, v31;
	v47 =	vld.idx.msk [tilespmem:v39+s24+$0x0], $0xffff  }
0x2c2: {  	v38 =	vmax.f32 v38, $0.0e+00;
	v37 =	vadd.f32 v37, v44;
	v44 =	vor.u32 v10, v34;
	v39 =	vld.idx.msk [tilespmem:v39+s26+$0x0], $0xffff  }
0x2c3: {  	v35 =	vadd.f32 v36, v35;
	v36 =	vmul.f32 v38, v30;
	v38 =	vld.idx.msk [tilespmem:v41+s24+$0x0], $0xffff  }
0x2c4: {  	v37 =	vmax.f32 v37, $0.0e+00;
	v40 =	vadd.f32 v40, v45;
	v45 =	vor.u32 v11, v34;
	v41 =	vld.idx.msk [tilespmem:v41+s26+$0x0], $0xffff  }
0x2c5: {  	v35 =	vadd.f32 v36, v35;
	v36 =	vmul.f32 v37, v29;
	v37 =	vld.idx.msk [tilespmem:v43+s24+$0x0], $0xffff  }
0x2c6: {  	v40 =	vmax.f32 v40, $0.0e+00;
	v42 =	vadd.f32 v42, v46;
	v46 =	vor.u32 v12, v34;
	v43 =	vld.idx.msk [tilespmem:v43+s26+$0x0], $0xffff  }
0x2c7: {  	v35 =	vadd.f32 v36, v35;
	v36 =	vmul.f32 v40, v28;
	v40 =	vld.idx.msk [tilespmem:v44+s24+$0x0], $0xffff  }
0x2c8: {  	v42 =	vmax.f32 v42, $0.0e+00;
	v39 =	vadd.f32 v39, v47;
	v47 =	vor.u32 v13, v34;
	v44 =	vld.idx.msk [tilespmem:v44+s26+$0x0], $0xffff  }
0x2c9: {  	v35 =	vadd.f32 v36, v35;
	v36 =	vmul.f32 v42, v27;
	v42 =	vld.idx.msk [tilespmem:v45+s24+$0x0], $0xffff  }
0x2ca: {  	v39 =	vmax.f32 v39, $0.0e+00;
	v38 =	vadd.f32 v41, v38;
	v41 =	vld.idx.msk [tilespmem:v45+s26+$0x0], $0xffff;
	v45 =	vor.u32 v14, v34  }
0x2cb: {  	v35 =	vadd.f32 v36, v35;
	v36 =	vmul.f32 v39, v26;
	v39 =	vld.idx.msk [tilespmem:v46+s24+$0x0], $0xffff  }
0x2cc: {  	v38 =	vmax.f32 v38, $0.0e+00;
	v37 =	vadd.f32 v43, v37;
	v43 =	vld.idx.msk [tilespmem:v46+s26+$0x0], $0xffff;
	v46 =	vor.u32 v15, v34  }
0x2cd: {  	v35 =	vadd.f32 v36, v35;
	v36 =	vmul.f32 v38, v25;
	v38 =	vld.idx.msk [tilespmem:v47+s24+$0x0], $0xffff  }
0x2ce: {  	v34 =	vor.u32 v16, v34;
	v37 =	vmax.f32 v37, $0.0e+00;
	v40 =	vadd.f32 v44, v40;
	v44 =	vld.idx.msk [tilespmem:v47+s26+$0x0], $0xffff  }
0x2cf: {  	v35 =	vadd.f32 v36, v35;
	v36 =	vmul.f32 v37, v24;
	v37 =	vld.idx.msk [tilespmem:v45+s24+$0x0], $0xffff  }
0x2d0: {  	v40 =	vmax.f32 v40, $0.0e+00;
	v41 =	vadd.f32 v41, v42;
	v42 =	vld.idx.msk [tilespmem:v45+s26+$0x0], $0xffff  }
0x2d1: {  	v35 =	vadd.f32 v36, v35;
	v36 =	vmul.f32 v40, v23;
	v40 =	vld.idx.msk [tilespmem:v46+s24+$0x0], $0xffff  }
0x2d2: {  	v41 =	vmax.f32 v41, $0.0e+00;
	v39 =	vadd.f32 v43, v39;
	v43 =	vld.idx.msk [tilespmem:v46+s26+$0x0], $0xffff  }
0x2d3: {  	v35 =	vadd.f32 v36, v35;
	v36 =	vmul.f32 v41, v22;
	v41 =	vld.idx.msk [tilespmem:v34+s24+$0x0], $0xffff  }
0x2d4: {  	v39 =	vmax.f32 v39, $0.0e+00;
	v38 =	vadd.f32 v44, v38;
	v34 =	vld.idx.msk [tilespmem:v34+s26+$0x0], $0xffff  }
0x2d5: {  	v35 =	vadd.f32 v36, v35;
	v36 =	vmul.f32 v39, v21  }
0x2d6: {  	v38 =	vmax.f32 v38, $0.0e+00;
	v37 =	vadd.f32 v42, v37  }
0x2d7: {  	v35 =	vadd.f32 v36, v35;
	v36 =	vmul.f32 v38, v20  }
0x2d8: {  	v37 =	vmax.f32 v37, $0.0e+00;
	v38 =	vadd.f32 v43, v40  }
0x2d9: {  	v35 =	vadd.f32 v36, v35;
	v36 =	vmul.f32 v37, v19  }
0x2da: {  	v37 =	vmax.f32 v38, $0.0e+00;
	v34 =	vadd.f32 v34, v41  }
0x2db: {  	v35 =	vadd.f32 v36, v35;
	v36 =	vmul.f32 v37, v18  }
0x2dc: {  	v34 =	vmax.f32 v34, $0.0e+00  }
0x2dd: {  	v35 =	vadd.f32 v36, v35;
	v34 =	vmul.f32 v34, v17;
	_ =	sdelay $0x1  }
0x2de: {  	v34 =	vadd.f32 v34, v35;
	_ =	sdelay $0x1  }
0x2df: {  	v34 =	vsub.f32 $0.0e+00, v34;
	_ =	sdelay $0x1  }
0x2e0: {  	v34 =	vmul.f32 $1.442695020e+00, v34;
	_ =	sdelay $0x1  }
0x2e1: {  	(erf) = vpow2.f32 v34;
	_ =	sdelay $0x8  }
0x2e2: {  	v34 =	vpop (erf)  }
0x2e3: {  	v34 =	vadd.f32 $1.000000000e+00, v34;
	_ =	sdelay $0x1  }
.Ltmp2:
0x2e4: {  	(erf) = vrcp.f32 v34;
	(pc) =	sbr.rel @p0 .LBB2_7-.Ltmp2, $3  }
0x2e5: {  	_ =	sdelay $0x1  }
0x2e6: {  	v34 =	vmov s0  }
0x2e7: {  	s0 =	sadd.s32 $0x10, s0;
	v34 =	vshll.u32 v34, $0x4  }
0x2e8: {  	v34 =	vor.u32 v1, v34  }
0x2e9: {  	v35 =	vor.u32 v0, v34;
	_ =	sdelay $0x1  }
0x2ea: {  	v36 =	vor.u32 v2, v34  }
0x2eb: {  	s0 =	sadd.s32 $0x10, s31;
	v37 =	vpop (erf)  }
0x2ec: {  	v38 =	vor.u32 v3, v34;
	[tilespmem:s0+$0x0] =	vst v37  }
0x2ed: {  	v37 =	vld.idx.msk [tilespmem:v35+s26+$0x0], $0xffff  }
0x2ee: {  	v39 =	vor.u32 v4, v34;
	v35 =	vld.idx.msk [tilespmem:v35+s24+$0x0], $0xffff  }
0x2ef: {  	v40 =	vld.idx.msk [tilespmem:v36+s24+$0x0], $0xffff  }
0x2f0: {  	v41 =	vor.u32 v5, v34;
	v36 =	vld.idx.msk [tilespmem:v36+s26+$0x0], $0xffff  }
0x2f1: {  	v42 =	vld.idx.msk [tilespmem:v38+s24+$0x0], $0xffff  }
0x2f2: {  	v43 =	vor.u32 v6, v34;
	v38 =	vld.idx.msk [tilespmem:v38+s26+$0x0], $0xffff  }
0x2f3: {  	v44 =	vld.idx.msk [tilespmem:v39+s24+$0x0], $0xffff;
	v35 =	vadd.f32 v37, v35  }
0x2f4: {  	v56 =	vor.u32 v8, v34;
	v55 =	vld.idx.msk [tilespmem:v39+s26+$0x0], $0xffff  }
0x2f5: {  	v45 =	vld.idx.msk [tilespmem:v41+s24+$0x0], $0xffff;
	v36 =	vadd.f32 v36, v40;
	v35 =	vmax.f32 v35, $0.0e+00  }
0x2f6: {  	v58 =	vor.u32 v9, v34;
	v57 =	vld.idx.msk [tilespmem:v41+s26+$0x0], $0xffff;
	v35 =	vmul.f32 v35, v32  }
0x2f7: {  	v46 =	vld.idx.msk [tilespmem:v43+s24+$0x0], $0xffff;
	v38 =	vadd.f32 v38, v42;
	v36 =	vmax.f32 v36, $0.0e+00  }
0x2f8: {  	v60 =	vor.u32 v7, v34;
	v59 =	vld.idx.msk [tilespmem:v43+s26+$0x0], $0xffff;
	v36 =	vmul.f32 v36, v31;
	v35 =	vadd.f32 v35, v33  }
0x2f9: {  	v47 =	vld.idx.msk [tilespmem:v56+s24+$0x0], $0xffff;
	v37 =	vadd.f32 v55, v44;
	v38 =	vmax.f32 v38, $0.0e+00  }
0x2fa: {  	v61 =	vor.u32 v10, v34;
	v39 =	vld.idx.msk [tilespmem:v56+s26+$0x0], $0xffff;
	v62 =	vmul.f32 v38, v30;
	v35 =	vadd.f32 v36, v35  }
0x2fb: {  	v63 =	vld.idx.msk [tilespmem:v58+s24+$0x0], $0xffff;
	v40 =	vadd.f32 v57, v45;
	v37 =	vmax.f32 v37, $0.0e+00  }
0x2fc: {  	v48 =	vor.u32 v11, v34;
	v41 =	vld.idx.msk [tilespmem:v58+s26+$0x0], $0xffff;
	v49 =	vmul.f32 v37, v29;
	v35 =	vadd.f32 v62, v35  }
0x2fd: {  	v50 =	vld.idx.msk [tilespmem:v60+s24+$0x0], $0xffff;
	v42 =	vadd.f32 v59, v46;
	v40 =	vmax.f32 v40, $0.0e+00  }
0x2fe: {  	v51 =	vor.u32 v12, v34;
	v43 =	vld.idx.msk [tilespmem:v60+s26+$0x0], $0xffff;
	v52 =	vmul.f32 v40, v28;
	v35 =	vadd.f32 v49, v35  }
0x2ff: {  	v53 =	vld.idx.msk [tilespmem:v61+s24+$0x0], $0xffff;
	v39 =	vadd.f32 v39, v47;
	v42 =	vmax.f32 v42, $0.0e+00  }
0x300: {  	v54 =	vor.u32 v13, v34;
	v44 =	vld.idx.msk [tilespmem:v61+s26+$0x0], $0xffff;
	v55 =	vmul.f32 v42, v27;
	v35 =	vadd.f32 v52, v35  }
0x301: {  	v56 =	vld.idx.msk [tilespmem:v48+s24+$0x0], $0xffff;
	v39 =	vmax.f32 v39, $0.0e+00;
	v38 =	vadd.f32 v41, v63  }
0x302: {  	v58 =	vor.u32 v14, v34;
	v57 =	vld.idx.msk [tilespmem:v48+s26+$0x0], $0xffff;
	v59 =	vmul.f32 v39, v26;
	v35 =	vadd.f32 v55, v35  }
0x303: {  	v60 =	vld.idx.msk [tilespmem:v51+s24+$0x0], $0xffff;
	v37 =	vadd.f32 v43, v50;
	v38 =	vmax.f32 v38, $0.0e+00  }
0x304: {  	v61 =	vld.idx.msk [tilespmem:v51+s26+$0x0], $0xffff;
	v63 =	vmul.f32 v38, v25;
	v62 =	vor.u32 v15, v34;
	v35 =	vadd.f32 v59, v35  }
0x305: {  	v48 =	vld.idx.msk [tilespmem:v54+s24+$0x0], $0xffff;
	v37 =	vmax.f32 v37, $0.0e+00;
	v40 =	vadd.f32 v44, v53  }
0x306: {  	v50 =	vmul.f32 v37, v24;
	v34 =	vor.u32 v16, v34;
	v49 =	vld.idx.msk [tilespmem:v54+s26+$0x0], $0xffff;
	v35 =	vadd.f32 v63, v35  }
0x307: {  	v51 =	vld.idx.msk [tilespmem:v58+s24+$0x0], $0xffff;
	v41 =	vadd.f32 v57, v56;
	v40 =	vmax.f32 v40, $0.0e+00  }
0x308: {  	v53 =	vmul.f32 v40, v23;
	v52 =	vld.idx.msk [tilespmem:v58+s26+$0x0], $0xffff;
	v35 =	vadd.f32 v50, v35  }
0x309: {  	v39 =	vadd.f32 v61, v60;
	v41 =	vmax.f32 v41, $0.0e+00;
	v54 =	vld.idx.msk [tilespmem:v62+s24+$0x0], $0xffff  }
0x30a: {  	v56 =	vmul.f32 v41, v22;
	v55 =	vld.idx.msk [tilespmem:v62+s26+$0x0], $0xffff;
	v35 =	vadd.f32 v53, v35  }
0x30b: {  	v39 =	vmax.f32 v39, $0.0e+00;
	v57 =	vld.idx.msk [tilespmem:v34+s24+$0x0], $0xffff;
	v38 =	vadd.f32 v49, v48  }
0x30c: {  	v58 =	vmul.f32 v39, v21;
	v34 =	vld.idx.msk [tilespmem:v34+s26+$0x0], $0xffff;
	v35 =	vadd.f32 v56, v35  }
0x30d: {  	v38 =	vmax.f32 v38, $0.0e+00;
	v37 =	vadd.f32 v52, v51  }
0x30e: {  	v59 =	vmul.f32 v38, v20;
	v35 =	vadd.f32 v58, v35  }
0x30f: {  	v37 =	vmax.f32 v37, $0.0e+00;
	v60 =	vadd.f32 v55, v54  }
0x310: {  	v61 =	vmul.f32 v37, v19;
	v35 =	vadd.f32 v59, v35  }
0x311: {  	v34 =	vadd.f32 v34, v57;
	v62 =	vmax.f32 v60, $0.0e+00  }
0x312: {  	v63 =	vmul.f32 v62, v18;
	v35 =	vadd.f32 v61, v35  }
0x313: {  	v34 =	vmax.f32 v34, $0.0e+00  }
0x314: {  	v34 =	vmul.f32 v34, v17;
	v35 =	vadd.f32 v63, v35;
	_ =	sdelay $0x1  }
0x315: {  	v34 =	vadd.f32 v34, v35;
	_ =	sdelay $0x1  }
0x316: {  	v34 =	vsub.f32 $0.0e+00, v34;
	_ =	sdelay $0x1  }
0x317: {  	v34 =	vmul.f32 $1.442695020e+00, v34;
	_ =	sdelay $0x1  }
0x318: {  	(erf) = vpow2.f32 v34;
	_ =	sdelay $0x8  }
0x319: {  	v34 =	vpop (erf)  }
0x31a: {  	v34 =	vadd.f32 $1.000000000e+00, v34;
	_ =	sdelay $0x1  }
0x31b: {  	(erf) = vrcp.f32 v34;
	_ =	sdelay $0x4  }
0x31c: {  	s17 =	sadd.s32 $0x1, s17  }
0x31d: {  	p0 =	sne.s32 s17, $0x29  }
.Ltmp3:
0x31e: {  	_ = 	snop;
	(pc) =	sbr.rel @p0 .LBB2_2-.Ltmp3, $4  }
0x31f: {  	s9 =	sadd.s32 s25, s13  }
0x320: {  	s9 =	sshrl.u32 s9, $0x3;
	s0 =	sadd.s32 $0x10, s0;
	v34 =	vpop (erf)  }
0x321: {  	s31 =	simm.s32 $0x14500;
	s25 =	sadd.s32 s1, s9;
	[tilespmem:s0+$0x0] =	vst v34  }
0x322: {  	[hbm4b:s25+s3] =	stream.linear.scatter [tilespmem:s31], [sflag:$0x9], $0x320, $0x38;
	[tilespmem:$0x14930] =	vst v63  }
0x323: {  	_ =	swait.ge [sflag:s14], $0x3200;
	s0 =	simm.s32 $0x0  }
0x324: {  	[sflag:s14] =	ssyncset.done $0x0;
	v34 =	vmov s0  }
0x325: {  	[sflag:s14] =	ssyncadd.s32 $0xFFFFCE00;
	v34 =	vshll.u32 v34, $0x4  }
0x326: {  	_ =	swait.ge [sflag:s14], $0x3200;
	v34 =	vor.u32 v1, v34  }
0x327: {  	[sflag:s14] =	ssyncset.done $0x0;
	v35 =	vor.u32 v0, v34  }
0x328: {  	s9 =	simm.s32 $0x7;
	[sflag:s14] =	ssyncadd.s32 $0xFFFFCE00  }
0x329: {  	v36 =	vor.u32 v2, v34;
	_ =	swait.ge [sflag:s9], $0x320  }
0x32a: {  	[sflag:s9] =	ssyncset.done $0x0  }
0x32b: {  	v37 =	vor.u32 v3, v34;
	[sflag:s9] =	ssyncadd.s32 $0xFFFFFCE0  }
0x32c: {  	v38 =	vld.idx.msk [tilespmem:v35+s26+$0x0], $0xffff  }
0x32d: {  	v39 =	vor.u32 v4, v34;
	v35 =	vld.idx.msk [tilespmem:v35+s24+$0x0], $0xffff  }
0x32e: {  	v40 =	vld.idx.msk [tilespmem:v36+s24+$0x0], $0xffff  }
0x32f: {  	v41 =	vor.u32 v5, v34;
	v36 =	vld.idx.msk [tilespmem:v36+s26+$0x0], $0xffff  }
0x330: {  	v42 =	vld.idx.msk [tilespmem:v37+s24+$0x0], $0xffff  }
0x331: {  	v43 =	vor.u32 v6, v34;
	v37 =	vld.idx.msk [tilespmem:v37+s26+$0x0], $0xffff  }
0x332: {  	v44 =	vld.idx.msk [tilespmem:v39+s24+$0x0], $0xffff;
	v35 =	vadd.f32 v38, v35  }
0x333: {  	v50 =	vor.u32 v8, v34;
	v49 =	vld.idx.msk [tilespmem:v39+s26+$0x0], $0xffff  }
0x334: {  	v45 =	vld.idx.msk [tilespmem:v41+s24+$0x0], $0xffff;
	v36 =	vadd.f32 v36, v40;
	v35 =	vmax.f32 v35, $0.0e+00  }
0x335: {  	v52 =	vor.u32 v9, v34;
	v51 =	vld.idx.msk [tilespmem:v41+s26+$0x0], $0xffff;
	v35 =	vmul.f32 v35, v32  }
0x336: {  	v46 =	vld.idx.msk [tilespmem:v43+s24+$0x0], $0xffff;
	v37 =	vadd.f32 v37, v42;
	v36 =	vmax.f32 v36, $0.0e+00  }
0x337: {  	v54 =	vor.u32 v7, v34;
	v53 =	vld.idx.msk [tilespmem:v43+s26+$0x0], $0xffff;
	v36 =	vmul.f32 v36, v31;
	v35 =	vadd.f32 v35, v33  }
0x338: {  	v47 =	vld.idx.msk [tilespmem:v50+s24+$0x0], $0xffff;
	v38 =	vadd.f32 v49, v44;
	v37 =	vmax.f32 v37, $0.0e+00  }
0x339: {  	v55 =	vor.u32 v10, v34;
	v39 =	vld.idx.msk [tilespmem:v50+s26+$0x0], $0xffff;
	v56 =	vmul.f32 v37, v30;
	v35 =	vadd.f32 v36, v35  }
0x33a: {  	v57 =	vld.idx.msk [tilespmem:v52+s24+$0x0], $0xffff;
	v40 =	vadd.f32 v51, v45;
	v38 =	vmax.f32 v38, $0.0e+00  }
0x33b: {  	v58 =	vor.u32 v11, v34;
	v41 =	vld.idx.msk [tilespmem:v52+s26+$0x0], $0xffff;
	v59 =	vmul.f32 v38, v29;
	v35 =	vadd.f32 v56, v35  }
0x33c: {  	v60 =	vld.idx.msk [tilespmem:v54+s24+$0x0], $0xffff;
	v42 =	vadd.f32 v53, v46;
	v40 =	vmax.f32 v40, $0.0e+00  }
0x33d: {  	v61 =	vor.u32 v12, v34;
	v43 =	vld.idx.msk [tilespmem:v54+s26+$0x0], $0xffff;
	v62 =	vmul.f32 v40, v28;
	v35 =	vadd.f32 v59, v35  }
0x33e: {  	v63 =	vld.idx.msk [tilespmem:v55+s24+$0x0], $0xffff;
	v39 =	vadd.f32 v39, v47;
	v42 =	vmax.f32 v42, $0.0e+00  }
0x33f: {  	v48 =	vor.u32 v13, v34;
	v44 =	vld.idx.msk [tilespmem:v55+s26+$0x0], $0xffff;
	v49 =	vmul.f32 v42, v27;
	v35 =	vadd.f32 v62, v35  }
0x340: {  	v50 =	vld.idx.msk [tilespmem:v58+s24+$0x0], $0xffff;
	v39 =	vmax.f32 v39, $0.0e+00;
	v37 =	vadd.f32 v41, v57  }
0x341: {  	v52 =	vor.u32 v14, v34;
	v51 =	vld.idx.msk [tilespmem:v58+s26+$0x0], $0xffff;
	v53 =	vmul.f32 v39, v26;
	v35 =	vadd.f32 v49, v35  }
0x342: {  	v54 =	vld.idx.msk [tilespmem:v61+s24+$0x0], $0xffff;
	v38 =	vadd.f32 v43, v60;
	v37 =	vmax.f32 v37, $0.0e+00  }
0x343: {  	v55 =	vld.idx.msk [tilespmem:v61+s26+$0x0], $0xffff;
	v57 =	vmul.f32 v37, v25;
	v56 =	vor.u32 v15, v34;
	v35 =	vadd.f32 v53, v35  }
0x344: {  	v58 =	vld.idx.msk [tilespmem:v48+s24+$0x0], $0xffff;
	v38 =	vmax.f32 v38, $0.0e+00;
	v40 =	vadd.f32 v44, v63  }
0x345: {  	v60 =	vmul.f32 v38, v24;
	v34 =	vor.u32 v16, v34;
	v59 =	vld.idx.msk [tilespmem:v48+s26+$0x0], $0xffff;
	v35 =	vadd.f32 v57, v35  }
0x346: {  	v61 =	vld.idx.msk [tilespmem:v52+s24+$0x0], $0xffff;
	v41 =	vadd.f32 v51, v50;
	v40 =	vmax.f32 v40, $0.0e+00  }
0x347: {  	v63 =	vmul.f32 v40, v23;
	v62 =	vld.idx.msk [tilespmem:v52+s26+$0x0], $0xffff;
	v35 =	vadd.f32 v60, v35  }
0x348: {  	v39 =	vadd.f32 v55, v54;
	v41 =	vmax.f32 v41, $0.0e+00;
	v45 =	vld.idx.msk [tilespmem:v56+s24+$0x0], $0xffff  }
0x349: {  	v47 =	vmul.f32 v41, v22;
	v46 =	vld.idx.msk [tilespmem:v56+s26+$0x0], $0xffff;
	v35 =	vadd.f32 v63, v35  }
0x34a: {  	v39 =	vmax.f32 v39, $0.0e+00;
	v48 =	vld.idx.msk [tilespmem:v34+s24+$0x0], $0xffff;
	v37 =	vadd.f32 v59, v58  }
0x34b: {  	v34 =	vld.idx.msk [tilespmem:v34+s26+$0x0], $0xffff;
	v49 =	vmul.f32 v39, v21;
	v35 =	vadd.f32 v47, v35  }
0x34c: {  	v37 =	vmax.f32 v37, $0.0e+00;
	v38 =	vadd.f32 v62, v61  }
0x34d: {  	v50 =	vmul.f32 v37, v20;
	v35 =	vadd.f32 v49, v35  }
0x34e: {  	v52 =	vadd.f32 v46, v45;
	v51 =	vmax.f32 v38, $0.0e+00  }
0x34f: {  	v53 =	vmul.f32 v51, v19;
	v35 =	vadd.f32 v50, v35  }
0x350: {  	v34 =	vadd.f32 v34, v48;
	v54 =	vmax.f32 v52, $0.0e+00  }
0x351: {  	v55 =	vmul.f32 v54, v18;
	v35 =	vadd.f32 v53, v35  }
0x352: {  	v34 =	vmax.f32 v34, $0.0e+00  }
0x353: {  	v34 =	vmul.f32 v34, v17;
	v35 =	vadd.f32 v55, v35;
	_ =	sdelay $0x1  }
0x354: {  	v34 =	vadd.f32 v34, v35;
	_ =	sdelay $0x1  }
0x355: {  	v34 =	vsub.f32 $0.0e+00, v34;
	_ =	sdelay $0x1  }
0x356: {  	v34 =	vmul.f32 $1.442695020e+00, v34;
	_ =	sdelay $0x1  }
0x357: {  	(erf) = vpow2.f32 v34;
	_ =	sdelay $0x8  }
0x358: {  	v34 =	vpop (erf)  }
0x359: {  	v34 =	vadd.f32 $1.000000000e+00, v34;
	_ =	sdelay $0x1  }
0x35a: {  	(erf) = vrcp.f32 v34;
	_ =	sdelay $0x1  }
0x35b: {  	s25 =	simm.s32 $0x10  }
0x35c: {  	v56 =	vmov s25  }
0x35d: {  	v34 =	vshll.u32 v56, $0x4  }
0x35e: {  	v34 =	vor.u32 v1, v34  }
0x35f: {  	v57 =	vor.u32 v0, v34;
	_ =	sdelay $0x1  }
0x360: {  	v58 =	vor.u32 v2, v34  }
0x361: {  	s17 =	simm.s32 $0x13EC0;
	v59 =	vpop (erf)  }
0x362: {  	v60 =	vor.u32 v3, v34;
	[tilespmem:s17+$0x0] =	vst v59  }
0x363: {  	v37 =	vld.idx.msk [tilespmem:v57+s26+$0x0], $0xffff  }
0x364: {  	v61 =	vor.u32 v4, v34;
	v35 =	vld.idx.msk [tilespmem:v57+s24+$0x0], $0xffff  }
0x365: {  	v62 =	vld.idx.msk [tilespmem:v58+s24+$0x0], $0xffff  }
0x366: {  	v63 =	vor.u32 v5, v34;
	v36 =	vld.idx.msk [tilespmem:v58+s26+$0x0], $0xffff  }
0x367: {  	v48 =	vld.idx.msk [tilespmem:v60+s24+$0x0], $0xffff  }
0x368: {  	v49 =	vor.u32 v6, v34;
	v38 =	vld.idx.msk [tilespmem:v60+s26+$0x0], $0xffff  }
0x369: {  	v50 =	vld.idx.msk [tilespmem:v61+s24+$0x0], $0xffff;
	v35 =	vadd.f32 v37, v35  }
0x36a: {  	v52 =	vor.u32 v8, v34;
	v51 =	vld.idx.msk [tilespmem:v61+s26+$0x0], $0xffff  }
0x36b: {  	v53 =	vld.idx.msk [tilespmem:v63+s24+$0x0], $0xffff;
	v36 =	vadd.f32 v36, v62;
	v35 =	vmax.f32 v35, $0.0e+00  }
0x36c: {  	v55 =	vor.u32 v9, v34;
	v54 =	vld.idx.msk [tilespmem:v63+s26+$0x0], $0xffff;
	v35 =	vmul.f32 v35, v32  }
0x36d: {  	v56 =	vld.idx.msk [tilespmem:v49+s24+$0x0], $0xffff;
	v38 =	vadd.f32 v38, v48;
	v36 =	vmax.f32 v36, $0.0e+00  }
0x36e: {  	v57 =	vld.idx.msk [tilespmem:v49+s26+$0x0], $0xffff;
	v58 =	vor.u32 v7, v34;
	v36 =	vmul.f32 v36, v31;
	v35 =	vadd.f32 v35, v33  }
0x36f: {  	v59 =	vld.idx.msk [tilespmem:v52+s24+$0x0], $0xffff;
	v37 =	vadd.f32 v51, v50;
	v38 =	vmax.f32 v38, $0.0e+00  }
0x370: {  	v39 =	vld.idx.msk [tilespmem:v52+s26+$0x0], $0xffff;
	v60 =	vor.u32 v10, v34;
	v61 =	vmul.f32 v38, v30;
	v35 =	vadd.f32 v36, v35  }
0x371: {  	v41 =	vld.idx.msk [tilespmem:v55+s26+$0x0], $0xffff;
	v40 =	vadd.f32 v54, v53;
	v37 =	vmax.f32 v37, $0.0e+00  }
0x372: {  	v63 =	vor.u32 v11, v34;
	v62 =	vld.idx.msk [tilespmem:v55+s24+$0x0], $0xffff;
	v48 =	vmul.f32 v37, v29;
	v35 =	vadd.f32 v61, v35  }
0x373: {  	v49 =	vld.idx.msk [tilespmem:v58+s24+$0x0], $0xffff;
	v42 =	vadd.f32 v57, v56;
	v40 =	vmax.f32 v40, $0.0e+00  }
0x374: {  	v43 =	vld.idx.msk [tilespmem:v58+s26+$0x0], $0xffff;
	v50 =	vor.u32 v12, v34;
	v51 =	vmul.f32 v40, v28;
	v35 =	vadd.f32 v48, v35  }
0x375: {  	v52 =	vld.idx.msk [tilespmem:v60+s24+$0x0], $0xffff;
	v39 =	vadd.f32 v39, v59;
	v42 =	vmax.f32 v42, $0.0e+00  }
0x376: {  	v44 =	vld.idx.msk [tilespmem:v60+s26+$0x0], $0xffff;
	v53 =	vor.u32 v13, v34;
	v54 =	vmul.f32 v42, v27;
	v35 =	vadd.f32 v51, v35  }
0x377: {  	v55 =	vld.idx.msk [tilespmem:v63+s24+$0x0], $0xffff;
	v39 =	vmax.f32 v39, $0.0e+00;
	v38 =	vadd.f32 v41, v62  }
0x378: {  	v56 =	vld.idx.msk [tilespmem:v63+s26+$0x0], $0xffff;
	v57 =	vor.u32 v14, v34;
	v58 =	vmul.f32 v39, v26;
	v35 =	vadd.f32 v54, v35  }
0x379: {  	v59 =	vld.idx.msk [tilespmem:v50+s24+$0x0], $0xffff;
	v37 =	vadd.f32 v43, v49;
	v38 =	vmax.f32 v38, $0.0e+00  }
0x37a: {  	v60 =	vld.idx.msk [tilespmem:v50+s26+$0x0], $0xffff;
	v62 =	vmul.f32 v38, v25;
	v61 =	vor.u32 v15, v34;
	v35 =	vadd.f32 v58, v35  }
0x37b: {  	v63 =	vld.idx.msk [tilespmem:v53+s24+$0x0], $0xffff;
	v40 =	vadd.f32 v44, v52;
	v37 =	vmax.f32 v37, $0.0e+00  }
0x37c: {  	v49 =	vmul.f32 v37, v24;
	v34 =	vor.u32 v16, v34;
	v48 =	vld.idx.msk [tilespmem:v53+s26+$0x0], $0xffff;
	v35 =	vadd.f32 v62, v35  }
0x37d: {  	v50 =	vld.idx.msk [tilespmem:v57+s24+$0x0], $0xffff;
	v41 =	vadd.f32 v56, v55;
	v40 =	vmax.f32 v40, $0.0e+00  }
0x37e: {  	v52 =	vmul.f32 v40, v23;
	v51 =	vld.idx.msk [tilespmem:v57+s26+$0x0], $0xffff;
	v35 =	vadd.f32 v49, v35  }
0x37f: {  	v41 =	vmax.f32 v41, $0.0e+00;
	v39 =	vadd.f32 v60, v59;
	v53 =	vld.idx.msk [tilespmem:v61+s24+$0x0], $0xffff  }
0x380: {  	v55 =	vmul.f32 v41, v22;
	v54 =	vld.idx.msk [tilespmem:v61+s26+$0x0], $0xffff;
	v35 =	vadd.f32 v52, v35  }
0x381: {  	v39 =	vmax.f32 v39, $0.0e+00;
	v56 =	vld.idx.msk [tilespmem:v34+s24+$0x0], $0xffff;
	v38 =	vadd.f32 v48, v63  }
0x382: {  	v57 =	vmul.f32 v39, v21;
	v34 =	vld.idx.msk [tilespmem:v34+s26+$0x0], $0xffff;
	v35 =	vadd.f32 v55, v35  }
0x383: {  	v38 =	vmax.f32 v38, $0.0e+00;
	v37 =	vadd.f32 v51, v50  }
0x384: {  	v58 =	vmul.f32 v38, v20;
	v35 =	vadd.f32 v57, v35  }
0x385: {  	v37 =	vmax.f32 v37, $0.0e+00;
	v59 =	vadd.f32 v54, v53  }
0x386: {  	v60 =	vmul.f32 v37, v19;
	v35 =	vadd.f32 v58, v35  }
0x387: {  	v34 =	vadd.f32 v34, v56;
	v61 =	vmax.f32 v59, $0.0e+00  }
0x388: {  	v62 =	vmul.f32 v61, v18;
	v35 =	vadd.f32 v60, v35  }
0x389: {  	v34 =	vmax.f32 v34, $0.0e+00  }
0x38a: {  	v34 =	vmul.f32 v34, v17;
	v35 =	vadd.f32 v62, v35;
	_ =	sdelay $0x1  }
0x38b: {  	v34 =	vadd.f32 v34, v35;
	_ =	sdelay $0x1  }
0x38c: {  	v34 =	vsub.f32 $0.0e+00, v34;
	_ =	sdelay $0x1  }
0x38d: {  	v34 =	vmul.f32 $1.442695020e+00, v34;
	_ =	sdelay $0x1  }
0x38e: {  	(erf) = vpow2.f32 v34;
	_ =	sdelay $0x8  }
0x38f: {  	v34 =	vpop (erf)  }
0x390: {  	v34 =	vadd.f32 $1.000000000e+00, v34;
	_ =	sdelay $0x1  }
0x391: {  	(erf) = vrcp.f32 v34;
	_ =	sdelay $0x1  }
0x392: {  	s31 =	simm.s32 $0x20  }
0x393: {  	v63 =	vmov s31  }
0x394: {  	s0 =	simm.s32 $0x30;
	v34 =	vshll.u32 v63, $0x4  }
.LBB2_10:
0x395: {  	p0 =	sne.s32 s0, $0x310;
	v34 =	vor.u32 v1, v34  }
0x396: {  	v35 =	vor.u32 v0, v34;
	_ =	sdelay $0x1  }
0x397: {  	v36 =	vor.u32 v2, v34  }
0x398: {  	s17 =	sadd.s32 $0x10, s17;
	v37 =	vpop (erf)  }
0x399: {  	v38 =	vor.u32 v3, v34;
	[tilespmem:s17+$0x0] =	vst v37  }
0x39a: {  	v37 =	vld.idx.msk [tilespmem:v35+s26+$0x0], $0xffff  }
0x39b: {  	v39 =	vor.u32 v4, v34;
	v35 =	vld.idx.msk [tilespmem:v35+s24+$0x0], $0xffff  }
0x39c: {  	v40 =	vld.idx.msk [tilespmem:v36+s24+$0x0], $0xffff  }
0x39d: {  	v41 =	vor.u32 v5, v34;
	v36 =	vld.idx.msk [tilespmem:v36+s26+$0x0], $0xffff  }
0x39e: {  	v42 =	vld.idx.msk [tilespmem:v38+s24+$0x0], $0xffff  }
0x39f: {  	v43 =	vor.u32 v6, v34;
	v38 =	vld.idx.msk [tilespmem:v38+s26+$0x0], $0xffff  }
0x3a0: {  	v44 =	vld.idx.msk [tilespmem:v39+s24+$0x0], $0xffff  }
0x3a1: {  	v35 =	vadd.f32 v37, v35;
	v37 =	vld.idx.msk [tilespmem:v39+s26+$0x0], $0xffff;
	v39 =	vor.u32 v8, v34  }
0x3a2: {  	v45 =	vld.idx.msk [tilespmem:v41+s24+$0x0], $0xffff  }
0x3a3: {  	v35 =	vmax.f32 v35, $0.0e+00;
	v36 =	vadd.f32 v36, v40;
	v40 =	vld.idx.msk [tilespmem:v41+s26+$0x0], $0xffff;
	v41 =	vor.u32 v9, v34  }
0x3a4: {  	v35 =	vmul.f32 v35, v32;
	v46 =	vld.idx.msk [tilespmem:v43+s24+$0x0], $0xffff  }
0x3a5: {  	v36 =	vmax.f32 v36, $0.0e+00;
	v38 =	vadd.f32 v38, v42;
	v42 =	vld.idx.msk [tilespmem:v43+s26+$0x0], $0xffff;
	v43 =	vor.u32 v7, v34  }
0x3a6: {  	v35 =	vadd.f32 v35, v33;
	v36 =	vmul.f32 v36, v31;
	v47 =	vld.idx.msk [tilespmem:v39+s24+$0x0], $0xffff  }
0x3a7: {  	v38 =	vmax.f32 v38, $0.0e+00;
	v37 =	vadd.f32 v37, v44;
	v44 =	vor.u32 v10, v34;
	v39 =	vld.idx.msk [tilespmem:v39+s26+$0x0], $0xffff  }
0x3a8: {  	v35 =	vadd.f32 v36, v35;
	v36 =	vmul.f32 v38, v30;
	v38 =	vld.idx.msk [tilespmem:v41+s24+$0x0], $0xffff  }
0x3a9: {  	v37 =	vmax.f32 v37, $0.0e+00;
	v40 =	vadd.f32 v40, v45;
	v45 =	vor.u32 v11, v34;
	v41 =	vld.idx.msk [tilespmem:v41+s26+$0x0], $0xffff  }
0x3aa: {  	v35 =	vadd.f32 v36, v35;
	v36 =	vmul.f32 v37, v29;
	v37 =	vld.idx.msk [tilespmem:v43+s24+$0x0], $0xffff  }
0x3ab: {  	v40 =	vmax.f32 v40, $0.0e+00;
	v42 =	vadd.f32 v42, v46;
	v46 =	vor.u32 v12, v34;
	v43 =	vld.idx.msk [tilespmem:v43+s26+$0x0], $0xffff  }
0x3ac: {  	v35 =	vadd.f32 v36, v35;
	v36 =	vmul.f32 v40, v28;
	v40 =	vld.idx.msk [tilespmem:v44+s24+$0x0], $0xffff  }
0x3ad: {  	v42 =	vmax.f32 v42, $0.0e+00;
	v39 =	vadd.f32 v39, v47;
	v47 =	vor.u32 v13, v34;
	v44 =	vld.idx.msk [tilespmem:v44+s26+$0x0], $0xffff  }
0x3ae: {  	v35 =	vadd.f32 v36, v35;
	v36 =	vmul.f32 v42, v27;
	v42 =	vld.idx.msk [tilespmem:v45+s24+$0x0], $0xffff  }
0x3af: {  	v39 =	vmax.f32 v39, $0.0e+00;
	v38 =	vadd.f32 v41, v38;
	v41 =	vld.idx.msk [tilespmem:v45+s26+$0x0], $0xffff;
	v45 =	vor.u32 v14, v34  }
0x3b0: {  	v35 =	vadd.f32 v36, v35;
	v36 =	vmul.f32 v39, v26;
	v39 =	vld.idx.msk [tilespmem:v46+s24+$0x0], $0xffff  }
0x3b1: {  	v38 =	vmax.f32 v38, $0.0e+00;
	v37 =	vadd.f32 v43, v37;
	v43 =	vld.idx.msk [tilespmem:v46+s26+$0x0], $0xffff;
	v46 =	vor.u32 v15, v34  }
0x3b2: {  	v35 =	vadd.f32 v36, v35;
	v36 =	vmul.f32 v38, v25;
	v38 =	vld.idx.msk [tilespmem:v47+s24+$0x0], $0xffff  }
0x3b3: {  	v34 =	vor.u32 v16, v34;
	v37 =	vmax.f32 v37, $0.0e+00;
	v40 =	vadd.f32 v44, v40;
	v44 =	vld.idx.msk [tilespmem:v47+s26+$0x0], $0xffff  }
0x3b4: {  	v35 =	vadd.f32 v36, v35;
	v36 =	vmul.f32 v37, v24;
	v37 =	vld.idx.msk [tilespmem:v45+s24+$0x0], $0xffff  }
0x3b5: {  	v40 =	vmax.f32 v40, $0.0e+00;
	v41 =	vadd.f32 v41, v42;
	v42 =	vld.idx.msk [tilespmem:v45+s26+$0x0], $0xffff  }
0x3b6: {  	v35 =	vadd.f32 v36, v35;
	v36 =	vmul.f32 v40, v23;
	v40 =	vld.idx.msk [tilespmem:v46+s24+$0x0], $0xffff  }
0x3b7: {  	v41 =	vmax.f32 v41, $0.0e+00;
	v39 =	vadd.f32 v43, v39;
	v43 =	vld.idx.msk [tilespmem:v46+s26+$0x0], $0xffff  }
0x3b8: {  	v35 =	vadd.f32 v36, v35;
	v36 =	vmul.f32 v41, v22;
	v41 =	vld.idx.msk [tilespmem:v34+s24+$0x0], $0xffff  }
0x3b9: {  	v39 =	vmax.f32 v39, $0.0e+00;
	v38 =	vadd.f32 v44, v38;
	v34 =	vld.idx.msk [tilespmem:v34+s26+$0x0], $0xffff  }
0x3ba: {  	v35 =	vadd.f32 v36, v35;
	v36 =	vmul.f32 v39, v21  }
0x3bb: {  	v38 =	vmax.f32 v38, $0.0e+00;
	v37 =	vadd.f32 v42, v37  }
0x3bc: {  	v35 =	vadd.f32 v36, v35;
	v36 =	vmul.f32 v38, v20  }
0x3bd: {  	v37 =	vmax.f32 v37, $0.0e+00;
	v38 =	vadd.f32 v43, v40  }
0x3be: {  	v35 =	vadd.f32 v36, v35;
	v36 =	vmul.f32 v37, v19  }
0x3bf: {  	v37 =	vmax.f32 v38, $0.0e+00;
	v34 =	vadd.f32 v34, v41  }
0x3c0: {  	v35 =	vadd.f32 v36, v35;
	v36 =	vmul.f32 v37, v18  }
0x3c1: {  	v34 =	vmax.f32 v34, $0.0e+00  }
0x3c2: {  	v35 =	vadd.f32 v36, v35;
	v34 =	vmul.f32 v34, v17;
	_ =	sdelay $0x1  }
0x3c3: {  	v34 =	vadd.f32 v34, v35;
	_ =	sdelay $0x1  }
0x3c4: {  	v34 =	vsub.f32 $0.0e+00, v34;
	_ =	sdelay $0x1  }
0x3c5: {  	v34 =	vmul.f32 $1.442695020e+00, v34;
	_ =	sdelay $0x1  }
0x3c6: {  	(erf) = vpow2.f32 v34;
	_ =	sdelay $0x8  }
0x3c7: {  	v34 =	vpop (erf)  }
0x3c8: {  	v34 =	vadd.f32 $1.000000000e+00, v34;
	_ =	sdelay $0x1  }
.Ltmp4:
0x3c9: {  	(erf) = vrcp.f32 v34;
	(pc) =	sbr.rel @p0 .LBB2_10-.Ltmp4, $3  }
0x3ca: {  	_ =	sdelay $0x1  }
0x3cb: {  	v34 =	vmov s0  }
0x3cc: {  	s0 =	sadd.s32 $0x10, s0;
	v34 =	vshll.u32 v34, $0x4  }
0x3cd: {  	v34 =	vor.u32 v1, v34  }
0x3ce: {  	v35 =	vor.u32 v0, v34;
	_ =	sdelay $0x1  }
0x3cf: {  	v36 =	vor.u32 v2, v34  }
0x3d0: {  	s0 =	sadd.s32 $0x10, s17;
	v37 =	vpop (erf)  }
0x3d1: {  	v38 =	vor.u32 v3, v34;
	[tilespmem:s0+$0x0] =	vst v37  }
0x3d2: {  	v37 =	vld.idx.msk [tilespmem:v35+s26+$0x0], $0xffff  }
0x3d3: {  	v39 =	vor.u32 v4, v34;
	v35 =	vld.idx.msk [tilespmem:v35+s24+$0x0], $0xffff  }
0x3d4: {  	v40 =	vld.idx.msk [tilespmem:v36+s24+$0x0], $0xffff  }
0x3d5: {  	v41 =	vor.u32 v5, v34;
	v36 =	vld.idx.msk [tilespmem:v36+s26+$0x0], $0xffff  }
0x3d6: {  	v42 =	vld.idx.msk [tilespmem:v38+s24+$0x0], $0xffff  }
0x3d7: {  	v43 =	vor.u32 v6, v34;
	v38 =	vld.idx.msk [tilespmem:v38+s26+$0x0], $0xffff  }
0x3d8: {  	v44 =	vld.idx.msk [tilespmem:v39+s24+$0x0], $0xffff;
	v35 =	vadd.f32 v37, v35  }
0x3d9: {  	v62 =	vor.u32 v8, v34;
	v61 =	vld.idx.msk [tilespmem:v39+s26+$0x0], $0xffff  }
0x3da: {  	v45 =	vld.idx.msk [tilespmem:v41+s24+$0x0], $0xffff;
	v36 =	vadd.f32 v36, v40;
	v35 =	vmax.f32 v35, $0.0e+00  }
0x3db: {  	v48 =	vor.u32 v9, v34;
	v63 =	vld.idx.msk [tilespmem:v41+s26+$0x0], $0xffff;
	v35 =	vmul.f32 v35, v32  }
0x3dc: {  	v46 =	vld.idx.msk [tilespmem:v43+s24+$0x0], $0xffff;
	v38 =	vadd.f32 v38, v42;
	v36 =	vmax.f32 v36, $0.0e+00  }
0x3dd: {  	v50 =	vor.u32 v7, v34;
	v49 =	vld.idx.msk [tilespmem:v43+s26+$0x0], $0xffff;
	v36 =	vmul.f32 v36, v31;
	v35 =	vadd.f32 v35, v33  }
0x3de: {  	v47 =	vld.idx.msk [tilespmem:v62+s24+$0x0], $0xffff;
	v37 =	vadd.f32 v61, v44;
	v38 =	vmax.f32 v38, $0.0e+00  }
0x3df: {  	v51 =	vor.u32 v10, v34;
	v39 =	vld.idx.msk [tilespmem:v62+s26+$0x0], $0xffff;
	v52 =	vmul.f32 v38, v30;
	v35 =	vadd.f32 v36, v35  }
0x3e0: {  	v53 =	vld.idx.msk [tilespmem:v48+s24+$0x0], $0xffff;
	v40 =	vadd.f32 v63, v45;
	v37 =	vmax.f32 v37, $0.0e+00  }
0x3e1: {  	v54 =	vor.u32 v11, v34;
	v41 =	vld.idx.msk [tilespmem:v48+s26+$0x0], $0xffff;
	v55 =	vmul.f32 v37, v29;
	v35 =	vadd.f32 v52, v35  }
0x3e2: {  	v56 =	vld.idx.msk [tilespmem:v50+s24+$0x0], $0xffff;
	v42 =	vadd.f32 v49, v46;
	v40 =	vmax.f32 v40, $0.0e+00  }
0x3e3: {  	v57 =	vor.u32 v12, v34;
	v43 =	vld.idx.msk [tilespmem:v50+s26+$0x0], $0xffff;
	v58 =	vmul.f32 v40, v28;
	v35 =	vadd.f32 v55, v35  }
0x3e4: {  	v59 =	vld.idx.msk [tilespmem:v51+s24+$0x0], $0xffff;
	v39 =	vadd.f32 v39, v47;
	v42 =	vmax.f32 v42, $0.0e+00  }
0x3e5: {  	v60 =	vor.u32 v13, v34;
	v44 =	vld.idx.msk [tilespmem:v51+s26+$0x0], $0xffff;
	v61 =	vmul.f32 v42, v27;
	v35 =	vadd.f32 v58, v35  }
0x3e6: {  	v62 =	vld.idx.msk [tilespmem:v54+s24+$0x0], $0xffff;
	v39 =	vmax.f32 v39, $0.0e+00;
	v38 =	vadd.f32 v41, v53  }
0x3e7: {  	v48 =	vor.u32 v14, v34;
	v63 =	vld.idx.msk [tilespmem:v54+s26+$0x0], $0xffff;
	v49 =	vmul.f32 v39, v26;
	v35 =	vadd.f32 v61, v35  }
0x3e8: {  	v50 =	vld.idx.msk [tilespmem:v57+s24+$0x0], $0xffff;
	v37 =	vadd.f32 v43, v56;
	v38 =	vmax.f32 v38, $0.0e+00  }
0x3e9: {  	v51 =	vld.idx.msk [tilespmem:v57+s26+$0x0], $0xffff;
	v53 =	vmul.f32 v38, v25;
	v52 =	vor.u32 v15, v34;
	v35 =	vadd.f32 v49, v35  }
0x3ea: {  	v54 =	vld.idx.msk [tilespmem:v60+s24+$0x0], $0xffff;
	v37 =	vmax.f32 v37, $0.0e+00;
	v40 =	vadd.f32 v44, v59  }
0x3eb: {  	v56 =	vmul.f32 v37, v24;
	v34 =	vor.u32 v16, v34;
	v55 =	vld.idx.msk [tilespmem:v60+s26+$0x0], $0xffff;
	v35 =	vadd.f32 v53, v35  }
0x3ec: {  	v57 =	vld.idx.msk [tilespmem:v48+s24+$0x0], $0xffff;
	v41 =	vadd.f32 v63, v62;
	v40 =	vmax.f32 v40, $0.0e+00  }
0x3ed: {  	v59 =	vmul.f32 v40, v23;
	v58 =	vld.idx.msk [tilespmem:v48+s26+$0x0], $0xffff;
	v35 =	vadd.f32 v56, v35  }
0x3ee: {  	v39 =	vadd.f32 v51, v50;
	v41 =	vmax.f32 v41, $0.0e+00;
	v60 =	vld.idx.msk [tilespmem:v52+s24+$0x0], $0xffff  }
0x3ef: {  	v62 =	vmul.f32 v41, v22;
	v61 =	vld.idx.msk [tilespmem:v52+s26+$0x0], $0xffff;
	v35 =	vadd.f32 v59, v35  }
0x3f0: {  	v39 =	vmax.f32 v39, $0.0e+00;
	v63 =	vld.idx.msk [tilespmem:v34+s24+$0x0], $0xffff;
	v38 =	vadd.f32 v55, v54  }
0x3f1: {  	v45 =	vmul.f32 v39, v21;
	v34 =	vld.idx.msk [tilespmem:v34+s26+$0x0], $0xffff;
	v35 =	vadd.f32 v62, v35  }
0x3f2: {  	v38 =	vmax.f32 v38, $0.0e+00;
	v37 =	vadd.f32 v58, v57  }
0x3f3: {  	v46 =	vmul.f32 v38, v20;
	v35 =	vadd.f32 v45, v35  }
0x3f4: {  	v37 =	vmax.f32 v37, $0.0e+00;
	v47 =	vadd.f32 v61, v60  }
0x3f5: {  	v48 =	vmul.f32 v37, v19;
	v35 =	vadd.f32 v46, v35  }
0x3f6: {  	v34 =	vadd.f32 v34, v63;
	v49 =	vmax.f32 v47, $0.0e+00  }
0x3f7: {  	v50 =	vmul.f32 v49, v18;
	v35 =	vadd.f32 v48, v35  }
0x3f8: {  	v34 =	vmax.f32 v34, $0.0e+00  }
0x3f9: {  	v34 =	vmul.f32 v34, v17;
	v35 =	vadd.f32 v50, v35;
	_ =	sdelay $0x1  }
0x3fa: {  	v34 =	vadd.f32 v34, v35;
	_ =	sdelay $0x1  }
0x3fb: {  	v34 =	vsub.f32 $0.0e+00, v34;
	_ =	sdelay $0x1  }
0x3fc: {  	v34 =	vmul.f32 $1.442695020e+00, v34;
	_ =	sdelay $0x1  }
0x3fd: {  	(erf) = vpow2.f32 v34;
	_ =	sdelay $0x8  }
0x3fe: {  	v34 =	vpop (erf)  }
0x3ff: {  	v34 =	vadd.f32 $1.000000000e+00, v34;
	_ =	sdelay $0x1  }
0x400: {  	(erf) = vrcp.f32 v34;
	_ =	sdelay $0x8  }
0x401: {  	s0 =	sadd.s32 $0x10, s0;
	v34 =	vpop (erf)  }
0x402: {  	s25 =	rddreg [dreg:$0xb];
	[tilespmem:s0+$0x0] =	vst v34  }
0x403: {  	[hbm4b:s25+s3] =	stream.linear.scatter [tilespmem:s21], [sflag:$0x7], $0x320, $0x38;
	[tilespmem:$0x14930] =	vst v63  }
0x404: {  	s31 =	simm.s32 $0x320;
	_ =	swait.ge [sflag:s22], $0x3200  }
0x405: {  	v51 =	vmov s31;
	[sflag:s22] =	ssyncset.done $0x0  }
0x406: {  	v34 =	vshll.u32 v51, $0x4;
	[sflag:s22] =	ssyncadd.s32 $0xFFFFCE00  }
0x407: {  	v34 =	vor.u32 v1, v34;
	_ =	swait.ge [sflag:s22], $0x3200  }
0x408: {  	v52 =	vor.u32 v0, v34;
	[sflag:s22] =	ssyncset.done $0x0  }
0x409: {  	s25 =	simm.s32 $0x8;
	[sflag:s22] =	ssyncadd.s32 $0xFFFFCE00  }
0x40a: {  	v53 =	vor.u32 v2, v34;
	_ =	swait.ge [sflag:s25], $0x320  }
0x40b: {  	[sflag:s25] =	ssyncset.done $0x0  }
0x40c: {  	v54 =	vor.u32 v3, v34;
	[sflag:s25] =	ssyncadd.s32 $0xFFFFFCE0  }
0x40d: {  	v55 =	vld.idx.msk [tilespmem:v52+s26+$0x0], $0xffff  }
0x40e: {  	v56 =	vor.u32 v4, v34;
	v35 =	vld.idx.msk [tilespmem:v52+s24+$0x0], $0xffff  }
0x40f: {  	v57 =	vld.idx.msk [tilespmem:v53+s24+$0x0], $0xffff  }
0x410: {  	v58 =	vor.u32 v5, v34;
	v36 =	vld.idx.msk [tilespmem:v53+s26+$0x0], $0xffff  }
0x411: {  	v59 =	vld.idx.msk [tilespmem:v54+s24+$0x0], $0xffff  }
0x412: {  	v60 =	vor.u32 v6, v34;
	v37 =	vld.idx.msk [tilespmem:v54+s26+$0x0], $0xffff  }
0x413: {  	v61 =	vld.idx.msk [tilespmem:v56+s24+$0x0], $0xffff;
	v35 =	vadd.f32 v55, v35  }
0x414: {  	v63 =	vor.u32 v8, v34;
	v62 =	vld.idx.msk [tilespmem:v56+s26+$0x0], $0xffff  }
0x415: {  	v48 =	vld.idx.msk [tilespmem:v58+s24+$0x0], $0xffff;
	v36 =	vadd.f32 v36, v57;
	v35 =	vmax.f32 v35, $0.0e+00  }
0x416: {  	v50 =	vor.u32 v9, v34;
	v49 =	vld.idx.msk [tilespmem:v58+s26+$0x0], $0xffff;
	v35 =	vmul.f32 v35, v32  }
0x417: {  	v51 =	vld.idx.msk [tilespmem:v60+s24+$0x0], $0xffff;
	v37 =	vadd.f32 v37, v59;
	v36 =	vmax.f32 v36, $0.0e+00  }
0x418: {  	v52 =	vld.idx.msk [tilespmem:v60+s26+$0x0], $0xffff;
	v53 =	vor.u32 v7, v34;
	v36 =	vmul.f32 v36, v31;
	v35 =	vadd.f32 v35, v33  }
0x419: {  	v54 =	vld.idx.msk [tilespmem:v63+s24+$0x0], $0xffff;
	v38 =	vadd.f32 v62, v61;
	v37 =	vmax.f32 v37, $0.0e+00  }
0x41a: {  	v39 =	vld.idx.msk [tilespmem:v63+s26+$0x0], $0xffff;
	v55 =	vor.u32 v10, v34;
	v56 =	vmul.f32 v37, v30;
	v35 =	vadd.f32 v36, v35  }
0x41b: {  	v41 =	vld.idx.msk [tilespmem:v50+s26+$0x0], $0xffff;
	v40 =	vadd.f32 v49, v48;
	v38 =	vmax.f32 v38, $0.0e+00  }
0x41c: {  	v58 =	vor.u32 v11, v34;
	v57 =	vld.idx.msk [tilespmem:v50+s24+$0x0], $0xffff;
	v59 =	vmul.f32 v38, v29;
	v35 =	vadd.f32 v56, v35  }
0x41d: {  	v60 =	vld.idx.msk [tilespmem:v53+s24+$0x0], $0xffff;
	v42 =	vadd.f32 v52, v51;
	v40 =	vmax.f32 v40, $0.0e+00  }
0x41e: {  	v43 =	vld.idx.msk [tilespmem:v53+s26+$0x0], $0xffff;
	v61 =	vor.u32 v12, v34;
	v62 =	vmul.f32 v40, v28;
	v35 =	vadd.f32 v59, v35  }
0x41f: {  	v39 =	vadd.f32 v39, v54;
	v42 =	vmax.f32 v42, $0.0e+00;
	v63 =	vld.idx.msk [tilespmem:v55+s24+$0x0], $0xffff  }
0x420: {  	v48 =	vor.u32 v13, v34;
	v49 =	vmul.f32 v42, v27;
	v44 =	vld.idx.msk [tilespmem:v55+s26+$0x0], $0xffff;
	v35 =	vadd.f32 v62, v35  }
0x421: {  	v50 =	vld.idx.msk [tilespmem:v58+s24+$0x0], $0xffff;
	v39 =	vmax.f32 v39, $0.0e+00;
	v37 =	vadd.f32 v41, v57  }
0x422: {  	v51 =	vld.idx.msk [tilespmem:v58+s26+$0x0], $0xffff;
	v52 =	vor.u32 v14, v34;
	v53 =	vmul.f32 v39, v26;
	v35 =	vadd.f32 v49, v35  }
0x423: {  	v54 =	vld.idx.msk [tilespmem:v61+s24+$0x0], $0xffff;
	v38 =	vadd.f32 v43, v60;
	v37 =	vmax.f32 v37, $0.0e+00  }
0x424: {  	v55 =	vld.idx.msk [tilespmem:v61+s26+$0x0], $0xffff;
	v57 =	vmul.f32 v37, v25;
	v56 =	vor.u32 v15, v34;
	v35 =	vadd.f32 v53, v35  }
0x425: {  	v58 =	vld.idx.msk [tilespmem:v48+s24+$0x0], $0xffff;
	v38 =	vmax.f32 v38, $0.0e+00;
	v40 =	vadd.f32 v44, v63  }
0x426: {  	v60 =	vmul.f32 v38, v24;
	v34 =	vor.u32 v16, v34;
	v59 =	vld.idx.msk [tilespmem:v48+s26+$0x0], $0xffff;
	v35 =	vadd.f32 v57, v35  }
0x427: {  	v61 =	vld.idx.msk [tilespmem:v52+s24+$0x0], $0xffff;
	v41 =	vadd.f32 v51, v50;
	v40 =	vmax.f32 v40, $0.0e+00  }
0x428: {  	v62 =	vld.idx.msk [tilespmem:v52+s26+$0x0], $0xffff;
	v63 =	vmul.f32 v40, v23;
	v35 =	vadd.f32 v60, v35  }
0x429: {  	v41 =	vmax.f32 v41, $0.0e+00;
	v39 =	vadd.f32 v55, v54;
	v45 =	vld.idx.msk [tilespmem:v56+s24+$0x0], $0xffff  }
0x42a: {  	v47 =	vmul.f32 v41, v22;
	v46 =	vld.idx.msk [tilespmem:v56+s26+$0x0], $0xffff;
	v35 =	vadd.f32 v63, v35  }
0x42b: {  	v39 =	vmax.f32 v39, $0.0e+00;
	v48 =	vld.idx.msk [tilespmem:v34+s24+$0x0], $0xffff;
	v37 =	vadd.f32 v59, v58  }
0x42c: {  	v34 =	vld.idx.msk [tilespmem:v34+s26+$0x0], $0xffff;
	v49 =	vmul.f32 v39, v21;
	v35 =	vadd.f32 v47, v35  }
0x42d: {  	v37 =	vmax.f32 v37, $0.0e+00;
	v38 =	vadd.f32 v62, v61  }
0x42e: {  	v50 =	vmul.f32 v37, v20;
	v35 =	vadd.f32 v49, v35  }
0x42f: {  	v52 =	vadd.f32 v46, v45;
	v51 =	vmax.f32 v38, $0.0e+00  }
0x430: {  	v53 =	vmul.f32 v51, v19;
	v35 =	vadd.f32 v50, v35  }
0x431: {  	v34 =	vadd.f32 v34, v48;
	v54 =	vmax.f32 v52, $0.0e+00  }
0x432: {  	v55 =	vmul.f32 v54, v18;
	v35 =	vadd.f32 v53, v35  }
0x433: {  	v34 =	vmax.f32 v34, $0.0e+00  }
0x434: {  	v34 =	vmul.f32 v34, v17;
	v35 =	vadd.f32 v55, v35;
	_ =	sdelay $0x1  }
0x435: {  	v34 =	vadd.f32 v34, v35;
	_ =	sdelay $0x1  }
0x436: {  	v34 =	vsub.f32 $0.0e+00, v34;
	_ =	sdelay $0x1  }
0x437: {  	v34 =	vmul.f32 $1.442695020e+00, v34;
	_ =	sdelay $0x1  }
0x438: {  	(erf) = vpow2.f32 v34;
	_ =	sdelay $0x8  }
0x439: {  	v34 =	vpop (erf)  }
0x43a: {  	v34 =	vadd.f32 $1.000000000e+00, v34;
	_ =	sdelay $0x1  }
0x43b: {  	(erf) = vrcp.f32 v34;
	_ =	sdelay $0x1  }
0x43c: {  	s17 =	simm.s32 $0x330  }
0x43d: {  	v56 =	vmov s17  }
0x43e: {  	v34 =	vshll.u32 v56, $0x4  }
0x43f: {  	v34 =	vor.u32 v1, v34  }
0x440: {  	v57 =	vor.u32 v0, v34;
	_ =	sdelay $0x1  }
0x441: {  	v58 =	vor.u32 v2, v34  }
0x442: {  	s17 =	simm.s32 $0x141E0;
	v59 =	vpop (erf)  }
0x443: {  	v60 =	vor.u32 v3, v34;
	[tilespmem:s17+$0x0] =	vst v59  }
0x444: {  	v37 =	vld.idx.msk [tilespmem:v57+s26+$0x0], $0xffff  }
0x445: {  	v61 =	vor.u32 v4, v34;
	v35 =	vld.idx.msk [tilespmem:v57+s24+$0x0], $0xffff  }
0x446: {  	v62 =	vld.idx.msk [tilespmem:v58+s24+$0x0], $0xffff  }
0x447: {  	v63 =	vor.u32 v5, v34;
	v36 =	vld.idx.msk [tilespmem:v58+s26+$0x0], $0xffff  }
0x448: {  	v48 =	vld.idx.msk [tilespmem:v60+s24+$0x0], $0xffff  }
0x449: {  	v49 =	vor.u32 v6, v34;
	v38 =	vld.idx.msk [tilespmem:v60+s26+$0x0], $0xffff  }
0x44a: {  	v50 =	vld.idx.msk [tilespmem:v61+s24+$0x0], $0xffff;
	v35 =	vadd.f32 v37, v35  }
0x44b: {  	v52 =	vor.u32 v8, v34;
	v51 =	vld.idx.msk [tilespmem:v61+s26+$0x0], $0xffff  }
0x44c: {  	v53 =	vld.idx.msk [tilespmem:v63+s24+$0x0], $0xffff;
	v36 =	vadd.f32 v36, v62;
	v35 =	vmax.f32 v35, $0.0e+00  }
0x44d: {  	v55 =	vor.u32 v9, v34;
	v54 =	vld.idx.msk [tilespmem:v63+s26+$0x0], $0xffff;
	v35 =	vmul.f32 v35, v32  }
0x44e: {  	v56 =	vld.idx.msk [tilespmem:v49+s24+$0x0], $0xffff;
	v38 =	vadd.f32 v38, v48;
	v36 =	vmax.f32 v36, $0.0e+00  }
0x44f: {  	v57 =	vld.idx.msk [tilespmem:v49+s26+$0x0], $0xffff;
	v58 =	vor.u32 v7, v34;
	v36 =	vmul.f32 v36, v31;
	v35 =	vadd.f32 v35, v33  }
0x450: {  	v59 =	vld.idx.msk [tilespmem:v52+s24+$0x0], $0xffff;
	v37 =	vadd.f32 v51, v50;
	v38 =	vmax.f32 v38, $0.0e+00  }
0x451: {  	v39 =	vld.idx.msk [tilespmem:v52+s26+$0x0], $0xffff;
	v60 =	vor.u32 v10, v34;
	v61 =	vmul.f32 v38, v30;
	v35 =	vadd.f32 v36, v35  }
0x452: {  	v41 =	vld.idx.msk [tilespmem:v55+s26+$0x0], $0xffff;
	v40 =	vadd.f32 v54, v53;
	v37 =	vmax.f32 v37, $0.0e+00  }
0x453: {  	v63 =	vor.u32 v11, v34;
	v62 =	vld.idx.msk [tilespmem:v55+s24+$0x0], $0xffff;
	v48 =	vmul.f32 v37, v29;
	v35 =	vadd.f32 v61, v35  }
0x454: {  	v49 =	vld.idx.msk [tilespmem:v58+s24+$0x0], $0xffff;
	v42 =	vadd.f32 v57, v56;
	v40 =	vmax.f32 v40, $0.0e+00  }
0x455: {  	v43 =	vld.idx.msk [tilespmem:v58+s26+$0x0], $0xffff;
	v50 =	vor.u32 v12, v34;
	v51 =	vmul.f32 v40, v28;
	v35 =	vadd.f32 v48, v35  }
0x456: {  	v52 =	vld.idx.msk [tilespmem:v60+s24+$0x0], $0xffff;
	v39 =	vadd.f32 v39, v59;
	v42 =	vmax.f32 v42, $0.0e+00  }
0x457: {  	v44 =	vld.idx.msk [tilespmem:v60+s26+$0x0], $0xffff;
	v53 =	vor.u32 v13, v34;
	v54 =	vmul.f32 v42, v27;
	v35 =	vadd.f32 v51, v35  }
0x458: {  	v55 =	vld.idx.msk [tilespmem:v63+s24+$0x0], $0xffff;
	v39 =	vmax.f32 v39, $0.0e+00;
	v38 =	vadd.f32 v41, v62  }
0x459: {  	v56 =	vld.idx.msk [tilespmem:v63+s26+$0x0], $0xffff;
	v57 =	vor.u32 v14, v34;
	v58 =	vmul.f32 v39, v26;
	v35 =	vadd.f32 v54, v35  }
0x45a: {  	v59 =	vld.idx.msk [tilespmem:v50+s24+$0x0], $0xffff;
	v37 =	vadd.f32 v43, v49;
	v38 =	vmax.f32 v38, $0.0e+00  }
0x45b: {  	v60 =	vld.idx.msk [tilespmem:v50+s26+$0x0], $0xffff;
	v62 =	vmul.f32 v38, v25;
	v61 =	vor.u32 v15, v34;
	v35 =	vadd.f32 v58, v35  }
0x45c: {  	v63 =	vld.idx.msk [tilespmem:v53+s24+$0x0], $0xffff;
	v40 =	vadd.f32 v44, v52;
	v37 =	vmax.f32 v37, $0.0e+00  }
0x45d: {  	v49 =	vmul.f32 v37, v24;
	v34 =	vor.u32 v16, v34;
	v48 =	vld.idx.msk [tilespmem:v53+s26+$0x0], $0xffff;
	v35 =	vadd.f32 v62, v35  }
0x45e: {  	v50 =	vld.idx.msk [tilespmem:v57+s24+$0x0], $0xffff;
	v41 =	vadd.f32 v56, v55;
	v40 =	vmax.f32 v40, $0.0e+00  }
0x45f: {  	v52 =	vmul.f32 v40, v23;
	v51 =	vld.idx.msk [tilespmem:v57+s26+$0x0], $0xffff;
	v35 =	vadd.f32 v49, v35  }
0x460: {  	v41 =	vmax.f32 v41, $0.0e+00;
	v39 =	vadd.f32 v60, v59;
	v53 =	vld.idx.msk [tilespmem:v61+s24+$0x0], $0xffff  }
0x461: {  	v55 =	vmul.f32 v41, v22;
	v54 =	vld.idx.msk [tilespmem:v61+s26+$0x0], $0xffff;
	v35 =	vadd.f32 v52, v35  }
0x462: {  	v39 =	vmax.f32 v39, $0.0e+00;
	v56 =	vld.idx.msk [tilespmem:v34+s24+$0x0], $0xffff;
	v38 =	vadd.f32 v48, v63  }
0x463: {  	v57 =	vmul.f32 v39, v21;
	v34 =	vld.idx.msk [tilespmem:v34+s26+$0x0], $0xffff;
	v35 =	vadd.f32 v55, v35  }
0x464: {  	v38 =	vmax.f32 v38, $0.0e+00;
	v37 =	vadd.f32 v51, v50  }
0x465: {  	v58 =	vmul.f32 v38, v20;
	v35 =	vadd.f32 v57, v35  }
0x466: {  	v37 =	vmax.f32 v37, $0.0e+00;
	v59 =	vadd.f32 v54, v53  }
0x467: {  	v60 =	vmul.f32 v37, v19;
	v35 =	vadd.f32 v58, v35  }
0x468: {  	v34 =	vadd.f32 v34, v56;
	v61 =	vmax.f32 v59, $0.0e+00  }
0x469: {  	v62 =	vmul.f32 v61, v18;
	v35 =	vadd.f32 v60, v35  }
0x46a: {  	v34 =	vmax.f32 v34, $0.0e+00  }
0x46b: {  	v34 =	vmul.f32 v34, v17;
	v35 =	vadd.f32 v62, v35;
	_ =	sdelay $0x1  }
0x46c: {  	v34 =	vadd.f32 v34, v35;
	_ =	sdelay $0x1  }
0x46d: {  	v34 =	vsub.f32 $0.0e+00, v34;
	_ =	sdelay $0x1  }
0x46e: {  	v34 =	vmul.f32 $1.442695020e+00, v34;
	_ =	sdelay $0x1  }
0x46f: {  	(erf) = vpow2.f32 v34;
	_ =	sdelay $0x8  }
0x470: {  	v34 =	vpop (erf)  }
0x471: {  	v34 =	vadd.f32 $1.000000000e+00, v34;
	_ =	sdelay $0x1  }
0x472: {  	(erf) = vrcp.f32 v34;
	_ =	sdelay $0x1  }
0x473: {  	s31 =	simm.s32 $0x340  }
0x474: {  	v63 =	vmov s31  }
0x475: {  	s0 =	simm.s32 $0x350;
	v34 =	vshll.u32 v63, $0x4  }
.LBB2_12:
0x476: {  	p0 =	sne.s32 s0, $0x630;
	v34 =	vor.u32 v1, v34  }
0x477: {  	v35 =	vor.u32 v0, v34;
	_ =	sdelay $0x1  }
0x478: {  	v36 =	vor.u32 v2, v34  }
0x479: {  	s17 =	sadd.s32 $0x10, s17;
	v37 =	vpop (erf)  }
0x47a: {  	v38 =	vor.u32 v3, v34;
	[tilespmem:s17+$0x0] =	vst v37  }
0x47b: {  	v37 =	vld.idx.msk [tilespmem:v35+s26+$0x0], $0xffff  }
0x47c: {  	v39 =	vor.u32 v4, v34;
	v35 =	vld.idx.msk [tilespmem:v35+s24+$0x0], $0xffff  }
0x47d: {  	v40 =	vld.idx.msk [tilespmem:v36+s24+$0x0], $0xffff  }
0x47e: {  	v41 =	vor.u32 v5, v34;
	v36 =	vld.idx.msk [tilespmem:v36+s26+$0x0], $0xffff  }
0x47f: {  	v42 =	vld.idx.msk [tilespmem:v38+s24+$0x0], $0xffff  }
0x480: {  	v43 =	vor.u32 v6, v34;
	v38 =	vld.idx.msk [tilespmem:v38+s26+$0x0], $0xffff  }
0x481: {  	v44 =	vld.idx.msk [tilespmem:v39+s24+$0x0], $0xffff  }
0x482: {  	v35 =	vadd.f32 v37, v35;
	v37 =	vld.idx.msk [tilespmem:v39+s26+$0x0], $0xffff;
	v39 =	vor.u32 v8, v34  }
0x483: {  	v45 =	vld.idx.msk [tilespmem:v41+s24+$0x0], $0xffff  }
0x484: {  	v35 =	vmax.f32 v35, $0.0e+00;
	v36 =	vadd.f32 v36, v40;
	v40 =	vld.idx.msk [tilespmem:v41+s26+$0x0], $0xffff;
	v41 =	vor.u32 v9, v34  }
0x485: {  	v35 =	vmul.f32 v35, v32;
	v46 =	vld.idx.msk [tilespmem:v43+s24+$0x0], $0xffff  }
0x486: {  	v36 =	vmax.f32 v36, $0.0e+00;
	v38 =	vadd.f32 v38, v42;
	v42 =	vld.idx.msk [tilespmem:v43+s26+$0x0], $0xffff;
	v43 =	vor.u32 v7, v34  }
0x487: {  	v35 =	vadd.f32 v35, v33;
	v36 =	vmul.f32 v36, v31;
	v47 =	vld.idx.msk [tilespmem:v39+s24+$0x0], $0xffff  }
0x488: {  	v38 =	vmax.f32 v38, $0.0e+00;
	v37 =	vadd.f32 v37, v44;
	v44 =	vor.u32 v10, v34;
	v39 =	vld.idx.msk [tilespmem:v39+s26+$0x0], $0xffff  }
0x489: {  	v35 =	vadd.f32 v36, v35;
	v36 =	vmul.f32 v38, v30;
	v38 =	vld.idx.msk [tilespmem:v41+s24+$0x0], $0xffff  }
0x48a: {  	v37 =	vmax.f32 v37, $0.0e+00;
	v40 =	vadd.f32 v40, v45;
	v45 =	vor.u32 v11, v34;
	v41 =	vld.idx.msk [tilespmem:v41+s26+$0x0], $0xffff  }
0x48b: {  	v35 =	vadd.f32 v36, v35;
	v36 =	vmul.f32 v37, v29;
	v37 =	vld.idx.msk [tilespmem:v43+s24+$0x0], $0xffff  }
0x48c: {  	v40 =	vmax.f32 v40, $0.0e+00;
	v42 =	vadd.f32 v42, v46;
	v46 =	vor.u32 v12, v34;
	v43 =	vld.idx.msk [tilespmem:v43+s26+$0x0], $0xffff  }
0x48d: {  	v35 =	vadd.f32 v36, v35;
	v36 =	vmul.f32 v40, v28;
	v40 =	vld.idx.msk [tilespmem:v44+s24+$0x0], $0xffff  }
0x48e: {  	v42 =	vmax.f32 v42, $0.0e+00;
	v39 =	vadd.f32 v39, v47;
	v47 =	vor.u32 v13, v34;
	v44 =	vld.idx.msk [tilespmem:v44+s26+$0x0], $0xffff  }
0x48f: {  	v35 =	vadd.f32 v36, v35;
	v36 =	vmul.f32 v42, v27;
	v42 =	vld.idx.msk [tilespmem:v45+s24+$0x0], $0xffff  }
0x490: {  	v39 =	vmax.f32 v39, $0.0e+00;
	v38 =	vadd.f32 v41, v38;
	v41 =	vld.idx.msk [tilespmem:v45+s26+$0x0], $0xffff;
	v45 =	vor.u32 v14, v34  }
0x491: {  	v35 =	vadd.f32 v36, v35;
	v36 =	vmul.f32 v39, v26;
	v39 =	vld.idx.msk [tilespmem:v46+s24+$0x0], $0xffff  }
0x492: {  	v38 =	vmax.f32 v38, $0.0e+00;
	v37 =	vadd.f32 v43, v37;
	v43 =	vld.idx.msk [tilespmem:v46+s26+$0x0], $0xffff;
	v46 =	vor.u32 v15, v34  }
0x493: {  	v35 =	vadd.f32 v36, v35;
	v36 =	vmul.f32 v38, v25;
	v38 =	vld.idx.msk [tilespmem:v47+s24+$0x0], $0xffff  }
0x494: {  	v34 =	vor.u32 v16, v34;
	v37 =	vmax.f32 v37, $0.0e+00;
	v40 =	vadd.f32 v44, v40;
	v44 =	vld.idx.msk [tilespmem:v47+s26+$0x0], $0xffff  }
0x495: {  	v35 =	vadd.f32 v36, v35;
	v36 =	vmul.f32 v37, v24;
	v37 =	vld.idx.msk [tilespmem:v45+s24+$0x0], $0xffff  }
0x496: {  	v40 =	vmax.f32 v40, $0.0e+00;
	v41 =	vadd.f32 v41, v42;
	v42 =	vld.idx.msk [tilespmem:v45+s26+$0x0], $0xffff  }
0x497: {  	v35 =	vadd.f32 v36, v35;
	v36 =	vmul.f32 v40, v23;
	v40 =	vld.idx.msk [tilespmem:v46+s24+$0x0], $0xffff  }
0x498: {  	v41 =	vmax.f32 v41, $0.0e+00;
	v39 =	vadd.f32 v43, v39;
	v43 =	vld.idx.msk [tilespmem:v46+s26+$0x0], $0xffff  }
0x499: {  	v35 =	vadd.f32 v36, v35;
	v36 =	vmul.f32 v41, v22;
	v41 =	vld.idx.msk [tilespmem:v34+s24+$0x0], $0xffff  }
0x49a: {  	v39 =	vmax.f32 v39, $0.0e+00;
	v38 =	vadd.f32 v44, v38;
	v34 =	vld.idx.msk [tilespmem:v34+s26+$0x0], $0xffff  }
0x49b: {  	v35 =	vadd.f32 v36, v35;
	v36 =	vmul.f32 v39, v21  }
0x49c: {  	v38 =	vmax.f32 v38, $0.0e+00;
	v37 =	vadd.f32 v42, v37  }
0x49d: {  	v35 =	vadd.f32 v36, v35;
	v36 =	vmul.f32 v38, v20  }
0x49e: {  	v37 =	vmax.f32 v37, $0.0e+00;
	v38 =	vadd.f32 v43, v40  }
0x49f: {  	v35 =	vadd.f32 v36, v35;
	v36 =	vmul.f32 v37, v19  }
0x4a0: {  	v37 =	vmax.f32 v38, $0.0e+00;
	v34 =	vadd.f32 v34, v41  }
0x4a1: {  	v35 =	vadd.f32 v36, v35;
	v36 =	vmul.f32 v37, v18  }
0x4a2: {  	v34 =	vmax.f32 v34, $0.0e+00  }
0x4a3: {  	v35 =	vadd.f32 v36, v35;
	v34 =	vmul.f32 v34, v17;
	_ =	sdelay $0x1  }
0x4a4: {  	v34 =	vadd.f32 v34, v35;
	_ =	sdelay $0x1  }
0x4a5: {  	v34 =	vsub.f32 $0.0e+00, v34;
	_ =	sdelay $0x1  }
0x4a6: {  	v34 =	vmul.f32 $1.442695020e+00, v34;
	_ =	sdelay $0x1  }
0x4a7: {  	(erf) = vpow2.f32 v34;
	_ =	sdelay $0x8  }
0x4a8: {  	v34 =	vpop (erf)  }
0x4a9: {  	v34 =	vadd.f32 $1.000000000e+00, v34;
	_ =	sdelay $0x1  }
.Ltmp5:
0x4aa: {  	(erf) = vrcp.f32 v34;
	(pc) =	sbr.rel @p0 .LBB2_12-.Ltmp5, $3  }
0x4ab: {  	_ =	sdelay $0x1  }
0x4ac: {  	v34 =	vmov s0  }
0x4ad: {  	s0 =	sadd.s32 $0x10, s0;
	v34 =	vshll.u32 v34, $0x4  }
0x4ae: {  	v34 =	vor.u32 v1, v34  }
0x4af: {  	v35 =	vor.u32 v0, v34;
	_ =	sdelay $0x1  }
0x4b0: {  	v36 =	vor.u32 v2, v34  }
0x4b1: {  	s0 =	sadd.s32 $0x10, s17;
	v37 =	vpop (erf)  }
0x4b2: {  	v38 =	vor.u32 v3, v34;
	[tilespmem:s0+$0x0] =	vst v37  }
0x4b3: {  	v37 =	vld.idx.msk [tilespmem:v35+s26+$0x0], $0xffff  }
0x4b4: {  	v39 =	vor.u32 v4, v34;
	v35 =	vld.idx.msk [tilespmem:v35+s24+$0x0], $0xffff  }
0x4b5: {  	v40 =	vld.idx.msk [tilespmem:v36+s24+$0x0], $0xffff  }
0x4b6: {  	v41 =	vor.u32 v5, v34;
	v36 =	vld.idx.msk [tilespmem:v36+s26+$0x0], $0xffff  }
0x4b7: {  	v42 =	vld.idx.msk [tilespmem:v38+s24+$0x0], $0xffff  }
0x4b8: {  	v43 =	vor.u32 v6, v34;
	v38 =	vld.idx.msk [tilespmem:v38+s26+$0x0], $0xffff  }
0x4b9: {  	v44 =	vld.idx.msk [tilespmem:v39+s24+$0x0], $0xffff;
	v35 =	vadd.f32 v37, v35  }
0x4ba: {  	v61 =	vor.u32 v8, v34;
	v60 =	vld.idx.msk [tilespmem:v39+s26+$0x0], $0xffff  }
0x4bb: {  	v45 =	vld.idx.msk [tilespmem:v41+s24+$0x0], $0xffff;
	v36 =	vadd.f32 v36, v40;
	v35 =	vmax.f32 v35, $0.0e+00  }
0x4bc: {  	v63 =	vor.u32 v9, v34;
	v62 =	vld.idx.msk [tilespmem:v41+s26+$0x0], $0xffff;
	v32 =	vmul.f32 v35, v32  }
0x4bd: {  	v46 =	vld.idx.msk [tilespmem:v43+s24+$0x0], $0xffff;
	v38 =	vadd.f32 v38, v42;
	v36 =	vmax.f32 v36, $0.0e+00  }
0x4be: {  	v48 =	vor.u32 v7, v34;
	v47 =	vld.idx.msk [tilespmem:v43+s26+$0x0], $0xffff;
	v31 =	vmul.f32 v36, v31;
	v32 =	vadd.f32 v32, v33  }
0x4bf: {  	v49 =	vld.idx.msk [tilespmem:v61+s24+$0x0], $0xffff;
	v37 =	vadd.f32 v60, v44;
	v50 =	vmax.f32 v38, $0.0e+00  }
0x4c0: {  	v52 =	vor.u32 v10, v34;
	v51 =	vld.idx.msk [tilespmem:v61+s26+$0x0], $0xffff;
	v30 =	vmul.f32 v50, v30;
	v31 =	vadd.f32 v31, v32  }
0x4c1: {  	v53 =	vld.idx.msk [tilespmem:v63+s24+$0x0], $0xffff;
	v55 =	vadd.f32 v62, v45;
	v54 =	vmax.f32 v37, $0.0e+00  }
0x4c2: {  	v57 =	vor.u32 v11, v34;
	v56 =	vld.idx.msk [tilespmem:v63+s26+$0x0], $0xffff;
	v29 =	vmul.f32 v54, v29;
	v30 =	vadd.f32 v30, v31  }
0x4c3: {  	v58 =	vld.idx.msk [tilespmem:v48+s24+$0x0], $0xffff;
	v59 =	vmax.f32 v55, $0.0e+00;
	v35 =	vadd.f32 v47, v46  }
0x4c4: {  	v61 =	vor.u32 v12, v34;
	v60 =	vld.idx.msk [tilespmem:v48+s26+$0x0], $0xffff;
	v28 =	vmul.f32 v59, v28;
	v29 =	vadd.f32 v29, v30  }
0x4c5: {  	v63 =	vld.idx.msk [tilespmem:v52+s26+$0x0], $0xffff;
	v35 =	vmax.f32 v35, $0.0e+00;
	v33 =	vadd.f32 v51, v49  }
0x4c6: {  	v43 =	vor.u32 v13, v34;
	v62 =	vld.idx.msk [tilespmem:v52+s24+$0x0], $0xffff;
	v27 =	vmul.f32 v35, v27;
	v28 =	vadd.f32 v28, v29  }
0x4c7: {  	v44 =	vld.idx.msk [tilespmem:v57+s24+$0x0], $0xffff;
	v33 =	vmax.f32 v33, $0.0e+00;
	v32 =	vadd.f32 v56, v53  }
0x4c8: {  	v45 =	vld.idx.msk [tilespmem:v57+s26+$0x0], $0xffff;
	v46 =	vor.u32 v14, v34;
	v26 =	vmul.f32 v33, v26;
	v27 =	vadd.f32 v27, v28  }
0x4c9: {  	v48 =	vld.idx.msk [tilespmem:v61+s26+$0x0], $0xffff;
	v32 =	vmax.f32 v32, $0.0e+00;
	v31 =	vadd.f32 v60, v58  }
0x4ca: {  	v47 =	vld.idx.msk [tilespmem:v61+s24+$0x0], $0xffff;
	v49 =	vor.u32 v15, v34;
	v25 =	vmul.f32 v32, v25;
	v26 =	vadd.f32 v26, v27  }
0x4cb: {  	v50 =	vld.idx.msk [tilespmem:v43+s24+$0x0], $0xffff;
	v31 =	vmax.f32 v31, $0.0e+00;
	v30 =	vadd.f32 v63, v62  }
0x4cc: {  	v51 =	vld.idx.msk [tilespmem:v43+s26+$0x0], $0xffff;
	v34 =	vor.u32 v16, v34;
	v24 =	vmul.f32 v31, v24;
	v25 =	vadd.f32 v25, v26  }
0x4cd: {  	v52 =	vld.idx.msk [tilespmem:v46+s24+$0x0], $0xffff;
	v30 =	vmax.f32 v30, $0.0e+00;
	v29 =	vadd.f32 v45, v44  }
0x4ce: {  	v53 =	vld.idx.msk [tilespmem:v46+s26+$0x0], $0xffff;
	v23 =	vmul.f32 v30, v23;
	v24 =	vadd.f32 v24, v25  }
0x4cf: {  	v54 =	vld.idx.msk [tilespmem:v49+s24+$0x0], $0xffff;
	v29 =	vmax.f32 v29, $0.0e+00;
	v28 =	vadd.f32 v48, v47  }
0x4d0: {  	v55 =	vld.idx.msk [tilespmem:v49+s26+$0x0], $0xffff;
	v22 =	vmul.f32 v29, v22;
	v23 =	vadd.f32 v23, v24  }
0x4d1: {  	v56 =	vld.idx.msk [tilespmem:v34+s24+$0x0], $0xffff;
	v28 =	vmax.f32 v28, $0.0e+00;
	v27 =	vadd.f32 v51, v50  }
0x4d2: {  	v57 =	vld.idx.msk [tilespmem:v34+s26+$0x0], $0xffff;
	v21 =	vmul.f32 v28, v21;
	v22 =	vadd.f32 v22, v23  }
0x4d3: {  	v58 =	vmax.f32 v27, $0.0e+00;
	v26 =	vadd.f32 v53, v52  }
0x4d4: {  	v20 =	vmul.f32 v58, v20;
	v21 =	vadd.f32 v21, v22  }
0x4d5: {  	v60 =	vadd.f32 v55, v54;
	v59 =	vmax.f32 v26, $0.0e+00  }
0x4d6: {  	v19 =	vmul.f32 v59, v19;
	v20 =	vadd.f32 v20, v21  }
0x4d7: {  	v62 =	vadd.f32 v57, v56;
	v61 =	vmax.f32 v60, $0.0e+00  }
0x4d8: {  	v18 =	vmul.f32 v61, v18;
	v19 =	vadd.f32 v19, v20  }
0x4d9: {  	v63 =	vmax.f32 v62, $0.0e+00  }
0x4da: {  	v17 =	vmul.f32 v63, v17;
	v18 =	vadd.f32 v18, v19;
	_ =	sdelay $0x1  }
0x4db: {  	v17 =	vadd.f32 v17, v18;
	_ =	sdelay $0x1  }
0x4dc: {  	v17 =	vsub.f32 $0.0e+00, v17;
	_ =	sdelay $0x1  }
0x4dd: {  	v17 =	vmul.f32 $1.442695020e+00, v17;
	_ =	sdelay $0x1  }
0x4de: {  	(erf) = vpow2.f32 v17;
	_ =	sdelay $0x8  }
0x4df: {  	v17 =	vpop (erf)  }
0x4e0: {  	v17 =	vadd.f32 $1.000000000e+00, v17;
	_ =	sdelay $0x1  }
0x4e1: {  	(erf) = vrcp.f32 v17;
	_ =	sdelay $0x8  }
0x4e2: {  	s0 =	sadd.s32 $0x10, s0;
	v17 =	vpop (erf)  }
0x4e3: {  	s31 =	rddreg [dreg:$0xc];
	[tilespmem:s0+$0x0] =	vst v17  }
0x4e4: {  	[hbm4b:s31+s3] =	stream.linear.scatter [tilespmem:s23], [sflag:$0x8], $0x320, $0x38;
	[tilespmem:$0x14930] =	vst v63  }
0x4e5: {  	_ =	swait.ge [sflag:s16], $0x320  }
0x4e6: {  	[sflag:s16] =	ssyncset.done $0x0  }
0x4e7: {  	[sflag:s16] =	ssyncadd.s32 $0xFFFFFCE0  }
0x4e8: {  	_ =	swait.ge [sflag:s9], $0x320  }
0x4e9: {  	[sflag:s9] =	ssyncset.done $0x0  }
0x4ea: {  	[sflag:s9] =	ssyncadd.s32 $0xFFFFFCE0  }
0x4eb: {  	_ =	swait.ge [sflag:s25], $0x320  }
0x4ec: {  	s17 =	rddreg [dreg:$0xe]  }
0x4ed: {  	s31 =	rddreg [dreg:$0xd];
	s9 =	sadd.s32 $0x1, s17  }
0x4ee: {  	p0 =	sne.s32 s9, s31  }
.Ltmp6:
0x4ef: {  	_ = 	snop;
	(pc) =	sbr.rel @p0 .LBB2_1-.Ltmp6, $3  }
0x4f0: {  	_ =	sdelay $0x1  }
0x4f1: {  	[sflag:s25] =	ssyncset.done $0x0  }
0x4f2: {  	[sflag:s25] =	ssyncadd.s32 $0xFFFFFCE0  }
0x4f3: {  	_ =	sfence.sel $0x180000  }
0x4f4: {  	[bflag:$0x0] =	sbarrier.arrive $0xFFFF  }
0x4f5: {  	_ =	strace $0x90000047  }
0x4f6: {  	s0 =	stileid.u32;
	[bflag:$0x2] =	sbarrier.arrive $0xFFFF  }
0x4f7: {  	p0 =	sne.s32 s0, $0x0;
	s0 =	rddreg [dreg:$0x2]  }
0x4f8: {  	s0 =	sadd.s32 @!p0 $0x100000, s0  }
0x4f9: {  	[sflag:s0] =	ssyncadd.tile.s32 @!p0 $0x1;
	_ =	shalt  }
.Lfunc_end2:
_tile_overlayer_lowered:
.L_overlay_start_2:
0x4fa: {  	(tag) =	ssettag $0x2  }
0x4fb: {  	s0 =	rddreg [dreg:$0x0];
	s2 =	stileid.u32  }
0x4fc: {  	s1 =	rddreg [dreg:$0x1];
	p0 =	sne.s32 s2, $0x0  }
0x4fd: {  	s3 =	rddreg [dreg:$0x2];
	[bflag:$0x3] =	sbarrier.arrive $0xFFFF;
	s2 =	simm.s32 @!p0 $0x1C0A  }
0x4fe: {  	[timem:s3], [sflag:s2] =	dma.local @!p0 [hbm:s0], s1  }
0x4ff: {  	s0 =	simm.s32 @!p0 $0xA  }
0x500: {  	_ =	swait.ge @!p0 [sflag:s0], s1  }
0x501: {  	s1 =	ssub.s32 @!p0 $0x0, s1;
	[sflag:s0] =	ssyncset.done @!p0 $0x0  }
0x502: {  	[sflag:s0] =	ssyncadd.s32 @!p0 s1  }
0x503: {  	[bflag:$0x3] =	sbarrier.arrive $0xFFFF  }
0x504: {  	_ =	shalt  }

</sc_bundles>
